<compile_context>
chip_gen: v7x
topology: tpu7x:2x2x1
jax: 0.10.2.dev20260603
libtpu: 0.0.44.dev20260713+nightly
codegen_flags: <defaults>
</compile_context>

<pallas_src>
import functools

import jax
import jax.numpy as jnp
from jax import lax
from jax.experimental import pallas as pl
from jax.experimental.pallas import tpu as pltpu
from jax.experimental.pallas import tpu_sc as plsc

_NC, _NS, _L = 2, 16, 16
_NW = _NC * _NS


@functools.partial(jax.jit, static_argnames=("rows", "cols", "n_values", "crows"))
def _lookup(values, index, *, rows, cols, n_values, crows):
    rows_w = rows // _NW
    nchunk = rows_w // crows
    offs = list(range(0, cols - _L + 1, _L))
    if offs[-1] + _L < cols:
        offs.append(cols - _L)
    mesh = plsc.VectorSubcoreMesh(core_axis_name="c", subcore_axis_name="s")

    @functools.partial(
        pl.kernel,
        out_type=jax.ShapeDtypeStruct((rows, cols), jnp.float32),
        mesh=mesh,
        compiler_params=pltpu.CompilerParams(needs_layout_passes=False),
        scratch_types=[
            pltpu.VMEM((128,), jnp.float32),
            pltpu.VMEM((crows, cols), jnp.int32),
            pltpu.VMEM((crows, cols), jnp.int32),
            pltpu.VMEM((crows, cols), jnp.float32),
            pltpu.VMEM((crows, cols), jnp.float32),
            pltpu.SemaphoreType.DMA,
            pltpu.SemaphoreType.DMA,
            pltpu.SemaphoreType.DMA,
            pltpu.SemaphoreType.DMA,
        ],
    )
    def k(values_hbm, idx_hbm, out_hbm, tbl,
          idx_v0, idx_v1, out_v0, out_v1, si0, si1, so0, so1):
        wid = lax.axis_index("s") * _NC + lax.axis_index("c")
        base = wid * rows_w
        idx_bufs, out_bufs = [idx_v0, idx_v1], [out_v0, out_v1]
        sins, souts = [si0, si1], [so0, so1]
        pltpu.sync_copy(values_hbm, tbl.at[pl.ds(0, n_values)])
        in_desc = [None, None]
        out_desc = [None, None]
        in_desc[0] = pltpu.async_copy(
            idx_hbm.at[pl.ds(base, crows), :], idx_bufs[0], sins[0])
        for c in range(nchunk):
            b = c & 1
            if c + 1 < nchunk:
                r1 = base + (c + 1) * crows
                in_desc[1 - b] = pltpu.async_copy(
                    idx_hbm.at[pl.ds(r1, crows), :], idx_bufs[1 - b],
                    sins[1 - b])
            in_desc[b].wait()
            if out_desc[b] is not None:
                out_desc[b].wait()

            idx_v, out_v = idx_bufs[b], out_bufs[b]

            @plsc.parallel_loop(0, crows, unroll=4)
            def _(r):
                for o in offs:
                    iv = idx_v[r, pl.ds(o, _L)]
                    out_v[r, pl.ds(o, _L)] = plsc.load_gather(tbl, [iv])

            r0 = base + c * crows
            out_desc[b] = pltpu.async_copy(
                out_v, out_hbm.at[pl.ds(r0, crows), :], souts[b])
        for b in range(2):
            if out_desc[b] is not None:
                out_desc[b].wait()

    return k(values, index)


def kernel(values, index):
    n_structure, n_atoms = index.shape
    return _lookup(
        values,
        index,
        rows=n_structure,
        cols=n_atoms,
        n_values=values.shape[0],
        crows=64,
    )

# --- scband reference (transcript-rebuilt; emitter-appended) ---
"""Pipeline reference for scband-index-value-8134668059088 (READ-ONLY COPY).

The authoritative reference and input builder live on the scoring server;
editing this copy changes nothing except your own understanding.
"""

import jax, jax.numpy as jnp
import numpy as np


def setup_inputs(seed: int = 0) -> dict:
    key = jax.random.key(seed)
    index = jax.random.randint(key, (16384, 200), 0, 64, dtype=jnp.int32)
    values = jnp.arange(64, dtype=jnp.float32) * 0.1
    return {"values": values, "index": index}


def reference(values, index):
    # Faithful translation of IndexValue.batch_compute: per-value masked fill.
    n_structure, n_atoms = index.shape
    idx_flat = index.reshape(-1)
    output = jnp.zeros((n_structure * n_atoms,), dtype=values.dtype)
    for i in range(values.shape[0]):
        mask = idx_flat == i
        output = jnp.where(mask, values[i], output)
    return output.reshape(n_structure, n_atoms)

if __name__ == "__main__":
    import jax
    _d = setup_inputs()
    print(jax.jit(kernel)(*tuple(_d.values())))

</pallas_src>

<mosaic_0001>
#map = affine_map<(d0, d1) -> (0)>
#map1 = affine_map<(d0, d1) -> (0, 0)>
module attributes {stable_mosaic.version = 14 : i64} {
  func.func @k(%arg0: i32, %arg1: i32, %arg2: memref<64xf32, #tpu.memory_space<hbm>>, %arg3: memref<16384x200xi32, #tpu.memory_space<hbm>>, %arg4: memref<16384x200xf32, #tpu.memory_space<hbm>>, %arg5: memref<128xf32, #tpu.memory_space<vmem>>, %arg6: memref<64x200xi32, #tpu.memory_space<vmem>>, %arg7: memref<64x200xi32, #tpu.memory_space<vmem>>, %arg8: memref<64x200xf32, #tpu.memory_space<vmem>>, %arg9: memref<64x200xf32, #tpu.memory_space<vmem>>, %arg10: memref<!tpu.dma_semaphore, #tpu.memory_space<semaphore_mem>>, %arg11: memref<!tpu.dma_semaphore, #tpu.memory_space<semaphore_mem>>, %arg12: memref<!tpu.dma_semaphore, #tpu.memory_space<semaphore_mem>>, %arg13: memref<!tpu.dma_semaphore, #tpu.memory_space<semaphore_mem>>) attributes {dimension_semantics = [#tpu.dimension_semantics<core_parallel>, #tpu.dimension_semantics<subcore_parallel>], iteration_bounds = array<i64: 2, 16>, scalar_prefetch = 0 : i64, scratch_operands = 9 : i64, tpu.core_type = #tpu.core_type<sc_vector_subcore>, window_params = [{transform_indices = #map}, {transform_indices = #map1}, {transform_indices = #map1}]} {
    %mul3A = arith.constant 2 : i32
    %mul3A_0 = arith.muli %arg1, %mul3A : i32
    %add3A = arith.addi %mul3A_0, %arg0 : i32
    %mul3A_1 = arith.constant 512 : i32
    %mul3A_2 = arith.muli %add3A, %mul3A_1 : i32
    "tpu.region"() ({
      %run_scoped3A = tpu.sem_alloc : memref<!tpu.dma_semaphore, #tpu.memory_space<semaphore_mem>>
      %dma_start3A_182 = arith.constant 0 : i32
      %dma_start3A_183 = tpu.memref_slice %arg5[%dma_start3A_182] : memref<128xf32, #tpu.memory_space<vmem>> -> memref<64xf32, #tpu.memory_space<vmem>>
      %dma_start3A_184 = arith.constant 0 : i32
      %dma_start3A_185 = tpu.memref_slice %arg5[%dma_start3A_184] : memref<128xf32, #tpu.memory_space<vmem>> -> memref<64xf32, #tpu.memory_space<vmem>>
      tpu.enqueue_dma source(%arg2 : memref<64xf32, #tpu.memory_space<hbm>>) target(%dma_start3A_185 : memref<64xf32, #tpu.memory_space<vmem>>) target_semaphore(%run_scoped3A : memref<!tpu.dma_semaphore, #tpu.memory_space<semaphore_mem>>)
      %dma_wait3A_186 = arith.constant 0 : i32
      %dma_wait3A_187 = tpu.memref_slice %arg5[%dma_wait3A_186] : memref<128xf32, #tpu.memory_space<vmem>> -> memref<64xf32, #tpu.memory_space<vmem>>
      %dma_wait3A_188 = arith.constant 0 : i32
      %dma_wait3A_189 = tpu.memref_slice %arg5[%dma_wait3A_188] : memref<128xf32, #tpu.memory_space<vmem>> -> memref<64xf32, #tpu.memory_space<vmem>>
      tpu.wait_dma2 semaphore(%run_scoped3A : memref<!tpu.dma_semaphore, #tpu.memory_space<semaphore_mem>>) src(%arg2 : memref<64xf32, #tpu.memory_space<hbm>>) dst(%dma_wait3A_189 : memref<64xf32, #tpu.memory_space<vmem>>)
      tpu.yield
    }) : () -> ()
    %dma_start3A = arith.constant 0 : i32
    %dma_start3A_3 = tpu.memref_slice %arg3[%mul3A_2, %dma_start3A] : memref<16384x200xi32, #tpu.memory_space<hbm>> -> memref<64x200xi32, #tpu.memory_space<hbm>>
    %dma_start3A_4 = arith.constant 0 : i32
    %dma_start3A_5 = tpu.memref_slice %arg3[%mul3A_2, %dma_start3A_4] : memref<16384x200xi32, #tpu.memory_space<hbm>> -> memref<64x200xi32, #tpu.memory_space<hbm>>
    tpu.enqueue_dma source(%dma_start3A_5 : memref<64x200xi32, #tpu.memory_space<hbm>>) target(%arg6 : memref<64x200xi32, #tpu.memory_space<vmem>>) target_semaphore(%arg10 : memref<!tpu.dma_semaphore, #tpu.memory_space<semaphore_mem>>)
    %add3A_6 = arith.constant 64 : i32
    %add3A_7 = arith.addi %mul3A_2, %add3A_6 : i32
    %dma_start3A_8 = arith.constant 0 : i32
    %dma_start3A_9 = tpu.memref_slice %arg3[%add3A_7, %dma_start3A_8] : memref<16384x200xi32, #tpu.memory_space<hbm>> -> memref<64x200xi32, #tpu.memory_space<hbm>>
    %dma_start3A_10 = arith.constant 0 : i32
    %dma_start3A_11 = tpu.memref_slice %arg3[%add3A_7, %dma_start3A_10] : memref<16384x200xi32, #tpu.memory_space<hbm>> -> memref<64x200xi32, #tpu.memory_space<hbm>>
    tpu.enqueue_dma source(%dma_start3A_11 : memref<64x200xi32, #tpu.memory_space<hbm>>) target(%arg7 : memref<64x200xi32, #tpu.memory_space<vmem>>) target_semaphore(%arg11 : memref<!tpu.dma_semaphore, #tpu.memory_space<semaphore_mem>>)
    %dma_wait3A = arith.constant 0 : i32
    %dma_wait3A_12 = tpu.memref_slice %arg3[%mul3A_2, %dma_wait3A] : memref<16384x200xi32, #tpu.memory_space<hbm>> -> memref<64x200xi32, #tpu.memory_space<hbm>>
    %dma_wait3A_13 = arith.constant 0 : i32
    %dma_wait3A_14 = tpu.memref_slice %arg3[%mul3A_2, %dma_wait3A_13] : memref<16384x200xi32, #tpu.memory_space<hbm>> -> memref<64x200xi32, #tpu.memory_space<hbm>>
    tpu.wait_dma2 semaphore(%arg10 : memref<!tpu.dma_semaphore, #tpu.memory_space<semaphore_mem>>) src(%dma_wait3A_14 : memref<64x200xi32, #tpu.memory_space<hbm>>) dst(%arg6 : memref<64x200xi32, #tpu.memory_space<vmem>>)
    %parallel_loop3A = arith.constant 0 : i32
    %parallel_loop3A_15 = arith.constant 64 : i32
    %parallel_loop3A_16 = arith.constant 1 : i32
    scf.for %parallel_loop3A_182 = %parallel_loop3A to %parallel_loop3A_15 step %parallel_loop3A_16  : i32 {
      %parallel_loop3A_183 = arith.index_cast %parallel_loop3A_182 : i32 to index
      %parallel_loop3A_184 = arith.constant 0 : index
      %parallel_loop3A_185 = tpu.vector_load %arg6[%parallel_loop3A_183, %parallel_loop3A_184] {strides = array<i32>} : memref<64x200xi32, #tpu.memory_space<vmem>>, vector<16xi32>,
      %parallel_loop3A_186 = tpu.vector_load_idx %arg5[%parallel_loop3A_185] : memref<128xf32, #tpu.memory_space<vmem>>[vector<16xi32>], vector<16xf32>,
      %parallel_loop3A_187 = arith.index_cast %parallel_loop3A_182 : i32 to index
      %parallel_loop3A_188 = arith.constant 0 : index
      %parallel_loop3A_189 = tpu.vector_load %arg8[%parallel_loop3A_187, %parallel_loop3A_188] {strides = array<i32>} : memref<64x200xf32, #tpu.memory_space<vmem>>, vector<16xf32>,
      tpu.vector_store %arg8[%parallel_loop3A_187, %parallel_loop3A_188], %parallel_loop3A_186 {strides = array<i32>} : memref<64x200xf32, #tpu.memory_space<vmem>>, vector<16xf32>,
      %parallel_loop3A_190 = arith.index_cast %parallel_loop3A_182 : i32 to index
      %parallel_loop3A_191 = arith.constant 16 : index
      %parallel_loop3A_192 = tpu.vector_load %arg6[%parallel_loop3A_190, %parallel_loop3A_191] {strides = array<i32>} : memref<64x200xi32, #tpu.memory_space<vmem>>, vector<16xi32>,
      %parallel_loop3A_193 = tpu.vector_load_idx %arg5[%parallel_loop3A_192] : memref<128xf32, #tpu.memory_space<vmem>>[vector<16xi32>], vector<16xf32>,
      %parallel_loop3A_194 = arith.index_cast %parallel_loop3A_182 : i32 to index
      %parallel_loop3A_195 = arith.constant 16 : index
      %parallel_loop3A_196 = tpu.vector_load %arg8[%parallel_loop3A_194, %parallel_loop3A_195] {strides = array<i32>} : memref<64x200xf32, #tpu.memory_space<vmem>>, vector<16xf32>,
      tpu.vector_store %arg8[%parallel_loop3A_194, %parallel_loop3A_195], %parallel_loop3A_193 {strides = array<i32>} : memref<64x200xf32, #tpu.memory_space<vmem>>, vector<16xf32>,
      %parallel_loop3A_197 = arith.index_cast %parallel_loop3A_182 : i32 to index
      %parallel_loop3A_198 = arith.constant 32 : index
      %parallel_loop3A_199 = tpu.vector_load %arg6[%parallel_loop3A_197, %parallel_loop3A_198] {strides = array<i32>} : memref<64x200xi32, #tpu.memory_space<vmem>>, vector<16xi32>,
      %parallel_loop3A_200 = tpu.vector_load_idx %arg5[%parallel_loop3A_199] : memref<128xf32, #tpu.memory_space<vmem>>[vector<16xi32>], vector<16xf32>,
      %parallel_loop3A_201 = arith.index_cast %parallel_loop3A_182 : i32 to index
      %parallel_loop3A_202 = arith.constant 32 : index
      %parallel_loop3A_203 = tpu.vector_load %arg8[%parallel_loop3A_201, %parallel_loop3A_202] {strides = array<i32>} : memref<64x200xf32, #tpu.memory_space<vmem>>, vector<16xf32>,
      tpu.vector_store %arg8[%parallel_loop3A_201, %parallel_loop3A_202], %parallel_loop3A_200 {strides = array<i32>} : memref<64x200xf32, #tpu.memory_space<vmem>>, vector<16xf32>,
      %parallel_loop3A_204 = arith.index_cast %parallel_loop3A_182 : i32 to index
      %parallel_loop3A_205 = arith.constant 48 : index
      %parallel_loop3A_206 = tpu.vector_load %arg6[%parallel_loop3A_204, %parallel_loop3A_205] {strides = array<i32>} : memref<64x200xi32, #tpu.memory_space<vmem>>, vector<16xi32>,
      %parallel_loop3A_207 = tpu.vector_load_idx %arg5[%parallel_loop3A_206] : memref<128xf32, #tpu.memory_space<vmem>>[vector<16xi32>], vector<16xf32>,
      %parallel_loop3A_208 = arith.index_cast %parallel_loop3A_182 : i32 to index
      %parallel_loop3A_209 = arith.constant 48 : index
      %parallel_loop3A_210 = tpu.vector_load %arg8[%parallel_loop3A_208, %parallel_loop3A_209] {strides = array<i32>} : memref<64x200xf32, #tpu.memory_space<vmem>>, vector<16xf32>,
      tpu.vector_store %arg8[%parallel_loop3A_208, %parallel_loop3A_209], %parallel_loop3A_207 {strides = array<i32>} : memref<64x200xf32, #tpu.memory_space<vmem>>, vector<16xf32>,
      %parallel_loop3A_211 = arith.index_cast %parallel_loop3A_182 : i32 to index
      %parallel_loop3A_212 = arith.constant 64 : index
      %parallel_loop3A_213 = tpu.vector_load %arg6[%parallel_loop3A_211, %parallel_loop3A_212] {strides = array<i32>} : memref<64x200xi32, #tpu.memory_space<vmem>>, vector<16xi32>,
      %parallel_loop3A_214 = tpu.vector_load_idx %arg5[%parallel_loop3A_213] : memref<128xf32, #tpu.memory_space<vmem>>[vector<16xi32>], vector<16xf32>,
      %parallel_loop3A_215 = arith.index_cast %parallel_loop3A_182 : i32 to index
      %parallel_loop3A_216 = arith.constant 64 : index
      %parallel_loop3A_217 = tpu.vector_load %arg8[%parallel_loop3A_215, %parallel_loop3A_216] {strides = array<i32>} : memref<64x200xf32, #tpu.memory_space<vmem>>, vector<16xf32>,
      tpu.vector_store %arg8[%parallel_loop3A_215, %parallel_loop3A_216], %parallel_loop3A_214 {strides = array<i32>} : memref<64x200xf32, #tpu.memory_space<vmem>>, vector<16xf32>,
      %parallel_loop3A_218 = arith.index_cast %parallel_loop3A_182 : i32 to index
      %parallel_loop3A_219 = arith.constant 80 : index
      %parallel_loop3A_220 = tpu.vector_load %arg6[%parallel_loop3A_218, %parallel_loop3A_219] {strides = array<i32>} : memref<64x200xi32, #tpu.memory_space<vmem>>, vector<16xi32>,
      %parallel_loop3A_221 = tpu.vector_load_idx %arg5[%parallel_loop3A_220] : memref<128xf32, #tpu.memory_space<vmem>>[vector<16xi32>], vector<16xf32>,
      %parallel_loop3A_222 = arith.index_cast %parallel_loop3A_182 : i32 to index
      %parallel_loop3A_223 = arith.constant 80 : index
      %parallel_loop3A_224 = tpu.vector_load %arg8[%parallel_loop3A_222, %parallel_loop3A_223] {strides = array<i32>} : memref<64x200xf32, #tpu.memory_space<vmem>>, vector<16xf32>,
      tpu.vector_store %arg8[%parallel_loop3A_222, %parallel_loop3A_223], %parallel_loop3A_221 {strides = array<i32>} : memref<64x200xf32, #tpu.memory_space<vmem>>, vector<16xf32>,
      %parallel_loop3A_225 = arith.index_cast %parallel_loop3A_182 : i32 to index
      %parallel_loop3A_226 = arith.constant 96 : index
      %parallel_loop3A_227 = tpu.vector_load %arg6[%parallel_loop3A_225, %parallel_loop3A_226] {strides = array<i32>} : memref<64x200xi32, #tpu.memory_space<vmem>>, vector<16xi32>,
      %parallel_loop3A_228 = tpu.vector_load_idx %arg5[%parallel_loop3A_227] : memref<128xf32, #tpu.memory_space<vmem>>[vector<16xi32>], vector<16xf32>,
      %parallel_loop3A_229 = arith.index_cast %parallel_loop3A_182 : i32 to index
      %parallel_loop3A_230 = arith.constant 96 : index
      %parallel_loop3A_231 = tpu.vector_load %arg8[%parallel_loop3A_229, %parallel_loop3A_230] {strides = array<i32>} : memref<64x200xf32, #tpu.memory_space<vmem>>, vector<16xf32>,
      tpu.vector_store %arg8[%parallel_loop3A_229, %parallel_loop3A_230], %parallel_loop3A_228 {strides = array<i32>} : memref<64x200xf32, #tpu.memory_space<vmem>>, vector<16xf32>,
      %parallel_loop3A_232 = arith.index_cast %parallel_loop3A_182 : i32 to index
      %parallel_loop3A_233 = arith.constant 112 : index
      %parallel_loop3A_234 = tpu.vector_load %arg6[%parallel_loop3A_232, %parallel_loop3A_233] {strides = array<i32>} : memref<64x200xi32, #tpu.memory_space<vmem>>, vector<16xi32>,
      %parallel_loop3A_235 = tpu.vector_load_idx %arg5[%parallel_loop3A_234] : memref<128xf32, #tpu.memory_space<vmem>>[vector<16xi32>], vector<16xf32>,
      %parallel_loop3A_236 = arith.index_cast %parallel_loop3A_182 : i32 to index
      %parallel_loop3A_237 = arith.constant 112 : index
      %parallel_loop3A_238 = tpu.vector_load %arg8[%parallel_loop3A_236, %parallel_loop3A_237] {strides = array<i32>} : memref<64x200xf32, #tpu.memory_space<vmem>>, vector<16xf32>,
      tpu.vector_store %arg8[%parallel_loop3A_236, %parallel_loop3A_237], %parallel_loop3A_235 {strides = array<i32>} : memref<64x200xf32, #tpu.memory_space<vmem>>, vector<16xf32>,
      %parallel_loop3A_239 = arith.index_cast %parallel_loop3A_182 : i32 to index
      %parallel_loop3A_240 = arith.constant 128 : index
      %parallel_loop3A_241 = tpu.vector_load %arg6[%parallel_loop3A_239, %parallel_loop3A_240] {strides = array<i32>} : memref<64x200xi32, #tpu.memory_space<vmem>>, vector<16xi32>,
      %parallel_loop3A_242 = tpu.vector_load_idx %arg5[%parallel_loop3A_241] : memref<128xf32, #tpu.memory_space<vmem>>[vector<16xi32>], vector<16xf32>,
      %parallel_loop3A_243 = arith.index_cast %parallel_loop3A_182 : i32 to index
      %parallel_loop3A_244 = arith.constant 128 : index
      %parallel_loop3A_245 = tpu.vector_load %arg8[%parallel_loop3A_243, %parallel_loop3A_244] {strides = array<i32>} : memref<64x200xf32, #tpu.memory_space<vmem>>, vector<16xf32>,
      tpu.vector_store %arg8[%parallel_loop3A_243, %parallel_loop3A_244], %parallel_loop3A_242 {strides = array<i32>} : memref<64x200xf32, #tpu.memory_space<vmem>>, vector<16xf32>,
      %parallel_loop3A_246 = arith.index_cast %parallel_loop3A_182 : i32 to index
      %parallel_loop3A_247 = arith.constant 144 : index
      %parallel_loop3A_248 = tpu.vector_load %arg6[%parallel_loop3A_246, %parallel_loop3A_247] {strides = array<i32>} : memref<64x200xi32, #tpu.memory_space<vmem>>, vector<16xi32>,
      %parallel_loop3A_249 = tpu.vector_load_idx %arg5[%parallel_loop3A_248] : memref<128xf32, #tpu.memory_space<vmem>>[vector<16xi32>], vector<16xf32>,
      %parallel_loop3A_250 = arith.index_cast %parallel_loop3A_182 : i32 to index
      %parallel_loop3A_251 = arith.constant 144 : index
      %parallel_loop3A_252 = tpu.vector_load %arg8[%parallel_loop3A_250, %parallel_loop3A_251] {strides = array<i32>} : memref<64x200xf32, #tpu.memory_space<vmem>>, vector<16xf32>,
      tpu.vector_store %arg8[%parallel_loop3A_250, %parallel_loop3A_251], %parallel_loop3A_249 {strides = array<i32>} : memref<64x200xf32, #tpu.memory_space<vmem>>, vector<16xf32>,
      %parallel_loop3A_253 = arith.index_cast %parallel_loop3A_182 : i32 to index
      %parallel_loop3A_254 = arith.constant 160 : index
      %parallel_loop3A_255 = tpu.vector_load %arg6[%parallel_loop3A_253, %parallel_loop3A_254] {strides = array<i32>} : memref<64x200xi32, #tpu.memory_space<vmem>>, vector<16xi32>,
      %parallel_loop3A_256 = tpu.vector_load_idx %arg5[%parallel_loop3A_255] : memref<128xf32, #tpu.memory_space<vmem>>[vector<16xi32>], vector<16xf32>,
      %parallel_loop3A_257 = arith.index_cast %parallel_loop3A_182 : i32 to index
      %parallel_loop3A_258 = arith.constant 160 : index
      %parallel_loop3A_259 = tpu.vector_load %arg8[%parallel_loop3A_257, %parallel_loop3A_258] {strides = array<i32>} : memref<64x200xf32, #tpu.memory_space<vmem>>, vector<16xf32>,
      tpu.vector_store %arg8[%parallel_loop3A_257, %parallel_loop3A_258], %parallel_loop3A_256 {strides = array<i32>} : memref<64x200xf32, #tpu.memory_space<vmem>>, vector<16xf32>,
      %parallel_loop3A_260 = arith.index_cast %parallel_loop3A_182 : i32 to index
      %parallel_loop3A_261 = arith.constant 176 : index
      %parallel_loop3A_262 = tpu.vector_load %arg6[%parallel_loop3A_260, %parallel_loop3A_261] {strides = array<i32>} : memref<64x200xi32, #tpu.memory_space<vmem>>, vector<16xi32>,
      %parallel_loop3A_263 = tpu.vector_load_idx %arg5[%parallel_loop3A_262] : memref<128xf32, #tpu.memory_space<vmem>>[vector<16xi32>], vector<16xf32>,
      %parallel_loop3A_264 = arith.index_cast %parallel_loop3A_182 : i32 to index
      %parallel_loop3A_265 = arith.constant 176 : index
      %parallel_loop3A_266 = tpu.vector_load %arg8[%parallel_loop3A_264, %parallel_loop3A_265] {strides = array<i32>} : memref<64x200xf32, #tpu.memory_space<vmem>>, vector<16xf32>,
      tpu.vector_store %arg8[%parallel_loop3A_264, %parallel_loop3A_265], %parallel_loop3A_263 {strides = array<i32>} : memref<64x200xf32, #tpu.memory_space<vmem>>, vector<16xf32>,
      %parallel_loop3A_267 = arith.index_cast %parallel_loop3A_182 : i32 to index
      %parallel_loop3A_268 = arith.constant 184 : index
      %parallel_loop3A_269 = tpu.vector_load %arg6[%parallel_loop3A_267, %parallel_loop3A_268] {strides = array<i32>} : memref<64x200xi32, #tpu.memory_space<vmem>>, vector<16xi32>,
      %parallel_loop3A_270 = tpu.vector_load_idx %arg5[%parallel_loop3A_269] : memref<128xf32, #tpu.memory_space<vmem>>[vector<16xi32>], vector<16xf32>,
      %parallel_loop3A_271 = arith.index_cast %parallel_loop3A_182 : i32 to index
      %parallel_loop3A_272 = arith.constant 184 : index
      %parallel_loop3A_273 = tpu.vector_load %arg8[%parallel_loop3A_271, %parallel_loop3A_272] {strides = array<i32>} : memref<64x200xf32, #tpu.memory_space<vmem>>, vector<16xf32>,
      tpu.vector_store %arg8[%parallel_loop3A_271, %parallel_loop3A_272], %parallel_loop3A_270 {strides = array<i32>} : memref<64x200xf32, #tpu.memory_space<vmem>>, vector<16xf32>,
    } {sc.loop_unroll_factor = 4 : i64, sc.parallel_access}
    %add3A_17 = arith.constant 0 : i32
    %add3A_18 = arith.addi %mul3A_2, %add3A_17 : i32
    %dma_start3A_19 = arith.constant 0 : i32
    %dma_start3A_20 = tpu.memref_slice %arg4[%add3A_18, %dma_start3A_19] : memref<16384x200xf32, #tpu.memory_space<hbm>> -> memref<64x200xf32, #tpu.memory_space<hbm>>
    %dma_start3A_21 = arith.constant 0 : i32
    %dma_start3A_22 = tpu.memref_slice %arg4[%add3A_18, %dma_start3A_21] : memref<16384x200xf32, #tpu.memory_space<hbm>> -> memref<64x200xf32, #tpu.memory_space<hbm>>
    tpu.enqueue_dma source(%arg8 : memref<64x200xf32, #tpu.memory_space<vmem>>) target(%dma_start3A_22 : memref<64x200xf32, #tpu.memory_space<hbm>>) target_semaphore(%arg12 : memref<!tpu.dma_semaphore, #tpu.memory_space<semaphore_mem>>)
    %add3A_23 = arith.constant 128 : i32
    %add3A_24 = arith.addi %mul3A_2, %add3A_23 : i32
    %dma_start3A_25 = arith.constant 0 : i32
    %dma_start3A_26 = tpu.memref_slice %arg3[%add3A_24, %dma_start3A_25] : memref<16384x200xi32, #tpu.memory_space<hbm>> -> memref<64x200xi32, #tpu.memory_space<hbm>>
    %dma_start3A_27 = arith.constant 0 : i32
    %dma_start3A_28 = tpu.memref_slice %arg3[%add3A_24, %dma_start3A_27] : memref<16384x200xi32, #tpu.memory_space<hbm>> -> memref<64x200xi32, #tpu.memory_space<hbm>>
    tpu.enqueue_dma source(%dma_start3A_28 : memref<64x200xi32, #tpu.memory_space<hbm>>) target(%arg6 : memref<64x200xi32, #tpu.memory_space<vmem>>) target_semaphore(%arg10 : memref<!tpu.dma_semaphore, #tpu.memory_space<semaphore_mem>>)
    %dma_wait3A_29 = arith.constant 0 : i32
    %dma_wait3A_30 = tpu.memref_slice %arg3[%add3A_7, %dma_wait3A_29] : memref<16384x200xi32, #tpu.memory_space<hbm>> -> memref<64x200xi32, #tpu.memory_space<hbm>>
    %dma_wait3A_31 = arith.constant 0 : i32
    %dma_wait3A_32 = tpu.memref_slice %arg3[%add3A_7, %dma_wait3A_31] : memref<16384x200xi32, #tpu.memory_space<hbm>> -> memref<64x200xi32, #tpu.memory_space<hbm>>
    tpu.wait_dma2 semaphore(%arg11 : memref<!tpu.dma_semaphore, #tpu.memory_space<semaphore_mem>>) src(%dma_wait3A_32 : memref<64x200xi32, #tpu.memory_space<hbm>>) dst(%arg7 : memref<64x200xi32, #tpu.memory_space<vmem>>)
    %parallel_loop3A_33 = arith.constant 0 : i32
    %parallel_loop3A_34 = arith.constant 64 : i32
    %parallel_loop3A_35 = arith.constant 1 : i32
    scf.for %parallel_loop3A_182 = %parallel_loop3A_33 to %parallel_loop3A_34 step %parallel_loop3A_35  : i32 {
      %parallel_loop3A_183 = arith.index_cast %parallel_loop3A_182 : i32 to index
      %parallel_loop3A_184 = arith.constant 0 : index
      %parallel_loop3A_185 = tpu.vector_load %arg7[%parallel_loop3A_183, %parallel_loop3A_184] {strides = array<i32>} : memref<64x200xi32, #tpu.memory_space<vmem>>, vector<16xi32>,
      %parallel_loop3A_186 = tpu.vector_load_idx %arg5[%parallel_loop3A_185] : memref<128xf32, #tpu.memory_space<vmem>>[vector<16xi32>], vector<16xf32>,
      %parallel_loop3A_187 = arith.index_cast %parallel_loop3A_182 : i32 to index
      %parallel_loop3A_188 = arith.constant 0 : index
      %parallel_loop3A_189 = tpu.vector_load %arg9[%parallel_loop3A_187, %parallel_loop3A_188] {strides = array<i32>} : memref<64x200xf32, #tpu.memory_space<vmem>>, vector<16xf32>,
      tpu.vector_store %arg9[%parallel_loop3A_187, %parallel_loop3A_188], %parallel_loop3A_186 {strides = array<i32>} : memref<64x200xf32, #tpu.memory_space<vmem>>, vector<16xf32>,
      %parallel_loop3A_190 = arith.index_cast %parallel_loop3A_182 : i32 to index
      %parallel_loop3A_191 = arith.constant 16 : index
      %parallel_loop3A_192 = tpu.vector_load %arg7[%parallel_loop3A_190, %parallel_loop3A_191] {strides = array<i32>} : memref<64x200xi32, #tpu.memory_space<vmem>>, vector<16xi32>,
      %parallel_loop3A_193 = tpu.vector_load_idx %arg5[%parallel_loop3A_192] : memref<128xf32, #tpu.memory_space<vmem>>[vector<16xi32>], vector<16xf32>,
      %parallel_loop3A_194 = arith.index_cast %parallel_loop3A_182 : i32 to index
      %parallel_loop3A_195 = arith.constant 16 : index
      %parallel_loop3A_196 = tpu.vector_load %arg9[%parallel_loop3A_194, %parallel_loop3A_195] {strides = array<i32>} : memref<64x200xf32, #tpu.memory_space<vmem>>, vector<16xf32>,
      tpu.vector_store %arg9[%parallel_loop3A_194, %parallel_loop3A_195], %parallel_loop3A_193 {strides = array<i32>} : memref<64x200xf32, #tpu.memory_space<vmem>>, vector<16xf32>,
      %parallel_loop3A_197 = arith.index_cast %parallel_loop3A_182 : i32 to index
      %parallel_loop3A_198 = arith.constant 32 : index
      %parallel_loop3A_199 = tpu.vector_load %arg7[%parallel_loop3A_197, %parallel_loop3A_198] {strides = array<i32>} : memref<64x200xi32, #tpu.memory_space<vmem>>, vector<16xi32>,
      %parallel_loop3A_200 = tpu.vector_load_idx %arg5[%parallel_loop3A_199] : memref<128xf32, #tpu.memory_space<vmem>>[vector<16xi32>], vector<16xf32>,
      %parallel_loop3A_201 = arith.index_cast %parallel_loop3A_182 : i32 to index
      %parallel_loop3A_202 = arith.constant 32 : index
      %parallel_loop3A_203 = tpu.vector_load %arg9[%parallel_loop3A_201, %parallel_loop3A_202] {strides = array<i32>} : memref<64x200xf32, #tpu.memory_space<vmem>>, vector<16xf32>,
      tpu.vector_store %arg9[%parallel_loop3A_201, %parallel_loop3A_202], %parallel_loop3A_200 {strides = array<i32>} : memref<64x200xf32, #tpu.memory_space<vmem>>, vector<16xf32>,
      %parallel_loop3A_204 = arith.index_cast %parallel_loop3A_182 : i32 to index
      %parallel_loop3A_205 = arith.constant 48 : index
      %parallel_loop3A_206 = tpu.vector_load %arg7[%parallel_loop3A_204, %parallel_loop3A_205] {strides = array<i32>} : memref<64x200xi32, #tpu.memory_space<vmem>>, vector<16xi32>,
      %parallel_loop3A_207 = tpu.vector_load_idx %arg5[%parallel_loop3A_206] : memref<128xf32, #tpu.memory_space<vmem>>[vector<16xi32>], vector<16xf32>,
      %parallel_loop3A_208 = arith.index_cast %parallel_loop3A_182 : i32 to index
      %parallel_loop3A_209 = arith.constant 48 : index
      %parallel_loop3A_210 = tpu.vector_load %arg9[%parallel_loop3A_208, %parallel_loop3A_209] {strides = array<i32>} : memref<64x200xf32, #tpu.memory_space<vmem>>, vector<16xf32>,
      tpu.vector_store %arg9[%parallel_loop3A_208, %parallel_loop3A_209], %parallel_loop3A_207 {strides = array<i32>} : memref<64x200xf32, #tpu.memory_space<vmem>>, vector<16xf32>,
      %parallel_loop3A_211 = arith.index_cast %parallel_loop3A_182 : i32 to index
      %parallel_loop3A_212 = arith.constant 64 : index
      %parallel_loop3A_213 = tpu.vector_load %arg7[%parallel_loop3A_211, %parallel_loop3A_212] {strides = array<i32>} : memref<64x200xi32, #tpu.memory_space<vmem>>, vector<16xi32>,
      %parallel_loop3A_214 = tpu.vector_load_idx %arg5[%parallel_loop3A_213] : memref<128xf32, #tpu.memory_space<vmem>>[vector<16xi32>], vector<16xf32>,
      %parallel_loop3A_215 = arith.index_cast %parallel_loop3A_182 : i32 to index
      %parallel_loop3A_216 = arith.constant 64 : index
      %parallel_loop3A_217 = tpu.vector_load %arg9[%parallel_loop3A_215, %parallel_loop3A_216] {strides = array<i32>} : memref<64x200xf32, #tpu.memory_space<vmem>>, vector<16xf32>,
      tpu.vector_store %arg9[%parallel_loop3A_215, %parallel_loop3A_216], %parallel_loop3A_214 {strides = array<i32>} : memref<64x200xf32, #tpu.memory_space<vmem>>, vector<16xf32>,
      %parallel_loop3A_218 = arith.index_cast %parallel_loop3A_182 : i32 to index
      %parallel_loop3A_219 = arith.constant 80 : index
      %parallel_loop3A_220 = tpu.vector_load %arg7[%parallel_loop3A_218, %parallel_loop3A_219] {strides = array<i32>} : memref<64x200xi32, #tpu.memory_space<vmem>>, vector<16xi32>,
      %parallel_loop3A_221 = tpu.vector_load_idx %arg5[%parallel_loop3A_220] : memref<128xf32, #tpu.memory_space<vmem>>[vector<16xi32>], vector<16xf32>,
      %parallel_loop3A_222 = arith.index_cast %parallel_loop3A_182 : i32 to index
      %parallel_loop3A_223 = arith.constant 80 : index
      %parallel_loop3A_224 = tpu.vector_load %arg9[%parallel_loop3A_222, %parallel_loop3A_223] {strides = array<i32>} : memref<64x200xf32, #tpu.memory_space<vmem>>, vector<16xf32>,
      tpu.vector_store %arg9[%parallel_loop3A_222, %parallel_loop3A_223], %parallel_loop3A_221 {strides = array<i32>} : memref<64x200xf32, #tpu.memory_space<vmem>>, vector<16xf32>,
      %parallel_loop3A_225 = arith.index_cast %parallel_loop3A_182 : i32 to index
      %parallel_loop3A_226 = arith.constant 96 : index
      %parallel_loop3A_227 = tpu.vector_load %arg7[%parallel_loop3A_225, %parallel_loop3A_226] {strides = array<i32>} : memref<64x200xi32, #tpu.memory_space<vmem>>, vector<16xi32>,
      %parallel_loop3A_228 = tpu.vector_load_idx %arg5[%parallel_loop3A_227] : memref<128xf32, #tpu.memory_space<vmem>>[vector<16xi32>], vector<16xf32>,
      %parallel_loop3A_229 = arith.index_cast %parallel_loop3A_182 : i32 to index
      %parallel_loop3A_230 = arith.constant 96 : index
      %parallel_loop3A_231 = tpu.vector_load %arg9[%parallel_loop3A_229, %parallel_loop3A_230] {strides = array<i32>} : memref<64x200xf32, #tpu.memory_space<vmem>>, vector<16xf32>,
      tpu.vector_store %arg9[%parallel_loop3A_229, %parallel_loop3A_230], %parallel_loop3A_228 {strides = array<i32>} : memref<64x200xf32, #tpu.memory_space<vmem>>, vector<16xf32>,
      %parallel_loop3A_232 = arith.index_cast %parallel_loop3A_182 : i32 to index
      %parallel_loop3A_233 = arith.constant 112 : index
      %parallel_loop3A_234 = tpu.vector_load %arg7[%parallel_loop3A_232, %parallel_loop3A_233] {strides = array<i32>} : memref<64x200xi32, #tpu.memory_space<vmem>>, vector<16xi32>,
      %parallel_loop3A_235 = tpu.vector_load_idx %arg5[%parallel_loop3A_234] : memref<128xf32, #tpu.memory_space<vmem>>[vector<16xi32>], vector<16xf32>,
      %parallel_loop3A_236 = arith.index_cast %parallel_loop3A_182 : i32 to index
      %parallel_loop3A_237 = arith.constant 112 : index
      %parallel_loop3A_238 = tpu.vector_load %arg9[%parallel_loop3A_236, %parallel_loop3A_237] {strides = array<i32>} : memref<64x200xf32, #tpu.memory_space<vmem>>, vector<16xf32>,
      tpu.vector_store %arg9[%parallel_loop3A_236, %parallel_loop3A_237], %parallel_loop3A_235 {strides = array<i32>} : memref<64x200xf32, #tpu.memory_space<vmem>>, vector<16xf32>,
      %parallel_loop3A_239 = arith.index_cast %parallel_loop3A_182 : i32 to index
      %parallel_loop3A_240 = arith.constant 128 : index
      %parallel_loop3A_241 = tpu.vector_load %arg7[%parallel_loop3A_239, %parallel_loop3A_240] {strides = array<i32>} : memref<64x200xi32, #tpu.memory_space<vmem>>, vector<16xi32>,
      %parallel_loop3A_242 = tpu.vector_load_idx %arg5[%parallel_loop3A_241] : memref<128xf32, #tpu.memory_space<vmem>>[vector<16xi32>], vector<16xf32>,
      %parallel_loop3A_243 = arith.index_cast %parallel_loop3A_182 : i32 to index
      %parallel_loop3A_244 = arith.constant 128 : index
      %parallel_loop3A_245 = tpu.vector_load %arg9[%parallel_loop3A_243, %parallel_loop3A_244] {strides = array<i32>} : memref<64x200xf32, #tpu.memory_space<vmem>>, vector<16xf32>,
      tpu.vector_store %arg9[%parallel_loop3A_243, %parallel_loop3A_244], %parallel_loop3A_242 {strides = array<i32>} : memref<64x200xf32, #tpu.memory_space<vmem>>, vector<16xf32>,
      %parallel_loop3A_246 = arith.index_cast %parallel_loop3A_182 : i32 to index
      %parallel_loop3A_247 = arith.constant 144 : index
      %parallel_loop3A_248 = tpu.vector_load %arg7[%parallel_loop3A_246, %parallel_loop3A_247] {strides = array<i32>} : memref<64x200xi32, #tpu.memory_space<vmem>>, vector<16xi32>,
      %parallel_loop3A_249 = tpu.vector_load_idx %arg5[%parallel_loop3A_248] : memref<128xf32, #tpu.memory_space<vmem>>[vector<16xi32>], vector<16xf32>,
      %parallel_loop3A_250 = arith.index_cast %parallel_loop3A_182 : i32 to index
      %parallel_loop3A_251 = arith.constant 144 : index
      %parallel_loop3A_252 = tpu.vector_load %arg9[%parallel_loop3A_250, %parallel_loop3A_251] {strides = array<i32>} : memref<64x200xf32, #tpu.memory_space<vmem>>, vector<16xf32>,
      tpu.vector_store %arg9[%parallel_loop3A_250, %parallel_loop3A_251], %parallel_loop3A_249 {strides = array<i32>} : memref<64x200xf32, #tpu.memory_space<vmem>>, vector<16xf32>,
      %parallel_loop3A_253 = arith.index_cast %parallel_loop3A_182 : i32 to index
      %parallel_loop3A_254 = arith.constant 160 : index
      %parallel_loop3A_255 = tpu.vector_load %arg7[%parallel_loop3A_253, %parallel_loop3A_254] {strides = array<i32>} : memref<64x200xi32, #tpu.memory_space<vmem>>, vector<16xi32>,
      %parallel_loop3A_256 = tpu.vector_load_idx %arg5[%parallel_loop3A_255] : memref<128xf32, #tpu.memory_space<vmem>>[vector<16xi32>], vector<16xf32>,
      %parallel_loop3A_257 = arith.index_cast %parallel_loop3A_182 : i32 to index
      %parallel_loop3A_258 = arith.constant 160 : index
      %parallel_loop3A_259 = tpu.vector_load %arg9[%parallel_loop3A_257, %parallel_loop3A_258] {strides = array<i32>} : memref<64x200xf32, #tpu.memory_space<vmem>>, vector<16xf32>,
      tpu.vector_store %arg9[%parallel_loop3A_257, %parallel_loop3A_258], %parallel_loop3A_256 {strides = array<i32>} : memref<64x200xf32, #tpu.memory_space<vmem>>, vector<16xf32>,
      %parallel_loop3A_260 = arith.index_cast %parallel_loop3A_182 : i32 to index
      %parallel_loop3A_261 = arith.constant 176 : index
      %parallel_loop3A_262 = tpu.vector_load %arg7[%parallel_loop3A_260, %parallel_loop3A_261] {strides = array<i32>} : memref<64x200xi32, #tpu.memory_space<vmem>>, vector<16xi32>,
      %parallel_loop3A_263 = tpu.vector_load_idx %arg5[%parallel_loop3A_262] : memref<128xf32, #tpu.memory_space<vmem>>[vector<16xi32>], vector<16xf32>,
      %parallel_loop3A_264 = arith.index_cast %parallel_loop3A_182 : i32 to index
      %parallel_loop3A_265 = arith.constant 176 : index
      %parallel_loop3A_266 = tpu.vector_load %arg9[%parallel_loop3A_264, %parallel_loop3A_265] {strides = array<i32>} : memref<64x200xf32, #tpu.memory_space<vmem>>, vector<16xf32>,
      tpu.vector_store %arg9[%parallel_loop3A_264, %parallel_loop3A_265], %parallel_loop3A_263 {strides = array<i32>} : memref<64x200xf32, #tpu.memory_space<vmem>>, vector<16xf32>,
      %parallel_loop3A_267 = arith.index_cast %parallel_loop3A_182 : i32 to index
      %parallel_loop3A_268 = arith.constant 184 : index
      %parallel_loop3A_269 = tpu.vector_load %arg7[%parallel_loop3A_267, %parallel_loop3A_268] {strides = array<i32>} : memref<64x200xi32, #tpu.memory_space<vmem>>, vector<16xi32>,
      %parallel_loop3A_270 = tpu.vector_load_idx %arg5[%parallel_loop3A_269] : memref<128xf32, #tpu.memory_space<vmem>>[vector<16xi32>], vector<16xf32>,
      %parallel_loop3A_271 = arith.index_cast %parallel_loop3A_182 : i32 to index
      %parallel_loop3A_272 = arith.constant 184 : index
      %parallel_loop3A_273 = tpu.vector_load %arg9[%parallel_loop3A_271, %parallel_loop3A_272] {strides = array<i32>} : memref<64x200xf32, #tpu.memory_space<vmem>>, vector<16xf32>,
      tpu.vector_store %arg9[%parallel_loop3A_271, %parallel_loop3A_272], %parallel_loop3A_270 {strides = array<i32>} : memref<64x200xf32, #tpu.memory_space<vmem>>, vector<16xf32>,
    } {sc.loop_unroll_factor = 4 : i64, sc.parallel_access}
    %add3A_36 = arith.constant 64 : i32
    %add3A_37 = arith.addi %mul3A_2, %add3A_36 : i32
    %dma_start3A_38 = arith.constant 0 : i32
    %dma_start3A_39 = tpu.memref_slice %arg4[%add3A_37, %dma_start3A_38] : memref<16384x200xf32, #tpu.memory_space<hbm>> -> memref<64x200xf32, #tpu.memory_space<hbm>>
    %dma_start3A_40 = arith.constant 0 : i32
    %dma_start3A_41 = tpu.memref_slice %arg4[%add3A_37, %dma_start3A_40] : memref<16384x200xf32, #tpu.memory_space<hbm>> -> memref<64x200xf32, #tpu.memory_space<hbm>>
    tpu.enqueue_dma source(%arg9 : memref<64x200xf32, #tpu.memory_space<vmem>>) target(%dma_start3A_41 : memref<64x200xf32, #tpu.memory_space<hbm>>) target_semaphore(%arg13 : memref<!tpu.dma_semaphore, #tpu.memory_space<semaphore_mem>>)
    %add3A_42 = arith.constant 192 : i32
    %add3A_43 = arith.addi %mul3A_2, %add3A_42 : i32
    %dma_start3A_44 = arith.constant 0 : i32
    %dma_start3A_45 = tpu.memref_slice %arg3[%add3A_43, %dma_start3A_44] : memref<16384x200xi32, #tpu.memory_space<hbm>> -> memref<64x200xi32, #tpu.memory_space<hbm>>
    %dma_start3A_46 = arith.constant 0 : i32
    %dma_start3A_47 = tpu.memref_slice %arg3[%add3A_43, %dma_start3A_46] : memref<16384x200xi32, #tpu.memory_space<hbm>> -> memref<64x200xi32, #tpu.memory_space<hbm>>
    tpu.enqueue_dma source(%dma_start3A_47 : memref<64x200xi32, #tpu.memory_space<hbm>>) target(%arg7 : memref<64x200xi32, #tpu.memory_space<vmem>>) target_semaphore(%arg11 : memref<!tpu.dma_semaphore, #tpu.memory_space<semaphore_mem>>)
    %dma_wait3A_48 = arith.constant 0 : i32
    %dma_wait3A_49 = tpu.memref_slice %arg3[%add3A_24, %dma_wait3A_48] : memref<16384x200xi32, #tpu.memory_space<hbm>> -> memref<64x200xi32, #tpu.memory_space<hbm>>
    %dma_wait3A_50 = arith.constant 0 : i32
    %dma_wait3A_51 = tpu.memref_slice %arg3[%add3A_24, %dma_wait3A_50] : memref<16384x200xi32, #tpu.memory_space<hbm>> -> memref<64x200xi32, #tpu.memory_space<hbm>>
    tpu.wait_dma2 semaphore(%arg10 : memref<!tpu.dma_semaphore, #tpu.memory_space<semaphore_mem>>) src(%dma_wait3A_51 : memref<64x200xi32, #tpu.memory_space<hbm>>) dst(%arg6 : memref<64x200xi32, #tpu.memory_space<vmem>>)
    %dma_wait3A_52 = arith.constant 0 : i32
    %dma_wait3A_53 = tpu.memref_slice %arg4[%add3A_18, %dma_wait3A_52] : memref<16384x200xf32, #tpu.memory_space<hbm>> -> memref<64x200xf32, #tpu.memory_space<hbm>>
    %dma_wait3A_54 = arith.constant 0 : i32
    %dma_wait3A_55 = tpu.memref_slice %arg4[%add3A_18, %dma_wait3A_54] : memref<16384x200xf32, #tpu.memory_space<hbm>> -> memref<64x200xf32, #tpu.memory_space<hbm>>
    tpu.wait_dma2 semaphore(%arg12 : memref<!tpu.dma_semaphore, #tpu.memory_space<semaphore_mem>>) src(%arg8 : memref<64x200xf32, #tpu.memory_space<vmem>>) dst(%dma_wait3A_55 : memref<64x200xf32, #tpu.memory_space<hbm>>)
    %parallel_loop3A_56 = arith.constant 0 : i32
    %parallel_loop3A_57 = arith.constant 64 : i32
    %parallel_loop3A_58 = arith.constant 1 : i32
    scf.for %parallel_loop3A_182 = %parallel_loop3A_56 to %parallel_loop3A_57 step %parallel_loop3A_58  : i32 {
      %parallel_loop3A_183 = arith.index_cast %parallel_loop3A_182 : i32 to index
      %parallel_loop3A_184 = arith.constant 0 : index
      %parallel_loop3A_185 = tpu.vector_load %arg6[%parallel_loop3A_183, %parallel_loop3A_184] {strides = array<i32>} : memref<64x200xi32, #tpu.memory_space<vmem>>, vector<16xi32>,
      %parallel_loop3A_186 = tpu.vector_load_idx %arg5[%parallel_loop3A_185] : memref<128xf32, #tpu.memory_space<vmem>>[vector<16xi32>], vector<16xf32>,
      %parallel_loop3A_187 = arith.index_cast %parallel_loop3A_182 : i32 to index
      %parallel_loop3A_188 = arith.constant 0 : index
      %parallel_loop3A_189 = tpu.vector_load %arg8[%parallel_loop3A_187, %parallel_loop3A_188] {strides = array<i32>} : memref<64x200xf32, #tpu.memory_space<vmem>>, vector<16xf32>,
      tpu.vector_store %arg8[%parallel_loop3A_187, %parallel_loop3A_188], %parallel_loop3A_186 {strides = array<i32>} : memref<64x200xf32, #tpu.memory_space<vmem>>, vector<16xf32>,
      %parallel_loop3A_190 = arith.index_cast %parallel_loop3A_182 : i32 to index
      %parallel_loop3A_191 = arith.constant 16 : index
      %parallel_loop3A_192 = tpu.vector_load %arg6[%parallel_loop3A_190, %parallel_loop3A_191] {strides = array<i32>} : memref<64x200xi32, #tpu.memory_space<vmem>>, vector<16xi32>,
      %parallel_loop3A_193 = tpu.vector_load_idx %arg5[%parallel_loop3A_192] : memref<128xf32, #tpu.memory_space<vmem>>[vector<16xi32>], vector<16xf32>,
      %parallel_loop3A_194 = arith.index_cast %parallel_loop3A_182 : i32 to index
      %parallel_loop3A_195 = arith.constant 16 : index
      %parallel_loop3A_196 = tpu.vector_load %arg8[%parallel_loop3A_194, %parallel_loop3A_195] {strides = array<i32>} : memref<64x200xf32, #tpu.memory_space<vmem>>, vector<16xf32>,
      tpu.vector_store %arg8[%parallel_loop3A_194, %parallel_loop3A_195], %parallel_loop3A_193 {strides = array<i32>} : memref<64x200xf32, #tpu.memory_space<vmem>>, vector<16xf32>,
      %parallel_loop3A_197 = arith.index_cast %parallel_loop3A_182 : i32 to index
      %parallel_loop3A_198 = arith.constant 32 : index
      %parallel_loop3A_199 = tpu.vector_load %arg6[%parallel_loop3A_197, %parallel_loop3A_198] {strides = array<i32>} : memref<64x200xi32, #tpu.memory_space<vmem>>, vector<16xi32>,
      %parallel_loop3A_200 = tpu.vector_load_idx %arg5[%parallel_loop3A_199] : memref<128xf32, #tpu.memory_space<vmem>>[vector<16xi32>], vector<16xf32>,
      %parallel_loop3A_201 = arith.index_cast %parallel_loop3A_182 : i32 to index
      %parallel_loop3A_202 = arith.constant 32 : index
      %parallel_loop3A_203 = tpu.vector_load %arg8[%parallel_loop3A_201, %parallel_loop3A_202] {strides = array<i32>} : memref<64x200xf32, #tpu.memory_space<vmem>>, vector<16xf32>,
      tpu.vector_store %arg8[%parallel_loop3A_201, %parallel_loop3A_202], %parallel_loop3A_200 {strides = array<i32>} : memref<64x200xf32, #tpu.memory_space<vmem>>, vector<16xf32>,
      %parallel_loop3A_204 = arith.index_cast %parallel_loop3A_182 : i32 to index
      %parallel_loop3A_205 = arith.constant 48 : index
      %parallel_loop3A_206 = tpu.vector_load %arg6[%parallel_loop3A_204, %parallel_loop3A_205] {strides = array<i32>} : memref<64x200xi32, #tpu.memory_space<vmem>>, vector<16xi32>,
      %parallel_loop3A_207 = tpu.vector_load_idx %arg5[%parallel_loop3A_206] : memref<128xf32, #tpu.memory_space<vmem>>[vector<16xi32>], vector<16xf32>,
      %parallel_loop3A_208 = arith.index_cast %parallel_loop3A_182 : i32 to index
      %parallel_loop3A_209 = arith.constant 48 : index
      %parallel_loop3A_210 = tpu.vector_load %arg8[%parallel_loop3A_208, %parallel_loop3A_209] {strides = array<i32>} : memref<64x200xf32, #tpu.memory_space<vmem>>, vector<16xf32>,
      tpu.vector_store %arg8[%parallel_loop3A_208, %parallel_loop3A_209], %parallel_loop3A_207 {strides = array<i32>} : memref<64x200xf32, #tpu.memory_space<vmem>>, vector<16xf32>,
      %parallel_loop3A_211 = arith.index_cast %parallel_loop3A_182 : i32 to index
      %parallel_loop3A_212 = arith.constant 64 : index
      %parallel_loop3A_213 = tpu.vector_load %arg6[%parallel_loop3A_211, %parallel_loop3A_212] {strides = array<i32>} : memref<64x200xi32, #tpu.memory_space<vmem>>, vector<16xi32>,
      %parallel_loop3A_214 = tpu.vector_load_idx %arg5[%parallel_loop3A_213] : memref<128xf32, #tpu.memory_space<vmem>>[vector<16xi32>], vector<16xf32>,
      %parallel_loop3A_215 = arith.index_cast %parallel_loop3A_182 : i32 to index
      %parallel_loop3A_216 = arith.constant 64 : index
      %parallel_loop3A_217 = tpu.vector_load %arg8[%parallel_loop3A_215, %parallel_loop3A_216] {strides = array<i32>} : memref<64x200xf32, #tpu.memory_space<vmem>>, vector<16xf32>,
      tpu.vector_store %arg8[%parallel_loop3A_215, %parallel_loop3A_216], %parallel_loop3A_214 {strides = array<i32>} : memref<64x200xf32, #tpu.memory_space<vmem>>, vector<16xf32>,
      %parallel_loop3A_218 = arith.index_cast %parallel_loop3A_182 : i32 to index
      %parallel_loop3A_219 = arith.constant 80 : index
      %parallel_loop3A_220 = tpu.vector_load %arg6[%parallel_loop3A_218, %parallel_loop3A_219] {strides = array<i32>} : memref<64x200xi32, #tpu.memory_space<vmem>>, vector<16xi32>,
      %parallel_loop3A_221 = tpu.vector_load_idx %arg5[%parallel_loop3A_220] : memref<128xf32, #tpu.memory_space<vmem>>[vector<16xi32>], vector<16xf32>,
      %parallel_loop3A_222 = arith.index_cast %parallel_loop3A_182 : i32 to index
      %parallel_loop3A_223 = arith.constant 80 : index
      %parallel_loop3A_224 = tpu.vector_load %arg8[%parallel_loop3A_222, %parallel_loop3A_223] {strides = array<i32>} : memref<64x200xf32, #tpu.memory_space<vmem>>, vector<16xf32>,
      tpu.vector_store %arg8[%parallel_loop3A_222, %parallel_loop3A_223], %parallel_loop3A_221 {strides = array<i32>} : memref<64x200xf32, #tpu.memory_space<vmem>>, vector<16xf32>,
      %parallel_loop3A_225 = arith.index_cast %parallel_loop3A_182 : i32 to index
      %parallel_loop3A_226 = arith.constant 96 : index
      %parallel_loop3A_227 = tpu.vector_load %arg6[%parallel_loop3A_225, %parallel_loop3A_226] {strides = array<i32>} : memref<64x200xi32, #tpu.memory_space<vmem>>, vector<16xi32>,
      %parallel_loop3A_228 = tpu.vector_load_idx %arg5[%parallel_loop3A_227] : memref<128xf32, #tpu.memory_space<vmem>>[vector<16xi32>], vector<16xf32>,
      %parallel_loop3A_229 = arith.index_cast %parallel_loop3A_182 : i32 to index
      %parallel_loop3A_230 = arith.constant 96 : index
      %parallel_loop3A_231 = tpu.vector_load %arg8[%parallel_loop3A_229, %parallel_loop3A_230] {strides = array<i32>} : memref<64x200xf32, #tpu.memory_space<vmem>>, vector<16xf32>,
      tpu.vector_store %arg8[%parallel_loop3A_229, %parallel_loop3A_230], %parallel_loop3A_228 {strides = array<i32>} : memref<64x200xf32, #tpu.memory_space<vmem>>, vector<16xf32>,
      %parallel_loop3A_232 = arith.index_cast %parallel_loop3A_182 : i32 to index
      %parallel_loop3A_233 = arith.constant 112 : index
      %parallel_loop3A_234 = tpu.vector_load %arg6[%parallel_loop3A_232, %parallel_loop3A_233] {strides = array<i32>} : memref<64x200xi32, #tpu.memory_space<vmem>>, vector<16xi32>,
      %parallel_loop3A_235 = tpu.vector_load_idx %arg5[%parallel_loop3A_234] : memref<128xf32, #tpu.memory_space<vmem>>[vector<16xi32>], vector<16xf32>,
      %parallel_loop3A_236 = arith.index_cast %parallel_loop3A_182 : i32 to index
      %parallel_loop3A_237 = arith.constant 112 : index
      %parallel_loop3A_238 = tpu.vector_load %arg8[%parallel_loop3A_236, %parallel_loop3A_237] {strides = array<i32>} : memref<64x200xf32, #tpu.memory_space<vmem>>, vector<16xf32>,
      tpu.vector_store %arg8[%parallel_loop3A_236, %parallel_loop3A_237], %parallel_loop3A_235 {strides = array<i32>} : memref<64x200xf32, #tpu.memory_space<vmem>>, vector<16xf32>,
      %parallel_loop3A_239 = arith.index_cast %parallel_loop3A_182 : i32 to index
      %parallel_loop3A_240 = arith.constant 128 : index
      %parallel_loop3A_241 = tpu.vector_load %arg6[%parallel_loop3A_239, %parallel_loop3A_240] {strides = array<i32>} : memref<64x200xi32, #tpu.memory_space<vmem>>, vector<16xi32>,
      %parallel_loop3A_242 = tpu.vector_load_idx %arg5[%parallel_loop3A_241] : memref<128xf32, #tpu.memory_space<vmem>>[vector<16xi32>], vector<16xf32>,
      %parallel_loop3A_243 = arith.index_cast %parallel_loop3A_182 : i32 to index
      %parallel_loop3A_244 = arith.constant 128 : index
      %parallel_loop3A_245 = tpu.vector_load %arg8[%parallel_loop3A_243, %parallel_loop3A_244] {strides = array<i32>} : memref<64x200xf32, #tpu.memory_space<vmem>>, vector<16xf32>,
      tpu.vector_store %arg8[%parallel_loop3A_243, %parallel_loop3A_244], %parallel_loop3A_242 {strides = array<i32>} : memref<64x200xf32, #tpu.memory_space<vmem>>, vector<16xf32>,
      %parallel_loop3A_246 = arith.index_cast %parallel_loop3A_182 : i32 to index
      %parallel_loop3A_247 = arith.constant 144 : index
      %parallel_loop3A_248 = tpu.vector_load %arg6[%parallel_loop3A_246, %parallel_loop3A_247] {strides = array<i32>} : memref<64x200xi32, #tpu.memory_space<vmem>>, vector<16xi32>,
      %parallel_loop3A_249 = tpu.vector_load_idx %arg5[%parallel_loop3A_248] : memref<128xf32, #tpu.memory_space<vmem>>[vector<16xi32>], vector<16xf32>,
      %parallel_loop3A_250 = arith.index_cast %parallel_loop3A_182 : i32 to index
      %parallel_loop3A_251 = arith.constant 144 : index
      %parallel_loop3A_252 = tpu.vector_load %arg8[%parallel_loop3A_250, %parallel_loop3A_251] {strides = array<i32>} : memref<64x200xf32, #tpu.memory_space<vmem>>, vector<16xf32>,
      tpu.vector_store %arg8[%parallel_loop3A_250, %parallel_loop3A_251], %parallel_loop3A_249 {strides = array<i32>} : memref<64x200xf32, #tpu.memory_space<vmem>>, vector<16xf32>,
      %parallel_loop3A_253 = arith.index_cast %parallel_loop3A_182 : i32 to index
      %parallel_loop3A_254 = arith.constant 160 : index
      %parallel_loop3A_255 = tpu.vector_load %arg6[%parallel_loop3A_253, %parallel_loop3A_254] {strides = array<i32>} : memref<64x200xi32, #tpu.memory_space<vmem>>, vector<16xi32>,
      %parallel_loop3A_256 = tpu.vector_load_idx %arg5[%parallel_loop3A_255] : memref<128xf32, #tpu.memory_space<vmem>>[vector<16xi32>], vector<16xf32>,
      %parallel_loop3A_257 = arith.index_cast %parallel_loop3A_182 : i32 to index
      %parallel_loop3A_258 = arith.constant 160 : index
      %parallel_loop3A_259 = tpu.vector_load %arg8[%parallel_loop3A_257, %parallel_loop3A_258] {strides = array<i32>} : memref<64x200xf32, #tpu.memory_space<vmem>>, vector<16xf32>,
      tpu.vector_store %arg8[%parallel_loop3A_257, %parallel_loop3A_258], %parallel_loop3A_256 {strides = array<i32>} : memref<64x200xf32, #tpu.memory_space<vmem>>, vector<16xf32>,
      %parallel_loop3A_260 = arith.index_cast %parallel_loop3A_182 : i32 to index
      %parallel_loop3A_261 = arith.constant 176 : index
      %parallel_loop3A_262 = tpu.vector_load %arg6[%parallel_loop3A_260, %parallel_loop3A_261] {strides = array<i32>} : memref<64x200xi32, #tpu.memory_space<vmem>>, vector<16xi32>,
      %parallel_loop3A_263 = tpu.vector_load_idx %arg5[%parallel_loop3A_262] : memref<128xf32, #tpu.memory_space<vmem>>[vector<16xi32>], vector<16xf32>,
      %parallel_loop3A_264 = arith.index_cast %parallel_loop3A_182 : i32 to index
      %parallel_loop3A_265 = arith.constant 176 : index
      %parallel_loop3A_266 = tpu.vector_load %arg8[%parallel_loop3A_264, %parallel_loop3A_265] {strides = array<i32>} : memref<64x200xf32, #tpu.memory_space<vmem>>, vector<16xf32>,
      tpu.vector_store %arg8[%parallel_loop3A_264, %parallel_loop3A_265], %parallel_loop3A_263 {strides = array<i32>} : memref<64x200xf32, #tpu.memory_space<vmem>>, vector<16xf32>,
      %parallel_loop3A_267 = arith.index_cast %parallel_loop3A_182 : i32 to index
      %parallel_loop3A_268 = arith.constant 184 : index
      %parallel_loop3A_269 = tpu.vector_load %arg6[%parallel_loop3A_267, %parallel_loop3A_268] {strides = array<i32>} : memref<64x200xi32, #tpu.memory_space<vmem>>, vector<16xi32>,
      %parallel_loop3A_270 = tpu.vector_load_idx %arg5[%parallel_loop3A_269] : memref<128xf32, #tpu.memory_space<vmem>>[vector<16xi32>], vector<16xf32>,
      %parallel_loop3A_271 = arith.index_cast %parallel_loop3A_182 : i32 to index
      %parallel_loop3A_272 = arith.constant 184 : index
      %parallel_loop3A_273 = tpu.vector_load %arg8[%parallel_loop3A_271, %parallel_loop3A_272] {strides = array<i32>} : memref<64x200xf32, #tpu.memory_space<vmem>>, vector<16xf32>,
      tpu.vector_store %arg8[%parallel_loop3A_271, %parallel_loop3A_272], %parallel_loop3A_270 {strides = array<i32>} : memref<64x200xf32, #tpu.memory_space<vmem>>, vector<16xf32>,
    } {sc.loop_unroll_factor = 4 : i64, sc.parallel_access}
    %add3A_59 = arith.constant 128 : i32
    %add3A_60 = arith.addi %mul3A_2, %add3A_59 : i32
    %dma_start3A_61 = arith.constant 0 : i32
    %dma_start3A_62 = tpu.memref_slice %arg4[%add3A_60, %dma_start3A_61] : memref<16384x200xf32, #tpu.memory_space<hbm>> -> memref<64x200xf32, #tpu.memory_space<hbm>>
    %dma_start3A_63 = arith.constant 0 : i32
    %dma_start3A_64 = tpu.memref_slice %arg4[%add3A_60, %dma_start3A_63] : memref<16384x200xf32, #tpu.memory_space<hbm>> -> memref<64x200xf32, #tpu.memory_space<hbm>>
    tpu.enqueue_dma source(%arg8 : memref<64x200xf32, #tpu.memory_space<vmem>>) target(%dma_start3A_64 : memref<64x200xf32, #tpu.memory_space<hbm>>) target_semaphore(%arg12 : memref<!tpu.dma_semaphore, #tpu.memory_space<semaphore_mem>>)
    %add3A_65 = arith.constant 256 : i32
    %add3A_66 = arith.addi %mul3A_2, %add3A_65 : i32
    %dma_start3A_67 = arith.constant 0 : i32
    %dma_start3A_68 = tpu.memref_slice %arg3[%add3A_66, %dma_start3A_67] : memref<16384x200xi32, #tpu.memory_space<hbm>> -> memref<64x200xi32, #tpu.memory_space<hbm>>
    %dma_start3A_69 = arith.constant 0 : i32
    %dma_start3A_70 = tpu.memref_slice %arg3[%add3A_66, %dma_start3A_69] : memref<16384x200xi32, #tpu.memory_space<hbm>> -> memref<64x200xi32, #tpu.memory_space<hbm>>
    tpu.enqueue_dma source(%dma_start3A_70 : memref<64x200xi32, #tpu.memory_space<hbm>>) target(%arg6 : memref<64x200xi32, #tpu.memory_space<vmem>>) target_semaphore(%arg10 : memref<!tpu.dma_semaphore, #tpu.memory_space<semaphore_mem>>)
    %dma_wait3A_71 = arith.constant 0 : i32
    %dma_wait3A_72 = tpu.memref_slice %arg3[%add3A_43, %dma_wait3A_71] : memref<16384x200xi32, #tpu.memory_space<hbm>> -> memref<64x200xi32, #tpu.memory_space<hbm>>
    %dma_wait3A_73 = arith.constant 0 : i32
    %dma_wait3A_74 = tpu.memref_slice %arg3[%add3A_43, %dma_wait3A_73] : memref<16384x200xi32, #tpu.memory_space<hbm>> -> memref<64x200xi32, #tpu.memory_space<hbm>>
    tpu.wait_dma2 semaphore(%arg11 : memref<!tpu.dma_semaphore, #tpu.memory_space<semaphore_mem>>) src(%dma_wait3A_74 : memref<64x200xi32, #tpu.memory_space<hbm>>) dst(%arg7 : memref<64x200xi32, #tpu.memory_space<vmem>>)
    %dma_wait3A_75 = arith.constant 0 : i32
    %dma_wait3A_76 = tpu.memref_slice %arg4[%add3A_37, %dma_wait3A_75] : memref<16384x200xf32, #tpu.memory_space<hbm>> -> memref<64x200xf32, #tpu.memory_space<hbm>>
    %dma_wait3A_77 = arith.constant 0 : i32
    %dma_wait3A_78 = tpu.memref_slice %arg4[%add3A_37, %dma_wait3A_77] : memref<16384x200xf32, #tpu.memory_space<hbm>> -> memref<64x200xf32, #tpu.memory_space<hbm>>
    tpu.wait_dma2 semaphore(%arg13 : memref<!tpu.dma_semaphore, #tpu.memory_space<semaphore_mem>>) src(%arg9 : memref<64x200xf32, #tpu.memory_space<vmem>>) dst(%dma_wait3A_78 : memref<64x200xf32, #tpu.memory_space<hbm>>)
    %parallel_loop3A_79 = arith.constant 0 : i32
    %parallel_loop3A_80 = arith.constant 64 : i32
    %parallel_loop3A_81 = arith.constant 1 : i32
    scf.for %parallel_loop3A_182 = %parallel_loop3A_79 to %parallel_loop3A_80 step %parallel_loop3A_81  : i32 {
      %parallel_loop3A_183 = arith.index_cast %parallel_loop3A_182 : i32 to index
      %parallel_loop3A_184 = arith.constant 0 : index
      %parallel_loop3A_185 = tpu.vector_load %arg7[%parallel_loop3A_183, %parallel_loop3A_184] {strides = array<i32>} : memref<64x200xi32, #tpu.memory_space<vmem>>, vector<16xi32>,
      %parallel_loop3A_186 = tpu.vector_load_idx %arg5[%parallel_loop3A_185] : memref<128xf32, #tpu.memory_space<vmem>>[vector<16xi32>], vector<16xf32>,
      %parallel_loop3A_187 = arith.index_cast %parallel_loop3A_182 : i32 to index
      %parallel_loop3A_188 = arith.constant 0 : index
      %parallel_loop3A_189 = tpu.vector_load %arg9[%parallel_loop3A_187, %parallel_loop3A_188] {strides = array<i32>} : memref<64x200xf32, #tpu.memory_space<vmem>>, vector<16xf32>,
      tpu.vector_store %arg9[%parallel_loop3A_187, %parallel_loop3A_188], %parallel_loop3A_186 {strides = array<i32>} : memref<64x200xf32, #tpu.memory_space<vmem>>, vector<16xf32>,
      %parallel_loop3A_190 = arith.index_cast %parallel_loop3A_182 : i32 to index
      %parallel_loop3A_191 = arith.constant 16 : index
      %parallel_loop3A_192 = tpu.vector_load %arg7[%parallel_loop3A_190, %parallel_loop3A_191] {strides = array<i32>} : memref<64x200xi32, #tpu.memory_space<vmem>>, vector<16xi32>,
      %parallel_loop3A_193 = tpu.vector_load_idx %arg5[%parallel_loop3A_192] : memref<128xf32, #tpu.memory_space<vmem>>[vector<16xi32>], vector<16xf32>,
      %parallel_loop3A_194 = arith.index_cast %parallel_loop3A_182 : i32 to index
      %parallel_loop3A_195 = arith.constant 16 : index
      %parallel_loop3A_196 = tpu.vector_load %arg9[%parallel_loop3A_194, %parallel_loop3A_195] {strides = array<i32>} : memref<64x200xf32, #tpu.memory_space<vmem>>, vector<16xf32>,
      tpu.vector_store %arg9[%parallel_loop3A_194, %parallel_loop3A_195], %parallel_loop3A_193 {strides = array<i32>} : memref<64x200xf32, #tpu.memory_space<vmem>>, vector<16xf32>,
      %parallel_loop3A_197 = arith.index_cast %parallel_loop3A_182 : i32 to index
      %parallel_loop3A_198 = arith.constant 32 : index
      %parallel_loop3A_199 = tpu.vector_load %arg7[%parallel_loop3A_197, %parallel_loop3A_198] {strides = array<i32>} : memref<64x200xi32, #tpu.memory_space<vmem>>, vector<16xi32>,
      %parallel_loop3A_200 = tpu.vector_load_idx %arg5[%parallel_loop3A_199] : memref<128xf32, #tpu.memory_space<vmem>>[vector<16xi32>], vector<16xf32>,
      %parallel_loop3A_201 = arith.index_cast %parallel_loop3A_182 : i32 to index
      %parallel_loop3A_202 = arith.constant 32 : index
      %parallel_loop3A_203 = tpu.vector_load %arg9[%parallel_loop3A_201, %parallel_loop3A_202] {strides = array<i32>} : memref<64x200xf32, #tpu.memory_space<vmem>>, vector<16xf32>,
      tpu.vector_store %arg9[%parallel_loop3A_201, %parallel_loop3A_202], %parallel_loop3A_200 {strides = array<i32>} : memref<64x200xf32, #tpu.memory_space<vmem>>, vector<16xf32>,
      %parallel_loop3A_204 = arith.index_cast %parallel_loop3A_182 : i32 to index
      %parallel_loop3A_205 = arith.constant 48 : index
      %parallel_loop3A_206 = tpu.vector_load %arg7[%parallel_loop3A_204, %parallel_loop3A_205] {strides = array<i32>} : memref<64x200xi32, #tpu.memory_space<vmem>>, vector<16xi32>,
      %parallel_loop3A_207 = tpu.vector_load_idx %arg5[%parallel_loop3A_206] : memref<128xf32, #tpu.memory_space<vmem>>[vector<16xi32>], vector<16xf32>,
      %parallel_loop3A_208 = arith.index_cast %parallel_loop3A_182 : i32 to index
      %parallel_loop3A_209 = arith.constant 48 : index
      %parallel_loop3A_210 = tpu.vector_load %arg9[%parallel_loop3A_208, %parallel_loop3A_209] {strides = array<i32>} : memref<64x200xf32, #tpu.memory_space<vmem>>, vector<16xf32>,
      tpu.vector_store %arg9[%parallel_loop3A_208, %parallel_loop3A_209], %parallel_loop3A_207 {strides = array<i32>} : memref<64x200xf32, #tpu.memory_space<vmem>>, vector<16xf32>,
      %parallel_loop3A_211 = arith.index_cast %parallel_loop3A_182 : i32 to index
      %parallel_loop3A_212 = arith.constant 64 : index
      %parallel_loop3A_213 = tpu.vector_load %arg7[%parallel_loop3A_211, %parallel_loop3A_212] {strides = array<i32>} : memref<64x200xi32, #tpu.memory_space<vmem>>, vector<16xi32>,
      %parallel_loop3A_214 = tpu.vector_load_idx %arg5[%parallel_loop3A_213] : memref<128xf32, #tpu.memory_space<vmem>>[vector<16xi32>], vector<16xf32>,
      %parallel_loop3A_215 = arith.index_cast %parallel_loop3A_182 : i32 to index
      %parallel_loop3A_216 = arith.constant 64 : index
      %parallel_loop3A_217 = tpu.vector_load %arg9[%parallel_loop3A_215, %parallel_loop3A_216] {strides = array<i32>} : memref<64x200xf32, #tpu.memory_space<vmem>>, vector<16xf32>,
      tpu.vector_store %arg9[%parallel_loop3A_215, %parallel_loop3A_216], %parallel_loop3A_214 {strides = array<i32>} : memref<64x200xf32, #tpu.memory_space<vmem>>, vector<16xf32>,
      %parallel_loop3A_218 = arith.index_cast %parallel_loop3A_182 : i32 to index
      %parallel_loop3A_219 = arith.constant 80 : index
      %parallel_loop3A_220 = tpu.vector_load %arg7[%parallel_loop3A_218, %parallel_loop3A_219] {strides = array<i32>} : memref<64x200xi32, #tpu.memory_space<vmem>>, vector<16xi32>,
      %parallel_loop3A_221 = tpu.vector_load_idx %arg5[%parallel_loop3A_220] : memref<128xf32, #tpu.memory_space<vmem>>[vector<16xi32>], vector<16xf32>,
      %parallel_loop3A_222 = arith.index_cast %parallel_loop3A_182 : i32 to index
      %parallel_loop3A_223 = arith.constant 80 : index
      %parallel_loop3A_224 = tpu.vector_load %arg9[%parallel_loop3A_222, %parallel_loop3A_223] {strides = array<i32>} : memref<64x200xf32, #tpu.memory_space<vmem>>, vector<16xf32>,
      tpu.vector_store %arg9[%parallel_loop3A_222, %parallel_loop3A_223], %parallel_loop3A_221 {strides = array<i32>} : memref<64x200xf32, #tpu.memory_space<vmem>>, vector<16xf32>,
      %parallel_loop3A_225 = arith.index_cast %parallel_loop3A_182 : i32 to index
      %parallel_loop3A_226 = arith.constant 96 : index
      %parallel_loop3A_227 = tpu.vector_load %arg7[%parallel_loop3A_225, %parallel_loop3A_226] {strides = array<i32>} : memref<64x200xi32, #tpu.memory_space<vmem>>, vector<16xi32>,
      %parallel_loop3A_228 = tpu.vector_load_idx %arg5[%parallel_loop3A_227] : memref<128xf32, #tpu.memory_space<vmem>>[vector<16xi32>], vector<16xf32>,
      %parallel_loop3A_229 = arith.index_cast %parallel_loop3A_182 : i32 to index
      %parallel_loop3A_230 = arith.constant 96 : index
      %parallel_loop3A_231 = tpu.vector_load %arg9[%parallel_loop3A_229, %parallel_loop3A_230] {strides = array<i32>} : memref<64x200xf32, #tpu.memory_space<vmem>>, vector<16xf32>,
      tpu.vector_store %arg9[%parallel_loop3A_229, %parallel_loop3A_230], %parallel_loop3A_228 {strides = array<i32>} : memref<64x200xf32, #tpu.memory_space<vmem>>, vector<16xf32>,
      %parallel_loop3A_232 = arith.index_cast %parallel_loop3A_182 : i32 to index
      %parallel_loop3A_233 = arith.constant 112 : index
      %parallel_loop3A_234 = tpu.vector_load %arg7[%parallel_loop3A_232, %parallel_loop3A_233] {strides = array<i32>} : memref<64x200xi32, #tpu.memory_space<vmem>>, vector<16xi32>,
      %parallel_loop3A_235 = tpu.vector_load_idx %arg5[%parallel_loop3A_234] : memref<128xf32, #tpu.memory_space<vmem>>[vector<16xi32>], vector<16xf32>,
      %parallel_loop3A_236 = arith.index_cast %parallel_loop3A_182 : i32 to index
      %parallel_loop3A_237 = arith.constant 112 : index
      %parallel_loop3A_238 = tpu.vector_load %arg9[%parallel_loop3A_236, %parallel_loop3A_237] {strides = array<i32>} : memref<64x200xf32, #tpu.memory_space<vmem>>, vector<16xf32>,
      tpu.vector_store %arg9[%parallel_loop3A_236, %parallel_loop3A_237], %parallel_loop3A_235 {strides = array<i32>} : memref<64x200xf32, #tpu.memory_space<vmem>>, vector<16xf32>,
      %parallel_loop3A_239 = arith.index_cast %parallel_loop3A_182 : i32 to index
      %parallel_loop3A_240 = arith.constant 128 : index
      %parallel_loop3A_241 = tpu.vector_load %arg7[%parallel_loop3A_239, %parallel_loop3A_240] {strides = array<i32>} : memref<64x200xi32, #tpu.memory_space<vmem>>, vector<16xi32>,
      %parallel_loop3A_242 = tpu.vector_load_idx %arg5[%parallel_loop3A_241] : memref<128xf32, #tpu.memory_space<vmem>>[vector<16xi32>], vector<16xf32>,
      %parallel_loop3A_243 = arith.index_cast %parallel_loop3A_182 : i32 to index
      %parallel_loop3A_244 = arith.constant 128 : index
      %parallel_loop3A_245 = tpu.vector_load %arg9[%parallel_loop3A_243, %parallel_loop3A_244] {strides = array<i32>} : memref<64x200xf32, #tpu.memory_space<vmem>>, vector<16xf32>,
      tpu.vector_store %arg9[%parallel_loop3A_243, %parallel_loop3A_244], %parallel_loop3A_242 {strides = array<i32>} : memref<64x200xf32, #tpu.memory_space<vmem>>, vector<16xf32>,
      %parallel_loop3A_246 = arith.index_cast %parallel_loop3A_182 : i32 to index
      %parallel_loop3A_247 = arith.constant 144 : index
      %parallel_loop3A_248 = tpu.vector_load %arg7[%parallel_loop3A_246, %parallel_loop3A_247] {strides = array<i32>} : memref<64x200xi32, #tpu.memory_space<vmem>>, vector<16xi32>,
      %parallel_loop3A_249 = tpu.vector_load_idx %arg5[%parallel_loop3A_248] : memref<128xf32, #tpu.memory_space<vmem>>[vector<16xi32>], vector<16xf32>,
      %parallel_loop3A_250 = arith.index_cast %parallel_loop3A_182 : i32 to index
      %parallel_loop3A_251 = arith.constant 144 : index
      %parallel_loop3A_252 = tpu.vector_load %arg9[%parallel_loop3A_250, %parallel_loop3A_251] {strides = array<i32>} : memref<64x200xf32, #tpu.memory_space<vmem>>, vector<16xf32>,
      tpu.vector_store %arg9[%parallel_loop3A_250, %parallel_loop3A_251], %parallel_loop3A_249 {strides = array<i32>} : memref<64x200xf32, #tpu.memory_space<vmem>>, vector<16xf32>,
      %parallel_loop3A_253 = arith.index_cast %parallel_loop3A_182 : i32 to index
      %parallel_loop3A_254 = arith.constant 160 : index
      %parallel_loop3A_255 = tpu.vector_load %arg7[%parallel_loop3A_253, %parallel_loop3A_254] {strides = array<i32>} : memref<64x200xi32, #tpu.memory_space<vmem>>, vector<16xi32>,
      %parallel_loop3A_256 = tpu.vector_load_idx %arg5[%parallel_loop3A_255] : memref<128xf32, #tpu.memory_space<vmem>>[vector<16xi32>], vector<16xf32>,
      %parallel_loop3A_257 = arith.index_cast %parallel_loop3A_182 : i32 to index
      %parallel_loop3A_258 = arith.constant 160 : index
      %parallel_loop3A_259 = tpu.vector_load %arg9[%parallel_loop3A_257, %parallel_loop3A_258] {strides = array<i32>} : memref<64x200xf32, #tpu.memory_space<vmem>>, vector<16xf32>,
      tpu.vector_store %arg9[%parallel_loop3A_257, %parallel_loop3A_258], %parallel_loop3A_256 {strides = array<i32>} : memref<64x200xf32, #tpu.memory_space<vmem>>, vector<16xf32>,
      %parallel_loop3A_260 = arith.index_cast %parallel_loop3A_182 : i32 to index
      %parallel_loop3A_261 = arith.constant 176 : index
      %parallel_loop3A_262 = tpu.vector_load %arg7[%parallel_loop3A_260, %parallel_loop3A_261] {strides = array<i32>} : memref<64x200xi32, #tpu.memory_space<vmem>>, vector<16xi32>,
      %parallel_loop3A_263 = tpu.vector_load_idx %arg5[%parallel_loop3A_262] : memref<128xf32, #tpu.memory_space<vmem>>[vector<16xi32>], vector<16xf32>,
      %parallel_loop3A_264 = arith.index_cast %parallel_loop3A_182 : i32 to index
      %parallel_loop3A_265 = arith.constant 176 : index
      %parallel_loop3A_266 = tpu.vector_load %arg9[%parallel_loop3A_264, %parallel_loop3A_265] {strides = array<i32>} : memref<64x200xf32, #tpu.memory_space<vmem>>, vector<16xf32>,
      tpu.vector_store %arg9[%parallel_loop3A_264, %parallel_loop3A_265], %parallel_loop3A_263 {strides = array<i32>} : memref<64x200xf32, #tpu.memory_space<vmem>>, vector<16xf32>,
      %parallel_loop3A_267 = arith.index_cast %parallel_loop3A_182 : i32 to index
      %parallel_loop3A_268 = arith.constant 184 : index
      %parallel_loop3A_269 = tpu.vector_load %arg7[%parallel_loop3A_267, %parallel_loop3A_268] {strides = array<i32>} : memref<64x200xi32, #tpu.memory_space<vmem>>, vector<16xi32>,
      %parallel_loop3A_270 = tpu.vector_load_idx %arg5[%parallel_loop3A_269] : memref<128xf32, #tpu.memory_space<vmem>>[vector<16xi32>], vector<16xf32>,
      %parallel_loop3A_271 = arith.index_cast %parallel_loop3A_182 : i32 to index
      %parallel_loop3A_272 = arith.constant 184 : index
      %parallel_loop3A_273 = tpu.vector_load %arg9[%parallel_loop3A_271, %parallel_loop3A_272] {strides = array<i32>} : memref<64x200xf32, #tpu.memory_space<vmem>>, vector<16xf32>,
      tpu.vector_store %arg9[%parallel_loop3A_271, %parallel_loop3A_272], %parallel_loop3A_270 {strides = array<i32>} : memref<64x200xf32, #tpu.memory_space<vmem>>, vector<16xf32>,
    } {sc.loop_unroll_factor = 4 : i64, sc.parallel_access}
    %add3A_82 = arith.constant 192 : i32
    %add3A_83 = arith.addi %mul3A_2, %add3A_82 : i32
    %dma_start3A_84 = arith.constant 0 : i32
    %dma_start3A_85 = tpu.memref_slice %arg4[%add3A_83, %dma_start3A_84] : memref<16384x200xf32, #tpu.memory_space<hbm>> -> memref<64x200xf32, #tpu.memory_space<hbm>>
    %dma_start3A_86 = arith.constant 0 : i32
    %dma_start3A_87 = tpu.memref_slice %arg4[%add3A_83, %dma_start3A_86] : memref<16384x200xf32, #tpu.memory_space<hbm>> -> memref<64x200xf32, #tpu.memory_space<hbm>>
    tpu.enqueue_dma source(%arg9 : memref<64x200xf32, #tpu.memory_space<vmem>>) target(%dma_start3A_87 : memref<64x200xf32, #tpu.memory_space<hbm>>) target_semaphore(%arg13 : memref<!tpu.dma_semaphore, #tpu.memory_space<semaphore_mem>>)
    %add3A_88 = arith.constant 320 : i32
    %add3A_89 = arith.addi %mul3A_2, %add3A_88 : i32
    %dma_start3A_90 = arith.constant 0 : i32
    %dma_start3A_91 = tpu.memref_slice %arg3[%add3A_89, %dma_start3A_90] : memref<16384x200xi32, #tpu.memory_space<hbm>> -> memref<64x200xi32, #tpu.memory_space<hbm>>
    %dma_start3A_92 = arith.constant 0 : i32
    %dma_start3A_93 = tpu.memref_slice %arg3[%add3A_89, %dma_start3A_92] : memref<16384x200xi32, #tpu.memory_space<hbm>> -> memref<64x200xi32, #tpu.memory_space<hbm>>
    tpu.enqueue_dma source(%dma_start3A_93 : memref<64x200xi32, #tpu.memory_space<hbm>>) target(%arg7 : memref<64x200xi32, #tpu.memory_space<vmem>>) target_semaphore(%arg11 : memref<!tpu.dma_semaphore, #tpu.memory_space<semaphore_mem>>)
    %dma_wait3A_94 = arith.constant 0 : i32
    %dma_wait3A_95 = tpu.memref_slice %arg3[%add3A_66, %dma_wait3A_94] : memref<16384x200xi32, #tpu.memory_space<hbm>> -> memref<64x200xi32, #tpu.memory_space<hbm>>
    %dma_wait3A_96 = arith.constant 0 : i32
    %dma_wait3A_97 = tpu.memref_slice %arg3[%add3A_66, %dma_wait3A_96] : memref<16384x200xi32, #tpu.memory_space<hbm>> -> memref<64x200xi32, #tpu.memory_space<hbm>>
    tpu.wait_dma2 semaphore(%arg10 : memref<!tpu.dma_semaphore, #tpu.memory_space<semaphore_mem>>) src(%dma_wait3A_97 : memref<64x200xi32, #tpu.memory_space<hbm>>) dst(%arg6 : memref<64x200xi32, #tpu.memory_space<vmem>>)
    %dma_wait3A_98 = arith.constant 0 : i32
    %dma_wait3A_99 = tpu.memref_slice %arg4[%add3A_60, %dma_wait3A_98] : memref<16384x200xf32, #tpu.memory_space<hbm>> -> memref<64x200xf32, #tpu.memory_space<hbm>>
    %dma_wait3A_100 = arith.constant 0 : i32
    %dma_wait3A_101 = tpu.memref_slice %arg4[%add3A_60, %dma_wait3A_100] : memref<16384x200xf32, #tpu.memory_space<hbm>> -> memref<64x200xf32, #tpu.memory_space<hbm>>
    tpu.wait_dma2 semaphore(%arg12 : memref<!tpu.dma_semaphore, #tpu.memory_space<semaphore_mem>>) src(%arg8 : memref<64x200xf32, #tpu.memory_space<vmem>>) dst(%dma_wait3A_101 : memref<64x200xf32, #tpu.memory_space<hbm>>)
    %parallel_loop3A_102 = arith.constant 0 : i32
    %parallel_loop3A_103 = arith.constant 64 : i32
    %parallel_loop3A_104 = arith.constant 1 : i32
    scf.for %parallel_loop3A_182 = %parallel_loop3A_102 to %parallel_loop3A_103 step %parallel_loop3A_104  : i32 {
      %parallel_loop3A_183 = arith.index_cast %parallel_loop3A_182 : i32 to index
      %parallel_loop3A_184 = arith.constant 0 : index
      %parallel_loop3A_185 = tpu.vector_load %arg6[%parallel_loop3A_183, %parallel_loop3A_184] {strides = array<i32>} : memref<64x200xi32, #tpu.memory_space<vmem>>, vector<16xi32>,
      %parallel_loop3A_186 = tpu.vector_load_idx %arg5[%parallel_loop3A_185] : memref<128xf32, #tpu.memory_space<vmem>>[vector<16xi32>], vector<16xf32>,
      %parallel_loop3A_187 = arith.index_cast %parallel_loop3A_182 : i32 to index
      %parallel_loop3A_188 = arith.constant 0 : index
      %parallel_loop3A_189 = tpu.vector_load %arg8[%parallel_loop3A_187, %parallel_loop3A_188] {strides = array<i32>} : memref<64x200xf32, #tpu.memory_space<vmem>>, vector<16xf32>,
      tpu.vector_store %arg8[%parallel_loop3A_187, %parallel_loop3A_188], %parallel_loop3A_186 {strides = array<i32>} : memref<64x200xf32, #tpu.memory_space<vmem>>, vector<16xf32>,
      %parallel_loop3A_190 = arith.index_cast %parallel_loop3A_182 : i32 to index
      %parallel_loop3A_191 = arith.constant 16 : index
      %parallel_loop3A_192 = tpu.vector_load %arg6[%parallel_loop3A_190, %parallel_loop3A_191] {strides = array<i32>} : memref<64x200xi32, #tpu.memory_space<vmem>>, vector<16xi32>,
      %parallel_loop3A_193 = tpu.vector_load_idx %arg5[%parallel_loop3A_192] : memref<128xf32, #tpu.memory_space<vmem>>[vector<16xi32>], vector<16xf32>,
      %parallel_loop3A_194 = arith.index_cast %parallel_loop3A_182 : i32 to index
      %parallel_loop3A_195 = arith.constant 16 : index
      %parallel_loop3A_196 = tpu.vector_load %arg8[%parallel_loop3A_194, %parallel_loop3A_195] {strides = array<i32>} : memref<64x200xf32, #tpu.memory_space<vmem>>, vector<16xf32>,
      tpu.vector_store %arg8[%parallel_loop3A_194, %parallel_loop3A_195], %parallel_loop3A_193 {strides = array<i32>} : memref<64x200xf32, #tpu.memory_space<vmem>>, vector<16xf32>,
      %parallel_loop3A_197 = arith.index_cast %parallel_loop3A_182 : i32 to index
      %parallel_loop3A_198 = arith.constant 32 : index
      %parallel_loop3A_199 = tpu.vector_load %arg6[%parallel_loop3A_197, %parallel_loop3A_198] {strides = array<i32>} : memref<64x200xi32, #tpu.memory_space<vmem>>, vector<16xi32>,
      %parallel_loop3A_200 = tpu.vector_load_idx %arg5[%parallel_loop3A_199] : memref<128xf32, #tpu.memory_space<vmem>>[vector<16xi32>], vector<16xf32>,
      %parallel_loop3A_201 = arith.index_cast %parallel_loop3A_182 : i32 to index
      %parallel_loop3A_202 = arith.constant 32 : index
      %parallel_loop3A_203 = tpu.vector_load %arg8[%parallel_loop3A_201, %parallel_loop3A_202] {strides = array<i32>} : memref<64x200xf32, #tpu.memory_space<vmem>>, vector<16xf32>,
      tpu.vector_store %arg8[%parallel_loop3A_201, %parallel_loop3A_202], %parallel_loop3A_200 {strides = array<i32>} : memref<64x200xf32, #tpu.memory_space<vmem>>, vector<16xf32>,
      %parallel_loop3A_204 = arith.index_cast %parallel_loop3A_182 : i32 to index
      %parallel_loop3A_205 = arith.constant 48 : index
      %parallel_loop3A_206 = tpu.vector_load %arg6[%parallel_loop3A_204, %parallel_loop3A_205] {strides = array<i32>} : memref<64x200xi32, #tpu.memory_space<vmem>>, vector<16xi32>,
      %parallel_loop3A_207 = tpu.vector_load_idx %arg5[%parallel_loop3A_206] : memref<128xf32, #tpu.memory_space<vmem>>[vector<16xi32>], vector<16xf32>,
      %parallel_loop3A_208 = arith.index_cast %parallel_loop3A_182 : i32 to index
      %parallel_loop3A_209 = arith.constant 48 : index
      %parallel_loop3A_210 = tpu.vector_load %arg8[%parallel_loop3A_208, %parallel_loop3A_209] {strides = array<i32>} : memref<64x200xf32, #tpu.memory_space<vmem>>, vector<16xf32>,
      tpu.vector_store %arg8[%parallel_loop3A_208, %parallel_loop3A_209], %parallel_loop3A_207 {strides = array<i32>} : memref<64x200xf32, #tpu.memory_space<vmem>>, vector<16xf32>,
      %parallel_loop3A_211 = arith.index_cast %parallel_loop3A_182 : i32 to index
      %parallel_loop3A_212 = arith.constant 64 : index
      %parallel_loop3A_213 = tpu.vector_load %arg6[%parallel_loop3A_211, %parallel_loop3A_212] {strides = array<i32>} : memref<64x200xi32, #tpu.memory_space<vmem>>, vector<16xi32>,
      %parallel_loop3A_214 = tpu.vector_load_idx %arg5[%parallel_loop3A_213] : memref<128xf32, #tpu.memory_space<vmem>>[vector<16xi32>], vector<16xf32>,
      %parallel_loop3A_215 = arith.index_cast %parallel_loop3A_182 : i32 to index
      %parallel_loop3A_216 = arith.constant 64 : index
      %parallel_loop3A_217 = tpu.vector_load %arg8[%parallel_loop3A_215, %parallel_loop3A_216] {strides = array<i32>} : memref<64x200xf32, #tpu.memory_space<vmem>>, vector<16xf32>,
      tpu.vector_store %arg8[%parallel_loop3A_215, %parallel_loop3A_216], %parallel_loop3A_214 {strides = array<i32>} : memref<64x200xf32, #tpu.memory_space<vmem>>, vector<16xf32>,
      %parallel_loop3A_218 = arith.index_cast %parallel_loop3A_182 : i32 to index
      %parallel_loop3A_219 = arith.constant 80 : index
      %parallel_loop3A_220 = tpu.vector_load %arg6[%parallel_loop3A_218, %parallel_loop3A_219] {strides = array<i32>} : memref<64x200xi32, #tpu.memory_space<vmem>>, vector<16xi32>,
      %parallel_loop3A_221 = tpu.vector_load_idx %arg5[%parallel_loop3A_220] : memref<128xf32, #tpu.memory_space<vmem>>[vector<16xi32>], vector<16xf32>,
      %parallel_loop3A_222 = arith.index_cast %parallel_loop3A_182 : i32 to index
      %parallel_loop3A_223 = arith.constant 80 : index
      %parallel_loop3A_224 = tpu.vector_load %arg8[%parallel_loop3A_222, %parallel_loop3A_223] {strides = array<i32>} : memref<64x200xf32, #tpu.memory_space<vmem>>, vector<16xf32>,
      tpu.vector_store %arg8[%parallel_loop3A_222, %parallel_loop3A_223], %parallel_loop3A_221 {strides = array<i32>} : memref<64x200xf32, #tpu.memory_space<vmem>>, vector<16xf32>,
      %parallel_loop3A_225 = arith.index_cast %parallel_loop3A_182 : i32 to index
      %parallel_loop3A_226 = arith.constant 96 : index
      %parallel_loop3A_227 = tpu.vector_load %arg6[%parallel_loop3A_225, %parallel_loop3A_226] {strides = array<i32>} : memref<64x200xi32, #tpu.memory_space<vmem>>, vector<16xi32>,
      %parallel_loop3A_228 = tpu.vector_load_idx %arg5[%parallel_loop3A_227] : memref<128xf32, #tpu.memory_space<vmem>>[vector<16xi32>], vector<16xf32>,
      %parallel_loop3A_229 = arith.index_cast %parallel_loop3A_182 : i32 to index
      %parallel_loop3A_230 = arith.constant 96 : index
      %parallel_loop3A_231 = tpu.vector_load %arg8[%parallel_loop3A_229, %parallel_loop3A_230] {strides = array<i32>} : memref<64x200xf32, #tpu.memory_space<vmem>>, vector<16xf32>,
      tpu.vector_store %arg8[%parallel_loop3A_229, %parallel_loop3A_230], %parallel_loop3A_228 {strides = array<i32>} : memref<64x200xf32, #tpu.memory_space<vmem>>, vector<16xf32>,
      %parallel_loop3A_232 = arith.index_cast %parallel_loop3A_182 : i32 to index
      %parallel_loop3A_233 = arith.constant 112 : index
      %parallel_loop3A_234 = tpu.vector_load %arg6[%parallel_loop3A_232, %parallel_loop3A_233] {strides = array<i32>} : memref<64x200xi32, #tpu.memory_space<vmem>>, vector<16xi32>,
      %parallel_loop3A_235 = tpu.vector_load_idx %arg5[%parallel_loop3A_234] : memref<128xf32, #tpu.memory_space<vmem>>[vector<16xi32>], vector<16xf32>,
      %parallel_loop3A_236 = arith.index_cast %parallel_loop3A_182 : i32 to index
      %parallel_loop3A_237 = arith.constant 112 : index
      %parallel_loop3A_238 = tpu.vector_load %arg8[%parallel_loop3A_236, %parallel_loop3A_237] {strides = array<i32>} : memref<64x200xf32, #tpu.memory_space<vmem>>, vector<16xf32>,
      tpu.vector_store %arg8[%parallel_loop3A_236, %parallel_loop3A_237], %parallel_loop3A_235 {strides = array<i32>} : memref<64x200xf32, #tpu.memory_space<vmem>>, vector<16xf32>,
      %parallel_loop3A_239 = arith.index_cast %parallel_loop3A_182 : i32 to index
      %parallel_loop3A_240 = arith.constant 128 : index
      %parallel_loop3A_241 = tpu.vector_load %arg6[%parallel_loop3A_239, %parallel_loop3A_240] {strides = array<i32>} : memref<64x200xi32, #tpu.memory_space<vmem>>, vector<16xi32>,
      %parallel_loop3A_242 = tpu.vector_load_idx %arg5[%parallel_loop3A_241] : memref<128xf32, #tpu.memory_space<vmem>>[vector<16xi32>], vector<16xf32>,
      %parallel_loop3A_243 = arith.index_cast %parallel_loop3A_182 : i32 to index
      %parallel_loop3A_244 = arith.constant 128 : index
      %parallel_loop3A_245 = tpu.vector_load %arg8[%parallel_loop3A_243, %parallel_loop3A_244] {strides = array<i32>} : memref<64x200xf32, #tpu.memory_space<vmem>>, vector<16xf32>,
      tpu.vector_store %arg8[%parallel_loop3A_243, %parallel_loop3A_244], %parallel_loop3A_242 {strides = array<i32>} : memref<64x200xf32, #tpu.memory_space<vmem>>, vector<16xf32>,
      %parallel_loop3A_246 = arith.index_cast %parallel_loop3A_182 : i32 to index
      %parallel_loop3A_247 = arith.constant 144 : index
      %parallel_loop3A_248 = tpu.vector_load %arg6[%parallel_loop3A_246, %parallel_loop3A_247] {strides = array<i32>} : memref<64x200xi32, #tpu.memory_space<vmem>>, vector<16xi32>,
      %parallel_loop3A_249 = tpu.vector_load_idx %arg5[%parallel_loop3A_248] : memref<128xf32, #tpu.memory_space<vmem>>[vector<16xi32>], vector<16xf32>,
      %parallel_loop3A_250 = arith.index_cast %parallel_loop3A_182 : i32 to index
      %parallel_loop3A_251 = arith.constant 144 : index
      %parallel_loop3A_252 = tpu.vector_load %arg8[%parallel_loop3A_250, %parallel_loop3A_251] {strides = array<i32>} : memref<64x200xf32, #tpu.memory_space<vmem>>, vector<16xf32>,
      tpu.vector_store %arg8[%parallel_loop3A_250, %parallel_loop3A_251], %parallel_loop3A_249 {strides = array<i32>} : memref<64x200xf32, #tpu.memory_space<vmem>>, vector<16xf32>,
      %parallel_loop3A_253 = arith.index_cast %parallel_loop3A_182 : i32 to index
      %parallel_loop3A_254 = arith.constant 160 : index
      %parallel_loop3A_255 = tpu.vector_load %arg6[%parallel_loop3A_253, %parallel_loop3A_254] {strides = array<i32>} : memref<64x200xi32, #tpu.memory_space<vmem>>, vector<16xi32>,
      %parallel_loop3A_256 = tpu.vector_load_idx %arg5[%parallel_loop3A_255] : memref<128xf32, #tpu.memory_space<vmem>>[vector<16xi32>], vector<16xf32>,
      %parallel_loop3A_257 = arith.index_cast %parallel_loop3A_182 : i32 to index
      %parallel_loop3A_258 = arith.constant 160 : index
      %parallel_loop3A_259 = tpu.vector_load %arg8[%parallel_loop3A_257, %parallel_loop3A_258] {strides = array<i32>} : memref<64x200xf32, #tpu.memory_space<vmem>>, vector<16xf32>,
      tpu.vector_store %arg8[%parallel_loop3A_257, %parallel_loop3A_258], %parallel_loop3A_256 {strides = array<i32>} : memref<64x200xf32, #tpu.memory_space<vmem>>, vector<16xf32>,
      %parallel_loop3A_260 = arith.index_cast %parallel_loop3A_182 : i32 to index
      %parallel_loop3A_261 = arith.constant 176 : index
      %parallel_loop3A_262 = tpu.vector_load %arg6[%parallel_loop3A_260, %parallel_loop3A_261] {strides = array<i32>} : memref<64x200xi32, #tpu.memory_space<vmem>>, vector<16xi32>,
      %parallel_loop3A_263 = tpu.vector_load_idx %arg5[%parallel_loop3A_262] : memref<128xf32, #tpu.memory_space<vmem>>[vector<16xi32>], vector<16xf32>,
      %parallel_loop3A_264 = arith.index_cast %parallel_loop3A_182 : i32 to index
      %parallel_loop3A_265 = arith.constant 176 : index
      %parallel_loop3A_266 = tpu.vector_load %arg8[%parallel_loop3A_264, %parallel_loop3A_265] {strides = array<i32>} : memref<64x200xf32, #tpu.memory_space<vmem>>, vector<16xf32>,
      tpu.vector_store %arg8[%parallel_loop3A_264, %parallel_loop3A_265], %parallel_loop3A_263 {strides = array<i32>} : memref<64x200xf32, #tpu.memory_space<vmem>>, vector<16xf32>,
      %parallel_loop3A_267 = arith.index_cast %parallel_loop3A_182 : i32 to index
      %parallel_loop3A_268 = arith.constant 184 : index
      %parallel_loop3A_269 = tpu.vector_load %arg6[%parallel_loop3A_267, %parallel_loop3A_268] {strides = array<i32>} : memref<64x200xi32, #tpu.memory_space<vmem>>, vector<16xi32>,
      %parallel_loop3A_270 = tpu.vector_load_idx %arg5[%parallel_loop3A_269] : memref<128xf32, #tpu.memory_space<vmem>>[vector<16xi32>], vector<16xf32>,
      %parallel_loop3A_271 = arith.index_cast %parallel_loop3A_182 : i32 to index
      %parallel_loop3A_272 = arith.constant 184 : index
      %parallel_loop3A_273 = tpu.vector_load %arg8[%parallel_loop3A_271, %parallel_loop3A_272] {strides = array<i32>} : memref<64x200xf32, #tpu.memory_space<vmem>>, vector<16xf32>,
      tpu.vector_store %arg8[%parallel_loop3A_271, %parallel_loop3A_272], %parallel_loop3A_270 {strides = array<i32>} : memref<64x200xf32, #tpu.memory_space<vmem>>, vector<16xf32>,
    } {sc.loop_unroll_factor = 4 : i64, sc.parallel_access}
    %add3A_105 = arith.constant 256 : i32
    %add3A_106 = arith.addi %mul3A_2, %add3A_105 : i32
    %dma_start3A_107 = arith.constant 0 : i32
    %dma_start3A_108 = tpu.memref_slice %arg4[%add3A_106, %dma_start3A_107] : memref<16384x200xf32, #tpu.memory_space<hbm>> -> memref<64x200xf32, #tpu.memory_space<hbm>>
    %dma_start3A_109 = arith.constant 0 : i32
    %dma_start3A_110 = tpu.memref_slice %arg4[%add3A_106, %dma_start3A_109] : memref<16384x200xf32, #tpu.memory_space<hbm>> -> memref<64x200xf32, #tpu.memory_space<hbm>>
    tpu.enqueue_dma source(%arg8 : memref<64x200xf32, #tpu.memory_space<vmem>>) target(%dma_start3A_110 : memref<64x200xf32, #tpu.memory_space<hbm>>) target_semaphore(%arg12 : memref<!tpu.dma_semaphore, #tpu.memory_space<semaphore_mem>>)
    %add3A_111 = arith.constant 384 : i32
    %add3A_112 = arith.addi %mul3A_2, %add3A_111 : i32
    %dma_start3A_113 = arith.constant 0 : i32
    %dma_start3A_114 = tpu.memref_slice %arg3[%add3A_112, %dma_start3A_113] : memref<16384x200xi32, #tpu.memory_space<hbm>> -> memref<64x200xi32, #tpu.memory_space<hbm>>
    %dma_start3A_115 = arith.constant 0 : i32
    %dma_start3A_116 = tpu.memref_slice %arg3[%add3A_112, %dma_start3A_115] : memref<16384x200xi32, #tpu.memory_space<hbm>> -> memref<64x200xi32, #tpu.memory_space<hbm>>
    tpu.enqueue_dma source(%dma_start3A_116 : memref<64x200xi32, #tpu.memory_space<hbm>>) target(%arg6 : memref<64x200xi32, #tpu.memory_space<vmem>>) target_semaphore(%arg10 : memref<!tpu.dma_semaphore, #tpu.memory_space<semaphore_mem>>)
    %dma_wait3A_117 = arith.constant 0 : i32
    %dma_wait3A_118 = tpu.memref_slice %arg3[%add3A_89, %dma_wait3A_117] : memref<16384x200xi32, #tpu.memory_space<hbm>> -> memref<64x200xi32, #tpu.memory_space<hbm>>
    %dma_wait3A_119 = arith.constant 0 : i32
    %dma_wait3A_120 = tpu.memref_slice %arg3[%add3A_89, %dma_wait3A_119] : memref<16384x200xi32, #tpu.memory_space<hbm>> -> memref<64x200xi32, #tpu.memory_space<hbm>>
    tpu.wait_dma2 semaphore(%arg11 : memref<!tpu.dma_semaphore, #tpu.memory_space<semaphore_mem>>) src(%dma_wait3A_120 : memref<64x200xi32, #tpu.memory_space<hbm>>) dst(%arg7 : memref<64x200xi32, #tpu.memory_space<vmem>>)
    %dma_wait3A_121 = arith.constant 0 : i32
    %dma_wait3A_122 = tpu.memref_slice %arg4[%add3A_83, %dma_wait3A_121] : memref<16384x200xf32, #tpu.memory_space<hbm>> -> memref<64x200xf32, #tpu.memory_space<hbm>>
    %dma_wait3A_123 = arith.constant 0 : i32
    %dma_wait3A_124 = tpu.memref_slice %arg4[%add3A_83, %dma_wait3A_123] : memref<16384x200xf32, #tpu.memory_space<hbm>> -> memref<64x200xf32, #tpu.memory_space<hbm>>
    tpu.wait_dma2 semaphore(%arg13 : memref<!tpu.dma_semaphore, #tpu.memory_space<semaphore_mem>>) src(%arg9 : memref<64x200xf32, #tpu.memory_space<vmem>>) dst(%dma_wait3A_124 : memref<64x200xf32, #tpu.memory_space<hbm>>)
    %parallel_loop3A_125 = arith.constant 0 : i32
    %parallel_loop3A_126 = arith.constant 64 : i32
    %parallel_loop3A_127 = arith.constant 1 : i32
    scf.for %parallel_loop3A_182 = %parallel_loop3A_125 to %parallel_loop3A_126 step %parallel_loop3A_127  : i32 {
      %parallel_loop3A_183 = arith.index_cast %parallel_loop3A_182 : i32 to index
      %parallel_loop3A_184 = arith.constant 0 : index
      %parallel_loop3A_185 = tpu.vector_load %arg7[%parallel_loop3A_183, %parallel_loop3A_184] {strides = array<i32>} : memref<64x200xi32, #tpu.memory_space<vmem>>, vector<16xi32>,
      %parallel_loop3A_186 = tpu.vector_load_idx %arg5[%parallel_loop3A_185] : memref<128xf32, #tpu.memory_space<vmem>>[vector<16xi32>], vector<16xf32>,
      %parallel_loop3A_187 = arith.index_cast %parallel_loop3A_182 : i32 to index
      %parallel_loop3A_188 = arith.constant 0 : index
      %parallel_loop3A_189 = tpu.vector_load %arg9[%parallel_loop3A_187, %parallel_loop3A_188] {strides = array<i32>} : memref<64x200xf32, #tpu.memory_space<vmem>>, vector<16xf32>,
      tpu.vector_store %arg9[%parallel_loop3A_187, %parallel_loop3A_188], %parallel_loop3A_186 {strides = array<i32>} : memref<64x200xf32, #tpu.memory_space<vmem>>, vector<16xf32>,
      %parallel_loop3A_190 = arith.index_cast %parallel_loop3A_182 : i32 to index
      %parallel_loop3A_191 = arith.constant 16 : index
      %parallel_loop3A_192 = tpu.vector_load %arg7[%parallel_loop3A_190, %parallel_loop3A_191] {strides = array<i32>} : memref<64x200xi32, #tpu.memory_space<vmem>>, vector<16xi32>,
      %parallel_loop3A_193 = tpu.vector_load_idx %arg5[%parallel_loop3A_192] : memref<128xf32, #tpu.memory_space<vmem>>[vector<16xi32>], vector<16xf32>,
      %parallel_loop3A_194 = arith.index_cast %parallel_loop3A_182 : i32 to index
      %parallel_loop3A_195 = arith.constant 16 : index
      %parallel_loop3A_196 = tpu.vector_load %arg9[%parallel_loop3A_194, %parallel_loop3A_195] {strides = array<i32>} : memref<64x200xf32, #tpu.memory_space<vmem>>, vector<16xf32>,
      tpu.vector_store %arg9[%parallel_loop3A_194, %parallel_loop3A_195], %parallel_loop3A_193 {strides = array<i32>} : memref<64x200xf32, #tpu.memory_space<vmem>>, vector<16xf32>,
      %parallel_loop3A_197 = arith.index_cast %parallel_loop3A_182 : i32 to index
      %parallel_loop3A_198 = arith.constant 32 : index
      %parallel_loop3A_199 = tpu.vector_load %arg7[%parallel_loop3A_197, %parallel_loop3A_198] {strides = array<i32>} : memref<64x200xi32, #tpu.memory_space<vmem>>, vector<16xi32>,
      %parallel_loop3A_200 = tpu.vector_load_idx %arg5[%parallel_loop3A_199] : memref<128xf32, #tpu.memory_space<vmem>>[vector<16xi32>], vector<16xf32>,
      %parallel_loop3A_201 = arith.index_cast %parallel_loop3A_182 : i32 to index
      %parallel_loop3A_202 = arith.constant 32 : index
      %parallel_loop3A_203 = tpu.vector_load %arg9[%parallel_loop3A_201, %parallel_loop3A_202] {strides = array<i32>} : memref<64x200xf32, #tpu.memory_space<vmem>>, vector<16xf32>,
      tpu.vector_store %arg9[%parallel_loop3A_201, %parallel_loop3A_202], %parallel_loop3A_200 {strides = array<i32>} : memref<64x200xf32, #tpu.memory_space<vmem>>, vector<16xf32>,
      %parallel_loop3A_204 = arith.index_cast %parallel_loop3A_182 : i32 to index
      %parallel_loop3A_205 = arith.constant 48 : index
      %parallel_loop3A_206 = tpu.vector_load %arg7[%parallel_loop3A_204, %parallel_loop3A_205] {strides = array<i32>} : memref<64x200xi32, #tpu.memory_space<vmem>>, vector<16xi32>,
      %parallel_loop3A_207 = tpu.vector_load_idx %arg5[%parallel_loop3A_206] : memref<128xf32, #tpu.memory_space<vmem>>[vector<16xi32>], vector<16xf32>,
      %parallel_loop3A_208 = arith.index_cast %parallel_loop3A_182 : i32 to index
      %parallel_loop3A_209 = arith.constant 48 : index
      %parallel_loop3A_210 = tpu.vector_load %arg9[%parallel_loop3A_208, %parallel_loop3A_209] {strides = array<i32>} : memref<64x200xf32, #tpu.memory_space<vmem>>, vector<16xf32>,
      tpu.vector_store %arg9[%parallel_loop3A_208, %parallel_loop3A_209], %parallel_loop3A_207 {strides = array<i32>} : memref<64x200xf32, #tpu.memory_space<vmem>>, vector<16xf32>,
      %parallel_loop3A_211 = arith.index_cast %parallel_loop3A_182 : i32 to index
      %parallel_loop3A_212 = arith.constant 64 : index
      %parallel_loop3A_213 = tpu.vector_load %arg7[%parallel_loop3A_211, %parallel_loop3A_212] {strides = array<i32>} : memref<64x200xi32, #tpu.memory_space<vmem>>, vector<16xi32>,
      %parallel_loop3A_214 = tpu.vector_load_idx %arg5[%parallel_loop3A_213] : memref<128xf32, #tpu.memory_space<vmem>>[vector<16xi32>], vector<16xf32>,
      %parallel_loop3A_215 = arith.index_cast %parallel_loop3A_182 : i32 to index
      %parallel_loop3A_216 = arith.constant 64 : index
      %parallel_loop3A_217 = tpu.vector_load %arg9[%parallel_loop3A_215, %parallel_loop3A_216] {strides = array<i32>} : memref<64x200xf32, #tpu.memory_space<vmem>>, vector<16xf32>,
      tpu.vector_store %arg9[%parallel_loop3A_215, %parallel_loop3A_216], %parallel_loop3A_214 {strides = array<i32>} : memref<64x200xf32, #tpu.memory_space<vmem>>, vector<16xf32>,
      %parallel_loop3A_218 = arith.index_cast %parallel_loop3A_182 : i32 to index
      %parallel_loop3A_219 = arith.constant 80 : index
      %parallel_loop3A_220 = tpu.vector_load %arg7[%parallel_loop3A_218, %parallel_loop3A_219] {strides = array<i32>} : memref<64x200xi32, #tpu.memory_space<vmem>>, vector<16xi32>,
      %parallel_loop3A_221 = tpu.vector_load_idx %arg5[%parallel_loop3A_220] : memref<128xf32, #tpu.memory_space<vmem>>[vector<16xi32>], vector<16xf32>,
      %parallel_loop3A_222 = arith.index_cast %parallel_loop3A_182 : i32 to index
      %parallel_loop3A_223 = arith.constant 80 : index
      %parallel_loop3A_224 = tpu.vector_load %arg9[%parallel_loop3A_222, %parallel_loop3A_223] {strides = array<i32>} : memref<64x200xf32, #tpu.memory_space<vmem>>, vector<16xf32>,
      tpu.vector_store %arg9[%parallel_loop3A_222, %parallel_loop3A_223], %parallel_loop3A_221 {strides = array<i32>} : memref<64x200xf32, #tpu.memory_space<vmem>>, vector<16xf32>,
      %parallel_loop3A_225 = arith.index_cast %parallel_loop3A_182 : i32 to index
      %parallel_loop3A_226 = arith.constant 96 : index
      %parallel_loop3A_227 = tpu.vector_load %arg7[%parallel_loop3A_225, %parallel_loop3A_226] {strides = array<i32>} : memref<64x200xi32, #tpu.memory_space<vmem>>, vector<16xi32>,
      %parallel_loop3A_228 = tpu.vector_load_idx %arg5[%parallel_loop3A_227] : memref<128xf32, #tpu.memory_space<vmem>>[vector<16xi32>], vector<16xf32>,
      %parallel_loop3A_229 = arith.index_cast %parallel_loop3A_182 : i32 to index
      %parallel_loop3A_230 = arith.constant 96 : index
      %parallel_loop3A_231 = tpu.vector_load %arg9[%parallel_loop3A_229, %parallel_loop3A_230] {strides = array<i32>} : memref<64x200xf32, #tpu.memory_space<vmem>>, vector<16xf32>,
      tpu.vector_store %arg9[%parallel_loop3A_229, %parallel_loop3A_230], %parallel_loop3A_228 {strides = array<i32>} : memref<64x200xf32, #tpu.memory_space<vmem>>, vector<16xf32>,
      %parallel_loop3A_232 = arith.index_cast %parallel_loop3A_182 : i32 to index
      %parallel_loop3A_233 = arith.constant 112 : index
      %parallel_loop3A_234 = tpu.vector_load %arg7[%parallel_loop3A_232, %parallel_loop3A_233] {strides = array<i32>} : memref<64x200xi32, #tpu.memory_space<vmem>>, vector<16xi32>,
      %parallel_loop3A_235 = tpu.vector_load_idx %arg5[%parallel_loop3A_234] : memref<128xf32, #tpu.memory_space<vmem>>[vector<16xi32>], vector<16xf32>,
      %parallel_loop3A_236 = arith.index_cast %parallel_loop3A_182 : i32 to index
      %parallel_loop3A_237 = arith.constant 112 : index
      %parallel_loop3A_238 = tpu.vector_load %arg9[%parallel_loop3A_236, %parallel_loop3A_237] {strides = array<i32>} : memref<64x200xf32, #tpu.memory_space<vmem>>, vector<16xf32>,
      tpu.vector_store %arg9[%parallel_loop3A_236, %parallel_loop3A_237], %parallel_loop3A_235 {strides = array<i32>} : memref<64x200xf32, #tpu.memory_space<vmem>>, vector<16xf32>,
      %parallel_loop3A_239 = arith.index_cast %parallel_loop3A_182 : i32 to index
      %parallel_loop3A_240 = arith.constant 128 : index
      %parallel_loop3A_241 = tpu.vector_load %arg7[%parallel_loop3A_239, %parallel_loop3A_240] {strides = array<i32>} : memref<64x200xi32, #tpu.memory_space<vmem>>, vector<16xi32>,
      %parallel_loop3A_242 = tpu.vector_load_idx %arg5[%parallel_loop3A_241] : memref<128xf32, #tpu.memory_space<vmem>>[vector<16xi32>], vector<16xf32>,
      %parallel_loop3A_243 = arith.index_cast %parallel_loop3A_182 : i32 to index
      %parallel_loop3A_244 = arith.constant 128 : index
      %parallel_loop3A_245 = tpu.vector_load %arg9[%parallel_loop3A_243, %parallel_loop3A_244] {strides = array<i32>} : memref<64x200xf32, #tpu.memory_space<vmem>>, vector<16xf32>,
      tpu.vector_store %arg9[%parallel_loop3A_243, %parallel_loop3A_244], %parallel_loop3A_242 {strides = array<i32>} : memref<64x200xf32, #tpu.memory_space<vmem>>, vector<16xf32>,
      %parallel_loop3A_246 = arith.index_cast %parallel_loop3A_182 : i32 to index
      %parallel_loop3A_247 = arith.constant 144 : index
      %parallel_loop3A_248 = tpu.vector_load %arg7[%parallel_loop3A_246, %parallel_loop3A_247] {strides = array<i32>} : memref<64x200xi32, #tpu.memory_space<vmem>>, vector<16xi32>,
      %parallel_loop3A_249 = tpu.vector_load_idx %arg5[%parallel_loop3A_248] : memref<128xf32, #tpu.memory_space<vmem>>[vector<16xi32>], vector<16xf32>,
      %parallel_loop3A_250 = arith.index_cast %parallel_loop3A_182 : i32 to index
      %parallel_loop3A_251 = arith.constant 144 : index
      %parallel_loop3A_252 = tpu.vector_load %arg9[%parallel_loop3A_250, %parallel_loop3A_251] {strides = array<i32>} : memref<64x200xf32, #tpu.memory_space<vmem>>, vector<16xf32>,
      tpu.vector_store %arg9[%parallel_loop3A_250, %parallel_loop3A_251], %parallel_loop3A_249 {strides = array<i32>} : memref<64x200xf32, #tpu.memory_space<vmem>>, vector<16xf32>,
      %parallel_loop3A_253 = arith.index_cast %parallel_loop3A_182 : i32 to index
      %parallel_loop3A_254 = arith.constant 160 : index
      %parallel_loop3A_255 = tpu.vector_load %arg7[%parallel_loop3A_253, %parallel_loop3A_254] {strides = array<i32>} : memref<64x200xi32, #tpu.memory_space<vmem>>, vector<16xi32>,
      %parallel_loop3A_256 = tpu.vector_load_idx %arg5[%parallel_loop3A_255] : memref<128xf32, #tpu.memory_space<vmem>>[vector<16xi32>], vector<16xf32>,
      %parallel_loop3A_257 = arith.index_cast %parallel_loop3A_182 : i32 to index
      %parallel_loop3A_258 = arith.constant 160 : index
      %parallel_loop3A_259 = tpu.vector_load %arg9[%parallel_loop3A_257, %parallel_loop3A_258] {strides = array<i32>} : memref<64x200xf32, #tpu.memory_space<vmem>>, vector<16xf32>,
      tpu.vector_store %arg9[%parallel_loop3A_257, %parallel_loop3A_258], %parallel_loop3A_256 {strides = array<i32>} : memref<64x200xf32, #tpu.memory_space<vmem>>, vector<16xf32>,
      %parallel_loop3A_260 = arith.index_cast %parallel_loop3A_182 : i32 to index
      %parallel_loop3A_261 = arith.constant 176 : index
      %parallel_loop3A_262 = tpu.vector_load %arg7[%parallel_loop3A_260, %parallel_loop3A_261] {strides = array<i32>} : memref<64x200xi32, #tpu.memory_space<vmem>>, vector<16xi32>,
      %parallel_loop3A_263 = tpu.vector_load_idx %arg5[%parallel_loop3A_262] : memref<128xf32, #tpu.memory_space<vmem>>[vector<16xi32>], vector<16xf32>,
      %parallel_loop3A_264 = arith.index_cast %parallel_loop3A_182 : i32 to index
      %parallel_loop3A_265 = arith.constant 176 : index
      %parallel_loop3A_266 = tpu.vector_load %arg9[%parallel_loop3A_264, %parallel_loop3A_265] {strides = array<i32>} : memref<64x200xf32, #tpu.memory_space<vmem>>, vector<16xf32>,
      tpu.vector_store %arg9[%parallel_loop3A_264, %parallel_loop3A_265], %parallel_loop3A_263 {strides = array<i32>} : memref<64x200xf32, #tpu.memory_space<vmem>>, vector<16xf32>,
      %parallel_loop3A_267 = arith.index_cast %parallel_loop3A_182 : i32 to index
      %parallel_loop3A_268 = arith.constant 184 : index
      %parallel_loop3A_269 = tpu.vector_load %arg7[%parallel_loop3A_267, %parallel_loop3A_268] {strides = array<i32>} : memref<64x200xi32, #tpu.memory_space<vmem>>, vector<16xi32>,
      %parallel_loop3A_270 = tpu.vector_load_idx %arg5[%parallel_loop3A_269] : memref<128xf32, #tpu.memory_space<vmem>>[vector<16xi32>], vector<16xf32>,
      %parallel_loop3A_271 = arith.index_cast %parallel_loop3A_182 : i32 to index
      %parallel_loop3A_272 = arith.constant 184 : index
      %parallel_loop3A_273 = tpu.vector_load %arg9[%parallel_loop3A_271, %parallel_loop3A_272] {strides = array<i32>} : memref<64x200xf32, #tpu.memory_space<vmem>>, vector<16xf32>,
      tpu.vector_store %arg9[%parallel_loop3A_271, %parallel_loop3A_272], %parallel_loop3A_270 {strides = array<i32>} : memref<64x200xf32, #tpu.memory_space<vmem>>, vector<16xf32>,
    } {sc.loop_unroll_factor = 4 : i64, sc.parallel_access}
    %add3A_128 = arith.constant 320 : i32
    %add3A_129 = arith.addi %mul3A_2, %add3A_128 : i32
    %dma_start3A_130 = arith.constant 0 : i32
    %dma_start3A_131 = tpu.memref_slice %arg4[%add3A_129, %dma_start3A_130] : memref<16384x200xf32, #tpu.memory_space<hbm>> -> memref<64x200xf32, #tpu.memory_space<hbm>>
    %dma_start3A_132 = arith.constant 0 : i32
    %dma_start3A_133 = tpu.memref_slice %arg4[%add3A_129, %dma_start3A_132] : memref<16384x200xf32, #tpu.memory_space<hbm>> -> memref<64x200xf32, #tpu.memory_space<hbm>>
    tpu.enqueue_dma source(%arg9 : memref<64x200xf32, #tpu.memory_space<vmem>>) target(%dma_start3A_133 : memref<64x200xf32, #tpu.memory_space<hbm>>) target_semaphore(%arg13 : memref<!tpu.dma_semaphore, #tpu.memory_space<semaphore_mem>>)
    %add3A_134 = arith.constant 448 : i32
    %add3A_135 = arith.addi %mul3A_2, %add3A_134 : i32
    %dma_start3A_136 = arith.constant 0 : i32
    %dma_start3A_137 = tpu.memref_slice %arg3[%add3A_135, %dma_start3A_136] : memref<16384x200xi32, #tpu.memory_space<hbm>> -> memref<64x200xi32, #tpu.memory_space<hbm>>
    %dma_start3A_138 = arith.constant 0 : i32
    %dma_start3A_139 = tpu.memref_slice %arg3[%add3A_135, %dma_start3A_138] : memref<16384x200xi32, #tpu.memory_space<hbm>> -> memref<64x200xi32, #tpu.memory_space<hbm>>
    tpu.enqueue_dma source(%dma_start3A_139 : memref<64x200xi32, #tpu.memory_space<hbm>>) target(%arg7 : memref<64x200xi32, #tpu.memory_space<vmem>>) target_semaphore(%arg11 : memref<!tpu.dma_semaphore, #tpu.memory_space<semaphore_mem>>)
    %dma_wait3A_140 = arith.constant 0 : i32
    %dma_wait3A_141 = tpu.memref_slice %arg3[%add3A_112, %dma_wait3A_140] : memref<16384x200xi32, #tpu.memory_space<hbm>> -> memref<64x200xi32, #tpu.memory_space<hbm>>
    %dma_wait3A_142 = arith.constant 0 : i32
    %dma_wait3A_143 = tpu.memref_slice %arg3[%add3A_112, %dma_wait3A_142] : memref<16384x200xi32, #tpu.memory_space<hbm>> -> memref<64x200xi32, #tpu.memory_space<hbm>>
    tpu.wait_dma2 semaphore(%arg10 : memref<!tpu.dma_semaphore, #tpu.memory_space<semaphore_mem>>) src(%dma_wait3A_143 : memref<64x200xi32, #tpu.memory_space<hbm>>) dst(%arg6 : memref<64x200xi32, #tpu.memory_space<vmem>>)
    %dma_wait3A_144 = arith.constant 0 : i32
    %dma_wait3A_145 = tpu.memref_slice %arg4[%add3A_106, %dma_wait3A_144] : memref<16384x200xf32, #tpu.memory_space<hbm>> -> memref<64x200xf32, #tpu.memory_space<hbm>>
    %dma_wait3A_146 = arith.constant 0 : i32
    %dma_wait3A_147 = tpu.memref_slice %arg4[%add3A_106, %dma_wait3A_146] : memref<16384x200xf32, #tpu.memory_space<hbm>> -> memref<64x200xf32, #tpu.memory_space<hbm>>
    tpu.wait_dma2 semaphore(%arg12 : memref<!tpu.dma_semaphore, #tpu.memory_space<semaphore_mem>>) src(%arg8 : memref<64x200xf32, #tpu.memory_space<vmem>>) dst(%dma_wait3A_147 : memref<64x200xf32, #tpu.memory_space<hbm>>)
    %parallel_loop3A_148 = arith.constant 0 : i32
    %parallel_loop3A_149 = arith.constant 64 : i32
    %parallel_loop3A_150 = arith.constant 1 : i32
    scf.for %parallel_loop3A_182 = %parallel_loop3A_148 to %parallel_loop3A_149 step %parallel_loop3A_150  : i32 {
      %parallel_loop3A_183 = arith.index_cast %parallel_loop3A_182 : i32 to index
      %parallel_loop3A_184 = arith.constant 0 : index
      %parallel_loop3A_185 = tpu.vector_load %arg6[%parallel_loop3A_183, %parallel_loop3A_184] {strides = array<i32>} : memref<64x200xi32, #tpu.memory_space<vmem>>, vector<16xi32>,
      %parallel_loop3A_186 = tpu.vector_load_idx %arg5[%parallel_loop3A_185] : memref<128xf32, #tpu.memory_space<vmem>>[vector<16xi32>], vector<16xf32>,
      %parallel_loop3A_187 = arith.index_cast %parallel_loop3A_182 : i32 to index
      %parallel_loop3A_188 = arith.constant 0 : index
      %parallel_loop3A_189 = tpu.vector_load %arg8[%parallel_loop3A_187, %parallel_loop3A_188] {strides = array<i32>} : memref<64x200xf32, #tpu.memory_space<vmem>>, vector<16xf32>,
      tpu.vector_store %arg8[%parallel_loop3A_187, %parallel_loop3A_188], %parallel_loop3A_186 {strides = array<i32>} : memref<64x200xf32, #tpu.memory_space<vmem>>, vector<16xf32>,
      %parallel_loop3A_190 = arith.index_cast %parallel_loop3A_182 : i32 to index
      %parallel_loop3A_191 = arith.constant 16 : index
      %parallel_loop3A_192 = tpu.vector_load %arg6[%parallel_loop3A_190, %parallel_loop3A_191] {strides = array<i32>} : memref<64x200xi32, #tpu.memory_space<vmem>>, vector<16xi32>,
      %parallel_loop3A_193 = tpu.vector_load_idx %arg5[%parallel_loop3A_192] : memref<128xf32, #tpu.memory_space<vmem>>[vector<16xi32>], vector<16xf32>,
      %parallel_loop3A_194 = arith.index_cast %parallel_loop3A_182 : i32 to index
      %parallel_loop3A_195 = arith.constant 16 : index
      %parallel_loop3A_196 = tpu.vector_load %arg8[%parallel_loop3A_194, %parallel_loop3A_195] {strides = array<i32>} : memref<64x200xf32, #tpu.memory_space<vmem>>, vector<16xf32>,
      tpu.vector_store %arg8[%parallel_loop3A_194, %parallel_loop3A_195], %parallel_loop3A_193 {strides = array<i32>} : memref<64x200xf32, #tpu.memory_space<vmem>>, vector<16xf32>,
      %parallel_loop3A_197 = arith.index_cast %parallel_loop3A_182 : i32 to index
      %parallel_loop3A_198 = arith.constant 32 : index
      %parallel_loop3A_199 = tpu.vector_load %arg6[%parallel_loop3A_197, %parallel_loop3A_198] {strides = array<i32>} : memref<64x200xi32, #tpu.memory_space<vmem>>, vector<16xi32>,
      %parallel_loop3A_200 = tpu.vector_load_idx %arg5[%parallel_loop3A_199] : memref<128xf32, #tpu.memory_space<vmem>>[vector<16xi32>], vector<16xf32>,
      %parallel_loop3A_201 = arith.index_cast %parallel_loop3A_182 : i32 to index
      %parallel_loop3A_202 = arith.constant 32 : index
      %parallel_loop3A_203 = tpu.vector_load %arg8[%parallel_loop3A_201, %parallel_loop3A_202] {strides = array<i32>} : memref<64x200xf32, #tpu.memory_space<vmem>>, vector<16xf32>,
      tpu.vector_store %arg8[%parallel_loop3A_201, %parallel_loop3A_202], %parallel_loop3A_200 {strides = array<i32>} : memref<64x200xf32, #tpu.memory_space<vmem>>, vector<16xf32>,
      %parallel_loop3A_204 = arith.index_cast %parallel_loop3A_182 : i32 to index
      %parallel_loop3A_205 = arith.constant 48 : index
      %parallel_loop3A_206 = tpu.vector_load %arg6[%parallel_loop3A_204, %parallel_loop3A_205] {strides = array<i32>} : memref<64x200xi32, #tpu.memory_space<vmem>>, vector<16xi32>,
      %parallel_loop3A_207 = tpu.vector_load_idx %arg5[%parallel_loop3A_206] : memref<128xf32, #tpu.memory_space<vmem>>[vector<16xi32>], vector<16xf32>,
      %parallel_loop3A_208 = arith.index_cast %parallel_loop3A_182 : i32 to index
      %parallel_loop3A_209 = arith.constant 48 : index
      %parallel_loop3A_210 = tpu.vector_load %arg8[%parallel_loop3A_208, %parallel_loop3A_209] {strides = array<i32>} : memref<64x200xf32, #tpu.memory_space<vmem>>, vector<16xf32>,
      tpu.vector_store %arg8[%parallel_loop3A_208, %parallel_loop3A_209], %parallel_loop3A_207 {strides = array<i32>} : memref<64x200xf32, #tpu.memory_space<vmem>>, vector<16xf32>,
      %parallel_loop3A_211 = arith.index_cast %parallel_loop3A_182 : i32 to index
      %parallel_loop3A_212 = arith.constant 64 : index
      %parallel_loop3A_213 = tpu.vector_load %arg6[%parallel_loop3A_211, %parallel_loop3A_212] {strides = array<i32>} : memref<64x200xi32, #tpu.memory_space<vmem>>, vector<16xi32>,
      %parallel_loop3A_214 = tpu.vector_load_idx %arg5[%parallel_loop3A_213] : memref<128xf32, #tpu.memory_space<vmem>>[vector<16xi32>], vector<16xf32>,
      %parallel_loop3A_215 = arith.index_cast %parallel_loop3A_182 : i32 to index
      %parallel_loop3A_216 = arith.constant 64 : index
      %parallel_loop3A_217 = tpu.vector_load %arg8[%parallel_loop3A_215, %parallel_loop3A_216] {strides = array<i32>} : memref<64x200xf32, #tpu.memory_space<vmem>>, vector<16xf32>,
      tpu.vector_store %arg8[%parallel_loop3A_215, %parallel_loop3A_216], %parallel_loop3A_214 {strides = array<i32>} : memref<64x200xf32, #tpu.memory_space<vmem>>, vector<16xf32>,
      %parallel_loop3A_218 = arith.index_cast %parallel_loop3A_182 : i32 to index
      %parallel_loop3A_219 = arith.constant 80 : index
      %parallel_loop3A_220 = tpu.vector_load %arg6[%parallel_loop3A_218, %parallel_loop3A_219] {strides = array<i32>} : memref<64x200xi32, #tpu.memory_space<vmem>>, vector<16xi32>,
      %parallel_loop3A_221 = tpu.vector_load_idx %arg5[%parallel_loop3A_220] : memref<128xf32, #tpu.memory_space<vmem>>[vector<16xi32>], vector<16xf32>,
      %parallel_loop3A_222 = arith.index_cast %parallel_loop3A_182 : i32 to index
      %parallel_loop3A_223 = arith.constant 80 : index
      %parallel_loop3A_224 = tpu.vector_load %arg8[%parallel_loop3A_222, %parallel_loop3A_223] {strides = array<i32>} : memref<64x200xf32, #tpu.memory_space<vmem>>, vector<16xf32>,
      tpu.vector_store %arg8[%parallel_loop3A_222, %parallel_loop3A_223], %parallel_loop3A_221 {strides = array<i32>} : memref<64x200xf32, #tpu.memory_space<vmem>>, vector<16xf32>,
      %parallel_loop3A_225 = arith.index_cast %parallel_loop3A_182 : i32 to index
      %parallel_loop3A_226 = arith.constant 96 : index
      %parallel_loop3A_227 = tpu.vector_load %arg6[%parallel_loop3A_225, %parallel_loop3A_226] {strides = array<i32>} : memref<64x200xi32, #tpu.memory_space<vmem>>, vector<16xi32>,
      %parallel_loop3A_228 = tpu.vector_load_idx %arg5[%parallel_loop3A_227] : memref<128xf32, #tpu.memory_space<vmem>>[vector<16xi32>], vector<16xf32>,
      %parallel_loop3A_229 = arith.index_cast %parallel_loop3A_182 : i32 to index
      %parallel_loop3A_230 = arith.constant 96 : index
      %parallel_loop3A_231 = tpu.vector_load %arg8[%parallel_loop3A_229, %parallel_loop3A_230] {strides = array<i32>} : memref<64x200xf32, #tpu.memory_space<vmem>>, vector<16xf32>,
      tpu.vector_store %arg8[%parallel_loop3A_229, %parallel_loop3A_230], %parallel_loop3A_228 {strides = array<i32>} : memref<64x200xf32, #tpu.memory_space<vmem>>, vector<16xf32>,
      %parallel_loop3A_232 = arith.index_cast %parallel_loop3A_182 : i32 to index
      %parallel_loop3A_233 = arith.constant 112 : index
      %parallel_loop3A_234 = tpu.vector_load %arg6[%parallel_loop3A_232, %parallel_loop3A_233] {strides = array<i32>} : memref<64x200xi32, #tpu.memory_space<vmem>>, vector<16xi32>,
      %parallel_loop3A_235 = tpu.vector_load_idx %arg5[%parallel_loop3A_234] : memref<128xf32, #tpu.memory_space<vmem>>[vector<16xi32>], vector<16xf32>,
      %parallel_loop3A_236 = arith.index_cast %parallel_loop3A_182 : i32 to index
      %parallel_loop3A_237 = arith.constant 112 : index
      %parallel_loop3A_238 = tpu.vector_load %arg8[%parallel_loop3A_236, %parallel_loop3A_237] {strides = array<i32>} : memref<64x200xf32, #tpu.memory_space<vmem>>, vector<16xf32>,
      tpu.vector_store %arg8[%parallel_loop3A_236, %parallel_loop3A_237], %parallel_loop3A_235 {strides = array<i32>} : memref<64x200xf32, #tpu.memory_space<vmem>>, vector<16xf32>,
      %parallel_loop3A_239 = arith.index_cast %parallel_loop3A_182 : i32 to index
      %parallel_loop3A_240 = arith.constant 128 : index
      %parallel_loop3A_241 = tpu.vector_load %arg6[%parallel_loop3A_239, %parallel_loop3A_240] {strides = array<i32>} : memref<64x200xi32, #tpu.memory_space<vmem>>, vector<16xi32>,
      %parallel_loop3A_242 = tpu.vector_load_idx %arg5[%parallel_loop3A_241] : memref<128xf32, #tpu.memory_space<vmem>>[vector<16xi32>], vector<16xf32>,
      %parallel_loop3A_243 = arith.index_cast %parallel_loop3A_182 : i32 to index
      %parallel_loop3A_244 = arith.constant 128 : index
      %parallel_loop3A_245 = tpu.vector_load %arg8[%parallel_loop3A_243, %parallel_loop3A_244] {strides = array<i32>} : memref<64x200xf32, #tpu.memory_space<vmem>>, vector<16xf32>,
      tpu.vector_store %arg8[%parallel_loop3A_243, %parallel_loop3A_244], %parallel_loop3A_242 {strides = array<i32>} : memref<64x200xf32, #tpu.memory_space<vmem>>, vector<16xf32>,
      %parallel_loop3A_246 = arith.index_cast %parallel_loop3A_182 : i32 to index
      %parallel_loop3A_247 = arith.constant 144 : index
      %parallel_loop3A_248 = tpu.vector_load %arg6[%parallel_loop3A_246, %parallel_loop3A_247] {strides = array<i32>} : memref<64x200xi32, #tpu.memory_space<vmem>>, vector<16xi32>,
      %parallel_loop3A_249 = tpu.vector_load_idx %arg5[%parallel_loop3A_248] : memref<128xf32, #tpu.memory_space<vmem>>[vector<16xi32>], vector<16xf32>,
      %parallel_loop3A_250 = arith.index_cast %parallel_loop3A_182 : i32 to index
      %parallel_loop3A_251 = arith.constant 144 : index
      %parallel_loop3A_252 = tpu.vector_load %arg8[%parallel_loop3A_250, %parallel_loop3A_251] {strides = array<i32>} : memref<64x200xf32, #tpu.memory_space<vmem>>, vector<16xf32>,
      tpu.vector_store %arg8[%parallel_loop3A_250, %parallel_loop3A_251], %parallel_loop3A_249 {strides = array<i32>} : memref<64x200xf32, #tpu.memory_space<vmem>>, vector<16xf32>,
      %parallel_loop3A_253 = arith.index_cast %parallel_loop3A_182 : i32 to index
      %parallel_loop3A_254 = arith.constant 160 : index
      %parallel_loop3A_255 = tpu.vector_load %arg6[%parallel_loop3A_253, %parallel_loop3A_254] {strides = array<i32>} : memref<64x200xi32, #tpu.memory_space<vmem>>, vector<16xi32>,
      %parallel_loop3A_256 = tpu.vector_load_idx %arg5[%parallel_loop3A_255] : memref<128xf32, #tpu.memory_space<vmem>>[vector<16xi32>], vector<16xf32>,
      %parallel_loop3A_257 = arith.index_cast %parallel_loop3A_182 : i32 to index
      %parallel_loop3A_258 = arith.constant 160 : index
      %parallel_loop3A_259 = tpu.vector_load %arg8[%parallel_loop3A_257, %parallel_loop3A_258] {strides = array<i32>} : memref<64x200xf32, #tpu.memory_space<vmem>>, vector<16xf32>,
      tpu.vector_store %arg8[%parallel_loop3A_257, %parallel_loop3A_258], %parallel_loop3A_256 {strides = array<i32>} : memref<64x200xf32, #tpu.memory_space<vmem>>, vector<16xf32>,
      %parallel_loop3A_260 = arith.index_cast %parallel_loop3A_182 : i32 to index
      %parallel_loop3A_261 = arith.constant 176 : index
      %parallel_loop3A_262 = tpu.vector_load %arg6[%parallel_loop3A_260, %parallel_loop3A_261] {strides = array<i32>} : memref<64x200xi32, #tpu.memory_space<vmem>>, vector<16xi32>,
      %parallel_loop3A_263 = tpu.vector_load_idx %arg5[%parallel_loop3A_262] : memref<128xf32, #tpu.memory_space<vmem>>[vector<16xi32>], vector<16xf32>,
      %parallel_loop3A_264 = arith.index_cast %parallel_loop3A_182 : i32 to index
      %parallel_loop3A_265 = arith.constant 176 : index
      %parallel_loop3A_266 = tpu.vector_load %arg8[%parallel_loop3A_264, %parallel_loop3A_265] {strides = array<i32>} : memref<64x200xf32, #tpu.memory_space<vmem>>, vector<16xf32>,
      tpu.vector_store %arg8[%parallel_loop3A_264, %parallel_loop3A_265], %parallel_loop3A_263 {strides = array<i32>} : memref<64x200xf32, #tpu.memory_space<vmem>>, vector<16xf32>,
      %parallel_loop3A_267 = arith.index_cast %parallel_loop3A_182 : i32 to index
      %parallel_loop3A_268 = arith.constant 184 : index
      %parallel_loop3A_269 = tpu.vector_load %arg6[%parallel_loop3A_267, %parallel_loop3A_268] {strides = array<i32>} : memref<64x200xi32, #tpu.memory_space<vmem>>, vector<16xi32>,
      %parallel_loop3A_270 = tpu.vector_load_idx %arg5[%parallel_loop3A_269] : memref<128xf32, #tpu.memory_space<vmem>>[vector<16xi32>], vector<16xf32>,
      %parallel_loop3A_271 = arith.index_cast %parallel_loop3A_182 : i32 to index
      %parallel_loop3A_272 = arith.constant 184 : index
      %parallel_loop3A_273 = tpu.vector_load %arg8[%parallel_loop3A_271, %parallel_loop3A_272] {strides = array<i32>} : memref<64x200xf32, #tpu.memory_space<vmem>>, vector<16xf32>,
      tpu.vector_store %arg8[%parallel_loop3A_271, %parallel_loop3A_272], %parallel_loop3A_270 {strides = array<i32>} : memref<64x200xf32, #tpu.memory_space<vmem>>, vector<16xf32>,
    } {sc.loop_unroll_factor = 4 : i64, sc.parallel_access}
    %add3A_151 = arith.constant 384 : i32
    %add3A_152 = arith.addi %mul3A_2, %add3A_151 : i32
    %dma_start3A_153 = arith.constant 0 : i32
    %dma_start3A_154 = tpu.memref_slice %arg4[%add3A_152, %dma_start3A_153] : memref<16384x200xf32, #tpu.memory_space<hbm>> -> memref<64x200xf32, #tpu.memory_space<hbm>>
    %dma_start3A_155 = arith.constant 0 : i32
    %dma_start3A_156 = tpu.memref_slice %arg4[%add3A_152, %dma_start3A_155] : memref<16384x200xf32, #tpu.memory_space<hbm>> -> memref<64x200xf32, #tpu.memory_space<hbm>>
    tpu.enqueue_dma source(%arg8 : memref<64x200xf32, #tpu.memory_space<vmem>>) target(%dma_start3A_156 : memref<64x200xf32, #tpu.memory_space<hbm>>) target_semaphore(%arg12 : memref<!tpu.dma_semaphore, #tpu.memory_space<semaphore_mem>>)
    %dma_wait3A_157 = arith.constant 0 : i32
    %dma_wait3A_158 = tpu.memref_slice %arg3[%add3A_135, %dma_wait3A_157] : memref<16384x200xi32, #tpu.memory_space<hbm>> -> memref<64x200xi32, #tpu.memory_space<hbm>>
    %dma_wait3A_159 = arith.constant 0 : i32
    %dma_wait3A_160 = tpu.memref_slice %arg3[%add3A_135, %dma_wait3A_159] : memref<16384x200xi32, #tpu.memory_space<hbm>> -> memref<64x200xi32, #tpu.memory_space<hbm>>
    tpu.wait_dma2 semaphore(%arg11 : memref<!tpu.dma_semaphore, #tpu.memory_space<semaphore_mem>>) src(%dma_wait3A_160 : memref<64x200xi32, #tpu.memory_space<hbm>>) dst(%arg7 : memref<64x200xi32, #tpu.memory_space<vmem>>)
    %dma_wait3A_161 = arith.constant 0 : i32
    %dma_wait3A_162 = tpu.memref_slice %arg4[%add3A_129, %dma_wait3A_161] : memref<16384x200xf32, #tpu.memory_space<hbm>> -> memref<64x200xf32, #tpu.memory_space<hbm>>
    %dma_wait3A_163 = arith.constant 0 : i32
    %dma_wait3A_164 = tpu.memref_slice %arg4[%add3A_129, %dma_wait3A_163] : memref<16384x200xf32, #tpu.memory_space<hbm>> -> memref<64x200xf32, #tpu.memory_space<hbm>>
    tpu.wait_dma2 semaphore(%arg13 : memref<!tpu.dma_semaphore, #tpu.memory_space<semaphore_mem>>) src(%arg9 : memref<64x200xf32, #tpu.memory_space<vmem>>) dst(%dma_wait3A_164 : memref<64x200xf32, #tpu.memory_space<hbm>>)
    %parallel_loop3A_165 = arith.constant 0 : i32
    %parallel_loop3A_166 = arith.constant 64 : i32
    %parallel_loop3A_167 = arith.constant 1 : i32
    scf.for %parallel_loop3A_182 = %parallel_loop3A_165 to %parallel_loop3A_166 step %parallel_loop3A_167  : i32 {
      %parallel_loop3A_183 = arith.index_cast %parallel_loop3A_182 : i32 to index
      %parallel_loop3A_184 = arith.constant 0 : index
      %parallel_loop3A_185 = tpu.vector_load %arg7[%parallel_loop3A_183, %parallel_loop3A_184] {strides = array<i32>} : memref<64x200xi32, #tpu.memory_space<vmem>>, vector<16xi32>,
      %parallel_loop3A_186 = tpu.vector_load_idx %arg5[%parallel_loop3A_185] : memref<128xf32, #tpu.memory_space<vmem>>[vector<16xi32>], vector<16xf32>,
      %parallel_loop3A_187 = arith.index_cast %parallel_loop3A_182 : i32 to index
      %parallel_loop3A_188 = arith.constant 0 : index
      %parallel_loop3A_189 = tpu.vector_load %arg9[%parallel_loop3A_187, %parallel_loop3A_188] {strides = array<i32>} : memref<64x200xf32, #tpu.memory_space<vmem>>, vector<16xf32>,
      tpu.vector_store %arg9[%parallel_loop3A_187, %parallel_loop3A_188], %parallel_loop3A_186 {strides = array<i32>} : memref<64x200xf32, #tpu.memory_space<vmem>>, vector<16xf32>,
      %parallel_loop3A_190 = arith.index_cast %parallel_loop3A_182 : i32 to index
      %parallel_loop3A_191 = arith.constant 16 : index
      %parallel_loop3A_192 = tpu.vector_load %arg7[%parallel_loop3A_190, %parallel_loop3A_191] {strides = array<i32>} : memref<64x200xi32, #tpu.memory_space<vmem>>, vector<16xi32>,
      %parallel_loop3A_193 = tpu.vector_load_idx %arg5[%parallel_loop3A_192] : memref<128xf32, #tpu.memory_space<vmem>>[vector<16xi32>], vector<16xf32>,
      %parallel_loop3A_194 = arith.index_cast %parallel_loop3A_182 : i32 to index
      %parallel_loop3A_195 = arith.constant 16 : index
      %parallel_loop3A_196 = tpu.vector_load %arg9[%parallel_loop3A_194, %parallel_loop3A_195] {strides = array<i32>} : memref<64x200xf32, #tpu.memory_space<vmem>>, vector<16xf32>,
      tpu.vector_store %arg9[%parallel_loop3A_194, %parallel_loop3A_195], %parallel_loop3A_193 {strides = array<i32>} : memref<64x200xf32, #tpu.memory_space<vmem>>, vector<16xf32>,
      %parallel_loop3A_197 = arith.index_cast %parallel_loop3A_182 : i32 to index
      %parallel_loop3A_198 = arith.constant 32 : index
      %parallel_loop3A_199 = tpu.vector_load %arg7[%parallel_loop3A_197, %parallel_loop3A_198] {strides = array<i32>} : memref<64x200xi32, #tpu.memory_space<vmem>>, vector<16xi32>,
      %parallel_loop3A_200 = tpu.vector_load_idx %arg5[%parallel_loop3A_199] : memref<128xf32, #tpu.memory_space<vmem>>[vector<16xi32>], vector<16xf32>,
      %parallel_loop3A_201 = arith.index_cast %parallel_loop3A_182 : i32 to index
      %parallel_loop3A_202 = arith.constant 32 : index
      %parallel_loop3A_203 = tpu.vector_load %arg9[%parallel_loop3A_201, %parallel_loop3A_202] {strides = array<i32>} : memref<64x200xf32, #tpu.memory_space<vmem>>, vector<16xf32>,
      tpu.vector_store %arg9[%parallel_loop3A_201, %parallel_loop3A_202], %parallel_loop3A_200 {strides = array<i32>} : memref<64x200xf32, #tpu.memory_space<vmem>>, vector<16xf32>,
      %parallel_loop3A_204 = arith.index_cast %parallel_loop3A_182 : i32 to index
      %parallel_loop3A_205 = arith.constant 48 : index
      %parallel_loop3A_206 = tpu.vector_load %arg7[%parallel_loop3A_204, %parallel_loop3A_205] {strides = array<i32>} : memref<64x200xi32, #tpu.memory_space<vmem>>, vector<16xi32>,
      %parallel_loop3A_207 = tpu.vector_load_idx %arg5[%parallel_loop3A_206] : memref<128xf32, #tpu.memory_space<vmem>>[vector<16xi32>], vector<16xf32>,
      %parallel_loop3A_208 = arith.index_cast %parallel_loop3A_182 : i32 to index
      %parallel_loop3A_209 = arith.constant 48 : index
      %parallel_loop3A_210 = tpu.vector_load %arg9[%parallel_loop3A_208, %parallel_loop3A_209] {strides = array<i32>} : memref<64x200xf32, #tpu.memory_space<vmem>>, vector<16xf32>,
      tpu.vector_store %arg9[%parallel_loop3A_208, %parallel_loop3A_209], %parallel_loop3A_207 {strides = array<i32>} : memref<64x200xf32, #tpu.memory_space<vmem>>, vector<16xf32>,
      %parallel_loop3A_211 = arith.index_cast %parallel_loop3A_182 : i32 to index
      %parallel_loop3A_212 = arith.constant 64 : index
      %parallel_loop3A_213 = tpu.vector_load %arg7[%parallel_loop3A_211, %parallel_loop3A_212] {strides = array<i32>} : memref<64x200xi32, #tpu.memory_space<vmem>>, vector<16xi32>,
      %parallel_loop3A_214 = tpu.vector_load_idx %arg5[%parallel_loop3A_213] : memref<128xf32, #tpu.memory_space<vmem>>[vector<16xi32>], vector<16xf32>,
      %parallel_loop3A_215 = arith.index_cast %parallel_loop3A_182 : i32 to index
      %parallel_loop3A_216 = arith.constant 64 : index
      %parallel_loop3A_217 = tpu.vector_load %arg9[%parallel_loop3A_215, %parallel_loop3A_216] {strides = array<i32>} : memref<64x200xf32, #tpu.memory_space<vmem>>, vector<16xf32>,
      tpu.vector_store %arg9[%parallel_loop3A_215, %parallel_loop3A_216], %parallel_loop3A_214 {strides = array<i32>} : memref<64x200xf32, #tpu.memory_space<vmem>>, vector<16xf32>,
      %parallel_loop3A_218 = arith.index_cast %parallel_loop3A_182 : i32 to index
      %parallel_loop3A_219 = arith.constant 80 : index
      %parallel_loop3A_220 = tpu.vector_load %arg7[%parallel_loop3A_218, %parallel_loop3A_219] {strides = array<i32>} : memref<64x200xi32, #tpu.memory_space<vmem>>, vector<16xi32>,
      %parallel_loop3A_221 = tpu.vector_load_idx %arg5[%parallel_loop3A_220] : memref<128xf32, #tpu.memory_space<vmem>>[vector<16xi32>], vector<16xf32>,
      %parallel_loop3A_222 = arith.index_cast %parallel_loop3A_182 : i32 to index
      %parallel_loop3A_223 = arith.constant 80 : index
      %parallel_loop3A_224 = tpu.vector_load %arg9[%parallel_loop3A_222, %parallel_loop3A_223] {strides = array<i32>} : memref<64x200xf32, #tpu.memory_space<vmem>>, vector<16xf32>,
      tpu.vector_store %arg9[%parallel_loop3A_222, %parallel_loop3A_223], %parallel_loop3A_221 {strides = array<i32>} : memref<64x200xf32, #tpu.memory_space<vmem>>, vector<16xf32>,
      %parallel_loop3A_225 = arith.index_cast %parallel_loop3A_182 : i32 to index
      %parallel_loop3A_226 = arith.constant 96 : index
      %parallel_loop3A_227 = tpu.vector_load %arg7[%parallel_loop3A_225, %parallel_loop3A_226] {strides = array<i32>} : memref<64x200xi32, #tpu.memory_space<vmem>>, vector<16xi32>,
      %parallel_loop3A_228 = tpu.vector_load_idx %arg5[%parallel_loop3A_227] : memref<128xf32, #tpu.memory_space<vmem>>[vector<16xi32>], vector<16xf32>,
      %parallel_loop3A_229 = arith.index_cast %parallel_loop3A_182 : i32 to index
      %parallel_loop3A_230 = arith.constant 96 : index
      %parallel_loop3A_231 = tpu.vector_load %arg9[%parallel_loop3A_229, %parallel_loop3A_230] {strides = array<i32>} : memref<64x200xf32, #tpu.memory_space<vmem>>, vector<16xf32>,
      tpu.vector_store %arg9[%parallel_loop3A_229, %parallel_loop3A_230], %parallel_loop3A_228 {strides = array<i32>} : memref<64x200xf32, #tpu.memory_space<vmem>>, vector<16xf32>,
      %parallel_loop3A_232 = arith.index_cast %parallel_loop3A_182 : i32 to index
      %parallel_loop3A_233 = arith.constant 112 : index
      %parallel_loop3A_234 = tpu.vector_load %arg7[%parallel_loop3A_232, %parallel_loop3A_233] {strides = array<i32>} : memref<64x200xi32, #tpu.memory_space<vmem>>, vector<16xi32>,
      %parallel_loop3A_235 = tpu.vector_load_idx %arg5[%parallel_loop3A_234] : memref<128xf32, #tpu.memory_space<vmem>>[vector<16xi32>], vector<16xf32>,
      %parallel_loop3A_236 = arith.index_cast %parallel_loop3A_182 : i32 to index
      %parallel_loop3A_237 = arith.constant 112 : index
      %parallel_loop3A_238 = tpu.vector_load %arg9[%parallel_loop3A_236, %parallel_loop3A_237] {strides = array<i32>} : memref<64x200xf32, #tpu.memory_space<vmem>>, vector<16xf32>,
      tpu.vector_store %arg9[%parallel_loop3A_236, %parallel_loop3A_237], %parallel_loop3A_235 {strides = array<i32>} : memref<64x200xf32, #tpu.memory_space<vmem>>, vector<16xf32>,
      %parallel_loop3A_239 = arith.index_cast %parallel_loop3A_182 : i32 to index
      %parallel_loop3A_240 = arith.constant 128 : index
      %parallel_loop3A_241 = tpu.vector_load %arg7[%parallel_loop3A_239, %parallel_loop3A_240] {strides = array<i32>} : memref<64x200xi32, #tpu.memory_space<vmem>>, vector<16xi32>,
      %parallel_loop3A_242 = tpu.vector_load_idx %arg5[%parallel_loop3A_241] : memref<128xf32, #tpu.memory_space<vmem>>[vector<16xi32>], vector<16xf32>,
      %parallel_loop3A_243 = arith.index_cast %parallel_loop3A_182 : i32 to index
      %parallel_loop3A_244 = arith.constant 128 : index
      %parallel_loop3A_245 = tpu.vector_load %arg9[%parallel_loop3A_243, %parallel_loop3A_244] {strides = array<i32>} : memref<64x200xf32, #tpu.memory_space<vmem>>, vector<16xf32>,
      tpu.vector_store %arg9[%parallel_loop3A_243, %parallel_loop3A_244], %parallel_loop3A_242 {strides = array<i32>} : memref<64x200xf32, #tpu.memory_space<vmem>>, vector<16xf32>,
      %parallel_loop3A_246 = arith.index_cast %parallel_loop3A_182 : i32 to index
      %parallel_loop3A_247 = arith.constant 144 : index
      %parallel_loop3A_248 = tpu.vector_load %arg7[%parallel_loop3A_246, %parallel_loop3A_247] {strides = array<i32>} : memref<64x200xi32, #tpu.memory_space<vmem>>, vector<16xi32>,
      %parallel_loop3A_249 = tpu.vector_load_idx %arg5[%parallel_loop3A_248] : memref<128xf32, #tpu.memory_space<vmem>>[vector<16xi32>], vector<16xf32>,
      %parallel_loop3A_250 = arith.index_cast %parallel_loop3A_182 : i32 to index
      %parallel_loop3A_251 = arith.constant 144 : index
      %parallel_loop3A_252 = tpu.vector_load %arg9[%parallel_loop3A_250, %parallel_loop3A_251] {strides = array<i32>} : memref<64x200xf32, #tpu.memory_space<vmem>>, vector<16xf32>,
      tpu.vector_store %arg9[%parallel_loop3A_250, %parallel_loop3A_251], %parallel_loop3A_249 {strides = array<i32>} : memref<64x200xf32, #tpu.memory_space<vmem>>, vector<16xf32>,
      %parallel_loop3A_253 = arith.index_cast %parallel_loop3A_182 : i32 to index
      %parallel_loop3A_254 = arith.constant 160 : index
      %parallel_loop3A_255 = tpu.vector_load %arg7[%parallel_loop3A_253, %parallel_loop3A_254] {strides = array<i32>} : memref<64x200xi32, #tpu.memory_space<vmem>>, vector<16xi32>,
      %parallel_loop3A_256 = tpu.vector_load_idx %arg5[%parallel_loop3A_255] : memref<128xf32, #tpu.memory_space<vmem>>[vector<16xi32>], vector<16xf32>,
      %parallel_loop3A_257 = arith.index_cast %parallel_loop3A_182 : i32 to index
      %parallel_loop3A_258 = arith.constant 160 : index
      %parallel_loop3A_259 = tpu.vector_load %arg9[%parallel_loop3A_257, %parallel_loop3A_258] {strides = array<i32>} : memref<64x200xf32, #tpu.memory_space<vmem>>, vector<16xf32>,
      tpu.vector_store %arg9[%parallel_loop3A_257, %parallel_loop3A_258], %parallel_loop3A_256 {strides = array<i32>} : memref<64x200xf32, #tpu.memory_space<vmem>>, vector<16xf32>,
      %parallel_loop3A_260 = arith.index_cast %parallel_loop3A_182 : i32 to index
      %parallel_loop3A_261 = arith.constant 176 : index
      %parallel_loop3A_262 = tpu.vector_load %arg7[%parallel_loop3A_260, %parallel_loop3A_261] {strides = array<i32>} : memref<64x200xi32, #tpu.memory_space<vmem>>, vector<16xi32>,
      %parallel_loop3A_263 = tpu.vector_load_idx %arg5[%parallel_loop3A_262] : memref<128xf32, #tpu.memory_space<vmem>>[vector<16xi32>], vector<16xf32>,
      %parallel_loop3A_264 = arith.index_cast %parallel_loop3A_182 : i32 to index
      %parallel_loop3A_265 = arith.constant 176 : index
      %parallel_loop3A_266 = tpu.vector_load %arg9[%parallel_loop3A_264, %parallel_loop3A_265] {strides = array<i32>} : memref<64x200xf32, #tpu.memory_space<vmem>>, vector<16xf32>,
      tpu.vector_store %arg9[%parallel_loop3A_264, %parallel_loop3A_265], %parallel_loop3A_263 {strides = array<i32>} : memref<64x200xf32, #tpu.memory_space<vmem>>, vector<16xf32>,
      %parallel_loop3A_267 = arith.index_cast %parallel_loop3A_182 : i32 to index
      %parallel_loop3A_268 = arith.constant 184 : index
      %parallel_loop3A_269 = tpu.vector_load %arg7[%parallel_loop3A_267, %parallel_loop3A_268] {strides = array<i32>} : memref<64x200xi32, #tpu.memory_space<vmem>>, vector<16xi32>,
      %parallel_loop3A_270 = tpu.vector_load_idx %arg5[%parallel_loop3A_269] : memref<128xf32, #tpu.memory_space<vmem>>[vector<16xi32>], vector<16xf32>,
      %parallel_loop3A_271 = arith.index_cast %parallel_loop3A_182 : i32 to index
      %parallel_loop3A_272 = arith.constant 184 : index
      %parallel_loop3A_273 = tpu.vector_load %arg9[%parallel_loop3A_271, %parallel_loop3A_272] {strides = array<i32>} : memref<64x200xf32, #tpu.memory_space<vmem>>, vector<16xf32>,
      tpu.vector_store %arg9[%parallel_loop3A_271, %parallel_loop3A_272], %parallel_loop3A_270 {strides = array<i32>} : memref<64x200xf32, #tpu.memory_space<vmem>>, vector<16xf32>,
    } {sc.loop_unroll_factor = 4 : i64, sc.parallel_access}
    %add3A_168 = arith.constant 448 : i32
    %add3A_169 = arith.addi %mul3A_2, %add3A_168 : i32
    %dma_start3A_170 = arith.constant 0 : i32
    %dma_start3A_171 = tpu.memref_slice %arg4[%add3A_169, %dma_start3A_170] : memref<16384x200xf32, #tpu.memory_space<hbm>> -> memref<64x200xf32, #tpu.memory_space<hbm>>
    %dma_start3A_172 = arith.constant 0 : i32
    %dma_start3A_173 = tpu.memref_slice %arg4[%add3A_169, %dma_start3A_172] : memref<16384x200xf32, #tpu.memory_space<hbm>> -> memref<64x200xf32, #tpu.memory_space<hbm>>
    tpu.enqueue_dma source(%arg9 : memref<64x200xf32, #tpu.memory_space<vmem>>) target(%dma_start3A_173 : memref<64x200xf32, #tpu.memory_space<hbm>>) target_semaphore(%arg13 : memref<!tpu.dma_semaphore, #tpu.memory_space<semaphore_mem>>)
    %dma_wait3A_174 = arith.constant 0 : i32
    %dma_wait3A_175 = tpu.memref_slice %arg4[%add3A_152, %dma_wait3A_174] : memref<16384x200xf32, #tpu.memory_space<hbm>> -> memref<64x200xf32, #tpu.memory_space<hbm>>
    %dma_wait3A_176 = arith.constant 0 : i32
    %dma_wait3A_177 = tpu.memref_slice %arg4[%add3A_152, %dma_wait3A_176] : memref<16384x200xf32, #tpu.memory_space<hbm>> -> memref<64x200xf32, #tpu.memory_space<hbm>>
    tpu.wait_dma2 semaphore(%arg12 : memref<!tpu.dma_semaphore, #tpu.memory_space<semaphore_mem>>) src(%arg8 : memref<64x200xf32, #tpu.memory_space<vmem>>) dst(%dma_wait3A_177 : memref<64x200xf32, #tpu.memory_space<hbm>>)
    %dma_wait3A_178 = arith.constant 0 : i32
    %dma_wait3A_179 = tpu.memref_slice %arg4[%add3A_169, %dma_wait3A_178] : memref<16384x200xf32, #tpu.memory_space<hbm>> -> memref<64x200xf32, #tpu.memory_space<hbm>>
    %dma_wait3A_180 = arith.constant 0 : i32
    %dma_wait3A_181 = tpu.memref_slice %arg4[%add3A_169, %dma_wait3A_180] : memref<16384x200xf32, #tpu.memory_space<hbm>> -> memref<64x200xf32, #tpu.memory_space<hbm>>
    tpu.wait_dma2 semaphore(%arg13 : memref<!tpu.dma_semaphore, #tpu.memory_space<semaphore_mem>>) src(%arg9 : memref<64x200xf32, #tpu.memory_space<vmem>>) dst(%dma_wait3A_181 : memref<64x200xf32, #tpu.memory_space<hbm>>)
    return
  }
}

</mosaic_0001>

<sc_bundles>
// kernel: _lookup.3.cloned.1.call-start
scs
__scs_entry_jumppad:
0x0: {  	(pc) =	sbr.rel $0x88, $3  }
0x1: {  	(tag) =	ssettag $0x0;
	lr =	simm.s32 $0x1  }
0x2: {  	[smem:$0x3F9F] =	sst lr;
	_ =	strace $0xD0000000  }
0x3: {  	_ = 	snop  }
0x4: {  	_ = 	snop  }
0x5: {  	_ = 	snop  }
0x6: {  	_ = 	snop  }
0x7: {  	_ = 	snop  }
__scs_overlays_trampoline_lowered:
0x8: {  	[smem:$0x3FAE] =	sst s0  }
0x9: {  	[smem:$0x3FAF] =	sst s1  }
0xa: {  	[smem:$0x3FB0] =	sst s2  }
0xb: {  	[smem:$0x3FB1] =	sst s3  }
0xc: {  	[smem:$0x3FB2] =	sst s4  }
0xd: {  	[smem:$0x3FB3] =	sst s5  }
0xe: {  	[smem:$0x3FB4] =	sst s6  }
0xf: {  	[smem:$0x3FB5] =	sst s7  }
0x10: {  	[smem:$0x3FB6] =	sst s8  }
0x11: {  	[smem:$0x3FB7] =	sst s9;
	s0 =	simm.s32 @!p0 $0x0  }
0x12: {  	s1 =	sld [smem:$0x3F9D];
	s0 =	simm.s32 @p0 $0x1  }
0x13: {  	[smem:$0x3FB8] =	sst s0;
	s0 =	simm.s32 @!p1 $0x0  }
0x14: {  	s2 =	sld [smem:$0x3F9C];
	s0 =	simm.s32 @p1 $0x1  }
0x15: {  	[smem:$0x3FB9] =	sst s0;
	s0 =	simm.s32 @!p2 $0x0  }
0x16: {  	s3 =	sld [smem:$0x3FDB];
	s0 =	simm.s32 @p2 $0x1  }
0x17: {  	s4 =	simm.s32 $0x1BF5;
	[smem:$0x3FBB] =	sst s0  }
0x18: {  	s0 =	sld [smem:$0x3F9E];
	_ =	swait.ge [sflag:s4], $0x0  }
0x19: {  	s7 =	sld [smem:$0x3F9F]  }
0x1a: {  	s8 =	sadd.s32 $0xFFFFE003, lr  }
0x1b: {  	s9 =	sadd.s32 $0xFFFFFEF7, lr;
	s5 =	simm.s32 $0xFFFFFFFF;
	p2 =	slt.u32 s8, $0xFFFFF086  }
0x1c: {  	p1 =	slt.u32 s9, $0xF7A;
	s5 =	simm.s32 @!p2 $0x0  }
0x1d: {  	s5 =	simm.s32 @p1 $0x1;
	p0 =	seq.s32 s7, s2  }
0x1e: {  	s7 =	smul.u32 @!p0 $0xF7A, s2;
	p2 =	seq.s32 @!p0 s5, $0x0  }
0x1f: {  	s9 =	smul.u32 $0xF7A, s1;
	s8 =	simm.s32 @!p0 $0x1BF5;
	p2 =	por !p2, p0  }
0x20: {  	[sflag:s8] =	ssyncset.s32 @!p0 $0xFFFFF086;
	s6 =	sadd.s32 @!p0 s3, s7;
	s7 =	simm.s32 @!p0 $0x108  }
0x21: {  	s3 =	sadd.s32 s3, s9;
	s6 =	sadd.s32 @!p0 $0x88, s6;
	s7 =	simm.s32 @p2 $0x1082  }
0x22: {  	[simem:s7], [sflag:s8] =	dma.local @!p0 [hbm:s6], $0xF7A  }
0x23: {  	s9 =	sor.u32 $0xD0000000, s2;
	s6 =	simm.s32 $0x108;
	_ =	swait.ge @!p0 [sflag:s8], $0x0  }
0x24: {  	s3 =	sadd.s32 $0x88, s3;
	s6 =	simm.s32 @!p1 $0x1082;
	[sflag:s4] =	ssyncset.s32 $0xFFFFF086  }
0x25: {  	[simem:s6], [sflag:s4] =	dma.local [hbm:s3], $0xF7A  }
0x26: {  	[smem:$0x3F9F] =	sst s1;
	(tag) =	ssettag s2;
	_ =	strace s9  }
0x27: {  	s1 =	sld [smem:$0x3FAF]  }
0x28: {  	s2 =	sld [smem:$0x3FB0]  }
0x29: {  	s4 =	sld [smem:$0x3FB2]  }
0x2a: {  	p0 =	seq.s32 s5, $0x0;
	s5 =	sld [smem:$0x3FB3]  }
0x2b: {  	s6 =	sld [smem:$0x3FB4]  }
0x2c: {  	s7 =	sld [smem:$0x3FB5]  }
0x2d: {  	s3 =	simm.s32 $0x108;
	s8 =	sld [smem:$0x3FB6]  }
0x2e: {  	s3 =	simm.s32 @!p0 $0x1082;
	s9 =	sld [smem:$0x3FB7]  }
0x2f: {  	lr =	sadd.s32 s0, s3;
	s0 =	sld [smem:$0x3FAE]  }
0x30: {  	s3 =	sld [smem:$0x3FB1]  }
0x31: {  	[smem:$0x3FBA] =	sst s10  }
0x32: {  	s10 =	sld [smem:$0x3FB8];
	_ =	sdelay $0x3  }
0x33: {  	p0 =	seq.s32 s10, $0x1;
	s10 =	sld [smem:$0x3FBA];
	_ =	sdelay $0x3  }
0x34: {  	[smem:$0x3FBA] =	sst s10  }
0x35: {  	s10 =	sld [smem:$0x3FB9];
	_ =	sdelay $0x3  }
0x36: {  	p1 =	seq.s32 s10, $0x1;
	s10 =	sld [smem:$0x3FBA];
	_ =	sdelay $0x3  }
0x37: {  	[smem:$0x3FBA] =	sst s10  }
0x38: {  	s10 =	sld [smem:$0x3FBB]  }
0x39: {  	_ = 	snop;
	(pc) =	sbr.ind lr, $3  }
0x3a: {  	_ = 	snop  }
0x3b: {  	_ = 	snop  }
0x3c: {  	p2 =	seq.s32 s10, $0x1;
	s10 =	sld [smem:$0x3FBA]  }
0x3d: {  	_ =	shalt  }
0x3e: {  	_ =	shalt  }
0x3f: {  	_ =	shalt  }
0x40: {  	_ =	shalt  }
0x41: {  	_ =	shalt  }
0x42: {  	_ =	shalt  }
0x43: {  	_ =	shalt  }
0x44: {  	_ =	shalt  }
0x45: {  	_ =	shalt  }
0x46: {  	_ =	shalt  }
0x47: {  	_ =	shalt  }
0x48: {  	_ =	shalt  }
0x49: {  	_ =	shalt  }
0x4a: {  	_ =	shalt  }
0x4b: {  	_ =	shalt  }
0x4c: {  	_ =	shalt  }
0x4d: {  	_ =	shalt  }
0x4e: {  	_ =	shalt  }
0x4f: {  	_ =	shalt  }
0x50: {  	_ =	shalt  }
0x51: {  	_ =	shalt  }
0x52: {  	_ =	shalt  }
0x53: {  	_ =	shalt  }
0x54: {  	_ =	shalt  }
0x55: {  	_ =	shalt  }
0x56: {  	_ =	shalt  }
0x57: {  	_ =	shalt  }
0x58: {  	_ =	shalt  }
0x59: {  	_ =	shalt  }
0x5a: {  	_ =	shalt  }
0x5b: {  	_ =	shalt  }
0x5c: {  	_ =	shalt  }
0x5d: {  	_ =	shalt  }
0x5e: {  	_ =	shalt  }
0x5f: {  	_ =	shalt  }
0x60: {  	_ =	shalt  }
0x61: {  	_ =	shalt  }
0x62: {  	_ =	shalt  }
0x63: {  	_ =	shalt  }
0x64: {  	_ =	shalt  }
0x65: {  	_ =	shalt  }
0x66: {  	_ =	shalt  }
0x67: {  	_ =	shalt  }
0x68: {  	_ =	shalt  }
0x69: {  	_ =	shalt  }
0x6a: {  	_ =	shalt  }
0x6b: {  	_ =	shalt  }
0x6c: {  	_ =	shalt  }
0x6d: {  	_ =	shalt  }
0x6e: {  	_ =	shalt  }
0x6f: {  	_ =	shalt  }
0x70: {  	_ =	shalt  }
0x71: {  	_ =	shalt  }
0x72: {  	_ =	shalt  }
0x73: {  	_ =	shalt  }
0x74: {  	_ =	shalt  }
0x75: {  	_ =	shalt  }
0x76: {  	_ =	shalt  }
0x77: {  	_ =	shalt  }
0x78: {  	_ =	shalt  }
0x79: {  	_ =	shalt  }
0x7a: {  	_ =	shalt  }
0x7b: {  	_ =	shalt  }
0x7c: {  	_ =	shalt  }
0x7d: {  	_ =	shalt  }
0x7e: {  	_ =	shalt  }
0x7f: {  	_ =	shalt  }
0x80: {  	_ =	shalt  }
0x81: {  	_ =	shalt  }
0x82: {  	_ =	shalt  }
0x83: {  	_ =	shalt  }
0x84: {  	_ =	shalt  }
0x85: {  	_ =	shalt  }
0x86: {  	_ =	shalt  }
0x87: {  	_ =	shalt  }
.Lfunc_end0:
.L_simem_size_0:
called_computation_lowered:
.L_overlay_start_0:
0x88: {  	s2 =	sld [smem:$0x3FD9]  }
0x89: {  	s3 =	sld [smem:$0x3FFE];
	_ =	sdelay $0x1  }
0x8a: {  	s1 =	srdreg.scid  }
0x8b: {  	s0 =	sand.u32 $0x1, s1  }
0x8c: {  	s17 =	sshll.u32 s0, $0xA;
	s2 =	sadd.s32 s3, s2  }
0x8d: {  	s2 =	sadd.s32 s2, s17  }
0x8e: {  	[smem:$0x3FC6] =	sst s2  }
0x8f: {  	_ = 	snop  }
0x90: {  	s2 =	sld [smem:$0x3FC9];
	(tm) =	ssettm $0x1  }
0x91: {  	s18 =	sld [smem:$0x3FFB];
	_ =	sdelay $0x3  }
0x92: {  	_ =	strace s18  }
0x93: {  	s3 =	sld [smem:$0x3FFC];
	_ =	sdelay $0x3  }
0x94: {  	_ =	strace s3  }
0x95: {  	s3 =	sld [smem:$0x3FFD];
	_ =	sdelay $0x3  }
0x96: {  	_ =	strace s3  }
0x97: {  	_ =	strace $0x8FFFFFFF  }
0x98: {  	s19 =	sld [smem:$0x3FDB];
	_ =	sdelay $0x1  }
0x99: {  	s4 =	simm.s32 $_scs_section_size  }
0x9a: {  	s5 =	simm.s32 $_size__tile_overlayer_lowered;
	s6 =	simm.s32 $_tile_overlayer_lowered  }
0x9b: {  	s22 =	simm.s32 $0x1BFF;
	s21 =	sshll.u32 s6, $0x1;
	s3 =	sadd.s32 s4, s19  }
0x9c: {  	s7 =	simm.s32 $0x0;
	s20 =	sshll.u32 s5, $0x1;
	s5 =	sadd.s32 s21, s3  }
0x9d: {  	[timem:s7], [sflag:s22] =	dma.local [hbm:s5], s20  }
0x9e: {  	_ =	swait.ge [sflag:s22], s20  }
0x9f: {  	s4 =	ssub.s32 $0x0, s20;
	[sflag:s22] =	ssyncset.done $0x0  }
0xa0: {  	[sflag:s22] =	ssyncadd.s32 s4;
	_ =	sdelay $0x1  }
0xa1: {  	s23 =	simm.s32 $0x1B8B  }
0xa2: {  	_ =	swait.ge [sflag:s23], $0x1  }
0xa3: {  	[sflag:s23] =	ssyncset.done $0x0  }
0xa4: {  	s25 =	simm.s32 $0x1B8E;
	s24 =	sld [smem:$0x3FFE];
	[sflag:s23] =	ssyncadd.s32 $0xFFFFFFFF  }
0xa5: {  	s26 =	simm.s32 $execute0_lowered;
	[smem:$0x3FD2] =	sst s25  }
0xa6: {  	s5 =	sshll.u32 s26, $0x1;
	_ =	strace $0x80000046;
	[dreg:$0x1] =	wrdreg $0xFFFFFFFF  }
0xa7: {  	s28 =	simm.s32 $_size_execute0_lowered;
	s3 =	sadd.s32 s3, s5;
	[dreg:$0x0] =	wrdreg $0x0  }
0xa8: {  	s5 =	sshll.u32 s28, $0x1;
	[dreg:$0x2] =	wrdreg s3  }
0xa9: {  	[dreg:$0x3] =	wrdreg s5  }
0xaa: {  	[dreg:$0x4] =	wrdreg $0xC0  }
0xab: {  	_ =	task [dreg:s7], $0x5FFFF  }
0xac: {  	[dreg:$0x1] =	wrdreg $0xFFFFFFFF  }
0xad: {  	[dreg:$0x0] =	wrdreg $0x60  }
0xae: {  	[dreg:$0x2] =	wrdreg s2  }
0xaf: {  	[dreg:$0x3] =	wrdreg s24  }
0xb0: {  	[dreg:$0x4] =	wrdreg $0x9  }
0xb1: {  	_ =	task.clear_ibuf [dreg:s7], $0x5FFFF;
	_ =	strace $0x90000046  }
0xb2: {  	s29 =	simm.s32 $0x9;
	_ =	strace $0x80000048  }
0xb3: {  	_ =	swait.ge [sflag:s29], $0x1  }
0xb4: {  	[sflag:s29] =	ssyncadd.s32 $0xFFFFFFFF  }
0xb5: {  	_ =	strace $0x90000048  }
0xb6: {  	_ =	sfence  }
0xb7: {  	s30 =	sld [smem:$0x0];
	_ =	sdelay $0x2  }
0xb8: {  	s31 =	sshll.u32 s1, $0xD;
	s1 =	sshrl.u32 s1, $0x2  }
0xb9: {  	s3 =	sand.u32 $0x4000, s31;
	s1 =	sadd.s32 s1, s30  }
0xba: {  	s0 =	sor.u32 s3, s0;
	s1 =	sshll.u32 s1, $0x11  }
0xbb: {  	s0 =	sor.u32 s1, s0  }
0xbc: {  	s0 =	sadd.s32 $0x8F2B, s0  }
0xbd: {  	[sflag:s0] =	ssyncadd.remote.s32 $0x1  }
0xbe: {  	_ =	sfence.sel $0xFFFF  }
0xbf: {  	[dreg:$0x0] =	wrdreg $0xFFFFFFFF;
	(pc) =	sbr.abs _section_cstart, $3  }
0xc0: {  	[dreg:$0x1] =	wrdreg $0xFFFFFFFF  }
0xc1: {  	_ =	task.clear_ibuf [dreg:s7], $0x2FFFF;
	_ =	strace $0x9FFFFFFF  }
0xc2: {  	(tm) =	ssettm $0x7FFFFFFF  }
0xc3: {  	_ =	shalt  }
tec
execute0_lowered:
.L_overlay_start_1:
0x0: {  	(tag) =	ssettag $0x1  }
0x1: {  	s0 =	rddreg [dreg:$0x1];
	s1 =	srdreg.scid  }
0x2: {  	s3 =	simm.s32 $0x0;
	s4 =	stileid.u32;
	s1 =	sand.u32 $0x1, s1  }
0x3: {  	s4 =	sshll.u32 s4, $0xF;
	s2 =	ssub.s32 $0x2, s1;
	s1 =	sshll.u32 s1, $0xE  }
0x4: {  	[smem:$0x7FF] =	sst s3;
	s5 =	sadd.s32 $0x400, s0;
	s1 =	sor.u32 s1, s4  }
0x5: {  	s0 =	sadd.s32 $0x80400, s0;
	_ =	strace $0x80000047;
	s15 =	sadd.s32 s5, s1  }
0x6: {  	s4 =	sor.u32 $0x800, s1;
	s7 =	sadd.s32 s0, s1;
	[smem:$0x7ED] =	sst s15  }
0x7: {  	s17 =	sor.u32 $0x1000, s1;
	s16 =	sadd.s32 s5, s4;
	[smem:$0x7EF] =	sst s7  }
0x8: {  	s6 =	sshrl.u32 s2, $0x1;
	s18 =	sadd.s32 s5, s17;
	[smem:$0x7EE] =	sst s16  }
0x9: {  	s19 =	sor.u32 $0x1800, s1;
	s4 =	sadd.s32 s0, s4;
	[smem:$0x7F0] =	sst s18  }
0xa: {  	s2 =	ssub.s32 s2, s6;
	s20 =	sadd.s32 s5, s19;
	[smem:$0x7F1] =	sst s4  }
0xb: {  	s21 =	sor.u32 $0x2000, s1;
	s6 =	sadd.s32 s0, s17;
	[smem:$0x7F2] =	sst s20  }
0xc: {  	s22 =	sadd.s32 s5, s21;
	[smem:$0x7F3] =	sst s6  }
0xd: {  	s23 =	sor.u32 $0x2800, s1;
	s7 =	sadd.s32 s0, s19;
	[smem:$0x7F4] =	sst s22  }
0xe: {  	s25 =	sor.u32 $0x3000, s1;
	s24 =	sadd.s32 s5, s23;
	[smem:$0x7F5] =	sst s7  }
0xf: {  	s26 =	sadd.s32 s5, s25;
	[smem:$0x7F6] =	sst s24  }
0x10: {  	s1 =	sor.u32 $0x3800, s1;
	s28 =	sadd.s32 s0, s23;
	[smem:$0x7F8] =	sst s26  }
0x11: {  	s29 =	sadd.s32 s5, s1;
	[smem:$0x7F9] =	sst s28  }
0x12: {  	s30 =	sadd.s32 s0, s25;
	[smem:$0x7FA] =	sst s29  }
0x13: {  	s31 =	smax.u32 s2, $0x1;
	[smem:$0x7FB] =	sst s30  }
0x14: {  	s4 =	sadd.s32 s0, s21;
	[smem:$0x7FD] =	sst s31  }
0x15: {  	s0 =	sadd.s32 s0, s1;
	[smem:$0x7F7] =	sst s4  }
0x16: {  	s2 =	simm.s32 $0x0;
	[smem:$0x7FC] =	sst s0  }
.LBB2_1:
0x17: {  	[smem:$0x7EC] =	sst s2  }
0x18: {  	s0 =	rddreg [dreg:$0x0];
	s15 =	simm.s32 $0x5  }
0x19: {  	[tilespmem:s3], [sflag:$0x5] =	stream.linear.gather [hbm4b:s0+s3], $0x40, $0x38;
	[tilespmem:$0x10080] =	vst v63  }
0x1a: {  	_ =	swait.ge [sflag:s15], $0x40  }
0x1b: {  	s16 =	sld [smem:$0x7ED]  }
0x1c: {  	[sflag:s15] =	ssyncset.done $0x0  }
0x1d: {  	s1 =	simm.s32 $0x80;
	s17 =	sld [smem:$0x7EE];
	[sflag:s15] =	ssyncadd.s32 $0xFFFFFFC0  }
0x1e: {  	[tilespmem:s1], [sflag:$0x1] =	stream.linear.gather [hbm4b:s16+s3], $0x4000, $0x38;
	[tilespmem:$0x10080] =	vst v63  }
0x1f: {  	s18 =	simm.s32 $0x4080;
	s19 =	simm.s32 $0x1  }
0x20: {  	[tilespmem:s18], [sflag:$0x2] =	stream.linear.gather [hbm4b:s17+s3], $0x4000, $0x38;
	[tilespmem:$0x10080] =	vst v63  }
0x21: {  	_ =	swait.ge [sflag:s19], $0x4000  }
0x22: {  	s20 =	sand.u32 $0x3800, s3;
	s21 =	sand.u32 $0x200, s3;
	[sflag:s19] =	ssyncset.done $0x0  }
0x23: {  	s1 =	sor.u32 s21, s20;
	[sflag:s19] =	ssyncadd.s32 $0xFFFFC000  }
0x24: {  	v0 =	vld [tilespmem:s1+$0x200]  }
0x25: {  	v2 =	vld [tilespmem:s1+$0x100]  }
0x26: {  	v1 =	vld [tilespmem:s1+$0x80];
	_ =	sdelay $0x1  }
0x27: {  	v3 =	vld [tilespmem:s1+$0x180]  }
0x28: {  	v4 =	vld [tilespmem:s1+$0x90]  }
0x29: {  	v5 =	vld [tilespmem:s1+$0x210]  }
0x2a: {  	v6 =	vld [tilespmem:s1+$0x110]  }
0x2b: {  	v0 =	vld.idx.msk [tilespmem:v0+s3+$0x0], $0xffff  }
0x2c: {  	v2 =	vld.idx.msk [tilespmem:v2+s3+$0x0], $0xffff  }
0x2d: {  	v1 =	vld.idx.msk [tilespmem:v1+s3+$0x0], $0xffff  }
0x2e: {  	v7 =	vld [tilespmem:s1+$0x220]  }
0x2f: {  	v8 =	vld [tilespmem:s1+$0x190]  }
0x30: {  	v3 =	vld.idx.msk [tilespmem:v3+s3+$0x0], $0xffff;
	[tilespmem:s1+$0x8200] =	vst v0  }
0x31: {  	[tilespmem:s1+$0x8100] =	vst v2;
	v2 =	vld [tilespmem:s1+$0xA0]  }
0x32: {  	[tilespmem:s1+$0x8080] =	vst v1;
	v0 =	vld.idx.msk [tilespmem:v5+s3+$0x0], $0xffff  }
0x33: {  	v1 =	vld.idx.msk [tilespmem:v4+s3+$0x0], $0xffff  }
0x34: {  	v4 =	vld.idx.msk [tilespmem:v6+s3+$0x0], $0xffff  }
0x35: {  	v6 =	vld [tilespmem:s1+$0x120]  }
0x36: {  	[tilespmem:s1+$0x8180] =	vst v3;
	v3 =	vld [tilespmem:s1+$0x1A0]  }
0x37: {  	v5 =	vld [tilespmem:s1+$0x230];
	[tilespmem:s1+$0x8210] =	vst v0  }
0x38: {  	v0 =	vld.idx.msk [tilespmem:v7+s3+$0x0], $0xffff  }
0x39: {  	v7 =	vld.idx.msk [tilespmem:v8+s3+$0x0], $0xffff  }
0x3a: {  	[tilespmem:s1+$0x8090] =	vst v1;
	v1 =	vld [tilespmem:s1+$0xB0]  }
0x3b: {  	v8 =	vld [tilespmem:s1+$0x240]  }
0x3c: {  	[tilespmem:s1+$0x8110] =	vst v4;
	v2 =	vld.idx.msk [tilespmem:v2+s3+$0x0], $0xffff  }
0x3d: {  	v4 =	vld.idx.msk [tilespmem:v6+s3+$0x0], $0xffff;
	[tilespmem:s1+$0x8220] =	vst v0  }
0x3e: {  	[tilespmem:s1+$0x8190] =	vst v7;
	v7 =	vld [tilespmem:s1+$0xC0]  }
0x3f: {  	v0 =	vld.idx.msk [tilespmem:v5+s3+$0x0], $0xffff  }
0x40: {  	v5 =	vld [tilespmem:s1+$0x130]  }
0x41: {  	[tilespmem:s1+$0x80A0] =	vst v2;
	v2 =	vld [tilespmem:s1+$0x1B0]  }
0x42: {  	v3 =	vld.idx.msk [tilespmem:v3+s3+$0x0], $0xffff  }
0x43: {  	v1 =	vld.idx.msk [tilespmem:v1+s3+$0x0], $0xffff  }
0x44: {  	[tilespmem:s1+$0x8230] =	vst v0;
	v0 =	vld [tilespmem:s1+$0x250]  }
0x45: {  	v6 =	vld.idx.msk [tilespmem:v8+s3+$0x0], $0xffff  }
0x46: {  	[tilespmem:s1+$0x8120] =	vst v4;
	v4 =	vld [tilespmem:s1+$0x140]  }
0x47: {  	[tilespmem:s1+$0x81A0] =	vst v3;
	v3 =	vld [tilespmem:s1+$0x1C0]  }
0x48: {  	v5 =	vld.idx.msk [tilespmem:v5+s3+$0x0], $0xffff  }
0x49: {  	v2 =	vld.idx.msk [tilespmem:v2+s3+$0x0], $0xffff  }
0x4a: {  	[tilespmem:s1+$0x8240] =	vst v6;
	v6 =	vld [tilespmem:s1+$0x260]  }
0x4b: {  	[tilespmem:s1+$0x80B0] =	vst v1;
	v1 =	vld [tilespmem:s1+$0xD0]  }
0x4c: {  	v0 =	vld.idx.msk [tilespmem:v0+s3+$0x0], $0xffff  }
0x4d: {  	v7 =	vld.idx.msk [tilespmem:v7+s3+$0x0], $0xffff  }
0x4e: {  	[tilespmem:s1+$0x8130] =	vst v5;
	v5 =	vld [tilespmem:s1+$0x150]  }
0x4f: {  	[tilespmem:s1+$0x81B0] =	vst v2;
	v4 =	vld.idx.msk [tilespmem:v4+s3+$0x0], $0xffff  }
0x50: {  	v2 =	vld.idx.msk [tilespmem:v3+s3+$0x0], $0xffff  }
0x51: {  	[tilespmem:s1+$0x8250] =	vst v0;
	v0 =	vld [tilespmem:s1+$0x270]  }
0x52: {  	v3 =	vld.idx.msk [tilespmem:v6+s3+$0x0], $0xffff  }
0x53: {  	v6 =	vld [tilespmem:s1+$0x1D0]  }
0x54: {  	v8 =	vld [tilespmem:s1+$0x1E0]  }
0x55: {  	[tilespmem:s1+$0x80C0] =	vst v7;
	v7 =	vld [tilespmem:s1+$0xE0]  }
0x56: {  	v1 =	vld.idx.msk [tilespmem:v1+s3+$0x0], $0xffff  }
0x57: {  	[tilespmem:s1+$0x8140] =	vst v4;
	v4 =	vld [tilespmem:s1+$0x160]  }
0x58: {  	[tilespmem:s1+$0x81C0] =	vst v2;
	v5 =	vld.idx.msk [tilespmem:v5+s3+$0x0], $0xffff  }
0x59: {  	v2 =	vld [tilespmem:s1+$0xF0];
	[tilespmem:s1+$0x8260] =	vst v3  }
0x5a: {  	p0 =	por $0x0, $0x0;
	s0 =	simm.s32 $0x1;
	v0 =	vld.idx.msk [tilespmem:v0+s3+$0x0], $0xffff  }
0x5b: {  	s0 =	simm.s32 @!p0 $0x0;
	v3 =	vld.idx.msk [tilespmem:v6+s3+$0x0], $0xffff  }
0x5c: {  	s0 =	sshll.u32 s0, $0x9;
	[tilespmem:s1+$0x80D0] =	vst v1;
	v1 =	vld [tilespmem:s1+$0x170]  }
0x5d: {  	s2 =	sadd.s32 $0x0, s0;
	[tilespmem:s1+$0x8150] =	vst v5;
	v5 =	vld [tilespmem:s1+$0x1F0]  }
0x5e: {  	s5 =	sadd.s32 $0x180, s2;
	v6 =	vld.idx.msk [tilespmem:v7+s3+$0x0], $0xffff  }
0x5f: {  	s4 =	sor.u32 $0x400, s5;
	v4 =	vld.idx.msk [tilespmem:v4+s3+$0x0], $0xffff;
	[tilespmem:s1+$0x8270] =	vst v0  }
0x60: {  	v0 =	vld [tilespmem:s4+$0x80];
	[tilespmem:s1+$0x81D0] =	vst v3  }
0x61: {  	v3 =	vld.idx.msk [tilespmem:v8+s3+$0x0], $0xffff;
	_ =	sdelay $0x2  }
0x62: {  	[tilespmem:s1+$0x80E0] =	vst v6  }
0x63: {  	[tilespmem:s1+$0x8160] =	vst v4;
	v2 =	vld.idx.msk [tilespmem:v2+s3+$0x0], $0xffff  }
0x64: {  	v1 =	vld.idx.msk [tilespmem:v1+s3+$0x0], $0xffff;
	[tilespmem:s1+$0x81E0] =	vst v3  }
0x65: {  	v3 =	vld.idx.msk [tilespmem:v5+s3+$0x0], $0xffff  }
0x66: {  	v0 =	vld.idx.msk [tilespmem:v0+s3+$0x0], $0xffff;
	_ =	sdelay $0x1  }
0x67: {  	s7 =	sadd.s32 $0x80, s2;
	s6 =	sor.u32 $0x400, s2;
	[tilespmem:s1+$0x80F0] =	vst v2  }
0x68: {  	s0 =	sadd.s32 $0x100, s2;
	s8 =	sor.u32 $0x400, s7;
	[tilespmem:s1+$0x8170] =	vst v1;
	v2 =	vld [tilespmem:s6+$0x80]  }
0x69: {  	s9 =	sor.u32 $0x400, s0;
	v1 =	vld [tilespmem:s8+$0x80];
	[tilespmem:s1+$0x81F0] =	vst v3  }
0x6a: {  	s22 =	sor.u32 $0x410, s5;
	[tilespmem:s4+$0x8080] =	vst v0;
	v3 =	vld [tilespmem:s9+$0x80]  }
0x6b: {  	v0 =	vld [tilespmem:s22+$0x80];
	_ =	sdelay $0x4  }
0x6c: {  	v2 =	vld.idx.msk [tilespmem:v2+s3+$0x0], $0xffff  }
0x6d: {  	v1 =	vld.idx.msk [tilespmem:v1+s3+$0x0], $0xffff  }
0x6e: {  	v3 =	vld.idx.msk [tilespmem:v3+s3+$0x0], $0xffff  }
0x6f: {  	v0 =	vld.idx.msk [tilespmem:v0+s3+$0x0], $0xffff;
	_ =	sdelay $0x1  }
0x70: {  	s10 =	sor.u32 $0x410, s2;
	[tilespmem:s6+$0x8080] =	vst v2  }
0x71: {  	s23 =	sor.u32 $0x410, s7;
	[tilespmem:s8+$0x8080] =	vst v1;
	v2 =	vld [tilespmem:s10+$0x80]  }
0x72: {  	s26 =	simm.s32 $0x200;
	s29 =	simm.s32 $0x400;
	s25 =	sor.u32 $0x410, s0;
	v1 =	vld [tilespmem:s23+$0x80];
	[tilespmem:s9+$0x8080] =	vst v3  }
0x73: {  	s24 =	sor.u32 $0x420, s5;
	s8 =	sand.u32 $0x200, s26;
	s9 =	sand.u32 $0x3800, s29;
	[tilespmem:s22+$0x8080] =	vst v0;
	v3 =	vld [tilespmem:s25+$0x80]  }
0x74: {  	s8 =	sor.u32 s8, s9;
	v0 =	vld [tilespmem:s24+$0x80]  }
0x75: {  	v4 =	vld [tilespmem:s8+$0x200]  }
0x76: {  	v5 =	vld [tilespmem:s8+$0x80]  }
0x77: {  	v6 =	vld [tilespmem:s8+$0x100]  }
0x78: {  	v7 =	vld [tilespmem:s8+$0x180]  }
0x79: {  	v8 =	vld [tilespmem:s8+$0x90]  }
0x7a: {  	v9 =	vld [tilespmem:s8+$0x210]  }
0x7b: {  	v10 =	vld [tilespmem:s8+$0x110]  }
0x7c: {  	v11 =	vld [tilespmem:s8+$0x220]  }
0x7d: {  	v12 =	vld [tilespmem:s8+$0x190]  }
0x7e: {  	v60 =	vld [tilespmem:s8+$0x230]  }
0x7f: {  	v61 =	vld [tilespmem:s8+$0x120]  }
0x80: {  	v63 =	vld [tilespmem:s8+$0x240]  }
0x81: {  	v16 =	vld [tilespmem:s8+$0x130]  }
0x82: {  	v18 =	vld [tilespmem:s8+$0xC0]  }
0x83: {  	v19 =	vld [tilespmem:s8+$0x260]  }
0x84: {  	v4 =	vld.idx.msk [tilespmem:v4+s3+$0x0], $0xffff  }
0x85: {  	v6 =	vld.idx.msk [tilespmem:v6+s3+$0x0], $0xffff  }
0x86: {  	v5 =	vld.idx.msk [tilespmem:v5+s3+$0x0], $0xffff  }
0x87: {  	v20 =	vld [tilespmem:s8+$0x150]  }
0x88: {  	v21 =	vld [tilespmem:s8+$0x1D0]  }
0x89: {  	v7 =	vld.idx.msk [tilespmem:v7+s3+$0x0], $0xffff;
	[tilespmem:s8+$0x8200] =	vst v4  }
0x8a: {  	[tilespmem:s8+$0x8100] =	vst v6;
	v6 =	vld [tilespmem:s8+$0xA0]  }
0x8b: {  	[tilespmem:s8+$0x8080] =	vst v5;
	v4 =	vld.idx.msk [tilespmem:v9+s3+$0x0], $0xffff  }
0x8c: {  	v5 =	vld.idx.msk [tilespmem:v8+s3+$0x0], $0xffff  }
0x8d: {  	v8 =	vld.idx.msk [tilespmem:v10+s3+$0x0], $0xffff  }
0x8e: {  	v22 =	vld [tilespmem:s8+$0xE0]  }
0x8f: {  	[tilespmem:s8+$0x8180] =	vst v7;
	v7 =	vld [tilespmem:s8+$0x1A0]  }
0x90: {  	v23 =	vld [tilespmem:s8+$0x1E0]  }
0x91: {  	v62 =	vld.idx.msk [tilespmem:v12+s3+$0x0], $0xffff;
	[tilespmem:s8+$0x8210] =	vst v4  }
0x92: {  	[tilespmem:s8+$0x8110] =	vst v8;
	v4 =	vld.idx.msk [tilespmem:v11+s3+$0x0], $0xffff  }
0x93: {  	v8 =	vld.idx.msk [tilespmem:v61+s3+$0x0], $0xffff  }
0x94: {  	[tilespmem:s8+$0x8090] =	vst v5;
	v5 =	vld [tilespmem:s8+$0xB0]  }
0x95: {  	v6 =	vld.idx.msk [tilespmem:v6+s3+$0x0], $0xffff  }
0x96: {  	v25 =	vld [tilespmem:s8+$0x1F0];
	[tilespmem:s8+$0x8190] =	vst v62  }
0x97: {  	v7 =	vld.idx.msk [tilespmem:v7+s3+$0x0], $0xffff;
	[tilespmem:s8+$0x8220] =	vst v4  }
0x98: {  	[tilespmem:s8+$0x8120] =	vst v8;
	v8 =	vld [tilespmem:s8+$0x140]  }
0x99: {  	v4 =	vld.idx.msk [tilespmem:v60+s3+$0x0], $0xffff  }
0x9a: {  	[tilespmem:s8+$0x80A0] =	vst v6;
	v6 =	vld [tilespmem:s8+$0x1B0]  }
0x9b: {  	v9 =	vld.idx.msk [tilespmem:v16+s3+$0x0], $0xffff  }
0x9c: {  	v5 =	vld.idx.msk [tilespmem:v5+s3+$0x0], $0xffff  }
0x9d: {  	v2 =	vld.idx.msk [tilespmem:v2+s3+$0x0], $0xffff  }
0x9e: {  	[tilespmem:s8+$0x81A0] =	vst v7;
	v7 =	vld [tilespmem:s8+$0x1C0]  }
0x9f: {  	[tilespmem:s8+$0x8230] =	vst v4;
	v4 =	vld [tilespmem:s8+$0x250]  }
0xa0: {  	[tilespmem:s8+$0x8130] =	vst v9;
	v17 =	vld.idx.msk [tilespmem:v63+s3+$0x0], $0xffff  }
0xa1: {  	[tilespmem:s8+$0x80B0] =	vst v5;
	v5 =	vld [tilespmem:s8+$0xD0]  }
0xa2: {  	v8 =	vld.idx.msk [tilespmem:v8+s3+$0x0], $0xffff  }
0xa3: {  	v6 =	vld.idx.msk [tilespmem:v6+s3+$0x0], $0xffff  }
0xa4: {  	v11 =	vld.idx.msk [tilespmem:v18+s3+$0x0], $0xffff  }
0xa5: {  	v1 =	vld.idx.msk [tilespmem:v1+s3+$0x0], $0xffff  }
0xa6: {  	v0 =	vld.idx.msk [tilespmem:v0+s3+$0x0], $0xffff;
	[tilespmem:s8+$0x8240] =	vst v17  }
0xa7: {  	[tilespmem:s8+$0x8140] =	vst v8;
	v4 =	vld.idx.msk [tilespmem:v4+s3+$0x0], $0xffff  }
0xa8: {  	v8 =	vld [tilespmem:s8+$0x160];
	[tilespmem:s8+$0x81B0] =	vst v6  }
0xa9: {  	[tilespmem:s8+$0x80C0] =	vst v11;
	v6 =	vld.idx.msk [tilespmem:v7+s3+$0x0], $0xffff  }
0xaa: {  	v5 =	vld.idx.msk [tilespmem:v5+s3+$0x0], $0xffff  }
0xab: {  	v9 =	vld.idx.msk [tilespmem:v20+s3+$0x0], $0xffff  }
0xac: {  	[tilespmem:s8+$0x8250] =	vst v4;
	v4 =	vld [tilespmem:s8+$0x270]  }
0xad: {  	v7 =	vld.idx.msk [tilespmem:v19+s3+$0x0], $0xffff  }
0xae: {  	[tilespmem:s8+$0x81C0] =	vst v6;
	v6 =	vld [tilespmem:s8+$0xF0]  }
0xaf: {  	[tilespmem:s8+$0x80D0] =	vst v5;
	v5 =	vld [tilespmem:s8+$0x170]  }
0xb0: {  	[tilespmem:s8+$0x8150] =	vst v9;
	v24 =	vld.idx.msk [tilespmem:v22+s3+$0x0], $0xffff  }
0xb1: {  	[tilespmem:s10+$0x8080] =	vst v2;
	v8 =	vld.idx.msk [tilespmem:v8+s3+$0x0], $0xffff  }
0xb2: {  	[tilespmem:s23+$0x8080] =	vst v1;
	v3 =	vld.idx.msk [tilespmem:v3+s3+$0x0], $0xffff  }
0xb3: {  	[tilespmem:s8+$0x8260] =	vst v7;
	v7 =	vld.idx.msk [tilespmem:v21+s3+$0x0], $0xffff  }
0xb4: {  	p0 =	por !p0, !p0;
	s30 =	sor.u32 $0x430, s5;
	s1 =	simm.s32 $0x1;
	[tilespmem:s24+$0x8080] =	vst v0;
	v4 =	vld.idx.msk [tilespmem:v4+s3+$0x0], $0xffff  }
0xb5: {  	s1 =	simm.s32 @!p0 $0x0;
	v0 =	vld [tilespmem:s30+$0x80];
	[tilespmem:s8+$0x80E0] =	vst v24  }
0xb6: {  	s1 =	sshll.u32 s1, $0x9;
	[tilespmem:s8+$0x8160] =	vst v8;
	v6 =	vld.idx.msk [tilespmem:v6+s3+$0x0], $0xffff  }
0xb7: {  	s20 =	sor.u32 $0x420, s7;
	s1 =	sadd.s32 $0x400, s1;
	[tilespmem:s25+$0x8080] =	vst v3;
	v3 =	vld.idx.msk [tilespmem:v5+s3+$0x0], $0xffff  }
0xb8: {  	s13 =	sor.u32 $0x420, s2;
	s12 =	sadd.s32 $0x180, s1;
	[tilespmem:s8+$0x81D0] =	vst v7;
	v7 =	vld [tilespmem:s20+$0x80]  }
0xb9: {  	s11 =	sor.u32 $0x400, s12;
	[tilespmem:s8+$0x8270] =	vst v4;
	v4 =	vld [tilespmem:s13+$0x80]  }
0xba: {  	v2 =	vld [tilespmem:s11+$0x80]  }
0xbb: {  	s4 =	sadd.s32 $0x80, s1;
	s15 =	sor.u32 $0x400, s1;
	v1 =	vld.idx.msk [tilespmem:v23+s3+$0x0], $0xffff;
	[tilespmem:s8+$0x80F0] =	vst v6  }
0xbc: {  	s16 =	sor.u32 $0x400, s4;
	[tilespmem:s8+$0x8170] =	vst v3;
	v6 =	vld [tilespmem:s15+$0x80]  }
0xbd: {  	v3 =	vld [tilespmem:s16+$0x80]  }
0xbe: {  	s14 =	sor.u32 $0x420, s0;
	v0 =	vld.idx.msk [tilespmem:v0+s3+$0x0], $0xffff  }
0xbf: {  	v5 =	vld [tilespmem:s14+$0x80]  }
0xc0: {  	v7 =	vld.idx.msk [tilespmem:v7+s3+$0x0], $0xffff  }
0xc1: {  	v4 =	vld.idx.msk [tilespmem:v4+s3+$0x0], $0xffff  }
0xc2: {  	[tilespmem:s8+$0x81E0] =	vst v1;
	v1 =	vld.idx.msk [tilespmem:v2+s3+$0x0], $0xffff  }
0xc3: {  	v2 =	vld.idx.msk [tilespmem:v25+s3+$0x0], $0xffff  }
0xc4: {  	v6 =	vld.idx.msk [tilespmem:v6+s3+$0x0], $0xffff  }
0xc5: {  	s21 =	sor.u32 $0x430, s7;
	v3 =	vld.idx.msk [tilespmem:v3+s3+$0x0], $0xffff;
	[tilespmem:s20+$0x8080] =	vst v7  }
0xc6: {  	s5 =	sor.u32 $0x438, s5;
	[tilespmem:s30+$0x8080] =	vst v0;
	v7 =	vld [tilespmem:s21+$0x80]  }
0xc7: {  	[tilespmem:s13+$0x8080] =	vst v4;
	v4 =	vld [tilespmem:s5+$0x80]  }
0xc8: {  	s19 =	sor.u32 $0x430, s2;
	[tilespmem:s11+$0x8080] =	vst v1;
	v1 =	vld.idx.msk [tilespmem:v5+s3+$0x0], $0xffff  }
0xc9: {  	s17 =	sor.u32 $0x410, s12;
	s6 =	sadd.s32 $0x100, s1;
	v0 =	vld [tilespmem:s19+$0x80]  }
0xca: {  	s26 =	simm.s32 $0x400;
	s18 =	sor.u32 $0x400, s6;
	s29 =	simm.s32 $0x800;
	[tilespmem:s8+$0x81F0] =	vst v2;
	v2 =	vld [tilespmem:s17+$0x80]  }
0xcb: {  	s22 =	sor.u32 $0x410, s1;
	s23 =	sor.u32 $0x410, s4;
	v5 =	vld [tilespmem:s18+$0x80];
	[tilespmem:s15+$0x8080] =	vst v6;
	s15 =	sor.u32 $0x438, s2  }
0xcc: {  	[tilespmem:s16+$0x8080] =	vst v3;
	s16 =	sor.u32 $0x438, s7;
	s7 =	sand.u32 $0x3800, s29;
	s2 =	sand.u32 $0x200, s26;
	v8 =	vld [tilespmem:s22+$0x80]  }
0xcd: {  	v3 =	vld [tilespmem:s23+$0x80];
	s2 =	sor.u32 s2, s7  }
0xce: {  	v27 =	vld [tilespmem:s2+$0x80]  }
0xcf: {  	v28 =	vld [tilespmem:s2+$0x100]  }
0xd0: {  	v29 =	vld [tilespmem:s2+$0x180]  }
0xd1: {  	v30 =	vld [tilespmem:s2+$0x90]  }
0xd2: {  	v13 =	vld [tilespmem:s2+$0x110]  }
0xd3: {  	v14 =	vld [tilespmem:s2+$0x210]  }
0xd4: {  	v15 =	vld [tilespmem:s2+$0x190]  }
0xd5: {  	v32 =	vld [tilespmem:s2+$0xA0]  }
0xd6: {  	v33 =	vld [tilespmem:s2+$0x120]  }
0xd7: {  	v34 =	vld [tilespmem:s2+$0x230]  }
0xd8: {  	v35 =	vld [tilespmem:s2+$0x1A0]  }
0xd9: {  	v36 =	vld [tilespmem:s2+$0xB0]  }
0xda: {  	v16 =	vld [tilespmem:s2+$0x240]  }
0xdb: {  	v38 =	vld [tilespmem:s2+$0x130]  }
0xdc: {  	v39 =	vld [tilespmem:s2+$0x1B0]  }
0xdd: {  	v41 =	vld [tilespmem:s2+$0xC0]  }
0xde: {  	v42 =	vld [tilespmem:s2+$0x140]  }
0xdf: {  	v43 =	vld [tilespmem:s2+$0x1C0]  }
0xe0: {  	v7 =	vld.idx.msk [tilespmem:v7+s3+$0x0], $0xffff  }
0xe1: {  	v44 =	vld [tilespmem:s2+$0x260]  }
0xe2: {  	v45 =	vld [tilespmem:s2+$0xD0]  }
0xe3: {  	v46 =	vld [tilespmem:s2+$0x150]  }
0xe4: {  	v48 =	vld [tilespmem:s2+$0x1D0]  }
0xe5: {  	[tilespmem:s21+$0x8080] =	vst v7;
	v7 =	vld [tilespmem:s2+$0x200]  }
0xe6: {  	v49 =	vld [tilespmem:s2+$0xE0]  }
0xe7: {  	v50 =	vld [tilespmem:s2+$0x160]  }
0xe8: {  	v51 =	vld [tilespmem:s2+$0x1E0]  }
0xe9: {  	v52 =	vld [tilespmem:s2+$0xF0]  }
0xea: {  	s8 =	sor.u32 $0x430, s0;
	v53 =	vld [tilespmem:s2+$0x170];
	[tilespmem:s14+$0x8080] =	vst v1  }
0xeb: {  	v1 =	vld [tilespmem:s8+$0x80]  }
0xec: {  	v6 =	vld.idx.msk [tilespmem:v0+s3+$0x0], $0xffff  }
0xed: {  	v7 =	vld.idx.msk [tilespmem:v7+s3+$0x0], $0xffff  }
0xee: {  	v0 =	vld.idx.msk [tilespmem:v4+s3+$0x0], $0xffff  }
0xef: {  	v2 =	vld.idx.msk [tilespmem:v2+s3+$0x0], $0xffff  }
0xf0: {  	v5 =	vld.idx.msk [tilespmem:v5+s3+$0x0], $0xffff  }
0xf1: {  	v9 =	vld.idx.msk [tilespmem:v27+s3+$0x0], $0xffff  }
0xf2: {  	[tilespmem:s2+$0x8200] =	vst v7;
	v7 =	vld [tilespmem:s2+$0x220]  }
0xf3: {  	v10 =	vld.idx.msk [tilespmem:v28+s3+$0x0], $0xffff  }
0xf4: {  	v31 =	vld.idx.msk [tilespmem:v14+s3+$0x0], $0xffff  }
0xf5: {  	v11 =	vld.idx.msk [tilespmem:v29+s3+$0x0], $0xffff  }
0xf6: {  	[tilespmem:s19+$0x8080] =	vst v6;
	v6 =	vld.idx.msk [tilespmem:v8+s3+$0x0], $0xffff  }
0xf7: {  	v8 =	vld.idx.msk [tilespmem:v3+s3+$0x0], $0xffff;
	[tilespmem:s2+$0x8080] =	vst v9  }
0xf8: {  	[tilespmem:s2+$0x8100] =	vst v10;
	v12 =	vld.idx.msk [tilespmem:v30+s3+$0x0], $0xffff  }
0xf9: {  	v10 =	vld.idx.msk [tilespmem:v13+s3+$0x0], $0xffff;
	[tilespmem:s2+$0x8210] =	vst v31  }
0xfa: {  	v7 =	vld.idx.msk [tilespmem:v7+s3+$0x0], $0xffff  }
0xfb: {  	[tilespmem:s17+$0x8080] =	vst v2;
	v4 =	vld.idx.msk [tilespmem:v1+s3+$0x0], $0xffff  }
0xfc: {  	v2 =	vld [tilespmem:s15+$0x80];
	[tilespmem:s2+$0x8180] =	vst v11  }
0xfd: {  	v11 =	vld.idx.msk [tilespmem:v15+s3+$0x0], $0xffff;
	[tilespmem:s2+$0x8090] =	vst v12  }
0xfe: {  	[tilespmem:s2+$0x8110] =	vst v10;
	v13 =	vld.idx.msk [tilespmem:v32+s3+$0x0], $0xffff  }
0xff: {  	v37 =	vld.idx.msk [tilespmem:v33+s3+$0x0], $0xffff;
	[tilespmem:s2+$0x8220] =	vst v7  }
0x100: {  	v7 =	vld.idx.msk [tilespmem:v34+s3+$0x0], $0xffff  }
0x101: {  	s24 =	sor.u32 $0x420, s12;
	[tilespmem:s18+$0x8080] =	vst v5;
	v1 =	vld [tilespmem:s16+$0x80]  }
0x102: {  	v5 =	vld [tilespmem:s24+$0x80];
	[tilespmem:s2+$0x8190] =	vst v11  }
0x103: {  	v11 =	vld.idx.msk [tilespmem:v35+s3+$0x0], $0xffff;
	[tilespmem:s2+$0x80A0] =	vst v13  }
0x104: {  	[tilespmem:s2+$0x8120] =	vst v37;
	v12 =	vld.idx.msk [tilespmem:v36+s3+$0x0], $0xffff  }
0x105: {  	[tilespmem:s2+$0x8230] =	vst v7;
	v7 =	vld [tilespmem:s2+$0x250]  }
0x106: {  	v10 =	vld.idx.msk [tilespmem:v38+s3+$0x0], $0xffff  }
0x107: {  	s25 =	sor.u32 $0x410, s6;
	v40 =	vld.idx.msk [tilespmem:v16+s3+$0x0], $0xffff  }
0x108: {  	s18 =	sor.u32 $0x420, s1;
	v26 =	vld [tilespmem:s25+$0x80];
	[tilespmem:s22+$0x8080] =	vst v6  }
0x109: {  	v55 =	vld [tilespmem:s18+$0x80];
	[tilespmem:s2+$0x81A0] =	vst v11  }
0x10a: {  	v13 =	vld.idx.msk [tilespmem:v39+s3+$0x0], $0xffff;
	[tilespmem:s2+$0x80B0] =	vst v12  }
0x10b: {  	[tilespmem:s2+$0x8130] =	vst v10;
	v15 =	vld.idx.msk [tilespmem:v41+s3+$0x0], $0xffff  }
0x10c: {  	v9 =	vld.idx.msk [tilespmem:v42+s3+$0x0], $0xffff;
	[tilespmem:s2+$0x8240] =	vst v40  }
0x10d: {  	s20 =	sor.u32 $0x420, s4;
	[tilespmem:s23+$0x8080] =	vst v8;
	v7 =	vld.idx.msk [tilespmem:v7+s3+$0x0], $0xffff  }
0x10e: {  	s31 =	sor.u32 $0x438, s0;
	v56 =	vld [tilespmem:s20+$0x80];
	[tilespmem:s8+$0x8080] =	vst v4  }
0x10f: {  	v58 =	vld [tilespmem:s31+$0x80];
	[tilespmem:s2+$0x81B0] =	vst v13  }
0x110: {  	v11 =	vld.idx.msk [tilespmem:v43+s3+$0x0], $0xffff;
	[tilespmem:s2+$0x80C0] =	vst v15  }
0x111: {  	[tilespmem:s2+$0x8140] =	vst v9;
	v12 =	vld.idx.msk [tilespmem:v45+s3+$0x0], $0xffff  }
0x112: {  	[tilespmem:s2+$0x8250] =	vst v7;
	v7 =	vld [tilespmem:s2+$0x270]  }
0x113: {  	v10 =	vld.idx.msk [tilespmem:v46+s3+$0x0], $0xffff  }
0x114: {  	v47 =	vld.idx.msk [tilespmem:v44+s3+$0x0], $0xffff  }
0x115: {  	v3 =	vld.idx.msk [tilespmem:v5+s3+$0x0], $0xffff  }
0x116: {  	v5 =	vld.idx.msk [tilespmem:v26+s3+$0x0], $0xffff;
	[tilespmem:s2+$0x81C0] =	vst v11  }
0x117: {  	v14 =	vld.idx.msk [tilespmem:v48+s3+$0x0], $0xffff;
	[tilespmem:s2+$0x80D0] =	vst v12  }
0x118: {  	[tilespmem:s2+$0x8150] =	vst v10;
	v54 =	vld.idx.msk [tilespmem:v49+s3+$0x0], $0xffff  }
0x119: {  	p0 =	por !p0, !p0;
	v9 =	vld.idx.msk [tilespmem:v50+s3+$0x0], $0xffff;
	[tilespmem:s2+$0x8260] =	vst v47  }
0x11a: {  	s30 =	sor.u32 $0x430, s12;
	s7 =	sor.u32 $0x438, s12;
	s12 =	simm.s32 $0x1;
	[tilespmem:s24+$0x8080] =	vst v3;
	v7 =	vld.idx.msk [tilespmem:v7+s3+$0x0], $0xffff  }
0x11b: {  	s12 =	simm.s32 @!p0 $0x0;
	s21 =	sor.u32 $0x420, s6;
	[tilespmem:s25+$0x8080] =	vst v5;
	v3 =	vld [tilespmem:s30+$0x80]  }
0x11c: {  	s12 =	sshll.u32 s12, $0x9;
	v4 =	vld [tilespmem:s21+$0x80];
	[tilespmem:s2+$0x81D0] =	vst v14  }
0x11d: {  	s17 =	sadd.s32 $0x800, s12;
	v8 =	vld.idx.msk [tilespmem:v51+s3+$0x0], $0xffff;
	[tilespmem:s2+$0x80E0] =	vst v54  }
0x11e: {  	s14 =	sadd.s32 $0x180, s17;
	[tilespmem:s2+$0x8160] =	vst v9;
	v57 =	vld.idx.msk [tilespmem:v52+s3+$0x0], $0xffff  }
0x11f: {  	s13 =	sor.u32 $0x400, s14;
	v5 =	vld.idx.msk [tilespmem:v53+s3+$0x0], $0xffff;
	[tilespmem:s2+$0x8270] =	vst v7  }
0x120: {  	v6 =	vld [tilespmem:s13+$0x80]  }
0x121: {  	v7 =	vld [tilespmem:s2+$0x1F0]  }
0x122: {  	v59 =	vld.idx.msk [tilespmem:v2+s3+$0x0], $0xffff;
	[tilespmem:s2+$0x81E0] =	vst v8  }
0x123: {  	s19 =	sadd.s32 $0x80, s17;
	s26 =	sor.u32 $0x400, s17;
	v8 =	vld.idx.msk [tilespmem:v55+s3+$0x0], $0xffff;
	[tilespmem:s2+$0x80F0] =	vst v57  }
0x124: {  	s29 =	sor.u32 $0x400, s19;
	[tilespmem:s2+$0x8170] =	vst v5;
	v9 =	vld [tilespmem:s26+$0x80]  }
0x125: {  	v5 =	vld [tilespmem:s29+$0x80]  }
0x126: {  	v3 =	vld.idx.msk [tilespmem:v3+s3+$0x0], $0xffff  }
0x127: {  	v4 =	vld.idx.msk [tilespmem:v4+s3+$0x0], $0xffff  }
0x128: {  	v6 =	vld.idx.msk [tilespmem:v6+s3+$0x0], $0xffff  }
0x129: {  	v7 =	vld.idx.msk [tilespmem:v7+s3+$0x0], $0xffff  }
0x12a: {  	s24 =	sor.u32 $0x430, s1;
	v10 =	vld.idx.msk [tilespmem:v56+s3+$0x0], $0xffff;
	[tilespmem:s18+$0x8080] =	vst v8  }
0x12b: {  	v8 =	vld [tilespmem:s24+$0x80]  }
0x12c: {  	[tilespmem:s30+$0x8080] =	vst v3;
	v2 =	vld.idx.msk [tilespmem:v9+s3+$0x0], $0xffff  }
0x12d: {  	s23 =	sadd.s32 $0x100, s17;
	s30 =	sor.u32 $0x410, s14;
	v5 =	vld.idx.msk [tilespmem:v5+s3+$0x0], $0xffff;
	[tilespmem:s13+$0x8080] =	vst v6  }
0x12e: {  	s22 =	sor.u32 $0x400, s23;
	[tilespmem:s2+$0x81F0] =	vst v7;
	v6 =	vld [tilespmem:s30+$0x80]  }
0x12f: {  	v7 =	vld [tilespmem:s22+$0x80]  }
0x130: {  	v62 =	vld.idx.msk [tilespmem:v1+s3+$0x0], $0xffff  }
0x131: {  	s25 =	sor.u32 $0x430, s4;
	v3 =	vld [tilespmem:s7+$0x80];
	[tilespmem:s20+$0x8080] =	vst v10  }
0x132: {  	s0 =	sor.u32 $0x430, s6;
	[tilespmem:s21+$0x8080] =	vst v4;
	v4 =	vld [tilespmem:s25+$0x80]  }
0x133: {  	v60 =	vld [tilespmem:s0+$0x80];
	[tilespmem:s26+$0x8080] =	vst v2  }
0x134: {  	s20 =	sor.u32 $0x410, s19;
	v2 =	vld.idx.msk [tilespmem:v8+s3+$0x0], $0xffff;
	[tilespmem:s29+$0x8080] =	vst v5  }
0x135: {  	v61 =	vld [tilespmem:s20+$0x80]  }
0x136: {  	v6 =	vld.idx.msk [tilespmem:v6+s3+$0x0], $0xffff  }
0x137: {  	s21 =	sor.u32 $0x410, s17;
	v7 =	vld.idx.msk [tilespmem:v7+s3+$0x0], $0xffff  }
0x138: {  	v8 =	vld [tilespmem:s21+$0x80]  }
0x139: {  	[tilespmem:s5+$0x8080] =	vst v0;
	v3 =	vld.idx.msk [tilespmem:v3+s3+$0x0], $0xffff  }
0x13a: {  	v63 =	vld.idx.msk [tilespmem:v4+s3+$0x0], $0xffff;
	[tilespmem:s24+$0x8080] =	vst v2  }
0x13b: {  	s28 =	sor.u32 $0x420, s14;
	v2 =	vld.idx.msk [tilespmem:v60+s3+$0x0], $0xffff;
	[tilespmem:s30+$0x8080] =	vst v6  }
0x13c: {  	s1 =	sor.u32 $0x438, s1;
	s18 =	sor.u32 $0x410, s23;
	[tilespmem:s22+$0x8080] =	vst v7;
	v5 =	vld [tilespmem:s28+$0x80]  }
0x13d: {  	v4 =	vld [tilespmem:s18+$0x80];
	[dreg:$0x3] =	wrdreg s1  }
0x13e: {  	s5 =	sor.u32 $0x438, s4;
	s12 =	sor.u32 $0x420, s17;
	v1 =	vld [tilespmem:s1+$0x80]  }
0x13f: {  	s9 =	sor.u32 $0x430, s17;
	s10 =	sor.u32 $0x420, s19;
	s11 =	sor.u32 $0x420, s23;
	[tilespmem:s7+$0x8080] =	vst v3;
	v7 =	vld.idx.msk [tilespmem:v61+s3+$0x0], $0xffff  }
0x140: {  	s8 =	sor.u32 $0x430, s19;
	s4 =	sor.u32 $0x438, s6;
	s6 =	sor.u32 $0x438, s19;
	v6 =	vld.idx.msk [tilespmem:v8+s3+$0x0], $0xffff;
	[tilespmem:s25+$0x8080] =	vst v63  }
0x141: {  	s19 =	sor.u32 $0x438, s23;
	s13 =	simm.s32 $0x8;
	s22 =	sor.u32 $0x430, s23;
	[tilespmem:s15+$0x8080] =	vst v59;
	v3 =	vld.idx.msk [tilespmem:v58+s3+$0x0], $0xffff  }
0x142: {  	s1 =	sor.u32 $0x438, s17;
	[tilespmem:s16+$0x8080] =	vst v62;
	s15 =	simm.s32 $0x600;
	s16 =	simm.s32 $0xC00;
	v0 =	vld [tilespmem:s5+$0x80]  }
.LBB2_2:
0x143: {  	s17 =	sand.u32 $0x3800, s16;
	s23 =	sand.u32 $0x200, s15  }
0x144: {  	s17 =	sor.u32 s23, s17;
	[tilespmem:s20+$0x8080] =	vst v7;
	v5 =	vld.idx.msk [tilespmem:v5+s3+$0x0], $0xffff  }
0x145: {  	[tilespmem:s0+$0x8080] =	vst v2;
	v7 =	vld [tilespmem:s17+$0x100]  }
0x146: {  	v2 =	vld.idx.msk [tilespmem:v4+s3+$0x0], $0xffff  }
0x147: {  	[tilespmem:s21+$0x8080] =	vst v6;
	v4 =	vld [tilespmem:s17+$0x200]  }
0x148: {  	v6 =	vld [tilespmem:s17+$0x80]  }
0x149: {  	v8 =	vld [tilespmem:s17+$0x180];
	[tilespmem:s31+$0x8080] =	vst v3  }
0x14a: {  	s7 =	smov.u32 s22;
	s22 =	sor.u32 $0x430, s14;
	v3 =	vld [tilespmem:s17+$0x90];
	[tilespmem:s28+$0x8080] =	vst v5  }
0x14b: {  	[tilespmem:s18+$0x8080] =	vst v2;
	v2 =	vld [tilespmem:s22+$0x80]  }
0x14c: {  	v5 =	vld [tilespmem:s17+$0x110]  }
0x14d: {  	v9 =	vld [tilespmem:s17+$0x210]  }
0x14e: {  	v10 =	vld [tilespmem:s17+$0x190]  }
0x14f: {  	v4 =	vld.idx.msk [tilespmem:v4+s3+$0x0], $0xffff  }
0x150: {  	v7 =	vld.idx.msk [tilespmem:v7+s3+$0x0], $0xffff  }
0x151: {  	v6 =	vld.idx.msk [tilespmem:v6+s3+$0x0], $0xffff  }
0x152: {  	v8 =	vld.idx.msk [tilespmem:v8+s3+$0x0], $0xffff  }
0x153: {  	v2 =	vld.idx.msk [tilespmem:v2+s3+$0x0], $0xffff  }
0x154: {  	[tilespmem:s17+$0x8200] =	vst v4;
	v4 =	vld [tilespmem:s17+$0x220]  }
0x155: {  	[tilespmem:s17+$0x8100] =	vst v7;
	v7 =	vld [tilespmem:s17+$0xA0]  }
0x156: {  	[tilespmem:s17+$0x8080] =	vst v6;
	v6 =	vld.idx.msk [tilespmem:v9+s3+$0x0], $0xffff  }
0x157: {  	v3 =	vld.idx.msk [tilespmem:v3+s3+$0x0], $0xffff  }
0x158: {  	v5 =	vld.idx.msk [tilespmem:v5+s3+$0x0], $0xffff;
	[tilespmem:s17+$0x8180] =	vst v8  }
0x159: {  	s23 =	sor.u32 $0x438, s14;
	v8 =	vld [tilespmem:s17+$0x120];
	[tilespmem:s22+$0x8080] =	vst v2  }
0x15a: {  	v2 =	vld [tilespmem:s23+$0x80]  }
0x15b: {  	[tilespmem:s17+$0x8210] =	vst v6;
	v6 =	vld [tilespmem:s17+$0x230]  }
0x15c: {  	[tilespmem:s17+$0x8090] =	vst v3;
	v3 =	vld.idx.msk [tilespmem:v4+s3+$0x0], $0xffff  }
0x15d: {  	v4 =	vld.idx.msk [tilespmem:v10+s3+$0x0], $0xffff  }
0x15e: {  	v57 =	vld [tilespmem:s17+$0xB0]  }
0x15f: {  	[tilespmem:s17+$0x8110] =	vst v5;
	v5 =	vld [tilespmem:s17+$0x1A0]  }
0x160: {  	v58 =	vld [tilespmem:s17+$0x240]  }
0x161: {  	v7 =	vld.idx.msk [tilespmem:v7+s3+$0x0], $0xffff;
	[tilespmem:s17+$0x8220] =	vst v3  }
0x162: {  	[tilespmem:s17+$0x8190] =	vst v4;
	v4 =	vld.idx.msk [tilespmem:v8+s3+$0x0], $0xffff  }
0x163: {  	v2 =	vld.idx.msk [tilespmem:v2+s3+$0x0], $0xffff  }
0x164: {  	v3 =	vld.idx.msk [tilespmem:v6+s3+$0x0], $0xffff  }
0x165: {  	v6 =	vld [tilespmem:s17+$0x130]  }
0x166: {  	v59 =	vld [tilespmem:s17+$0x140]  }
0x167: {  	[tilespmem:s17+$0x80A0] =	vst v7;
	v7 =	vld [tilespmem:s17+$0x1B0]  }
0x168: {  	v5 =	vld.idx.msk [tilespmem:v5+s3+$0x0], $0xffff  }
0x169: {  	v8 =	vld.idx.msk [tilespmem:v57+s3+$0x0], $0xffff;
	[tilespmem:s17+$0x8120] =	vst v4  }
0x16a: {  	v4 =	vld [tilespmem:s17+$0xC0];
	[tilespmem:s23+$0x8080] =	vst v2  }
0x16b: {  	[tilespmem:s17+$0x8230] =	vst v3;
	v2 =	vld [tilespmem:s17+$0x250]  }
0x16c: {  	v3 =	vld.idx.msk [tilespmem:v58+s3+$0x0], $0xffff  }
0x16d: {  	[tilespmem:s17+$0x81A0] =	vst v5;
	v5 =	vld.idx.msk [tilespmem:v6+s3+$0x0], $0xffff  }
0x16e: {  	v6 =	vld [tilespmem:s17+$0x1C0]  }
0x16f: {  	[tilespmem:s17+$0x80B0] =	vst v8;
	v8 =	vld [tilespmem:s17+$0xD0]  }
0x170: {  	v7 =	vld.idx.msk [tilespmem:v7+s3+$0x0], $0xffff  }
0x171: {  	v60 =	vld [tilespmem:s17+$0x150]  }
0x172: {  	v4 =	vld.idx.msk [tilespmem:v4+s3+$0x0], $0xffff  }
0x173: {  	[tilespmem:s17+$0x8240] =	vst v3;
	v3 =	vld [tilespmem:s17+$0x260]  }
0x174: {  	[tilespmem:s17+$0x8130] =	vst v5;
	v2 =	vld.idx.msk [tilespmem:v2+s3+$0x0], $0xffff  }
0x175: {  	[tilespmem:s17+$0x81B0] =	vst v7;
	v5 =	vld.idx.msk [tilespmem:v59+s3+$0x0], $0xffff  }
0x176: {  	v6 =	vld.idx.msk [tilespmem:v6+s3+$0x0], $0xffff  }
0x177: {  	[tilespmem:s17+$0x80C0] =	vst v4;
	v4 =	vld [tilespmem:s17+$0x1D0]  }
0x178: {  	v7 =	vld.idx.msk [tilespmem:v8+s3+$0x0], $0xffff  }
0x179: {  	[tilespmem:s17+$0x8250] =	vst v2;
	v2 =	vld [tilespmem:s17+$0x270]  }
0x17a: {  	[tilespmem:s17+$0x8140] =	vst v5;
	v5 =	vld [tilespmem:s17+$0xE0]  }
0x17b: {  	v3 =	vld.idx.msk [tilespmem:v3+s3+$0x0], $0xffff  }
0x17c: {  	v8 =	vld [tilespmem:s17+$0x160]  }
0x17d: {  	v61 =	vld [tilespmem:s17+$0x1E0]  }
0x17e: {  	[tilespmem:s17+$0x81C0] =	vst v6;
	v6 =	vld.idx.msk [tilespmem:v60+s3+$0x0], $0xffff  }
0x17f: {  	[tilespmem:s17+$0x80D0] =	vst v7;
	v7 =	vld [tilespmem:s17+$0x170]  }
0x180: {  	[tilespmem:s17+$0x8260] =	vst v3;
	v3 =	vld [tilespmem:s17+$0xF0]  }
0x181: {  	v4 =	vld.idx.msk [tilespmem:v4+s3+$0x0], $0xffff  }
0x182: {  	v2 =	vld.idx.msk [tilespmem:v2+s3+$0x0], $0xffff  }
0x183: {  	[tilespmem:s17+$0x8150] =	vst v6;
	v5 =	vld.idx.msk [tilespmem:v5+s3+$0x0], $0xffff  }
0x184: {  	p0 =	por !p0, !p0;
	s14 =	simm.s32 $0x1;
	v6 =	vld.idx.msk [tilespmem:v8+s3+$0x0], $0xffff  }
0x185: {  	s14 =	simm.s32 @!p0 $0x0;
	v8 =	vld [tilespmem:s17+$0x1F0]  }
0x186: {  	s14 =	sshll.u32 s14, $0x9;
	[tilespmem:s17+$0x81D0] =	vst v4;
	v4 =	vld [tilespmem:s12+$0x80]  }
0x187: {  	s30 =	sadd.s32 s14, s16;
	v9 =	vld.idx.msk [tilespmem:v61+s3+$0x0], $0xffff  }
0x188: {  	s14 =	sadd.s32 $0x180, s30;
	[tilespmem:s17+$0x80E0] =	vst v5;
	v5 =	vld [tilespmem:s10+$0x80]  }
0x189: {  	[dreg:$0x13] =	wrdreg s7;
	s20 =	smov.u32 s4;
	s4 =	sor.u32 $0x400, s14;
	[tilespmem:s17+$0x8270] =	vst v2;
	v3 =	vld.idx.msk [tilespmem:v3+s3+$0x0], $0xffff  }
0x18a: {  	[dreg:$0x1b] =	wrdreg s20;
	s21 =	smov.u32 s19;
	s31 =	sadd.s32 $0x100, s30;
	[tilespmem:s17+$0x8160] =	vst v6;
	v2 =	vld [tilespmem:s4+$0x80]  }
0x18b: {  	s25 =	sor.u32 $0x400, s31;
	s7 =	sor.u32 $0x420, s31;
	s19 =	sor.u32 $0x438, s31;
	v6 =	vld.idx.msk [tilespmem:v7+s3+$0x0], $0xffff  }
0x18c: {  	s18 =	sor.u32 $0x410, s31;
	s22 =	sor.u32 $0x430, s31;
	s31 =	rddreg [dreg:$0x1b]  }
0x18d: {  	v62 =	vld [tilespmem:s31+$0x80]  }
0x18e: {  	v7 =	vld [tilespmem:s11+$0x80];
	[tilespmem:s17+$0x80F0] =	vst v3  }
0x18f: {  	s24 =	sadd.s32 $0x80, s30;
	[tilespmem:s17+$0x81E0] =	vst v9;
	v3 =	vld.idx.msk [tilespmem:v4+s3+$0x0], $0xffff  }
0x190: {  	s28 =	sor.u32 $0x400, s24;
	v8 =	vld.idx.msk [tilespmem:v8+s3+$0x0], $0xffff;
	[tilespmem:s17+$0x8170] =	vst v6  }
0x191: {  	v6 =	vld [tilespmem:s28+$0x80]  }
0x192: {  	s29 =	sor.u32 $0x400, s30;
	v2 =	vld.idx.msk [tilespmem:v2+s3+$0x0], $0xffff  }
0x193: {  	v4 =	vld [tilespmem:s29+$0x80]  }
0x194: {  	v5 =	vld.idx.msk [tilespmem:v5+s3+$0x0], $0xffff;
	[tilespmem:s12+$0x8080] =	vst v3  }
0x195: {  	v3 =	vld [tilespmem:s9+$0x80]  }
0x196: {  	v1 =	vld.idx.msk [tilespmem:v1+s3+$0x0], $0xffff  }
0x197: {  	[tilespmem:s4+$0x8080] =	vst v2;
	s4 =	sor.u32 $0x410, s14;
	v2 =	vld.idx.msk [tilespmem:v7+s3+$0x0], $0xffff  }
0x198: {  	[tilespmem:s17+$0x81F0] =	vst v8;
	v7 =	vld [tilespmem:s4+$0x80]  }
0x199: {  	[tilespmem:s10+$0x8080] =	vst v5;
	v8 =	vld [tilespmem:s25+$0x80]  }
0x19a: {  	v5 =	vld.idx.msk [tilespmem:v6+s3+$0x0], $0xffff  }
0x19b: {  	v4 =	vld.idx.msk [tilespmem:v4+s3+$0x0], $0xffff;
	_ =	sdelay $0x1  }
0x19c: {  	s0 =	sor.u32 $0x420, s30;
	[tilespmem:s11+$0x8080] =	vst v2;
	s11 =	smov.u32 s7;
	s7 =	rddreg [dreg:$0x3]  }
0x19d: {  	s12 =	smov.u32 s0;
	s0 =	rddreg [dreg:$0x13];
	v2 =	vld [tilespmem:s8+$0x80];
	[tilespmem:s7+$0x8080] =	vst v1  }
0x19e: {  	s20 =	sor.u32 $0x410, s24;
	v6 =	vld [tilespmem:s0+$0x80];
	[tilespmem:s28+$0x8080] =	vst v5  }
0x19f: {  	[tilespmem:s29+$0x8080] =	vst v4;
	v63 =	vld [tilespmem:s20+$0x80]  }
0x1a0: {  	v1 =	vld.idx.msk [tilespmem:v3+s3+$0x0], $0xffff  }
0x1a1: {  	v7 =	vld.idx.msk [tilespmem:v7+s3+$0x0], $0xffff  }
0x1a2: {  	[dreg:$0xb] =	wrdreg s21;
	s21 =	sor.u32 $0x410, s30;
	v8 =	vld.idx.msk [tilespmem:v8+s3+$0x0], $0xffff  }
0x1a3: {  	v3 =	vld [tilespmem:s21+$0x80]  }
0x1a4: {  	v0 =	vld.idx.msk [tilespmem:v0+s3+$0x0], $0xffff  }
0x1a5: {  	s17 =	smov.u32 s1;
	v11 =	vld.idx.msk [tilespmem:v2+s3+$0x0], $0xffff;
	[tilespmem:s9+$0x8080] =	vst v1  }
0x1a6: {  	s28 =	sor.u32 $0x420, s14;
	[tilespmem:s4+$0x8080] =	vst v7;
	v1 =	vld [tilespmem:s17+$0x80]  }
0x1a7: {  	s13 =	sadd.s32 $0x4, s13;
	[tilespmem:s25+$0x8080] =	vst v8;
	v5 =	vld [tilespmem:s28+$0x80]  }
0x1a8: {  	s2 =	smov.u32 s6;
	s15 =	sadd.s32 $0x200, s15;
	p1 =	slt.u32 s13, $0x3C;
	v4 =	vld [tilespmem:s18+$0x80]  }
.Ltmp0:
0x1a9: {  	s16 =	sadd.s32 $0x400, s16;
	s26 =	sor.u32 $0x430, s30;
	[tilespmem:s5+$0x8080] =	vst v0;
	v2 =	vld.idx.msk [tilespmem:v6+s3+$0x0], $0xffff;
	(pc) =	sbr.rel @p1 .LBB2_2-.Ltmp0, $4  }
0x1aa: {  	s6 =	sor.u32 $0x420, s24;
	s23 =	sor.u32 $0x430, s24;
	s24 =	sor.u32 $0x438, s24;
	v7 =	vld.idx.msk [tilespmem:v63+s3+$0x0], $0xffff  }
0x1ab: {  	s30 =	sor.u32 $0x438, s30;
	s10 =	smov.u32 s6;
	s6 =	smov.u32 s24;
	v6 =	vld.idx.msk [tilespmem:v3+s3+$0x0], $0xffff  }
0x1ac: {  	s1 =	smov.u32 s30;
	[dreg:$0x3] =	wrdreg s17;
	s5 =	smov.u32 s2;
	v3 =	vld.idx.msk [tilespmem:v62+s3+$0x0], $0xffff;
	[tilespmem:s8+$0x8080] =	vst v11  }
0x1ad: {  	s9 =	smov.u32 s26;
	s4 =	rddreg [dreg:$0xb];
	s8 =	smov.u32 s23;
	v0 =	vld [tilespmem:s5+$0x80]  }
0x1ae: {  	_ =	sdelay $0x3  }
0x1af: {  	v4 =	vld.idx.msk [tilespmem:v4+s3+$0x0], $0xffff;
	_ =	sdelay $0x2  }
0x1b0: {  	v5 =	vld.idx.msk [tilespmem:v5+s3+$0x0], $0xffff;
	[tilespmem:s21+$0x8080] =	vst v6  }
0x1b1: {  	[tilespmem:s20+$0x8080] =	vst v7;
	v6 =	vld [tilespmem:s12+$0x80]  }
0x1b2: {  	[tilespmem:s18+$0x8080] =	vst v4;
	v4 =	vld [tilespmem:s10+$0x80]  }
0x1b3: {  	v7 =	vld [tilespmem:s11+$0x80];
	_ =	sdelay $0x1  }
0x1b4: {  	s30 =	sor.u32 $0x430, s14;
	[tilespmem:s28+$0x8080] =	vst v5  }
0x1b5: {  	v5 =	vld [tilespmem:s30+$0x80];
	_ =	sdelay $0x2  }
0x1b6: {  	v6 =	vld.idx.msk [tilespmem:v6+s3+$0x0], $0xffff  }
0x1b7: {  	v4 =	vld.idx.msk [tilespmem:v4+s3+$0x0], $0xffff  }
0x1b8: {  	v7 =	vld.idx.msk [tilespmem:v7+s3+$0x0], $0xffff;
	_ =	sdelay $0x2  }
0x1b9: {  	v5 =	vld.idx.msk [tilespmem:v5+s3+$0x0], $0xffff;
	[tilespmem:s12+$0x8080] =	vst v6  }
0x1ba: {  	v6 =	vld [tilespmem:s9+$0x80];
	[tilespmem:s10+$0x8080] =	vst v4  }
0x1bb: {  	[tilespmem:s11+$0x8080] =	vst v7;
	v4 =	vld [tilespmem:s8+$0x80]  }
0x1bc: {  	v7 =	vld [tilespmem:s22+$0x80];
	_ =	sdelay $0x3  }
0x1bd: {  	s7 =	sor.u32 $0x438, s14;
	[tilespmem:s30+$0x8080] =	vst v5  }
0x1be: {  	v5 =	vld [tilespmem:s7+$0x80]  }
0x1bf: {  	v6 =	vld.idx.msk [tilespmem:v6+s3+$0x0], $0xffff  }
0x1c0: {  	v4 =	vld.idx.msk [tilespmem:v4+s3+$0x0], $0xffff  }
0x1c1: {  	v7 =	vld.idx.msk [tilespmem:v7+s3+$0x0], $0xffff  }
0x1c2: {  	s2 =	smov.u32 s0  }
0x1c3: {  	[tilespmem:s2+$0x8080] =	vst v2  }
0x1c4: {  	v2 =	vld [tilespmem:s4+$0x80];
	[tilespmem:s9+$0x8080] =	vst v6  }
0x1c5: {  	v6 =	vld [tilespmem:s1+$0x80];
	[tilespmem:s8+$0x8080] =	vst v4  }
0x1c6: {  	v4 =	vld [tilespmem:s6+$0x80];
	[tilespmem:s22+$0x8080] =	vst v7  }
0x1c7: {  	v7 =	vld [tilespmem:s19+$0x80]  }
0x1c8: {  	v5 =	vld.idx.msk [tilespmem:v5+s3+$0x0], $0xffff;
	_ =	sdelay $0x1  }
0x1c9: {  	v1 =	vld.idx.msk [tilespmem:v1+s3+$0x0], $0xffff  }
0x1ca: {  	v0 =	vld.idx.msk [tilespmem:v0+s3+$0x0], $0xffff  }
0x1cb: {  	[tilespmem:s31+$0x8080] =	vst v3;
	v2 =	vld.idx.msk [tilespmem:v2+s3+$0x0], $0xffff  }
0x1cc: {  	[tilespmem:s7+$0x8080] =	vst v5;
	v3 =	vld.idx.msk [tilespmem:v6+s3+$0x0], $0xffff  }
0x1cd: {  	s0 =	rddreg [dreg:$0x3];
	v4 =	vld.idx.msk [tilespmem:v4+s3+$0x0], $0xffff  }
0x1ce: {  	[tilespmem:s0+$0x8080] =	vst v1;
	v1 =	vld.idx.msk [tilespmem:v7+s3+$0x0], $0xffff  }
0x1cf: {  	[tilespmem:s5+$0x8080] =	vst v0  }
0x1d0: {  	[tilespmem:s4+$0x8080] =	vst v2  }
0x1d1: {  	[tilespmem:s1+$0x8080] =	vst v3  }
0x1d2: {  	[tilespmem:s6+$0x8080] =	vst v4  }
0x1d3: {  	[tilespmem:s19+$0x8080] =	vst v1  }
0x1d4: {  	s1 =	sld [smem:$0x7EF];
	_ =	sdelay $0x1  }
0x1d5: {  	s10 =	simm.s32 $0x0;
	s11 =	simm.s32 $0x8080;
	s12 =	sld [smem:$0x7F0]  }
0x1d6: {  	[hbm4b:s1+s10] =	stream.linear.scatter [tilespmem:s11], [sflag:$0x3], $0x4000, $0x38;
	[tilespmem:$0x10080] =	vst v63  }
0x1d7: {  	s13 =	simm.s32 $0x80;
	s14 =	simm.s32 $0x2  }
0x1d8: {  	[tilespmem:s13], [sflag:$0x1] =	stream.linear.gather [hbm4b:s12+s10], $0x4000, $0x38;
	[tilespmem:$0x10080] =	vst v63  }
0x1d9: {  	_ =	swait.ge [sflag:s14], $0x4000  }
0x1da: {  	s15 =	sand.u32 $0x3800, s10;
	s0 =	sand.u32 $0x200, s10;
	[sflag:s14] =	ssyncset.done $0x0  }
0x1db: {  	s1 =	sor.u32 s0, s15;
	[sflag:s14] =	ssyncadd.s32 $0xFFFFC000  }
0x1dc: {  	v0 =	vld [tilespmem:s1+$0x4200]  }
0x1dd: {  	v1 =	vld [tilespmem:s1+$0x4080]  }
0x1de: {  	v2 =	vld [tilespmem:s1+$0x4100]  }
0x1df: {  	v3 =	vld [tilespmem:s1+$0x4180]  }
0x1e0: {  	v4 =	vld [tilespmem:s1+$0x4090]  }
0x1e1: {  	v5 =	vld [tilespmem:s1+$0x4210]  }
0x1e2: {  	s25 =	simm.s32 $0x200;
	s26 =	simm.s32 $0x400;
	v6 =	vld [tilespmem:s1+$0x4110]  }
0x1e3: {  	s9 =	sand.u32 $0x3800, s26;
	s8 =	sand.u32 $0x200, s25;
	v7 =	vld [tilespmem:s1+$0x4220]  }
0x1e4: {  	s8 =	sor.u32 s8, s9;
	v8 =	vld [tilespmem:s1+$0x4190]  }
0x1e5: {  	v9 =	vld [tilespmem:s8+$0x4210]  }
0x1e6: {  	v10 =	vld [tilespmem:s8+$0x4110]  }
0x1e7: {  	v11 =	vld [tilespmem:s8+$0x4220]  }
0x1e8: {  	v12 =	vld [tilespmem:s8+$0x4190]  }
0x1e9: {  	v60 =	vld [tilespmem:s8+$0x4230]  }
0x1ea: {  	v61 =	vld [tilespmem:s8+$0x4120]  }
0x1eb: {  	v63 =	vld [tilespmem:s8+$0x4240]  }
0x1ec: {  	v16 =	vld [tilespmem:s8+$0x4130]  }
0x1ed: {  	v18 =	vld [tilespmem:s8+$0x40C0]  }
0x1ee: {  	v19 =	vld [tilespmem:s8+$0x4260]  }
0x1ef: {  	v20 =	vld [tilespmem:s8+$0x4150]  }
0x1f0: {  	v21 =	vld [tilespmem:s8+$0x41D0]  }
0x1f1: {  	v0 =	vld.idx.msk [tilespmem:v0+s3+$0x0], $0xffff  }
0x1f2: {  	v2 =	vld.idx.msk [tilespmem:v2+s3+$0x0], $0xffff  }
0x1f3: {  	v1 =	vld.idx.msk [tilespmem:v1+s3+$0x0], $0xffff  }
0x1f4: {  	v22 =	vld [tilespmem:s8+$0x40E0]  }
0x1f5: {  	v23 =	vld [tilespmem:s8+$0x41E0]  }
0x1f6: {  	v3 =	vld.idx.msk [tilespmem:v3+s3+$0x0], $0xffff;
	[tilespmem:s1+$0xC200] =	vst v0  }
0x1f7: {  	[tilespmem:s1+$0xC100] =	vst v2;
	v2 =	vld [tilespmem:s1+$0x40A0]  }
0x1f8: {  	[tilespmem:s1+$0xC080] =	vst v1;
	v0 =	vld.idx.msk [tilespmem:v5+s3+$0x0], $0xffff  }
0x1f9: {  	v1 =	vld.idx.msk [tilespmem:v4+s3+$0x0], $0xffff  }
0x1fa: {  	v4 =	vld.idx.msk [tilespmem:v6+s3+$0x0], $0xffff  }
0x1fb: {  	v6 =	vld [tilespmem:s1+$0x4120]  }
0x1fc: {  	[tilespmem:s1+$0xC180] =	vst v3;
	v3 =	vld [tilespmem:s1+$0x41A0]  }
0x1fd: {  	v5 =	vld [tilespmem:s1+$0x4230];
	[tilespmem:s1+$0xC210] =	vst v0  }
0x1fe: {  	v0 =	vld.idx.msk [tilespmem:v7+s3+$0x0], $0xffff  }
0x1ff: {  	v7 =	vld.idx.msk [tilespmem:v8+s3+$0x0], $0xffff  }
0x200: {  	[tilespmem:s1+$0xC090] =	vst v1;
	v1 =	vld [tilespmem:s1+$0x40B0]  }
0x201: {  	v8 =	vld [tilespmem:s1+$0x4240]  }
0x202: {  	[tilespmem:s1+$0xC110] =	vst v4;
	v2 =	vld.idx.msk [tilespmem:v2+s3+$0x0], $0xffff  }
0x203: {  	v4 =	vld.idx.msk [tilespmem:v6+s3+$0x0], $0xffff;
	[tilespmem:s1+$0xC220] =	vst v0  }
0x204: {  	[tilespmem:s1+$0xC190] =	vst v7;
	v7 =	vld [tilespmem:s1+$0x40C0]  }
0x205: {  	v0 =	vld.idx.msk [tilespmem:v5+s3+$0x0], $0xffff  }
0x206: {  	v5 =	vld [tilespmem:s1+$0x4130]  }
0x207: {  	v3 =	vld.idx.msk [tilespmem:v3+s3+$0x0], $0xffff  }
0x208: {  	[tilespmem:s1+$0xC0A0] =	vst v2;
	v2 =	vld [tilespmem:s1+$0x41B0]  }
0x209: {  	v1 =	vld.idx.msk [tilespmem:v1+s3+$0x0], $0xffff  }
0x20a: {  	[tilespmem:s1+$0xC120] =	vst v4;
	v4 =	vld [tilespmem:s1+$0x4140]  }
0x20b: {  	[tilespmem:s1+$0xC230] =	vst v0;
	v0 =	vld [tilespmem:s1+$0x4250]  }
0x20c: {  	[tilespmem:s1+$0xC1A0] =	vst v3;
	v3 =	vld [tilespmem:s1+$0x41C0]  }
0x20d: {  	v6 =	vld.idx.msk [tilespmem:v8+s3+$0x0], $0xffff  }
0x20e: {  	[tilespmem:s1+$0xC0B0] =	vst v1;
	v1 =	vld [tilespmem:s1+$0x40D0]  }
0x20f: {  	v7 =	vld.idx.msk [tilespmem:v7+s3+$0x0], $0xffff  }
0x210: {  	v5 =	vld.idx.msk [tilespmem:v5+s3+$0x0], $0xffff  }
0x211: {  	v2 =	vld.idx.msk [tilespmem:v2+s3+$0x0], $0xffff  }
0x212: {  	[tilespmem:s1+$0xC240] =	vst v6;
	v6 =	vld [tilespmem:s1+$0x4260]  }
0x213: {  	v25 =	vld [tilespmem:s8+$0x41F0]  }
0x214: {  	v0 =	vld.idx.msk [tilespmem:v0+s3+$0x0], $0xffff  }
0x215: {  	[tilespmem:s1+$0xC130] =	vst v5;
	v5 =	vld [tilespmem:s1+$0x4150]  }
0x216: {  	[tilespmem:s1+$0xC1B0] =	vst v2;
	v4 =	vld.idx.msk [tilespmem:v4+s3+$0x0], $0xffff  }
0x217: {  	[tilespmem:s1+$0xC0C0] =	vst v7;
	v2 =	vld.idx.msk [tilespmem:v3+s3+$0x0], $0xffff  }
0x218: {  	v1 =	vld.idx.msk [tilespmem:v1+s3+$0x0], $0xffff  }
0x219: {  	[tilespmem:s1+$0xC250] =	vst v0;
	v0 =	vld [tilespmem:s1+$0x4270]  }
0x21a: {  	v3 =	vld.idx.msk [tilespmem:v6+s3+$0x0], $0xffff  }
0x21b: {  	v6 =	vld [tilespmem:s1+$0x41D0]  }
0x21c: {  	[tilespmem:s1+$0xC140] =	vst v4;
	v4 =	vld [tilespmem:s1+$0x4160]  }
0x21d: {  	v7 =	vld [tilespmem:s1+$0x40E0]  }
0x21e: {  	v5 =	vld.idx.msk [tilespmem:v5+s3+$0x0], $0xffff  }
0x21f: {  	v8 =	vld [tilespmem:s1+$0x41E0];
	[tilespmem:s1+$0xC1C0] =	vst v2  }
0x220: {  	v2 =	vld [tilespmem:s1+$0x40F0];
	[tilespmem:s1+$0xC0D0] =	vst v1  }
0x221: {  	v1 =	vld [tilespmem:s1+$0x4170];
	[tilespmem:s1+$0xC260] =	vst v3  }
0x222: {  	p0 =	por $0x0, $0x0;
	s0 =	simm.s32 $0x1;
	v0 =	vld.idx.msk [tilespmem:v0+s3+$0x0], $0xffff  }
0x223: {  	s0 =	simm.s32 @!p0 $0x0;
	[tilespmem:s1+$0xC150] =	vst v5;
	v3 =	vld.idx.msk [tilespmem:v6+s3+$0x0], $0xffff  }
0x224: {  	s0 =	sshll.u32 s0, $0x9;
	v4 =	vld.idx.msk [tilespmem:v4+s3+$0x0], $0xffff  }
0x225: {  	s2 =	sadd.s32 $0x0, s0;
	v6 =	vld.idx.msk [tilespmem:v7+s3+$0x0], $0xffff  }
0x226: {  	s5 =	sadd.s32 $0x180, s2;
	v5 =	vld [tilespmem:s1+$0x41F0]  }
0x227: {  	s16 =	sor.u32 $0x400, s5;
	v7 =	vld [tilespmem:s8+$0x4180];
	[tilespmem:s1+$0xC270] =	vst v0  }
0x228: {  	v0 =	vld [tilespmem:s16+$0x4080];
	[tilespmem:s1+$0xC1D0] =	vst v3  }
0x229: {  	[tilespmem:s1+$0xC160] =	vst v4;
	v4 =	vld [tilespmem:s8+$0x4200]  }
0x22a: {  	[tilespmem:s1+$0xC0E0] =	vst v6;
	v3 =	vld.idx.msk [tilespmem:v8+s3+$0x0], $0xffff  }
0x22b: {  	v2 =	vld.idx.msk [tilespmem:v2+s3+$0x0], $0xffff  }
0x22c: {  	v1 =	vld.idx.msk [tilespmem:v1+s3+$0x0], $0xffff  }
0x22d: {  	v6 =	vld [tilespmem:s8+$0x4100]  }
0x22e: {  	v8 =	vld [tilespmem:s8+$0x4090]  }
0x22f: {  	v7 =	vld.idx.msk [tilespmem:v7+s3+$0x0], $0xffff;
	[tilespmem:s1+$0xC1E0] =	vst v3  }
0x230: {  	s7 =	sadd.s32 $0x80, s2;
	s17 =	sor.u32 $0x400, s2;
	[tilespmem:s1+$0xC0F0] =	vst v2;
	v3 =	vld.idx.msk [tilespmem:v5+s3+$0x0], $0xffff  }
0x231: {  	s18 =	sor.u32 $0x400, s7;
	[tilespmem:s1+$0xC170] =	vst v1;
	v2 =	vld [tilespmem:s17+$0x4080]  }
0x232: {  	v1 =	vld [tilespmem:s18+$0x4080]  }
0x233: {  	v5 =	vld [tilespmem:s8+$0x4080]  }
0x234: {  	v4 =	vld.idx.msk [tilespmem:v4+s3+$0x0], $0xffff  }
0x235: {  	v6 =	vld.idx.msk [tilespmem:v6+s3+$0x0], $0xffff  }
0x236: {  	v0 =	vld.idx.msk [tilespmem:v0+s3+$0x0], $0xffff  }
0x237: {  	s0 =	sadd.s32 $0x100, s2;
	[tilespmem:s8+$0xC180] =	vst v7;
	v7 =	vld [tilespmem:s8+$0x41A0]  }
0x238: {  	s20 =	sor.u32 $0x400, s0;
	v62 =	vld.idx.msk [tilespmem:v12+s3+$0x0], $0xffff;
	[tilespmem:s1+$0xC1F0] =	vst v3  }
0x239: {  	v3 =	vld [tilespmem:s20+$0x4080];
	[tilespmem:s8+$0xC200] =	vst v4  }
0x23a: {  	[tilespmem:s8+$0xC100] =	vst v6;
	v6 =	vld [tilespmem:s8+$0x40A0]  }
0x23b: {  	s19 =	sor.u32 $0x410, s5;
	[tilespmem:s16+$0xC080] =	vst v0;
	v4 =	vld.idx.msk [tilespmem:v9+s3+$0x0], $0xffff  }
0x23c: {  	v0 =	vld [tilespmem:s19+$0x4080]  }
0x23d: {  	v2 =	vld.idx.msk [tilespmem:v2+s3+$0x0], $0xffff  }
0x23e: {  	v5 =	vld.idx.msk [tilespmem:v5+s3+$0x0], $0xffff  }
0x23f: {  	[tilespmem:s8+$0xC190] =	vst v62;
	v1 =	vld.idx.msk [tilespmem:v1+s3+$0x0], $0xffff  }
0x240: {  	v7 =	vld.idx.msk [tilespmem:v7+s3+$0x0], $0xffff;
	[tilespmem:s8+$0xC210] =	vst v4  }
0x241: {  	v4 =	vld.idx.msk [tilespmem:v11+s3+$0x0], $0xffff  }
0x242: {  	s21 =	sor.u32 $0x410, s2;
	[tilespmem:s17+$0xC080] =	vst v2;
	v3 =	vld.idx.msk [tilespmem:v3+s3+$0x0], $0xffff  }
0x243: {  	[tilespmem:s8+$0xC080] =	vst v5;
	v2 =	vld [tilespmem:s21+$0x4080]  }
0x244: {  	s22 =	sor.u32 $0x410, s7;
	[tilespmem:s18+$0xC080] =	vst v1;
	v5 =	vld.idx.msk [tilespmem:v8+s3+$0x0], $0xffff  }
0x245: {  	v1 =	vld [tilespmem:s22+$0x4080]  }
0x246: {  	v8 =	vld.idx.msk [tilespmem:v10+s3+$0x0], $0xffff  }
0x247: {  	[tilespmem:s8+$0xC1A0] =	vst v7;
	v7 =	vld [tilespmem:s8+$0x41C0]  }
0x248: {  	v0 =	vld.idx.msk [tilespmem:v0+s3+$0x0], $0xffff;
	[tilespmem:s8+$0xC220] =	vst v4  }
0x249: {  	[tilespmem:s8+$0xC090] =	vst v5;
	v5 =	vld [tilespmem:s8+$0x40B0]  }
0x24a: {  	v4 =	vld.idx.msk [tilespmem:v60+s3+$0x0], $0xffff  }
0x24b: {  	s24 =	sor.u32 $0x410, s0;
	[tilespmem:s20+$0xC080] =	vst v3;
	v6 =	vld.idx.msk [tilespmem:v6+s3+$0x0], $0xffff  }
0x24c: {  	[tilespmem:s8+$0xC110] =	vst v8;
	v3 =	vld [tilespmem:s24+$0x4080]  }
0x24d: {  	s23 =	sor.u32 $0x420, s5;
	[tilespmem:s19+$0xC080] =	vst v0;
	v8 =	vld.idx.msk [tilespmem:v61+s3+$0x0], $0xffff  }
0x24e: {  	v0 =	vld [tilespmem:s23+$0x4080]  }
0x24f: {  	[tilespmem:s8+$0xC230] =	vst v4;
	v4 =	vld [tilespmem:s8+$0x4250]  }
0x250: {  	[tilespmem:s8+$0xC0A0] =	vst v6;
	v6 =	vld [tilespmem:s8+$0x41B0]  }
0x251: {  	v17 =	vld.idx.msk [tilespmem:v63+s3+$0x0], $0xffff  }
0x252: {  	v2 =	vld.idx.msk [tilespmem:v2+s3+$0x0], $0xffff  }
0x253: {  	v1 =	vld.idx.msk [tilespmem:v1+s3+$0x0], $0xffff  }
0x254: {  	[tilespmem:s8+$0xC120] =	vst v8;
	v8 =	vld [tilespmem:s8+$0x4140]  }
0x255: {  	v5 =	vld.idx.msk [tilespmem:v5+s3+$0x0], $0xffff  }
0x256: {  	v9 =	vld.idx.msk [tilespmem:v16+s3+$0x0], $0xffff;
	[tilespmem:s8+$0xC240] =	vst v17  }
0x257: {  	v4 =	vld.idx.msk [tilespmem:v4+s3+$0x0], $0xffff  }
0x258: {  	v6 =	vld.idx.msk [tilespmem:v6+s3+$0x0], $0xffff  }
0x259: {  	v0 =	vld.idx.msk [tilespmem:v0+s3+$0x0], $0xffff  }
0x25a: {  	[tilespmem:s8+$0xC0B0] =	vst v5;
	v5 =	vld [tilespmem:s8+$0x40D0]  }
0x25b: {  	[tilespmem:s8+$0xC130] =	vst v9;
	v11 =	vld.idx.msk [tilespmem:v18+s3+$0x0], $0xffff  }
0x25c: {  	v8 =	vld.idx.msk [tilespmem:v8+s3+$0x0], $0xffff;
	[tilespmem:s8+$0xC250] =	vst v4  }
0x25d: {  	v4 =	vld [tilespmem:s8+$0x4270];
	[tilespmem:s8+$0xC1B0] =	vst v6  }
0x25e: {  	v6 =	vld.idx.msk [tilespmem:v7+s3+$0x0], $0xffff  }
0x25f: {  	v7 =	vld.idx.msk [tilespmem:v19+s3+$0x0], $0xffff  }
0x260: {  	v3 =	vld.idx.msk [tilespmem:v3+s3+$0x0], $0xffff;
	[tilespmem:s8+$0xC0C0] =	vst v11  }
0x261: {  	[tilespmem:s8+$0xC140] =	vst v8;
	v8 =	vld [tilespmem:s8+$0x4160]  }
0x262: {  	s29 =	sor.u32 $0x430, s5;
	[tilespmem:s23+$0xC080] =	vst v0;
	v5 =	vld.idx.msk [tilespmem:v5+s3+$0x0], $0xffff  }
0x263: {  	v0 =	vld [tilespmem:s29+$0x4080]  }
0x264: {  	v9 =	vld.idx.msk [tilespmem:v20+s3+$0x0], $0xffff;
	[tilespmem:s8+$0xC260] =	vst v7  }
0x265: {  	[tilespmem:s8+$0xC1C0] =	vst v6;
	v6 =	vld [tilespmem:s8+$0x40F0]  }
0x266: {  	v4 =	vld.idx.msk [tilespmem:v4+s3+$0x0], $0xffff  }
0x267: {  	p0 =	por !p0, !p0;
	s1 =	simm.s32 $0x1;
	v7 =	vld.idx.msk [tilespmem:v21+s3+$0x0], $0xffff;
	[tilespmem:s8+$0xC0D0] =	vst v5  }
0x268: {  	s1 =	simm.s32 @!p0 $0x0;
	[tilespmem:s21+$0xC080] =	vst v2;
	v24 =	vld.idx.msk [tilespmem:v22+s3+$0x0], $0xffff  }
0x269: {  	s1 =	sshll.u32 s1, $0x9;
	[tilespmem:s8+$0xC150] =	vst v9;
	v5 =	vld [tilespmem:s8+$0x4170]  }
0x26a: {  	s13 =	sor.u32 $0x420, s2;
	s1 =	sadd.s32 $0x400, s1;
	[tilespmem:s22+$0xC080] =	vst v1;
	v8 =	vld.idx.msk [tilespmem:v8+s3+$0x0], $0xffff  }
0x26b: {  	s14 =	sor.u32 $0x420, s7;
	s12 =	sadd.s32 $0x180, s1;
	[tilespmem:s8+$0xC270] =	vst v4;
	v4 =	vld [tilespmem:s13+$0x4080]  }
0x26c: {  	s30 =	sor.u32 $0x400, s12;
	[tilespmem:s8+$0xC1D0] =	vst v7;
	v7 =	vld [tilespmem:s14+$0x4080]  }
0x26d: {  	v2 =	vld [tilespmem:s30+$0x4080];
	[tilespmem:s8+$0xC0E0] =	vst v24  }
0x26e: {  	v6 =	vld.idx.msk [tilespmem:v6+s3+$0x0], $0xffff  }
0x26f: {  	v0 =	vld.idx.msk [tilespmem:v0+s3+$0x0], $0xffff  }
0x270: {  	v1 =	vld.idx.msk [tilespmem:v23+s3+$0x0], $0xffff;
	[tilespmem:s8+$0xC160] =	vst v8  }
0x271: {  	s18 =	sor.u32 $0x420, s0;
	[tilespmem:s24+$0xC080] =	vst v3;
	v3 =	vld.idx.msk [tilespmem:v5+s3+$0x0], $0xffff  }
0x272: {  	v5 =	vld [tilespmem:s18+$0x4080]  }
0x273: {  	s15 =	sor.u32 $0x400, s1;
	[tilespmem:s8+$0xC0F0] =	vst v6;
	v4 =	vld.idx.msk [tilespmem:v4+s3+$0x0], $0xffff  }
0x274: {  	v6 =	vld [tilespmem:s15+$0x4080]  }
0x275: {  	v7 =	vld.idx.msk [tilespmem:v7+s3+$0x0], $0xffff  }
0x276: {  	s4 =	sadd.s32 $0x80, s1;
	[tilespmem:s8+$0xC1E0] =	vst v1;
	v1 =	vld.idx.msk [tilespmem:v2+s3+$0x0], $0xffff  }
0x277: {  	s16 =	sor.u32 $0x400, s4;
	[tilespmem:s8+$0xC170] =	vst v3;
	v2 =	vld.idx.msk [tilespmem:v25+s3+$0x0], $0xffff  }
0x278: {  	s5 =	sor.u32 $0x438, s5;
	[tilespmem:s29+$0xC080] =	vst v0;
	v3 =	vld [tilespmem:s16+$0x4080]  }
0x279: {  	s20 =	sor.u32 $0x430, s2;
	[tilespmem:s13+$0xC080] =	vst v4;
	v4 =	vld [tilespmem:s5+$0x4080]  }
0x27a: {  	[tilespmem:s14+$0xC080] =	vst v7;
	v0 =	vld [tilespmem:s20+$0x4080]  }
0x27b: {  	s21 =	sor.u32 $0x430, s7;
	[tilespmem:s30+$0xC080] =	vst v1;
	v1 =	vld.idx.msk [tilespmem:v5+s3+$0x0], $0xffff  }
0x27c: {  	v7 =	vld [tilespmem:s21+$0x4080]  }
0x27d: {  	s6 =	sadd.s32 $0x100, s1;
	s17 =	sor.u32 $0x410, s12;
	v6 =	vld.idx.msk [tilespmem:v6+s3+$0x0], $0xffff  }
0x27e: {  	s19 =	sor.u32 $0x400, s6;
	[tilespmem:s8+$0xC1F0] =	vst v2;
	v2 =	vld [tilespmem:s17+$0x4080]  }
0x27f: {  	v5 =	vld [tilespmem:s19+$0x4080]  }
0x280: {  	s8 =	sor.u32 $0x430, s0;
	v3 =	vld.idx.msk [tilespmem:v3+s3+$0x0], $0xffff;
	[tilespmem:s18+$0xC080] =	vst v1  }
0x281: {  	v1 =	vld [tilespmem:s8+$0x4080]  }
0x282: {  	s22 =	sor.u32 $0x410, s1;
	[tilespmem:s15+$0xC080] =	vst v6;
	v6 =	vld.idx.msk [tilespmem:v0+s3+$0x0], $0xffff  }
0x283: {  	v8 =	vld [tilespmem:s22+$0x4080]  }
0x284: {  	v7 =	vld.idx.msk [tilespmem:v7+s3+$0x0], $0xffff  }
0x285: {  	s26 =	simm.s32 $0x400;
	v0 =	vld.idx.msk [tilespmem:v4+s3+$0x0], $0xffff  }
0x286: {  	s23 =	sor.u32 $0x410, s4;
	s29 =	simm.s32 $0x800;
	s15 =	sor.u32 $0x438, s2;
	v2 =	vld.idx.msk [tilespmem:v2+s3+$0x0], $0xffff  }
0x287: {  	s2 =	sand.u32 $0x200, s26;
	[tilespmem:s16+$0xC080] =	vst v3;
	s16 =	sor.u32 $0x438, s7;
	s7 =	sand.u32 $0x3800, s29;
	v5 =	vld.idx.msk [tilespmem:v5+s3+$0x0], $0xffff  }
0x288: {  	v3 =	vld [tilespmem:s23+$0x4080];
	s2 =	sor.u32 s2, s7  }
0x289: {  	v27 =	vld [tilespmem:s2+$0x4080]  }
0x28a: {  	v28 =	vld [tilespmem:s2+$0x4100]  }
0x28b: {  	v29 =	vld [tilespmem:s2+$0x4180]  }
0x28c: {  	v30 =	vld [tilespmem:s2+$0x4090]  }
0x28d: {  	v13 =	vld [tilespmem:s2+$0x4110]  }
0x28e: {  	v14 =	vld [tilespmem:s2+$0x4210]  }
0x28f: {  	v15 =	vld [tilespmem:s2+$0x4190]  }
0x290: {  	v32 =	vld [tilespmem:s2+$0x40A0]  }
0x291: {  	v33 =	vld [tilespmem:s2+$0x4120]  }
0x292: {  	v34 =	vld [tilespmem:s2+$0x4230]  }
0x293: {  	v35 =	vld [tilespmem:s2+$0x41A0]  }
0x294: {  	v36 =	vld [tilespmem:s2+$0x40B0]  }
0x295: {  	v16 =	vld [tilespmem:s2+$0x4240]  }
0x296: {  	v38 =	vld [tilespmem:s2+$0x4130]  }
0x297: {  	v39 =	vld [tilespmem:s2+$0x41B0]  }
0x298: {  	v41 =	vld [tilespmem:s2+$0x40C0]  }
0x299: {  	v42 =	vld [tilespmem:s2+$0x4140]  }
0x29a: {  	[tilespmem:s21+$0xC080] =	vst v7;
	v7 =	vld [tilespmem:s2+$0x4200]  }
0x29b: {  	v43 =	vld [tilespmem:s2+$0x41C0]  }
0x29c: {  	v44 =	vld [tilespmem:s2+$0x4260]  }
0x29d: {  	v45 =	vld [tilespmem:s2+$0x40D0]  }
0x29e: {  	v46 =	vld [tilespmem:s2+$0x4150]  }
0x29f: {  	v48 =	vld [tilespmem:s2+$0x41D0]  }
0x2a0: {  	v49 =	vld [tilespmem:s2+$0x40E0]  }
0x2a1: {  	v50 =	vld [tilespmem:s2+$0x4160]  }
0x2a2: {  	v7 =	vld.idx.msk [tilespmem:v7+s3+$0x0], $0xffff  }
0x2a3: {  	v51 =	vld [tilespmem:s2+$0x41E0]  }
0x2a4: {  	v52 =	vld [tilespmem:s2+$0x40F0]  }
0x2a5: {  	v53 =	vld [tilespmem:s2+$0x4170]  }
0x2a6: {  	v9 =	vld.idx.msk [tilespmem:v27+s3+$0x0], $0xffff  }
0x2a7: {  	[tilespmem:s2+$0xC200] =	vst v7;
	v7 =	vld [tilespmem:s2+$0x4220]  }
0x2a8: {  	v10 =	vld.idx.msk [tilespmem:v28+s3+$0x0], $0xffff  }
0x2a9: {  	v31 =	vld.idx.msk [tilespmem:v14+s3+$0x0], $0xffff  }
0x2aa: {  	[tilespmem:s20+$0xC080] =	vst v6;
	v4 =	vld.idx.msk [tilespmem:v1+s3+$0x0], $0xffff  }
0x2ab: {  	[tilespmem:s17+$0xC080] =	vst v2;
	v2 =	vld [tilespmem:s15+$0x4080]  }
0x2ac: {  	v11 =	vld.idx.msk [tilespmem:v29+s3+$0x0], $0xffff;
	[tilespmem:s2+$0xC080] =	vst v9  }
0x2ad: {  	[tilespmem:s2+$0xC100] =	vst v10;
	v12 =	vld.idx.msk [tilespmem:v30+s3+$0x0], $0xffff  }
0x2ae: {  	v10 =	vld.idx.msk [tilespmem:v13+s3+$0x0], $0xffff;
	[tilespmem:s2+$0xC210] =	vst v31  }
0x2af: {  	v7 =	vld.idx.msk [tilespmem:v7+s3+$0x0], $0xffff  }
0x2b0: {  	s24 =	sor.u32 $0x420, s12;
	[tilespmem:s19+$0xC080] =	vst v5;
	v1 =	vld [tilespmem:s16+$0x4080]  }
0x2b1: {  	v5 =	vld [tilespmem:s24+$0x4080];
	[tilespmem:s2+$0xC180] =	vst v11  }
0x2b2: {  	v11 =	vld.idx.msk [tilespmem:v15+s3+$0x0], $0xffff;
	[tilespmem:s2+$0xC090] =	vst v12  }
0x2b3: {  	[tilespmem:s2+$0xC110] =	vst v10;
	v13 =	vld.idx.msk [tilespmem:v32+s3+$0x0], $0xffff  }
0x2b4: {  	v37 =	vld.idx.msk [tilespmem:v33+s3+$0x0], $0xffff;
	[tilespmem:s2+$0xC220] =	vst v7  }
0x2b5: {  	s25 =	sor.u32 $0x410, s6;
	v7 =	vld.idx.msk [tilespmem:v34+s3+$0x0], $0xffff  }
0x2b6: {  	v26 =	vld [tilespmem:s25+$0x4080]  }
0x2b7: {  	v6 =	vld.idx.msk [tilespmem:v8+s3+$0x0], $0xffff;
	[tilespmem:s2+$0xC190] =	vst v11  }
0x2b8: {  	v11 =	vld.idx.msk [tilespmem:v35+s3+$0x0], $0xffff;
	[tilespmem:s2+$0xC0A0] =	vst v13  }
0x2b9: {  	[tilespmem:s2+$0xC120] =	vst v37;
	v12 =	vld.idx.msk [tilespmem:v36+s3+$0x0], $0xffff  }
0x2ba: {  	[tilespmem:s2+$0xC230] =	vst v7;
	v7 =	vld [tilespmem:s2+$0x4250]  }
0x2bb: {  	v10 =	vld.idx.msk [tilespmem:v38+s3+$0x0], $0xffff  }
0x2bc: {  	v40 =	vld.idx.msk [tilespmem:v16+s3+$0x0], $0xffff  }
0x2bd: {  	s31 =	sor.u32 $0x438, s0;
	v8 =	vld.idx.msk [tilespmem:v3+s3+$0x0], $0xffff;
	[tilespmem:s8+$0xC080] =	vst v4  }
0x2be: {  	v58 =	vld [tilespmem:s31+$0x4080];
	[tilespmem:s2+$0xC1A0] =	vst v11  }
0x2bf: {  	v13 =	vld.idx.msk [tilespmem:v39+s3+$0x0], $0xffff;
	[tilespmem:s2+$0xC0B0] =	vst v12  }
0x2c0: {  	[tilespmem:s2+$0xC130] =	vst v10;
	v15 =	vld.idx.msk [tilespmem:v41+s3+$0x0], $0xffff  }
0x2c1: {  	v9 =	vld.idx.msk [tilespmem:v42+s3+$0x0], $0xffff;
	[tilespmem:s2+$0xC240] =	vst v40  }
0x2c2: {  	s18 =	sor.u32 $0x420, s1;
	[tilespmem:s22+$0xC080] =	vst v6;
	v7 =	vld.idx.msk [tilespmem:v7+s3+$0x0], $0xffff  }
0x2c3: {  	v55 =	vld [tilespmem:s18+$0x4080]  }
0x2c4: {  	v59 =	vld.idx.msk [tilespmem:v2+s3+$0x0], $0xffff;
	[tilespmem:s2+$0xC1B0] =	vst v13  }
0x2c5: {  	v11 =	vld.idx.msk [tilespmem:v43+s3+$0x0], $0xffff;
	[tilespmem:s2+$0xC0C0] =	vst v15  }
0x2c6: {  	[tilespmem:s2+$0xC140] =	vst v9;
	v12 =	vld.idx.msk [tilespmem:v45+s3+$0x0], $0xffff  }
0x2c7: {  	[tilespmem:s2+$0xC250] =	vst v7;
	v7 =	vld [tilespmem:s2+$0x4270]  }
0x2c8: {  	v10 =	vld.idx.msk [tilespmem:v46+s3+$0x0], $0xffff  }
0x2c9: {  	v47 =	vld.idx.msk [tilespmem:v44+s3+$0x0], $0xffff  }
0x2ca: {  	[tilespmem:s23+$0xC080] =	vst v8;
	v3 =	vld.idx.msk [tilespmem:v5+s3+$0x0], $0xffff  }
0x2cb: {  	v5 =	vld.idx.msk [tilespmem:v26+s3+$0x0], $0xffff;
	[tilespmem:s2+$0xC1C0] =	vst v11  }
0x2cc: {  	v14 =	vld.idx.msk [tilespmem:v48+s3+$0x0], $0xffff;
	[tilespmem:s2+$0xC0D0] =	vst v12  }
0x2cd: {  	[tilespmem:s2+$0xC150] =	vst v10;
	v54 =	vld.idx.msk [tilespmem:v49+s3+$0x0], $0xffff  }
0x2ce: {  	p0 =	por !p0, !p0;
	v9 =	vld.idx.msk [tilespmem:v50+s3+$0x0], $0xffff;
	[tilespmem:s2+$0xC260] =	vst v47  }
0x2cf: {  	s30 =	sor.u32 $0x430, s12;
	s7 =	sor.u32 $0x438, s12;
	s12 =	simm.s32 $0x1;
	[tilespmem:s24+$0xC080] =	vst v3;
	v7 =	vld.idx.msk [tilespmem:v7+s3+$0x0], $0xffff  }
0x2d0: {  	s12 =	simm.s32 @!p0 $0x0;
	s21 =	sor.u32 $0x420, s6;
	[tilespmem:s25+$0xC080] =	vst v5;
	v3 =	vld [tilespmem:s30+$0x4080]  }
0x2d1: {  	s12 =	sshll.u32 s12, $0x9;
	v4 =	vld [tilespmem:s21+$0x4080];
	[tilespmem:s2+$0xC1D0] =	vst v14  }
0x2d2: {  	s17 =	sadd.s32 $0x800, s12;
	v8 =	vld.idx.msk [tilespmem:v51+s3+$0x0], $0xffff;
	[tilespmem:s2+$0xC0E0] =	vst v54  }
0x2d3: {  	s14 =	sadd.s32 $0x180, s17;
	[tilespmem:s2+$0xC160] =	vst v9;
	v57 =	vld.idx.msk [tilespmem:v52+s3+$0x0], $0xffff  }
0x2d4: {  	s13 =	sor.u32 $0x400, s14;
	v5 =	vld.idx.msk [tilespmem:v53+s3+$0x0], $0xffff;
	[tilespmem:s2+$0xC270] =	vst v7  }
0x2d5: {  	v6 =	vld [tilespmem:s13+$0x4080]  }
0x2d6: {  	s20 =	sor.u32 $0x420, s4;
	v7 =	vld [tilespmem:s2+$0x41F0]  }
0x2d7: {  	v56 =	vld [tilespmem:s20+$0x4080];
	[tilespmem:s2+$0xC1E0] =	vst v8  }
0x2d8: {  	s19 =	sadd.s32 $0x80, s17;
	s22 =	sor.u32 $0x400, s17;
	v8 =	vld.idx.msk [tilespmem:v55+s3+$0x0], $0xffff;
	[tilespmem:s2+$0xC0F0] =	vst v57  }
0x2d9: {  	s26 =	sor.u32 $0x400, s19;
	[tilespmem:s2+$0xC170] =	vst v5;
	v9 =	vld [tilespmem:s22+$0x4080]  }
0x2da: {  	v5 =	vld [tilespmem:s26+$0x4080]  }
0x2db: {  	v3 =	vld.idx.msk [tilespmem:v3+s3+$0x0], $0xffff  }
0x2dc: {  	v4 =	vld.idx.msk [tilespmem:v4+s3+$0x0], $0xffff  }
0x2dd: {  	v6 =	vld.idx.msk [tilespmem:v6+s3+$0x0], $0xffff  }
0x2de: {  	v7 =	vld.idx.msk [tilespmem:v7+s3+$0x0], $0xffff  }
0x2df: {  	s24 =	sor.u32 $0x430, s1;
	v10 =	vld.idx.msk [tilespmem:v56+s3+$0x0], $0xffff;
	[tilespmem:s18+$0xC080] =	vst v8  }
0x2e0: {  	v8 =	vld [tilespmem:s24+$0x4080]  }
0x2e1: {  	[tilespmem:s30+$0xC080] =	vst v3;
	v2 =	vld.idx.msk [tilespmem:v9+s3+$0x0], $0xffff  }
0x2e2: {  	s29 =	sor.u32 $0x410, s14;
	s23 =	sadd.s32 $0x100, s17;
	v5 =	vld.idx.msk [tilespmem:v5+s3+$0x0], $0xffff;
	[tilespmem:s13+$0xC080] =	vst v6  }
0x2e3: {  	s30 =	sor.u32 $0x400, s23;
	[tilespmem:s2+$0xC1F0] =	vst v7;
	v6 =	vld [tilespmem:s29+$0x4080]  }
0x2e4: {  	v7 =	vld [tilespmem:s30+$0x4080]  }
0x2e5: {  	v62 =	vld.idx.msk [tilespmem:v1+s3+$0x0], $0xffff  }
0x2e6: {  	s25 =	sor.u32 $0x430, s4;
	v3 =	vld [tilespmem:s7+$0x4080];
	[tilespmem:s20+$0xC080] =	vst v10  }
0x2e7: {  	s0 =	sor.u32 $0x430, s6;
	[tilespmem:s21+$0xC080] =	vst v4;
	v4 =	vld [tilespmem:s25+$0x4080]  }
0x2e8: {  	v60 =	vld [tilespmem:s0+$0x4080];
	[tilespmem:s22+$0xC080] =	vst v2  }
0x2e9: {  	s20 =	sor.u32 $0x410, s19;
	v2 =	vld.idx.msk [tilespmem:v8+s3+$0x0], $0xffff;
	[tilespmem:s26+$0xC080] =	vst v5  }
0x2ea: {  	v61 =	vld [tilespmem:s20+$0x4080]  }
0x2eb: {  	v6 =	vld.idx.msk [tilespmem:v6+s3+$0x0], $0xffff  }
0x2ec: {  	s21 =	sor.u32 $0x410, s17;
	v7 =	vld.idx.msk [tilespmem:v7+s3+$0x0], $0xffff  }
0x2ed: {  	v8 =	vld [tilespmem:s21+$0x4080]  }
0x2ee: {  	[tilespmem:s5+$0xC080] =	vst v0;
	v3 =	vld.idx.msk [tilespmem:v3+s3+$0x0], $0xffff  }
0x2ef: {  	v63 =	vld.idx.msk [tilespmem:v4+s3+$0x0], $0xffff;
	[tilespmem:s24+$0xC080] =	vst v2  }
0x2f0: {  	s28 =	sor.u32 $0x420, s14;
	v2 =	vld.idx.msk [tilespmem:v60+s3+$0x0], $0xffff;
	[tilespmem:s29+$0xC080] =	vst v6  }
0x2f1: {  	s1 =	sor.u32 $0x438, s1;
	s18 =	sor.u32 $0x410, s23;
	[tilespmem:s30+$0xC080] =	vst v7;
	v5 =	vld [tilespmem:s28+$0x4080]  }
0x2f2: {  	v4 =	vld [tilespmem:s18+$0x4080];
	[dreg:$0x4] =	wrdreg s1  }
0x2f3: {  	s5 =	sor.u32 $0x438, s4;
	s12 =	sor.u32 $0x420, s17;
	v1 =	vld [tilespmem:s1+$0x4080]  }
0x2f4: {  	s9 =	sor.u32 $0x430, s17;
	s10 =	sor.u32 $0x420, s19;
	s8 =	sor.u32 $0x430, s19;
	[tilespmem:s7+$0xC080] =	vst v3;
	v7 =	vld.idx.msk [tilespmem:v61+s3+$0x0], $0xffff  }
0x2f5: {  	s11 =	sor.u32 $0x420, s23;
	s4 =	sor.u32 $0x438, s6;
	s6 =	sor.u32 $0x438, s19;
	v6 =	vld.idx.msk [tilespmem:v8+s3+$0x0], $0xffff;
	[tilespmem:s25+$0xC080] =	vst v63  }
0x2f6: {  	s19 =	sor.u32 $0x438, s23;
	s22 =	sor.u32 $0x430, s23;
	s13 =	simm.s32 $0x8;
	[tilespmem:s15+$0xC080] =	vst v59;
	v3 =	vld.idx.msk [tilespmem:v58+s3+$0x0], $0xffff  }
0x2f7: {  	s1 =	sor.u32 $0x438, s17;
	[tilespmem:s16+$0xC080] =	vst v62;
	s15 =	simm.s32 $0x600;
	s16 =	simm.s32 $0xC00;
	v0 =	vld [tilespmem:s5+$0x4080]  }
.LBB2_4:
0x2f8: {  	s17 =	sand.u32 $0x3800, s16;
	s23 =	sand.u32 $0x200, s15  }
0x2f9: {  	s17 =	sor.u32 s23, s17;
	[tilespmem:s20+$0xC080] =	vst v7;
	v5 =	vld.idx.msk [tilespmem:v5+s3+$0x0], $0xffff  }
0x2fa: {  	[tilespmem:s0+$0xC080] =	vst v2;
	v7 =	vld [tilespmem:s17+$0x4100]  }
0x2fb: {  	v2 =	vld.idx.msk [tilespmem:v4+s3+$0x0], $0xffff  }
0x2fc: {  	[tilespmem:s21+$0xC080] =	vst v6;
	v4 =	vld [tilespmem:s17+$0x4200]  }
0x2fd: {  	v6 =	vld [tilespmem:s17+$0x4080]  }
0x2fe: {  	v8 =	vld [tilespmem:s17+$0x4180];
	[tilespmem:s31+$0xC080] =	vst v3  }
0x2ff: {  	s24 =	sor.u32 $0x430, s14;
	v3 =	vld [tilespmem:s17+$0x4090];
	[tilespmem:s28+$0xC080] =	vst v5  }
0x300: {  	[tilespmem:s18+$0xC080] =	vst v2;
	v2 =	vld [tilespmem:s24+$0x4080]  }
0x301: {  	v5 =	vld [tilespmem:s17+$0x4110]  }
0x302: {  	v9 =	vld [tilespmem:s17+$0x4210]  }
0x303: {  	v10 =	vld [tilespmem:s17+$0x4190]  }
0x304: {  	v4 =	vld.idx.msk [tilespmem:v4+s3+$0x0], $0xffff  }
0x305: {  	v7 =	vld.idx.msk [tilespmem:v7+s3+$0x0], $0xffff  }
0x306: {  	v6 =	vld.idx.msk [tilespmem:v6+s3+$0x0], $0xffff  }
0x307: {  	v8 =	vld.idx.msk [tilespmem:v8+s3+$0x0], $0xffff  }
0x308: {  	v2 =	vld.idx.msk [tilespmem:v2+s3+$0x0], $0xffff  }
0x309: {  	[tilespmem:s17+$0xC200] =	vst v4;
	v4 =	vld [tilespmem:s17+$0x4220]  }
0x30a: {  	[tilespmem:s17+$0xC100] =	vst v7;
	v7 =	vld [tilespmem:s17+$0x40A0]  }
0x30b: {  	[tilespmem:s17+$0xC080] =	vst v6;
	v6 =	vld.idx.msk [tilespmem:v9+s3+$0x0], $0xffff  }
0x30c: {  	v3 =	vld.idx.msk [tilespmem:v3+s3+$0x0], $0xffff  }
0x30d: {  	v5 =	vld.idx.msk [tilespmem:v5+s3+$0x0], $0xffff;
	[tilespmem:s17+$0xC180] =	vst v8  }
0x30e: {  	s25 =	sor.u32 $0x438, s14;
	v8 =	vld [tilespmem:s17+$0x4120];
	[tilespmem:s24+$0xC080] =	vst v2  }
0x30f: {  	v2 =	vld [tilespmem:s25+$0x4080]  }
0x310: {  	[tilespmem:s17+$0xC210] =	vst v6;
	v6 =	vld [tilespmem:s17+$0x4230]  }
0x311: {  	[tilespmem:s17+$0xC090] =	vst v3;
	v3 =	vld.idx.msk [tilespmem:v4+s3+$0x0], $0xffff  }
0x312: {  	v4 =	vld.idx.msk [tilespmem:v10+s3+$0x0], $0xffff  }
0x313: {  	v57 =	vld [tilespmem:s17+$0x40B0]  }
0x314: {  	[tilespmem:s17+$0xC110] =	vst v5;
	v5 =	vld [tilespmem:s17+$0x41A0]  }
0x315: {  	v58 =	vld [tilespmem:s17+$0x4240]  }
0x316: {  	v7 =	vld.idx.msk [tilespmem:v7+s3+$0x0], $0xffff;
	[tilespmem:s17+$0xC220] =	vst v3  }
0x317: {  	[tilespmem:s17+$0xC190] =	vst v4;
	v4 =	vld.idx.msk [tilespmem:v8+s3+$0x0], $0xffff  }
0x318: {  	v2 =	vld.idx.msk [tilespmem:v2+s3+$0x0], $0xffff  }
0x319: {  	v3 =	vld.idx.msk [tilespmem:v6+s3+$0x0], $0xffff  }
0x31a: {  	v6 =	vld [tilespmem:s17+$0x4130]  }
0x31b: {  	v59 =	vld [tilespmem:s17+$0x4140]  }
0x31c: {  	[tilespmem:s17+$0xC0A0] =	vst v7;
	v7 =	vld [tilespmem:s17+$0x41B0]  }
0x31d: {  	v5 =	vld.idx.msk [tilespmem:v5+s3+$0x0], $0xffff  }
0x31e: {  	v8 =	vld.idx.msk [tilespmem:v57+s3+$0x0], $0xffff;
	[tilespmem:s17+$0xC120] =	vst v4  }
0x31f: {  	v4 =	vld [tilespmem:s17+$0x40C0];
	[tilespmem:s25+$0xC080] =	vst v2  }
0x320: {  	[tilespmem:s17+$0xC230] =	vst v3;
	v2 =	vld [tilespmem:s17+$0x4250]  }
0x321: {  	v3 =	vld.idx.msk [tilespmem:v58+s3+$0x0], $0xffff  }
0x322: {  	[tilespmem:s17+$0xC1A0] =	vst v5;
	v5 =	vld.idx.msk [tilespmem:v6+s3+$0x0], $0xffff  }
0x323: {  	v6 =	vld [tilespmem:s17+$0x41C0]  }
0x324: {  	[tilespmem:s17+$0xC0B0] =	vst v8;
	v8 =	vld [tilespmem:s17+$0x40D0]  }
0x325: {  	v7 =	vld.idx.msk [tilespmem:v7+s3+$0x0], $0xffff  }
0x326: {  	v60 =	vld [tilespmem:s17+$0x4150]  }
0x327: {  	v4 =	vld.idx.msk [tilespmem:v4+s3+$0x0], $0xffff  }
0x328: {  	[tilespmem:s17+$0xC240] =	vst v3;
	v3 =	vld [tilespmem:s17+$0x4260]  }
0x329: {  	[tilespmem:s17+$0xC130] =	vst v5;
	v2 =	vld.idx.msk [tilespmem:v2+s3+$0x0], $0xffff  }
0x32a: {  	[tilespmem:s17+$0xC1B0] =	vst v7;
	v5 =	vld.idx.msk [tilespmem:v59+s3+$0x0], $0xffff  }
0x32b: {  	v6 =	vld.idx.msk [tilespmem:v6+s3+$0x0], $0xffff  }
0x32c: {  	[tilespmem:s17+$0xC0C0] =	vst v4;
	v4 =	vld [tilespmem:s17+$0x41D0]  }
0x32d: {  	v7 =	vld.idx.msk [tilespmem:v8+s3+$0x0], $0xffff  }
0x32e: {  	[tilespmem:s17+$0xC250] =	vst v2;
	v2 =	vld [tilespmem:s17+$0x4270]  }
0x32f: {  	[tilespmem:s17+$0xC140] =	vst v5;
	v5 =	vld [tilespmem:s17+$0x40E0]  }
0x330: {  	v3 =	vld.idx.msk [tilespmem:v3+s3+$0x0], $0xffff  }
0x331: {  	v8 =	vld [tilespmem:s17+$0x4160]  }
0x332: {  	v61 =	vld [tilespmem:s17+$0x41E0]  }
0x333: {  	[tilespmem:s17+$0xC1C0] =	vst v6;
	v6 =	vld.idx.msk [tilespmem:v60+s3+$0x0], $0xffff  }
0x334: {  	[tilespmem:s17+$0xC0D0] =	vst v7;
	v7 =	vld [tilespmem:s17+$0x4170]  }
0x335: {  	[tilespmem:s17+$0xC260] =	vst v3;
	v3 =	vld [tilespmem:s17+$0x40F0]  }
0x336: {  	v4 =	vld.idx.msk [tilespmem:v4+s3+$0x0], $0xffff  }
0x337: {  	v2 =	vld.idx.msk [tilespmem:v2+s3+$0x0], $0xffff  }
0x338: {  	[tilespmem:s17+$0xC150] =	vst v6;
	v5 =	vld.idx.msk [tilespmem:v5+s3+$0x0], $0xffff  }
0x339: {  	p0 =	por !p0, !p0;
	s14 =	simm.s32 $0x1;
	v6 =	vld.idx.msk [tilespmem:v8+s3+$0x0], $0xffff  }
0x33a: {  	s14 =	simm.s32 @!p0 $0x0;
	v8 =	vld [tilespmem:s17+$0x41F0]  }
0x33b: {  	s14 =	sshll.u32 s14, $0x9;
	[tilespmem:s17+$0xC1D0] =	vst v4;
	v4 =	vld [tilespmem:s12+$0x4080]  }
0x33c: {  	s30 =	sadd.s32 s14, s16;
	v9 =	vld.idx.msk [tilespmem:v61+s3+$0x0], $0xffff  }
0x33d: {  	s7 =	smov.u32 s22;
	s14 =	sadd.s32 $0x180, s30;
	[tilespmem:s17+$0xC0E0] =	vst v5;
	v5 =	vld [tilespmem:s10+$0x4080]  }
0x33e: {  	s22 =	smov.u32 s4;
	[dreg:$0x14] =	wrdreg s7;
	s4 =	sor.u32 $0x400, s14;
	[tilespmem:s17+$0xC270] =	vst v2;
	v3 =	vld.idx.msk [tilespmem:v3+s3+$0x0], $0xffff  }
0x33f: {  	[dreg:$0x1c] =	wrdreg s22;
	s23 =	smov.u32 s19;
	s31 =	sadd.s32 $0x100, s30;
	[tilespmem:s17+$0xC160] =	vst v6;
	v2 =	vld [tilespmem:s4+$0x4080]  }
0x340: {  	s7 =	sor.u32 $0x420, s31;
	s22 =	sor.u32 $0x430, s31;
	s19 =	sor.u32 $0x438, s31;
	v6 =	vld.idx.msk [tilespmem:v7+s3+$0x0], $0xffff  }
0x341: {  	s18 =	sor.u32 $0x410, s31;
	s25 =	sor.u32 $0x400, s31;
	s31 =	rddreg [dreg:$0x1c]  }
0x342: {  	v62 =	vld [tilespmem:s31+$0x4080]  }
0x343: {  	v7 =	vld [tilespmem:s11+$0x4080];
	[tilespmem:s17+$0xC0F0] =	vst v3  }
0x344: {  	s26 =	sadd.s32 $0x80, s30;
	[tilespmem:s17+$0xC1E0] =	vst v9;
	v3 =	vld.idx.msk [tilespmem:v4+s3+$0x0], $0xffff  }
0x345: {  	s24 =	sor.u32 $0x400, s26;
	v8 =	vld.idx.msk [tilespmem:v8+s3+$0x0], $0xffff;
	[tilespmem:s17+$0xC170] =	vst v6  }
0x346: {  	v6 =	vld [tilespmem:s24+$0x4080]  }
0x347: {  	s28 =	sor.u32 $0x400, s30;
	v2 =	vld.idx.msk [tilespmem:v2+s3+$0x0], $0xffff  }
0x348: {  	v4 =	vld [tilespmem:s28+$0x4080]  }
0x349: {  	v5 =	vld.idx.msk [tilespmem:v5+s3+$0x0], $0xffff;
	[tilespmem:s12+$0xC080] =	vst v3  }
0x34a: {  	v3 =	vld [tilespmem:s9+$0x4080]  }
0x34b: {  	v1 =	vld.idx.msk [tilespmem:v1+s3+$0x0], $0xffff  }
0x34c: {  	[tilespmem:s4+$0xC080] =	vst v2;
	s4 =	sor.u32 $0x410, s14;
	v2 =	vld.idx.msk [tilespmem:v7+s3+$0x0], $0xffff  }
0x34d: {  	[tilespmem:s17+$0xC1F0] =	vst v8;
	v7 =	vld [tilespmem:s4+$0x4080]  }
0x34e: {  	[tilespmem:s10+$0xC080] =	vst v5;
	v8 =	vld [tilespmem:s25+$0x4080]  }
0x34f: {  	v5 =	vld.idx.msk [tilespmem:v6+s3+$0x0], $0xffff  }
0x350: {  	v4 =	vld.idx.msk [tilespmem:v4+s3+$0x0], $0xffff;
	_ =	sdelay $0x1  }
0x351: {  	s0 =	sor.u32 $0x420, s30;
	[tilespmem:s11+$0xC080] =	vst v2;
	s11 =	smov.u32 s7;
	s7 =	rddreg [dreg:$0x4]  }
0x352: {  	s12 =	smov.u32 s0;
	s0 =	rddreg [dreg:$0x14];
	v2 =	vld [tilespmem:s8+$0x4080];
	[tilespmem:s7+$0xC080] =	vst v1  }
0x353: {  	s20 =	sor.u32 $0x410, s26;
	v6 =	vld [tilespmem:s0+$0x4080];
	[tilespmem:s24+$0xC080] =	vst v5  }
0x354: {  	[tilespmem:s28+$0xC080] =	vst v4;
	v63 =	vld [tilespmem:s20+$0x4080]  }
0x355: {  	v1 =	vld.idx.msk [tilespmem:v3+s3+$0x0], $0xffff  }
0x356: {  	v7 =	vld.idx.msk [tilespmem:v7+s3+$0x0], $0xffff  }
0x357: {  	s21 =	sor.u32 $0x410, s30;
	v8 =	vld.idx.msk [tilespmem:v8+s3+$0x0], $0xffff  }
0x358: {  	v3 =	vld [tilespmem:s21+$0x4080]  }
0x359: {  	v0 =	vld.idx.msk [tilespmem:v0+s3+$0x0], $0xffff  }
0x35a: {  	s17 =	smov.u32 s1;
	v11 =	vld.idx.msk [tilespmem:v2+s3+$0x0], $0xffff;
	[tilespmem:s9+$0xC080] =	vst v1  }
0x35b: {  	s28 =	sor.u32 $0x420, s14;
	[tilespmem:s4+$0xC080] =	vst v7;
	v1 =	vld [tilespmem:s17+$0x4080]  }
0x35c: {  	s13 =	sadd.s32 $0x4, s13;
	s2 =	smov.u32 s6;
	[tilespmem:s25+$0xC080] =	vst v8;
	v5 =	vld [tilespmem:s28+$0x4080]  }
0x35d: {  	s15 =	sadd.s32 $0x200, s15;
	p1 =	slt.u32 s13, $0x3C;
	[dreg:$0xc] =	wrdreg s23;
	v4 =	vld [tilespmem:s18+$0x4080]  }
.Ltmp1:
0x35e: {  	s16 =	sadd.s32 $0x400, s16;
	s29 =	sor.u32 $0x430, s30;
	[tilespmem:s5+$0xC080] =	vst v0;
	v2 =	vld.idx.msk [tilespmem:v6+s3+$0x0], $0xffff;
	(pc) =	sbr.rel @p1 .LBB2_4-.Ltmp1, $4  }
0x35f: {  	s6 =	sor.u32 $0x420, s26;
	s23 =	sor.u32 $0x430, s26;
	s26 =	sor.u32 $0x438, s26;
	v7 =	vld.idx.msk [tilespmem:v63+s3+$0x0], $0xffff  }
0x360: {  	s30 =	sor.u32 $0x438, s30;
	s10 =	smov.u32 s6;
	s6 =	smov.u32 s26;
	v6 =	vld.idx.msk [tilespmem:v3+s3+$0x0], $0xffff  }
0x361: {  	s1 =	smov.u32 s30;
	[dreg:$0x4] =	wrdreg s17;
	s5 =	smov.u32 s2;
	v3 =	vld.idx.msk [tilespmem:v62+s3+$0x0], $0xffff;
	[tilespmem:s8+$0xC080] =	vst v11  }
0x362: {  	s9 =	smov.u32 s29;
	s4 =	rddreg [dreg:$0xc];
	s8 =	smov.u32 s23;
	v0 =	vld [tilespmem:s5+$0x4080]  }
0x363: {  	_ =	sdelay $0x3  }
0x364: {  	v4 =	vld.idx.msk [tilespmem:v4+s3+$0x0], $0xffff;
	_ =	sdelay $0x2  }
0x365: {  	v5 =	vld.idx.msk [tilespmem:v5+s3+$0x0], $0xffff;
	[tilespmem:s21+$0xC080] =	vst v6  }
0x366: {  	[tilespmem:s20+$0xC080] =	vst v7;
	v6 =	vld [tilespmem:s12+$0x4080]  }
0x367: {  	[tilespmem:s18+$0xC080] =	vst v4;
	v4 =	vld [tilespmem:s10+$0x4080]  }
0x368: {  	v7 =	vld [tilespmem:s11+$0x4080];
	_ =	sdelay $0x1  }
0x369: {  	s30 =	sor.u32 $0x430, s14;
	[tilespmem:s28+$0xC080] =	vst v5  }
0x36a: {  	v5 =	vld [tilespmem:s30+$0x4080];
	_ =	sdelay $0x2  }
0x36b: {  	v6 =	vld.idx.msk [tilespmem:v6+s3+$0x0], $0xffff  }
0x36c: {  	v4 =	vld.idx.msk [tilespmem:v4+s3+$0x0], $0xffff  }
0x36d: {  	v7 =	vld.idx.msk [tilespmem:v7+s3+$0x0], $0xffff;
	_ =	sdelay $0x2  }
0x36e: {  	v5 =	vld.idx.msk [tilespmem:v5+s3+$0x0], $0xffff;
	[tilespmem:s12+$0xC080] =	vst v6  }
0x36f: {  	v6 =	vld [tilespmem:s9+$0x4080];
	[tilespmem:s10+$0xC080] =	vst v4  }
0x370: {  	[tilespmem:s11+$0xC080] =	vst v7;
	v4 =	vld [tilespmem:s8+$0x4080]  }
0x371: {  	v7 =	vld [tilespmem:s22+$0x4080];
	_ =	sdelay $0x3  }
0x372: {  	s7 =	sor.u32 $0x438, s14;
	[tilespmem:s30+$0xC080] =	vst v5  }
0x373: {  	v5 =	vld [tilespmem:s7+$0x4080]  }
0x374: {  	v6 =	vld.idx.msk [tilespmem:v6+s3+$0x0], $0xffff  }
0x375: {  	v4 =	vld.idx.msk [tilespmem:v4+s3+$0x0], $0xffff  }
0x376: {  	v7 =	vld.idx.msk [tilespmem:v7+s3+$0x0], $0xffff  }
0x377: {  	s2 =	smov.u32 s0  }
0x378: {  	[tilespmem:s2+$0xC080] =	vst v2  }
0x379: {  	v2 =	vld [tilespmem:s4+$0x4080];
	[tilespmem:s9+$0xC080] =	vst v6  }
0x37a: {  	v6 =	vld [tilespmem:s1+$0x4080];
	[tilespmem:s8+$0xC080] =	vst v4  }
0x37b: {  	v4 =	vld [tilespmem:s6+$0x4080];
	[tilespmem:s22+$0xC080] =	vst v7  }
0x37c: {  	v7 =	vld [tilespmem:s19+$0x4080]  }
0x37d: {  	v5 =	vld.idx.msk [tilespmem:v5+s3+$0x0], $0xffff;
	_ =	sdelay $0x1  }
0x37e: {  	v1 =	vld.idx.msk [tilespmem:v1+s3+$0x0], $0xffff  }
0x37f: {  	v0 =	vld.idx.msk [tilespmem:v0+s3+$0x0], $0xffff  }
0x380: {  	[tilespmem:s31+$0xC080] =	vst v3;
	v2 =	vld.idx.msk [tilespmem:v2+s3+$0x0], $0xffff  }
0x381: {  	[tilespmem:s7+$0xC080] =	vst v5;
	v3 =	vld.idx.msk [tilespmem:v6+s3+$0x0], $0xffff  }
0x382: {  	s0 =	rddreg [dreg:$0x4];
	v4 =	vld.idx.msk [tilespmem:v4+s3+$0x0], $0xffff  }
0x383: {  	[tilespmem:s0+$0xC080] =	vst v1;
	v1 =	vld.idx.msk [tilespmem:v7+s3+$0x0], $0xffff  }
0x384: {  	[tilespmem:s5+$0xC080] =	vst v0  }
0x385: {  	[tilespmem:s4+$0xC080] =	vst v2  }
0x386: {  	[tilespmem:s1+$0xC080] =	vst v3  }
0x387: {  	[tilespmem:s6+$0xC080] =	vst v4  }
0x388: {  	[tilespmem:s19+$0xC080] =	vst v1  }
0x389: {  	s1 =	sld [smem:$0x7F1];
	_ =	sdelay $0x1  }
0x38a: {  	s10 =	simm.s32 $0xC080;
	s9 =	simm.s32 $0x0;
	s11 =	sld [smem:$0x7F2]  }
0x38b: {  	[hbm4b:s1+s9] =	stream.linear.scatter [tilespmem:s10], [sflag:$0x4], $0x4000, $0x38;
	[tilespmem:$0x10080] =	vst v63  }
0x38c: {  	s13 =	simm.s32 $0x1;
	s12 =	simm.s32 $0x4080  }
0x38d: {  	[tilespmem:s12], [sflag:$0x2] =	stream.linear.gather [hbm4b:s11+s9], $0x4000, $0x38;
	[tilespmem:$0x10080] =	vst v63  }
0x38e: {  	_ =	swait.ge [sflag:s13], $0x4000  }
0x38f: {  	[sflag:s13] =	ssyncset.done $0x0  }
0x390: {  	s14 =	simm.s32 $0x3;
	[sflag:s13] =	ssyncadd.s32 $0xFFFFC000  }
0x391: {  	_ =	swait.ge [sflag:s14], $0x4000  }
0x392: {  	s15 =	sand.u32 $0x3800, s9;
	s0 =	sand.u32 $0x200, s9;
	[sflag:s14] =	ssyncset.done $0x0  }
0x393: {  	s1 =	sor.u32 s0, s15;
	[sflag:s14] =	ssyncadd.s32 $0xFFFFC000  }
0x394: {  	v0 =	vld [tilespmem:s1+$0x200]  }
0x395: {  	v1 =	vld [tilespmem:s1+$0x80]  }
0x396: {  	v2 =	vld [tilespmem:s1+$0x100]  }
0x397: {  	v3 =	vld [tilespmem:s1+$0x180]  }
0x398: {  	v4 =	vld [tilespmem:s1+$0x90]  }
0x399: {  	v5 =	vld [tilespmem:s1+$0x210]  }
0x39a: {  	s25 =	simm.s32 $0x200;
	s26 =	simm.s32 $0x400;
	v6 =	vld [tilespmem:s1+$0x110]  }
0x39b: {  	s8 =	sand.u32 $0x200, s25;
	s9 =	sand.u32 $0x3800, s26;
	v7 =	vld [tilespmem:s1+$0x220]  }
0x39c: {  	s8 =	sor.u32 s8, s9;
	v8 =	vld [tilespmem:s1+$0x190]  }
0x39d: {  	v9 =	vld [tilespmem:s8+$0x210]  }
0x39e: {  	v10 =	vld [tilespmem:s8+$0x110]  }
0x39f: {  	v11 =	vld [tilespmem:s8+$0x220]  }
0x3a0: {  	v12 =	vld [tilespmem:s8+$0x190]  }
0x3a1: {  	v60 =	vld [tilespmem:s8+$0x230]  }
0x3a2: {  	v61 =	vld [tilespmem:s8+$0x120]  }
0x3a3: {  	v63 =	vld [tilespmem:s8+$0x240]  }
0x3a4: {  	v16 =	vld [tilespmem:s8+$0x130]  }
0x3a5: {  	v18 =	vld [tilespmem:s8+$0xC0]  }
0x3a6: {  	v19 =	vld [tilespmem:s8+$0x260]  }
0x3a7: {  	v20 =	vld [tilespmem:s8+$0x150]  }
0x3a8: {  	v21 =	vld [tilespmem:s8+$0x1D0]  }
0x3a9: {  	v0 =	vld.idx.msk [tilespmem:v0+s3+$0x0], $0xffff  }
0x3aa: {  	v2 =	vld.idx.msk [tilespmem:v2+s3+$0x0], $0xffff  }
0x3ab: {  	v1 =	vld.idx.msk [tilespmem:v1+s3+$0x0], $0xffff  }
0x3ac: {  	v22 =	vld [tilespmem:s8+$0xE0]  }
0x3ad: {  	v23 =	vld [tilespmem:s8+$0x1E0]  }
0x3ae: {  	v3 =	vld.idx.msk [tilespmem:v3+s3+$0x0], $0xffff;
	[tilespmem:s1+$0x8200] =	vst v0  }
0x3af: {  	[tilespmem:s1+$0x8100] =	vst v2;
	v2 =	vld [tilespmem:s1+$0xA0]  }
0x3b0: {  	[tilespmem:s1+$0x8080] =	vst v1;
	v0 =	vld.idx.msk [tilespmem:v5+s3+$0x0], $0xffff  }
0x3b1: {  	v1 =	vld.idx.msk [tilespmem:v4+s3+$0x0], $0xffff  }
0x3b2: {  	v4 =	vld.idx.msk [tilespmem:v6+s3+$0x0], $0xffff  }
0x3b3: {  	v6 =	vld [tilespmem:s1+$0x120]  }
0x3b4: {  	[tilespmem:s1+$0x8180] =	vst v3;
	v3 =	vld [tilespmem:s1+$0x1A0]  }
0x3b5: {  	v5 =	vld [tilespmem:s1+$0x230];
	[tilespmem:s1+$0x8210] =	vst v0  }
0x3b6: {  	v0 =	vld.idx.msk [tilespmem:v7+s3+$0x0], $0xffff  }
0x3b7: {  	v7 =	vld.idx.msk [tilespmem:v8+s3+$0x0], $0xffff  }
0x3b8: {  	[tilespmem:s1+$0x8090] =	vst v1;
	v1 =	vld [tilespmem:s1+$0xB0]  }
0x3b9: {  	v8 =	vld [tilespmem:s1+$0x240]  }
0x3ba: {  	[tilespmem:s1+$0x8110] =	vst v4;
	v2 =	vld.idx.msk [tilespmem:v2+s3+$0x0], $0xffff  }
0x3bb: {  	v4 =	vld.idx.msk [tilespmem:v6+s3+$0x0], $0xffff;
	[tilespmem:s1+$0x8220] =	vst v0  }
0x3bc: {  	[tilespmem:s1+$0x8190] =	vst v7;
	v7 =	vld [tilespmem:s1+$0xC0]  }
0x3bd: {  	v0 =	vld.idx.msk [tilespmem:v5+s3+$0x0], $0xffff  }
0x3be: {  	v5 =	vld [tilespmem:s1+$0x130]  }
0x3bf: {  	v3 =	vld.idx.msk [tilespmem:v3+s3+$0x0], $0xffff  }
0x3c0: {  	[tilespmem:s1+$0x80A0] =	vst v2;
	v2 =	vld [tilespmem:s1+$0x1B0]  }
0x3c1: {  	v1 =	vld.idx.msk [tilespmem:v1+s3+$0x0], $0xffff  }
0x3c2: {  	[tilespmem:s1+$0x8120] =	vst v4;
	v4 =	vld [tilespmem:s1+$0x140]  }
0x3c3: {  	[tilespmem:s1+$0x8230] =	vst v0;
	v0 =	vld [tilespmem:s1+$0x250]  }
0x3c4: {  	[tilespmem:s1+$0x81A0] =	vst v3;
	v3 =	vld [tilespmem:s1+$0x1C0]  }
0x3c5: {  	v6 =	vld.idx.msk [tilespmem:v8+s3+$0x0], $0xffff  }
0x3c6: {  	[tilespmem:s1+$0x80B0] =	vst v1;
	v1 =	vld [tilespmem:s1+$0xD0]  }
0x3c7: {  	v7 =	vld.idx.msk [tilespmem:v7+s3+$0x0], $0xffff  }
0x3c8: {  	v5 =	vld.idx.msk [tilespmem:v5+s3+$0x0], $0xffff  }
0x3c9: {  	v2 =	vld.idx.msk [tilespmem:v2+s3+$0x0], $0xffff  }
0x3ca: {  	[tilespmem:s1+$0x8240] =	vst v6;
	v6 =	vld [tilespmem:s1+$0x260]  }
0x3cb: {  	v25 =	vld [tilespmem:s8+$0x1F0]  }
0x3cc: {  	v0 =	vld.idx.msk [tilespmem:v0+s3+$0x0], $0xffff  }
0x3cd: {  	[tilespmem:s1+$0x8130] =	vst v5;
	v5 =	vld [tilespmem:s1+$0x150]  }
0x3ce: {  	[tilespmem:s1+$0x81B0] =	vst v2;
	v4 =	vld.idx.msk [tilespmem:v4+s3+$0x0], $0xffff  }
0x3cf: {  	[tilespmem:s1+$0x80C0] =	vst v7;
	v2 =	vld.idx.msk [tilespmem:v3+s3+$0x0], $0xffff  }
0x3d0: {  	v1 =	vld.idx.msk [tilespmem:v1+s3+$0x0], $0xffff  }
0x3d1: {  	[tilespmem:s1+$0x8250] =	vst v0;
	v0 =	vld [tilespmem:s1+$0x270]  }
0x3d2: {  	v3 =	vld.idx.msk [tilespmem:v6+s3+$0x0], $0xffff  }
0x3d3: {  	v6 =	vld [tilespmem:s1+$0x1D0]  }
0x3d4: {  	[tilespmem:s1+$0x8140] =	vst v4;
	v4 =	vld [tilespmem:s1+$0x160]  }
0x3d5: {  	v7 =	vld [tilespmem:s1+$0xE0]  }
0x3d6: {  	v5 =	vld.idx.msk [tilespmem:v5+s3+$0x0], $0xffff  }
0x3d7: {  	v8 =	vld [tilespmem:s1+$0x1E0];
	[tilespmem:s1+$0x81C0] =	vst v2  }
0x3d8: {  	v2 =	vld [tilespmem:s1+$0xF0];
	[tilespmem:s1+$0x80D0] =	vst v1  }
0x3d9: {  	v1 =	vld [tilespmem:s1+$0x170];
	[tilespmem:s1+$0x8260] =	vst v3  }
0x3da: {  	p0 =	por $0x0, $0x0;
	s0 =	simm.s32 $0x1;
	v0 =	vld.idx.msk [tilespmem:v0+s3+$0x0], $0xffff  }
0x3db: {  	s0 =	simm.s32 @!p0 $0x0;
	[tilespmem:s1+$0x8150] =	vst v5;
	v3 =	vld.idx.msk [tilespmem:v6+s3+$0x0], $0xffff  }
0x3dc: {  	s0 =	sshll.u32 s0, $0x9;
	v4 =	vld.idx.msk [tilespmem:v4+s3+$0x0], $0xffff  }
0x3dd: {  	s2 =	sadd.s32 $0x0, s0;
	v6 =	vld.idx.msk [tilespmem:v7+s3+$0x0], $0xffff  }
0x3de: {  	s5 =	sadd.s32 $0x180, s2;
	v5 =	vld [tilespmem:s1+$0x1F0]  }
0x3df: {  	s16 =	sor.u32 $0x400, s5;
	v7 =	vld [tilespmem:s8+$0x180];
	[tilespmem:s1+$0x8270] =	vst v0  }
0x3e0: {  	v0 =	vld [tilespmem:s16+$0x80];
	[tilespmem:s1+$0x81D0] =	vst v3  }
0x3e1: {  	[tilespmem:s1+$0x8160] =	vst v4;
	v4 =	vld [tilespmem:s8+$0x200]  }
0x3e2: {  	[tilespmem:s1+$0x80E0] =	vst v6;
	v3 =	vld.idx.msk [tilespmem:v8+s3+$0x0], $0xffff  }
0x3e3: {  	v2 =	vld.idx.msk [tilespmem:v2+s3+$0x0], $0xffff  }
0x3e4: {  	v1 =	vld.idx.msk [tilespmem:v1+s3+$0x0], $0xffff  }
0x3e5: {  	v6 =	vld [tilespmem:s8+$0x100]  }
0x3e6: {  	v8 =	vld [tilespmem:s8+$0x90]  }
0x3e7: {  	v7 =	vld.idx.msk [tilespmem:v7+s3+$0x0], $0xffff;
	[tilespmem:s1+$0x81E0] =	vst v3  }
0x3e8: {  	s7 =	sadd.s32 $0x80, s2;
	s17 =	sor.u32 $0x400, s2;
	[tilespmem:s1+$0x80F0] =	vst v2;
	v3 =	vld.idx.msk [tilespmem:v5+s3+$0x0], $0xffff  }
0x3e9: {  	s18 =	sor.u32 $0x400, s7;
	[tilespmem:s1+$0x8170] =	vst v1;
	v2 =	vld [tilespmem:s17+$0x80]  }
0x3ea: {  	v1 =	vld [tilespmem:s18+$0x80]  }
0x3eb: {  	v5 =	vld [tilespmem:s8+$0x80]  }
0x3ec: {  	v4 =	vld.idx.msk [tilespmem:v4+s3+$0x0], $0xffff  }
0x3ed: {  	v6 =	vld.idx.msk [tilespmem:v6+s3+$0x0], $0xffff  }
0x3ee: {  	v0 =	vld.idx.msk [tilespmem:v0+s3+$0x0], $0xffff  }
0x3ef: {  	s0 =	sadd.s32 $0x100, s2;
	[tilespmem:s8+$0x8180] =	vst v7;
	v7 =	vld [tilespmem:s8+$0x1A0]  }
0x3f0: {  	s20 =	sor.u32 $0x400, s0;
	v62 =	vld.idx.msk [tilespmem:v12+s3+$0x0], $0xffff;
	[tilespmem:s1+$0x81F0] =	vst v3  }
0x3f1: {  	v3 =	vld [tilespmem:s20+$0x80];
	[tilespmem:s8+$0x8200] =	vst v4  }
0x3f2: {  	[tilespmem:s8+$0x8100] =	vst v6;
	v6 =	vld [tilespmem:s8+$0xA0]  }
0x3f3: {  	s19 =	sor.u32 $0x410, s5;
	[tilespmem:s16+$0x8080] =	vst v0;
	v4 =	vld.idx.msk [tilespmem:v9+s3+$0x0], $0xffff  }
0x3f4: {  	v0 =	vld [tilespmem:s19+$0x80]  }
0x3f5: {  	v2 =	vld.idx.msk [tilespmem:v2+s3+$0x0], $0xffff  }
0x3f6: {  	v5 =	vld.idx.msk [tilespmem:v5+s3+$0x0], $0xffff  }
0x3f7: {  	[tilespmem:s8+$0x8190] =	vst v62;
	v1 =	vld.idx.msk [tilespmem:v1+s3+$0x0], $0xffff  }
0x3f8: {  	v7 =	vld.idx.msk [tilespmem:v7+s3+$0x0], $0xffff;
	[tilespmem:s8+$0x8210] =	vst v4  }
0x3f9: {  	v4 =	vld.idx.msk [tilespmem:v11+s3+$0x0], $0xffff  }
0x3fa: {  	s21 =	sor.u32 $0x410, s2;
	[tilespmem:s17+$0x8080] =	vst v2;
	v3 =	vld.idx.msk [tilespmem:v3+s3+$0x0], $0xffff  }
0x3fb: {  	[tilespmem:s8+$0x8080] =	vst v5;
	v2 =	vld [tilespmem:s21+$0x80]  }
0x3fc: {  	s22 =	sor.u32 $0x410, s7;
	[tilespmem:s18+$0x8080] =	vst v1;
	v5 =	vld.idx.msk [tilespmem:v8+s3+$0x0], $0xffff  }
0x3fd: {  	v1 =	vld [tilespmem:s22+$0x80]  }
0x3fe: {  	v8 =	vld.idx.msk [tilespmem:v10+s3+$0x0], $0xffff  }
0x3ff: {  	[tilespmem:s8+$0x81A0] =	vst v7;
	v7 =	vld [tilespmem:s8+$0x1C0]  }
0x400: {  	v0 =	vld.idx.msk [tilespmem:v0+s3+$0x0], $0xffff;
	[tilespmem:s8+$0x8220] =	vst v4  }
0x401: {  	[tilespmem:s8+$0x8090] =	vst v5;
	v5 =	vld [tilespmem:s8+$0xB0]  }
0x402: {  	v4 =	vld.idx.msk [tilespmem:v60+s3+$0x0], $0xffff  }
0x403: {  	s24 =	sor.u32 $0x410, s0;
	[tilespmem:s20+$0x8080] =	vst v3;
	v6 =	vld.idx.msk [tilespmem:v6+s3+$0x0], $0xffff  }
0x404: {  	[tilespmem:s8+$0x8110] =	vst v8;
	v3 =	vld [tilespmem:s24+$0x80]  }
0x405: {  	s23 =	sor.u32 $0x420, s5;
	[tilespmem:s19+$0x8080] =	vst v0;
	v8 =	vld.idx.msk [tilespmem:v61+s3+$0x0], $0xffff  }
0x406: {  	v0 =	vld [tilespmem:s23+$0x80]  }
0x407: {  	[tilespmem:s8+$0x8230] =	vst v4;
	v4 =	vld [tilespmem:s8+$0x250]  }
0x408: {  	[tilespmem:s8+$0x80A0] =	vst v6;
	v6 =	vld [tilespmem:s8+$0x1B0]  }
0x409: {  	v17 =	vld.idx.msk [tilespmem:v63+s3+$0x0], $0xffff  }
0x40a: {  	v2 =	vld.idx.msk [tilespmem:v2+s3+$0x0], $0xffff  }
0x40b: {  	v1 =	vld.idx.msk [tilespmem:v1+s3+$0x0], $0xffff  }
0x40c: {  	[tilespmem:s8+$0x8120] =	vst v8;
	v8 =	vld [tilespmem:s8+$0x140]  }
0x40d: {  	v5 =	vld.idx.msk [tilespmem:v5+s3+$0x0], $0xffff  }
0x40e: {  	v9 =	vld.idx.msk [tilespmem:v16+s3+$0x0], $0xffff;
	[tilespmem:s8+$0x8240] =	vst v17  }
0x40f: {  	v4 =	vld.idx.msk [tilespmem:v4+s3+$0x0], $0xffff  }
0x410: {  	v6 =	vld.idx.msk [tilespmem:v6+s3+$0x0], $0xffff  }
0x411: {  	v0 =	vld.idx.msk [tilespmem:v0+s3+$0x0], $0xffff  }
0x412: {  	[tilespmem:s8+$0x80B0] =	vst v5;
	v5 =	vld [tilespmem:s8+$0xD0]  }
0x413: {  	[tilespmem:s8+$0x8130] =	vst v9;
	v11 =	vld.idx.msk [tilespmem:v18+s3+$0x0], $0xffff  }
0x414: {  	v8 =	vld.idx.msk [tilespmem:v8+s3+$0x0], $0xffff;
	[tilespmem:s8+$0x8250] =	vst v4  }
0x415: {  	v4 =	vld [tilespmem:s8+$0x270];
	[tilespmem:s8+$0x81B0] =	vst v6  }
0x416: {  	v6 =	vld.idx.msk [tilespmem:v7+s3+$0x0], $0xffff  }
0x417: {  	v7 =	vld.idx.msk [tilespmem:v19+s3+$0x0], $0xffff  }
0x418: {  	v3 =	vld.idx.msk [tilespmem:v3+s3+$0x0], $0xffff;
	[tilespmem:s8+$0x80C0] =	vst v11  }
0x419: {  	[tilespmem:s8+$0x8140] =	vst v8;
	v8 =	vld [tilespmem:s8+$0x160]  }
0x41a: {  	s29 =	sor.u32 $0x430, s5;
	[tilespmem:s23+$0x8080] =	vst v0;
	v5 =	vld.idx.msk [tilespmem:v5+s3+$0x0], $0xffff  }
0x41b: {  	v0 =	vld [tilespmem:s29+$0x80]  }
0x41c: {  	v9 =	vld.idx.msk [tilespmem:v20+s3+$0x0], $0xffff;
	[tilespmem:s8+$0x8260] =	vst v7  }
0x41d: {  	[tilespmem:s8+$0x81C0] =	vst v6;
	v6 =	vld [tilespmem:s8+$0xF0]  }
0x41e: {  	v4 =	vld.idx.msk [tilespmem:v4+s3+$0x0], $0xffff  }
0x41f: {  	p0 =	por !p0, !p0;
	s1 =	simm.s32 $0x1;
	v7 =	vld.idx.msk [tilespmem:v21+s3+$0x0], $0xffff;
	[tilespmem:s8+$0x80D0] =	vst v5  }
0x420: {  	s1 =	simm.s32 @!p0 $0x0;
	[tilespmem:s21+$0x8080] =	vst v2;
	v24 =	vld.idx.msk [tilespmem:v22+s3+$0x0], $0xffff  }
0x421: {  	s1 =	sshll.u32 s1, $0x9;
	[tilespmem:s8+$0x8150] =	vst v9;
	v5 =	vld [tilespmem:s8+$0x170]  }
0x422: {  	s13 =	sor.u32 $0x420, s2;
	s1 =	sadd.s32 $0x400, s1;
	[tilespmem:s22+$0x8080] =	vst v1;
	v8 =	vld.idx.msk [tilespmem:v8+s3+$0x0], $0xffff  }
0x423: {  	s14 =	sor.u32 $0x420, s7;
	s12 =	sadd.s32 $0x180, s1;
	[tilespmem:s8+$0x8270] =	vst v4;
	v4 =	vld [tilespmem:s13+$0x80]  }
0x424: {  	s30 =	sor.u32 $0x400, s12;
	[tilespmem:s8+$0x81D0] =	vst v7;
	v7 =	vld [tilespmem:s14+$0x80]  }
0x425: {  	v2 =	vld [tilespmem:s30+$0x80];
	[tilespmem:s8+$0x80E0] =	vst v24  }
0x426: {  	v6 =	vld.idx.msk [tilespmem:v6+s3+$0x0], $0xffff  }
0x427: {  	v0 =	vld.idx.msk [tilespmem:v0+s3+$0x0], $0xffff  }
0x428: {  	v1 =	vld.idx.msk [tilespmem:v23+s3+$0x0], $0xffff;
	[tilespmem:s8+$0x8160] =	vst v8  }
0x429: {  	s18 =	sor.u32 $0x420, s0;
	[tilespmem:s24+$0x8080] =	vst v3;
	v3 =	vld.idx.msk [tilespmem:v5+s3+$0x0], $0xffff  }
0x42a: {  	v5 =	vld [tilespmem:s18+$0x80]  }
0x42b: {  	s15 =	sor.u32 $0x400, s1;
	[tilespmem:s8+$0x80F0] =	vst v6;
	v4 =	vld.idx.msk [tilespmem:v4+s3+$0x0], $0xffff  }
0x42c: {  	v6 =	vld [tilespmem:s15+$0x80]  }
0x42d: {  	v7 =	vld.idx.msk [tilespmem:v7+s3+$0x0], $0xffff  }
0x42e: {  	s4 =	sadd.s32 $0x80, s1;
	[tilespmem:s8+$0x81E0] =	vst v1;
	v1 =	vld.idx.msk [tilespmem:v2+s3+$0x0], $0xffff  }
0x42f: {  	s16 =	sor.u32 $0x400, s4;
	[tilespmem:s8+$0x8170] =	vst v3;
	v2 =	vld.idx.msk [tilespmem:v25+s3+$0x0], $0xffff  }
0x430: {  	s5 =	sor.u32 $0x438, s5;
	[tilespmem:s29+$0x8080] =	vst v0;
	v3 =	vld [tilespmem:s16+$0x80]  }
0x431: {  	s20 =	sor.u32 $0x430, s2;
	[tilespmem:s13+$0x8080] =	vst v4;
	v4 =	vld [tilespmem:s5+$0x80]  }
0x432: {  	[tilespmem:s14+$0x8080] =	vst v7;
	v0 =	vld [tilespmem:s20+$0x80]  }
0x433: {  	s21 =	sor.u32 $0x430, s7;
	[tilespmem:s30+$0x8080] =	vst v1;
	v1 =	vld.idx.msk [tilespmem:v5+s3+$0x0], $0xffff  }
0x434: {  	v7 =	vld [tilespmem:s21+$0x80]  }
0x435: {  	s6 =	sadd.s32 $0x100, s1;
	s17 =	sor.u32 $0x410, s12;
	v6 =	vld.idx.msk [tilespmem:v6+s3+$0x0], $0xffff  }
0x436: {  	s19 =	sor.u32 $0x400, s6;
	[tilespmem:s8+$0x81F0] =	vst v2;
	v2 =	vld [tilespmem:s17+$0x80]  }
0x437: {  	v5 =	vld [tilespmem:s19+$0x80]  }
0x438: {  	s8 =	sor.u32 $0x430, s0;
	v3 =	vld.idx.msk [tilespmem:v3+s3+$0x0], $0xffff;
	[tilespmem:s18+$0x8080] =	vst v1  }
0x439: {  	v1 =	vld [tilespmem:s8+$0x80]  }
0x43a: {  	s22 =	sor.u32 $0x410, s1;
	[tilespmem:s15+$0x8080] =	vst v6;
	v6 =	vld.idx.msk [tilespmem:v0+s3+$0x0], $0xffff  }
0x43b: {  	v8 =	vld [tilespmem:s22+$0x80]  }
0x43c: {  	v7 =	vld.idx.msk [tilespmem:v7+s3+$0x0], $0xffff  }
0x43d: {  	s26 =	simm.s32 $0x400;
	v0 =	vld.idx.msk [tilespmem:v4+s3+$0x0], $0xffff  }
0x43e: {  	s23 =	sor.u32 $0x410, s4;
	s29 =	simm.s32 $0x800;
	s15 =	sor.u32 $0x438, s2;
	v2 =	vld.idx.msk [tilespmem:v2+s3+$0x0], $0xffff  }
0x43f: {  	s2 =	sand.u32 $0x200, s26;
	[tilespmem:s16+$0x8080] =	vst v3;
	s16 =	sor.u32 $0x438, s7;
	s7 =	sand.u32 $0x3800, s29;
	v5 =	vld.idx.msk [tilespmem:v5+s3+$0x0], $0xffff  }
0x440: {  	v3 =	vld [tilespmem:s23+$0x80];
	s2 =	sor.u32 s2, s7  }
0x441: {  	v27 =	vld [tilespmem:s2+$0x80]  }
0x442: {  	v28 =	vld [tilespmem:s2+$0x100]  }
0x443: {  	v29 =	vld [tilespmem:s2+$0x180]  }
0x444: {  	v30 =	vld [tilespmem:s2+$0x90]  }
0x445: {  	v13 =	vld [tilespmem:s2+$0x110]  }
0x446: {  	v14 =	vld [tilespmem:s2+$0x210]  }
0x447: {  	v15 =	vld [tilespmem:s2+$0x190]  }
0x448: {  	v32 =	vld [tilespmem:s2+$0xA0]  }
0x449: {  	v33 =	vld [tilespmem:s2+$0x120]  }
0x44a: {  	v34 =	vld [tilespmem:s2+$0x230]  }
0x44b: {  	v35 =	vld [tilespmem:s2+$0x1A0]  }
0x44c: {  	v36 =	vld [tilespmem:s2+$0xB0]  }
0x44d: {  	v16 =	vld [tilespmem:s2+$0x240]  }
0x44e: {  	v38 =	vld [tilespmem:s2+$0x130]  }
0x44f: {  	v39 =	vld [tilespmem:s2+$0x1B0]  }
0x450: {  	v41 =	vld [tilespmem:s2+$0xC0]  }
0x451: {  	v42 =	vld [tilespmem:s2+$0x140]  }
0x452: {  	[tilespmem:s21+$0x8080] =	vst v7;
	v7 =	vld [tilespmem:s2+$0x200]  }
0x453: {  	v43 =	vld [tilespmem:s2+$0x1C0]  }
0x454: {  	v44 =	vld [tilespmem:s2+$0x260]  }
0x455: {  	v45 =	vld [tilespmem:s2+$0xD0]  }
0x456: {  	v46 =	vld [tilespmem:s2+$0x150]  }
0x457: {  	v48 =	vld [tilespmem:s2+$0x1D0]  }
0x458: {  	v49 =	vld [tilespmem:s2+$0xE0]  }
0x459: {  	v50 =	vld [tilespmem:s2+$0x160]  }
0x45a: {  	v7 =	vld.idx.msk [tilespmem:v7+s3+$0x0], $0xffff  }
0x45b: {  	v51 =	vld [tilespmem:s2+$0x1E0]  }
0x45c: {  	v52 =	vld [tilespmem:s2+$0xF0]  }
0x45d: {  	v53 =	vld [tilespmem:s2+$0x170]  }
0x45e: {  	v9 =	vld.idx.msk [tilespmem:v27+s3+$0x0], $0xffff  }
0x45f: {  	[tilespmem:s2+$0x8200] =	vst v7;
	v7 =	vld [tilespmem:s2+$0x220]  }
0x460: {  	v10 =	vld.idx.msk [tilespmem:v28+s3+$0x0], $0xffff  }
0x461: {  	v31 =	vld.idx.msk [tilespmem:v14+s3+$0x0], $0xffff  }
0x462: {  	[tilespmem:s20+$0x8080] =	vst v6;
	v4 =	vld.idx.msk [tilespmem:v1+s3+$0x0], $0xffff  }
0x463: {  	[tilespmem:s17+$0x8080] =	vst v2;
	v2 =	vld [tilespmem:s15+$0x80]  }
0x464: {  	v11 =	vld.idx.msk [tilespmem:v29+s3+$0x0], $0xffff;
	[tilespmem:s2+$0x8080] =	vst v9  }
0x465: {  	[tilespmem:s2+$0x8100] =	vst v10;
	v12 =	vld.idx.msk [tilespmem:v30+s3+$0x0], $0xffff  }
0x466: {  	v10 =	vld.idx.msk [tilespmem:v13+s3+$0x0], $0xffff;
	[tilespmem:s2+$0x8210] =	vst v31  }
0x467: {  	v7 =	vld.idx.msk [tilespmem:v7+s3+$0x0], $0xffff  }
0x468: {  	s24 =	sor.u32 $0x420, s12;
	[tilespmem:s19+$0x8080] =	vst v5;
	v1 =	vld [tilespmem:s16+$0x80]  }
0x469: {  	v5 =	vld [tilespmem:s24+$0x80];
	[tilespmem:s2+$0x8180] =	vst v11  }
0x46a: {  	v11 =	vld.idx.msk [tilespmem:v15+s3+$0x0], $0xffff;
	[tilespmem:s2+$0x8090] =	vst v12  }
0x46b: {  	[tilespmem:s2+$0x8110] =	vst v10;
	v13 =	vld.idx.msk [tilespmem:v32+s3+$0x0], $0xffff  }
0x46c: {  	v37 =	vld.idx.msk [tilespmem:v33+s3+$0x0], $0xffff;
	[tilespmem:s2+$0x8220] =	vst v7  }
0x46d: {  	s25 =	sor.u32 $0x410, s6;
	v7 =	vld.idx.msk [tilespmem:v34+s3+$0x0], $0xffff  }
0x46e: {  	v26 =	vld [tilespmem:s25+$0x80]  }
0x46f: {  	v6 =	vld.idx.msk [tilespmem:v8+s3+$0x0], $0xffff;
	[tilespmem:s2+$0x8190] =	vst v11  }
0x470: {  	v11 =	vld.idx.msk [tilespmem:v35+s3+$0x0], $0xffff;
	[tilespmem:s2+$0x80A0] =	vst v13  }
0x471: {  	[tilespmem:s2+$0x8120] =	vst v37;
	v12 =	vld.idx.msk [tilespmem:v36+s3+$0x0], $0xffff  }
0x472: {  	[tilespmem:s2+$0x8230] =	vst v7;
	v7 =	vld [tilespmem:s2+$0x250]  }
0x473: {  	v10 =	vld.idx.msk [tilespmem:v38+s3+$0x0], $0xffff  }
0x474: {  	v40 =	vld.idx.msk [tilespmem:v16+s3+$0x0], $0xffff  }
0x475: {  	s31 =	sor.u32 $0x438, s0;
	v8 =	vld.idx.msk [tilespmem:v3+s3+$0x0], $0xffff;
	[tilespmem:s8+$0x8080] =	vst v4  }
0x476: {  	v58 =	vld [tilespmem:s31+$0x80];
	[tilespmem:s2+$0x81A0] =	vst v11  }
0x477: {  	v13 =	vld.idx.msk [tilespmem:v39+s3+$0x0], $0xffff;
	[tilespmem:s2+$0x80B0] =	vst v12  }
0x478: {  	[tilespmem:s2+$0x8130] =	vst v10;
	v15 =	vld.idx.msk [tilespmem:v41+s3+$0x0], $0xffff  }
0x479: {  	v9 =	vld.idx.msk [tilespmem:v42+s3+$0x0], $0xffff;
	[tilespmem:s2+$0x8240] =	vst v40  }
0x47a: {  	s18 =	sor.u32 $0x420, s1;
	[tilespmem:s22+$0x8080] =	vst v6;
	v7 =	vld.idx.msk [tilespmem:v7+s3+$0x0], $0xffff  }
0x47b: {  	v55 =	vld [tilespmem:s18+$0x80]  }
0x47c: {  	v59 =	vld.idx.msk [tilespmem:v2+s3+$0x0], $0xffff;
	[tilespmem:s2+$0x81B0] =	vst v13  }
0x47d: {  	v11 =	vld.idx.msk [tilespmem:v43+s3+$0x0], $0xffff;
	[tilespmem:s2+$0x80C0] =	vst v15  }
0x47e: {  	[tilespmem:s2+$0x8140] =	vst v9;
	v12 =	vld.idx.msk [tilespmem:v45+s3+$0x0], $0xffff  }
0x47f: {  	[tilespmem:s2+$0x8250] =	vst v7;
	v7 =	vld [tilespmem:s2+$0x270]  }
0x480: {  	v10 =	vld.idx.msk [tilespmem:v46+s3+$0x0], $0xffff  }
0x481: {  	v47 =	vld.idx.msk [tilespmem:v44+s3+$0x0], $0xffff  }
0x482: {  	[tilespmem:s23+$0x8080] =	vst v8;
	v3 =	vld.idx.msk [tilespmem:v5+s3+$0x0], $0xffff  }
0x483: {  	v5 =	vld.idx.msk [tilespmem:v26+s3+$0x0], $0xffff;
	[tilespmem:s2+$0x81C0] =	vst v11  }
0x484: {  	v14 =	vld.idx.msk [tilespmem:v48+s3+$0x0], $0xffff;
	[tilespmem:s2+$0x80D0] =	vst v12  }
0x485: {  	[tilespmem:s2+$0x8150] =	vst v10;
	v54 =	vld.idx.msk [tilespmem:v49+s3+$0x0], $0xffff  }
0x486: {  	p0 =	por !p0, !p0;
	v9 =	vld.idx.msk [tilespmem:v50+s3+$0x0], $0xffff;
	[tilespmem:s2+$0x8260] =	vst v47  }
0x487: {  	s30 =	sor.u32 $0x430, s12;
	s7 =	sor.u32 $0x438, s12;
	s12 =	simm.s32 $0x1;
	[tilespmem:s24+$0x8080] =	vst v3;
	v7 =	vld.idx.msk [tilespmem:v7+s3+$0x0], $0xffff  }
0x488: {  	s12 =	simm.s32 @!p0 $0x0;
	s21 =	sor.u32 $0x420, s6;
	[tilespmem:s25+$0x8080] =	vst v5;
	v3 =	vld [tilespmem:s30+$0x80]  }
0x489: {  	s12 =	sshll.u32 s12, $0x9;
	v4 =	vld [tilespmem:s21+$0x80];
	[tilespmem:s2+$0x81D0] =	vst v14  }
0x48a: {  	s17 =	sadd.s32 $0x800, s12;
	v8 =	vld.idx.msk [tilespmem:v51+s3+$0x0], $0xffff;
	[tilespmem:s2+$0x80E0] =	vst v54  }
0x48b: {  	s14 =	sadd.s32 $0x180, s17;
	[tilespmem:s2+$0x8160] =	vst v9;
	v57 =	vld.idx.msk [tilespmem:v52+s3+$0x0], $0xffff  }
0x48c: {  	s13 =	sor.u32 $0x400, s14;
	v5 =	vld.idx.msk [tilespmem:v53+s3+$0x0], $0xffff;
	[tilespmem:s2+$0x8270] =	vst v7  }
0x48d: {  	v6 =	vld [tilespmem:s13+$0x80]  }
0x48e: {  	s20 =	sor.u32 $0x420, s4;
	v7 =	vld [tilespmem:s2+$0x1F0]  }
0x48f: {  	v56 =	vld [tilespmem:s20+$0x80];
	[tilespmem:s2+$0x81E0] =	vst v8  }
0x490: {  	s19 =	sadd.s32 $0x80, s17;
	s22 =	sor.u32 $0x400, s17;
	v8 =	vld.idx.msk [tilespmem:v55+s3+$0x0], $0xffff;
	[tilespmem:s2+$0x80F0] =	vst v57  }
0x491: {  	s26 =	sor.u32 $0x400, s19;
	[tilespmem:s2+$0x8170] =	vst v5;
	v9 =	vld [tilespmem:s22+$0x80]  }
0x492: {  	v5 =	vld [tilespmem:s26+$0x80]  }
0x493: {  	v3 =	vld.idx.msk [tilespmem:v3+s3+$0x0], $0xffff  }
0x494: {  	v4 =	vld.idx.msk [tilespmem:v4+s3+$0x0], $0xffff  }
0x495: {  	v6 =	vld.idx.msk [tilespmem:v6+s3+$0x0], $0xffff  }
0x496: {  	v7 =	vld.idx.msk [tilespmem:v7+s3+$0x0], $0xffff  }
0x497: {  	s24 =	sor.u32 $0x430, s1;
	v10 =	vld.idx.msk [tilespmem:v56+s3+$0x0], $0xffff;
	[tilespmem:s18+$0x8080] =	vst v8  }
0x498: {  	v8 =	vld [tilespmem:s24+$0x80]  }
0x499: {  	[tilespmem:s30+$0x8080] =	vst v3;
	v2 =	vld.idx.msk [tilespmem:v9+s3+$0x0], $0xffff  }
0x49a: {  	s29 =	sor.u32 $0x410, s14;
	s23 =	sadd.s32 $0x100, s17;
	v5 =	vld.idx.msk [tilespmem:v5+s3+$0x0], $0xffff;
	[tilespmem:s13+$0x8080] =	vst v6  }
0x49b: {  	s30 =	sor.u32 $0x400, s23;
	[tilespmem:s2+$0x81F0] =	vst v7;
	v6 =	vld [tilespmem:s29+$0x80]  }
0x49c: {  	v7 =	vld [tilespmem:s30+$0x80]  }
0x49d: {  	v62 =	vld.idx.msk [tilespmem:v1+s3+$0x0], $0xffff  }
0x49e: {  	s25 =	sor.u32 $0x430, s4;
	v3 =	vld [tilespmem:s7+$0x80];
	[tilespmem:s20+$0x8080] =	vst v10  }
0x49f: {  	s0 =	sor.u32 $0x430, s6;
	[tilespmem:s21+$0x8080] =	vst v4;
	v4 =	vld [tilespmem:s25+$0x80]  }
0x4a0: {  	v60 =	vld [tilespmem:s0+$0x80];
	[tilespmem:s22+$0x8080] =	vst v2  }
0x4a1: {  	s20 =	sor.u32 $0x410, s19;
	v2 =	vld.idx.msk [tilespmem:v8+s3+$0x0], $0xffff;
	[tilespmem:s26+$0x8080] =	vst v5  }
0x4a2: {  	v61 =	vld [tilespmem:s20+$0x80]  }
0x4a3: {  	v6 =	vld.idx.msk [tilespmem:v6+s3+$0x0], $0xffff  }
0x4a4: {  	s21 =	sor.u32 $0x410, s17;
	v7 =	vld.idx.msk [tilespmem:v7+s3+$0x0], $0xffff  }
0x4a5: {  	v8 =	vld [tilespmem:s21+$0x80]  }
0x4a6: {  	[tilespmem:s5+$0x8080] =	vst v0;
	v3 =	vld.idx.msk [tilespmem:v3+s3+$0x0], $0xffff  }
0x4a7: {  	v63 =	vld.idx.msk [tilespmem:v4+s3+$0x0], $0xffff;
	[tilespmem:s24+$0x8080] =	vst v2  }
0x4a8: {  	s28 =	sor.u32 $0x420, s14;
	v2 =	vld.idx.msk [tilespmem:v60+s3+$0x0], $0xffff;
	[tilespmem:s29+$0x8080] =	vst v6  }
0x4a9: {  	s1 =	sor.u32 $0x438, s1;
	s18 =	sor.u32 $0x410, s23;
	[tilespmem:s30+$0x8080] =	vst v7;
	v5 =	vld [tilespmem:s28+$0x80]  }
0x4aa: {  	v4 =	vld [tilespmem:s18+$0x80];
	[dreg:$0x5] =	wrdreg s1  }
0x4ab: {  	s5 =	sor.u32 $0x438, s4;
	s12 =	sor.u32 $0x420, s17;
	v1 =	vld [tilespmem:s1+$0x80]  }
0x4ac: {  	s9 =	sor.u32 $0x430, s17;
	s10 =	sor.u32 $0x420, s19;
	s8 =	sor.u32 $0x430, s19;
	[tilespmem:s7+$0x8080] =	vst v3;
	v7 =	vld.idx.msk [tilespmem:v61+s3+$0x0], $0xffff  }
0x4ad: {  	s11 =	sor.u32 $0x420, s23;
	s4 =	sor.u32 $0x438, s6;
	s6 =	sor.u32 $0x438, s19;
	v6 =	vld.idx.msk [tilespmem:v8+s3+$0x0], $0xffff;
	[tilespmem:s25+$0x8080] =	vst v63  }
0x4ae: {  	s19 =	sor.u32 $0x438, s23;
	s22 =	sor.u32 $0x430, s23;
	s13 =	simm.s32 $0x8;
	[tilespmem:s15+$0x8080] =	vst v59;
	v3 =	vld.idx.msk [tilespmem:v58+s3+$0x0], $0xffff  }
0x4af: {  	s1 =	sor.u32 $0x438, s17;
	[tilespmem:s16+$0x8080] =	vst v62;
	s15 =	simm.s32 $0x600;
	s16 =	simm.s32 $0xC00;
	v0 =	vld [tilespmem:s5+$0x80]  }
.LBB2_6:
0x4b0: {  	s17 =	sand.u32 $0x3800, s16;
	s23 =	sand.u32 $0x200, s15  }
0x4b1: {  	s17 =	sor.u32 s23, s17;
	[tilespmem:s20+$0x8080] =	vst v7;
	v5 =	vld.idx.msk [tilespmem:v5+s3+$0x0], $0xffff  }
0x4b2: {  	[tilespmem:s0+$0x8080] =	vst v2;
	v7 =	vld [tilespmem:s17+$0x100]  }
0x4b3: {  	v2 =	vld.idx.msk [tilespmem:v4+s3+$0x0], $0xffff  }
0x4b4: {  	[tilespmem:s21+$0x8080] =	vst v6;
	v4 =	vld [tilespmem:s17+$0x200]  }
0x4b5: {  	v6 =	vld [tilespmem:s17+$0x80]  }
0x4b6: {  	v8 =	vld [tilespmem:s17+$0x180];
	[tilespmem:s31+$0x8080] =	vst v3  }
0x4b7: {  	s24 =	sor.u32 $0x430, s14;
	v3 =	vld [tilespmem:s17+$0x90];
	[tilespmem:s28+$0x8080] =	vst v5  }
0x4b8: {  	[tilespmem:s18+$0x8080] =	vst v2;
	v2 =	vld [tilespmem:s24+$0x80]  }
0x4b9: {  	v5 =	vld [tilespmem:s17+$0x110]  }
0x4ba: {  	v9 =	vld [tilespmem:s17+$0x210]  }
0x4bb: {  	v10 =	vld [tilespmem:s17+$0x190]  }
0x4bc: {  	v4 =	vld.idx.msk [tilespmem:v4+s3+$0x0], $0xffff  }
0x4bd: {  	v7 =	vld.idx.msk [tilespmem:v7+s3+$0x0], $0xffff  }
0x4be: {  	v6 =	vld.idx.msk [tilespmem:v6+s3+$0x0], $0xffff  }
0x4bf: {  	v8 =	vld.idx.msk [tilespmem:v8+s3+$0x0], $0xffff  }
0x4c0: {  	v2 =	vld.idx.msk [tilespmem:v2+s3+$0x0], $0xffff  }
0x4c1: {  	[tilespmem:s17+$0x8200] =	vst v4;
	v4 =	vld [tilespmem:s17+$0x220]  }
0x4c2: {  	[tilespmem:s17+$0x8100] =	vst v7;
	v7 =	vld [tilespmem:s17+$0xA0]  }
0x4c3: {  	[tilespmem:s17+$0x8080] =	vst v6;
	v6 =	vld.idx.msk [tilespmem:v9+s3+$0x0], $0xffff  }
0x4c4: {  	v3 =	vld.idx.msk [tilespmem:v3+s3+$0x0], $0xffff  }
0x4c5: {  	v5 =	vld.idx.msk [tilespmem:v5+s3+$0x0], $0xffff;
	[tilespmem:s17+$0x8180] =	vst v8  }
0x4c6: {  	s25 =	sor.u32 $0x438, s14;
	v8 =	vld [tilespmem:s17+$0x120];
	[tilespmem:s24+$0x8080] =	vst v2  }
0x4c7: {  	v2 =	vld [tilespmem:s25+$0x80]  }
0x4c8: {  	[tilespmem:s17+$0x8210] =	vst v6;
	v6 =	vld [tilespmem:s17+$0x230]  }
0x4c9: {  	[tilespmem:s17+$0x8090] =	vst v3;
	v3 =	vld.idx.msk [tilespmem:v4+s3+$0x0], $0xffff  }
0x4ca: {  	v4 =	vld.idx.msk [tilespmem:v10+s3+$0x0], $0xffff  }
0x4cb: {  	v57 =	vld [tilespmem:s17+$0xB0]  }
0x4cc: {  	[tilespmem:s17+$0x8110] =	vst v5;
	v5 =	vld [tilespmem:s17+$0x1A0]  }
0x4cd: {  	v58 =	vld [tilespmem:s17+$0x240]  }
0x4ce: {  	v7 =	vld.idx.msk [tilespmem:v7+s3+$0x0], $0xffff;
	[tilespmem:s17+$0x8220] =	vst v3  }
0x4cf: {  	[tilespmem:s17+$0x8190] =	vst v4;
	v4 =	vld.idx.msk [tilespmem:v8+s3+$0x0], $0xffff  }
0x4d0: {  	v2 =	vld.idx.msk [tilespmem:v2+s3+$0x0], $0xffff  }
0x4d1: {  	v3 =	vld.idx.msk [tilespmem:v6+s3+$0x0], $0xffff  }
0x4d2: {  	v6 =	vld [tilespmem:s17+$0x130]  }
0x4d3: {  	v59 =	vld [tilespmem:s17+$0x140]  }
0x4d4: {  	[tilespmem:s17+$0x80A0] =	vst v7;
	v7 =	vld [tilespmem:s17+$0x1B0]  }
0x4d5: {  	v5 =	vld.idx.msk [tilespmem:v5+s3+$0x0], $0xffff  }
0x4d6: {  	v8 =	vld.idx.msk [tilespmem:v57+s3+$0x0], $0xffff;
	[tilespmem:s17+$0x8120] =	vst v4  }
0x4d7: {  	v4 =	vld [tilespmem:s17+$0xC0];
	[tilespmem:s25+$0x8080] =	vst v2  }
0x4d8: {  	[tilespmem:s17+$0x8230] =	vst v3;
	v2 =	vld [tilespmem:s17+$0x250]  }
0x4d9: {  	v3 =	vld.idx.msk [tilespmem:v58+s3+$0x0], $0xffff  }
0x4da: {  	[tilespmem:s17+$0x81A0] =	vst v5;
	v5 =	vld.idx.msk [tilespmem:v6+s3+$0x0], $0xffff  }
0x4db: {  	v6 =	vld [tilespmem:s17+$0x1C0]  }
0x4dc: {  	[tilespmem:s17+$0x80B0] =	vst v8;
	v8 =	vld [tilespmem:s17+$0xD0]  }
0x4dd: {  	v7 =	vld.idx.msk [tilespmem:v7+s3+$0x0], $0xffff  }
0x4de: {  	v60 =	vld [tilespmem:s17+$0x150]  }
0x4df: {  	v4 =	vld.idx.msk [tilespmem:v4+s3+$0x0], $0xffff  }
0x4e0: {  	[tilespmem:s17+$0x8240] =	vst v3;
	v3 =	vld [tilespmem:s17+$0x260]  }
0x4e1: {  	[tilespmem:s17+$0x8130] =	vst v5;
	v2 =	vld.idx.msk [tilespmem:v2+s3+$0x0], $0xffff  }
0x4e2: {  	[tilespmem:s17+$0x81B0] =	vst v7;
	v5 =	vld.idx.msk [tilespmem:v59+s3+$0x0], $0xffff  }
0x4e3: {  	v6 =	vld.idx.msk [tilespmem:v6+s3+$0x0], $0xffff  }
0x4e4: {  	[tilespmem:s17+$0x80C0] =	vst v4;
	v4 =	vld [tilespmem:s17+$0x1D0]  }
0x4e5: {  	v7 =	vld.idx.msk [tilespmem:v8+s3+$0x0], $0xffff  }
0x4e6: {  	[tilespmem:s17+$0x8250] =	vst v2;
	v2 =	vld [tilespmem:s17+$0x270]  }
0x4e7: {  	[tilespmem:s17+$0x8140] =	vst v5;
	v5 =	vld [tilespmem:s17+$0xE0]  }
0x4e8: {  	v3 =	vld.idx.msk [tilespmem:v3+s3+$0x0], $0xffff  }
0x4e9: {  	v8 =	vld [tilespmem:s17+$0x160]  }
0x4ea: {  	v61 =	vld [tilespmem:s17+$0x1E0]  }
0x4eb: {  	[tilespmem:s17+$0x81C0] =	vst v6;
	v6 =	vld.idx.msk [tilespmem:v60+s3+$0x0], $0xffff  }
0x4ec: {  	[tilespmem:s17+$0x80D0] =	vst v7;
	v7 =	vld [tilespmem:s17+$0x170]  }
0x4ed: {  	[tilespmem:s17+$0x8260] =	vst v3;
	v3 =	vld [tilespmem:s17+$0xF0]  }
0x4ee: {  	v4 =	vld.idx.msk [tilespmem:v4+s3+$0x0], $0xffff  }
0x4ef: {  	v2 =	vld.idx.msk [tilespmem:v2+s3+$0x0], $0xffff  }
0x4f0: {  	[tilespmem:s17+$0x8150] =	vst v6;
	v5 =	vld.idx.msk [tilespmem:v5+s3+$0x0], $0xffff  }
0x4f1: {  	p0 =	por !p0, !p0;
	s14 =	simm.s32 $0x1;
	v6 =	vld.idx.msk [tilespmem:v8+s3+$0x0], $0xffff  }
0x4f2: {  	s14 =	simm.s32 @!p0 $0x0;
	v8 =	vld [tilespmem:s17+$0x1F0]  }
0x4f3: {  	s14 =	sshll.u32 s14, $0x9;
	[tilespmem:s17+$0x81D0] =	vst v4;
	v4 =	vld [tilespmem:s12+$0x80]  }
0x4f4: {  	s30 =	sadd.s32 s14, s16;
	v9 =	vld.idx.msk [tilespmem:v61+s3+$0x0], $0xffff  }
0x4f5: {  	s7 =	smov.u32 s22;
	s14 =	sadd.s32 $0x180, s30;
	[tilespmem:s17+$0x80E0] =	vst v5;
	v5 =	vld [tilespmem:s10+$0x80]  }
0x4f6: {  	s22 =	smov.u32 s4;
	[dreg:$0x15] =	wrdreg s7;
	s4 =	sor.u32 $0x400, s14;
	[tilespmem:s17+$0x8270] =	vst v2;
	v3 =	vld.idx.msk [tilespmem:v3+s3+$0x0], $0xffff  }
0x4f7: {  	[dreg:$0x1d] =	wrdreg s22;
	s23 =	smov.u32 s19;
	s31 =	sadd.s32 $0x100, s30;
	[tilespmem:s17+$0x8160] =	vst v6;
	v2 =	vld [tilespmem:s4+$0x80]  }
0x4f8: {  	s7 =	sor.u32 $0x420, s31;
	s22 =	sor.u32 $0x430, s31;
	s19 =	sor.u32 $0x438, s31;
	v6 =	vld.idx.msk [tilespmem:v7+s3+$0x0], $0xffff  }
0x4f9: {  	s18 =	sor.u32 $0x410, s31;
	s25 =	sor.u32 $0x400, s31;
	s31 =	rddreg [dreg:$0x1d]  }
0x4fa: {  	v62 =	vld [tilespmem:s31+$0x80]  }
0x4fb: {  	v7 =	vld [tilespmem:s11+$0x80];
	[tilespmem:s17+$0x80F0] =	vst v3  }
0x4fc: {  	s26 =	sadd.s32 $0x80, s30;
	[tilespmem:s17+$0x81E0] =	vst v9;
	v3 =	vld.idx.msk [tilespmem:v4+s3+$0x0], $0xffff  }
0x4fd: {  	s24 =	sor.u32 $0x400, s26;
	v8 =	vld.idx.msk [tilespmem:v8+s3+$0x0], $0xffff;
	[tilespmem:s17+$0x8170] =	vst v6  }
0x4fe: {  	v6 =	vld [tilespmem:s24+$0x80]  }
0x4ff: {  	s28 =	sor.u32 $0x400, s30;
	v2 =	vld.idx.msk [tilespmem:v2+s3+$0x0], $0xffff  }
0x500: {  	v4 =	vld [tilespmem:s28+$0x80]  }
0x501: {  	v5 =	vld.idx.msk [tilespmem:v5+s3+$0x0], $0xffff;
	[tilespmem:s12+$0x8080] =	vst v3  }
0x502: {  	v3 =	vld [tilespmem:s9+$0x80]  }
0x503: {  	v1 =	vld.idx.msk [tilespmem:v1+s3+$0x0], $0xffff  }
0x504: {  	[tilespmem:s4+$0x8080] =	vst v2;
	s4 =	sor.u32 $0x410, s14;
	v2 =	vld.idx.msk [tilespmem:v7+s3+$0x0], $0xffff  }
0x505: {  	[tilespmem:s17+$0x81F0] =	vst v8;
	v7 =	vld [tilespmem:s4+$0x80]  }
0x506: {  	[tilespmem:s10+$0x8080] =	vst v5;
	v8 =	vld [tilespmem:s25+$0x80]  }
0x507: {  	v5 =	vld.idx.msk [tilespmem:v6+s3+$0x0], $0xffff  }
0x508: {  	v4 =	vld.idx.msk [tilespmem:v4+s3+$0x0], $0xffff;
	_ =	sdelay $0x1  }
0x509: {  	s0 =	sor.u32 $0x420, s30;
	[tilespmem:s11+$0x8080] =	vst v2;
	s11 =	smov.u32 s7;
	s7 =	rddreg [dreg:$0x5]  }
0x50a: {  	s12 =	smov.u32 s0;
	s0 =	rddreg [dreg:$0x15];
	v2 =	vld [tilespmem:s8+$0x80];
	[tilespmem:s7+$0x8080] =	vst v1  }
0x50b: {  	s20 =	sor.u32 $0x410, s26;
	v6 =	vld [tilespmem:s0+$0x80];
	[tilespmem:s24+$0x8080] =	vst v5  }
0x50c: {  	[tilespmem:s28+$0x8080] =	vst v4;
	v63 =	vld [tilespmem:s20+$0x80]  }
0x50d: {  	v1 =	vld.idx.msk [tilespmem:v3+s3+$0x0], $0xffff  }
0x50e: {  	v7 =	vld.idx.msk [tilespmem:v7+s3+$0x0], $0xffff  }
0x50f: {  	s21 =	sor.u32 $0x410, s30;
	v8 =	vld.idx.msk [tilespmem:v8+s3+$0x0], $0xffff  }
0x510: {  	v3 =	vld [tilespmem:s21+$0x80]  }
0x511: {  	v0 =	vld.idx.msk [tilespmem:v0+s3+$0x0], $0xffff  }
0x512: {  	s17 =	smov.u32 s1;
	v11 =	vld.idx.msk [tilespmem:v2+s3+$0x0], $0xffff;
	[tilespmem:s9+$0x8080] =	vst v1  }
0x513: {  	s28 =	sor.u32 $0x420, s14;
	[tilespmem:s4+$0x8080] =	vst v7;
	v1 =	vld [tilespmem:s17+$0x80]  }
0x514: {  	s13 =	sadd.s32 $0x4, s13;
	s2 =	smov.u32 s6;
	[tilespmem:s25+$0x8080] =	vst v8;
	v5 =	vld [tilespmem:s28+$0x80]  }
0x515: {  	s15 =	sadd.s32 $0x200, s15;
	p1 =	slt.u32 s13, $0x3C;
	[dreg:$0xd] =	wrdreg s23;
	v4 =	vld [tilespmem:s18+$0x80]  }
.Ltmp2:
0x516: {  	s16 =	sadd.s32 $0x400, s16;
	s29 =	sor.u32 $0x430, s30;
	[tilespmem:s5+$0x8080] =	vst v0;
	v2 =	vld.idx.msk [tilespmem:v6+s3+$0x0], $0xffff;
	(pc) =	sbr.rel @p1 .LBB2_6-.Ltmp2, $4  }
0x517: {  	s6 =	sor.u32 $0x420, s26;
	s23 =	sor.u32 $0x430, s26;
	s26 =	sor.u32 $0x438, s26;
	v7 =	vld.idx.msk [tilespmem:v63+s3+$0x0], $0xffff  }
0x518: {  	s30 =	sor.u32 $0x438, s30;
	s10 =	smov.u32 s6;
	s6 =	smov.u32 s26;
	v6 =	vld.idx.msk [tilespmem:v3+s3+$0x0], $0xffff  }
0x519: {  	s1 =	smov.u32 s30;
	[dreg:$0x5] =	wrdreg s17;
	s5 =	smov.u32 s2;
	v3 =	vld.idx.msk [tilespmem:v62+s3+$0x0], $0xffff;
	[tilespmem:s8+$0x8080] =	vst v11  }
0x51a: {  	s9 =	smov.u32 s29;
	s4 =	rddreg [dreg:$0xd];
	s8 =	smov.u32 s23;
	v0 =	vld [tilespmem:s5+$0x80]  }
0x51b: {  	_ =	sdelay $0x3  }
0x51c: {  	v4 =	vld.idx.msk [tilespmem:v4+s3+$0x0], $0xffff;
	_ =	sdelay $0x2  }
0x51d: {  	v5 =	vld.idx.msk [tilespmem:v5+s3+$0x0], $0xffff;
	[tilespmem:s21+$0x8080] =	vst v6  }
0x51e: {  	[tilespmem:s20+$0x8080] =	vst v7;
	v6 =	vld [tilespmem:s12+$0x80]  }
0x51f: {  	[tilespmem:s18+$0x8080] =	vst v4;
	v4 =	vld [tilespmem:s10+$0x80]  }
0x520: {  	v7 =	vld [tilespmem:s11+$0x80];
	_ =	sdelay $0x1  }
0x521: {  	s30 =	sor.u32 $0x430, s14;
	[tilespmem:s28+$0x8080] =	vst v5  }
0x522: {  	v5 =	vld [tilespmem:s30+$0x80];
	_ =	sdelay $0x2  }
0x523: {  	v6 =	vld.idx.msk [tilespmem:v6+s3+$0x0], $0xffff  }
0x524: {  	v4 =	vld.idx.msk [tilespmem:v4+s3+$0x0], $0xffff  }
0x525: {  	v7 =	vld.idx.msk [tilespmem:v7+s3+$0x0], $0xffff;
	_ =	sdelay $0x2  }
0x526: {  	v5 =	vld.idx.msk [tilespmem:v5+s3+$0x0], $0xffff;
	[tilespmem:s12+$0x8080] =	vst v6  }
0x527: {  	v6 =	vld [tilespmem:s9+$0x80];
	[tilespmem:s10+$0x8080] =	vst v4  }
0x528: {  	[tilespmem:s11+$0x8080] =	vst v7;
	v4 =	vld [tilespmem:s8+$0x80]  }
0x529: {  	v7 =	vld [tilespmem:s22+$0x80];
	_ =	sdelay $0x3  }
0x52a: {  	s7 =	sor.u32 $0x438, s14;
	[tilespmem:s30+$0x8080] =	vst v5  }
0x52b: {  	v5 =	vld [tilespmem:s7+$0x80]  }
0x52c: {  	v6 =	vld.idx.msk [tilespmem:v6+s3+$0x0], $0xffff  }
0x52d: {  	v4 =	vld.idx.msk [tilespmem:v4+s3+$0x0], $0xffff  }
0x52e: {  	v7 =	vld.idx.msk [tilespmem:v7+s3+$0x0], $0xffff  }
0x52f: {  	s2 =	smov.u32 s0  }
0x530: {  	[tilespmem:s2+$0x8080] =	vst v2  }
0x531: {  	v2 =	vld [tilespmem:s4+$0x80];
	[tilespmem:s9+$0x8080] =	vst v6  }
0x532: {  	v6 =	vld [tilespmem:s1+$0x80];
	[tilespmem:s8+$0x8080] =	vst v4  }
0x533: {  	v4 =	vld [tilespmem:s6+$0x80];
	[tilespmem:s22+$0x8080] =	vst v7  }
0x534: {  	v7 =	vld [tilespmem:s19+$0x80]  }
0x535: {  	v5 =	vld.idx.msk [tilespmem:v5+s3+$0x0], $0xffff;
	_ =	sdelay $0x1  }
0x536: {  	v1 =	vld.idx.msk [tilespmem:v1+s3+$0x0], $0xffff  }
0x537: {  	v0 =	vld.idx.msk [tilespmem:v0+s3+$0x0], $0xffff  }
0x538: {  	[tilespmem:s31+$0x8080] =	vst v3;
	v2 =	vld.idx.msk [tilespmem:v2+s3+$0x0], $0xffff  }
0x539: {  	[tilespmem:s7+$0x8080] =	vst v5;
	v3 =	vld.idx.msk [tilespmem:v6+s3+$0x0], $0xffff  }
0x53a: {  	s0 =	rddreg [dreg:$0x5];
	v4 =	vld.idx.msk [tilespmem:v4+s3+$0x0], $0xffff  }
0x53b: {  	[tilespmem:s0+$0x8080] =	vst v1;
	v1 =	vld.idx.msk [tilespmem:v7+s3+$0x0], $0xffff  }
0x53c: {  	[tilespmem:s5+$0x8080] =	vst v0  }
0x53d: {  	[tilespmem:s4+$0x8080] =	vst v2  }
0x53e: {  	[tilespmem:s1+$0x8080] =	vst v3  }
0x53f: {  	[tilespmem:s6+$0x8080] =	vst v4  }
0x540: {  	[tilespmem:s19+$0x8080] =	vst v1  }
0x541: {  	s1 =	sld [smem:$0x7F3];
	_ =	sdelay $0x1  }
0x542: {  	s10 =	simm.s32 $0x8080;
	s9 =	simm.s32 $0x0;
	s11 =	sld [smem:$0x7F4]  }
0x543: {  	[hbm4b:s1+s9] =	stream.linear.scatter [tilespmem:s10], [sflag:$0x3], $0x4000, $0x38;
	[tilespmem:$0x10080] =	vst v63  }
0x544: {  	s13 =	simm.s32 $0x2;
	s12 =	simm.s32 $0x80  }
0x545: {  	[tilespmem:s12], [sflag:$0x1] =	stream.linear.gather [hbm4b:s11+s9], $0x4000, $0x38;
	[tilespmem:$0x10080] =	vst v63  }
0x546: {  	_ =	swait.ge [sflag:s13], $0x4000  }
0x547: {  	[sflag:s13] =	ssyncset.done $0x0  }
0x548: {  	s14 =	simm.s32 $0x4;
	[sflag:s13] =	ssyncadd.s32 $0xFFFFC000  }
0x549: {  	_ =	swait.ge [sflag:s14], $0x4000  }
0x54a: {  	s15 =	sand.u32 $0x3800, s9;
	s0 =	sand.u32 $0x200, s9;
	[sflag:s14] =	ssyncset.done $0x0  }
0x54b: {  	s1 =	sor.u32 s0, s15;
	[sflag:s14] =	ssyncadd.s32 $0xFFFFC000  }
0x54c: {  	v0 =	vld [tilespmem:s1+$0x4200]  }
0x54d: {  	v1 =	vld [tilespmem:s1+$0x4080]  }
0x54e: {  	v2 =	vld [tilespmem:s1+$0x4100]  }
0x54f: {  	v3 =	vld [tilespmem:s1+$0x4180]  }
0x550: {  	v4 =	vld [tilespmem:s1+$0x4090]  }
0x551: {  	v5 =	vld [tilespmem:s1+$0x4210]  }
0x552: {  	s25 =	simm.s32 $0x200;
	s26 =	simm.s32 $0x400;
	v6 =	vld [tilespmem:s1+$0x4110]  }
0x553: {  	s8 =	sand.u32 $0x200, s25;
	s9 =	sand.u32 $0x3800, s26;
	v7 =	vld [tilespmem:s1+$0x4220]  }
0x554: {  	s8 =	sor.u32 s8, s9;
	v8 =	vld [tilespmem:s1+$0x4190]  }
0x555: {  	v9 =	vld [tilespmem:s8+$0x4210]  }
0x556: {  	v10 =	vld [tilespmem:s8+$0x4110]  }
0x557: {  	v11 =	vld [tilespmem:s8+$0x4220]  }
0x558: {  	v12 =	vld [tilespmem:s8+$0x4190]  }
0x559: {  	v60 =	vld [tilespmem:s8+$0x4230]  }
0x55a: {  	v61 =	vld [tilespmem:s8+$0x4120]  }
0x55b: {  	v63 =	vld [tilespmem:s8+$0x4240]  }
0x55c: {  	v16 =	vld [tilespmem:s8+$0x4130]  }
0x55d: {  	v18 =	vld [tilespmem:s8+$0x40C0]  }
0x55e: {  	v19 =	vld [tilespmem:s8+$0x4260]  }
0x55f: {  	v20 =	vld [tilespmem:s8+$0x4150]  }
0x560: {  	v21 =	vld [tilespmem:s8+$0x41D0]  }
0x561: {  	v0 =	vld.idx.msk [tilespmem:v0+s3+$0x0], $0xffff  }
0x562: {  	v2 =	vld.idx.msk [tilespmem:v2+s3+$0x0], $0xffff  }
0x563: {  	v1 =	vld.idx.msk [tilespmem:v1+s3+$0x0], $0xffff  }
0x564: {  	v22 =	vld [tilespmem:s8+$0x40E0]  }
0x565: {  	v23 =	vld [tilespmem:s8+$0x41E0]  }
0x566: {  	v3 =	vld.idx.msk [tilespmem:v3+s3+$0x0], $0xffff;
	[tilespmem:s1+$0xC200] =	vst v0  }
0x567: {  	[tilespmem:s1+$0xC100] =	vst v2;
	v2 =	vld [tilespmem:s1+$0x40A0]  }
0x568: {  	[tilespmem:s1+$0xC080] =	vst v1;
	v0 =	vld.idx.msk [tilespmem:v5+s3+$0x0], $0xffff  }
0x569: {  	v1 =	vld.idx.msk [tilespmem:v4+s3+$0x0], $0xffff  }
0x56a: {  	v4 =	vld.idx.msk [tilespmem:v6+s3+$0x0], $0xffff  }
0x56b: {  	v6 =	vld [tilespmem:s1+$0x4120]  }
0x56c: {  	[tilespmem:s1+$0xC180] =	vst v3;
	v3 =	vld [tilespmem:s1+$0x41A0]  }
0x56d: {  	v5 =	vld [tilespmem:s1+$0x4230];
	[tilespmem:s1+$0xC210] =	vst v0  }
0x56e: {  	v0 =	vld.idx.msk [tilespmem:v7+s3+$0x0], $0xffff  }
0x56f: {  	v7 =	vld.idx.msk [tilespmem:v8+s3+$0x0], $0xffff  }
0x570: {  	[tilespmem:s1+$0xC090] =	vst v1;
	v1 =	vld [tilespmem:s1+$0x40B0]  }
0x571: {  	v8 =	vld [tilespmem:s1+$0x4240]  }
0x572: {  	[tilespmem:s1+$0xC110] =	vst v4;
	v2 =	vld.idx.msk [tilespmem:v2+s3+$0x0], $0xffff  }
0x573: {  	v4 =	vld.idx.msk [tilespmem:v6+s3+$0x0], $0xffff;
	[tilespmem:s1+$0xC220] =	vst v0  }
0x574: {  	[tilespmem:s1+$0xC190] =	vst v7;
	v7 =	vld [tilespmem:s1+$0x40C0]  }
0x575: {  	v0 =	vld.idx.msk [tilespmem:v5+s3+$0x0], $0xffff  }
0x576: {  	v5 =	vld [tilespmem:s1+$0x4130]  }
0x577: {  	v3 =	vld.idx.msk [tilespmem:v3+s3+$0x0], $0xffff  }
0x578: {  	[tilespmem:s1+$0xC0A0] =	vst v2;
	v2 =	vld [tilespmem:s1+$0x41B0]  }
0x579: {  	v1 =	vld.idx.msk [tilespmem:v1+s3+$0x0], $0xffff  }
0x57a: {  	[tilespmem:s1+$0xC120] =	vst v4;
	v4 =	vld [tilespmem:s1+$0x4140]  }
0x57b: {  	[tilespmem:s1+$0xC230] =	vst v0;
	v0 =	vld [tilespmem:s1+$0x4250]  }
0x57c: {  	[tilespmem:s1+$0xC1A0] =	vst v3;
	v3 =	vld [tilespmem:s1+$0x41C0]  }
0x57d: {  	v6 =	vld.idx.msk [tilespmem:v8+s3+$0x0], $0xffff  }
0x57e: {  	[tilespmem:s1+$0xC0B0] =	vst v1;
	v1 =	vld [tilespmem:s1+$0x40D0]  }
0x57f: {  	v7 =	vld.idx.msk [tilespmem:v7+s3+$0x0], $0xffff  }
0x580: {  	v5 =	vld.idx.msk [tilespmem:v5+s3+$0x0], $0xffff  }
0x581: {  	v2 =	vld.idx.msk [tilespmem:v2+s3+$0x0], $0xffff  }
0x582: {  	[tilespmem:s1+$0xC240] =	vst v6;
	v6 =	vld [tilespmem:s1+$0x4260]  }
0x583: {  	v25 =	vld [tilespmem:s8+$0x41F0]  }
0x584: {  	v0 =	vld.idx.msk [tilespmem:v0+s3+$0x0], $0xffff  }
0x585: {  	[tilespmem:s1+$0xC130] =	vst v5;
	v5 =	vld [tilespmem:s1+$0x4150]  }
0x586: {  	[tilespmem:s1+$0xC1B0] =	vst v2;
	v4 =	vld.idx.msk [tilespmem:v4+s3+$0x0], $0xffff  }
0x587: {  	[tilespmem:s1+$0xC0C0] =	vst v7;
	v2 =	vld.idx.msk [tilespmem:v3+s3+$0x0], $0xffff  }
0x588: {  	v1 =	vld.idx.msk [tilespmem:v1+s3+$0x0], $0xffff  }
0x589: {  	[tilespmem:s1+$0xC250] =	vst v0;
	v0 =	vld [tilespmem:s1+$0x4270]  }
0x58a: {  	v3 =	vld.idx.msk [tilespmem:v6+s3+$0x0], $0xffff  }
0x58b: {  	v6 =	vld [tilespmem:s1+$0x41D0]  }
0x58c: {  	[tilespmem:s1+$0xC140] =	vst v4;
	v4 =	vld [tilespmem:s1+$0x4160]  }
0x58d: {  	v7 =	vld [tilespmem:s1+$0x40E0]  }
0x58e: {  	v5 =	vld.idx.msk [tilespmem:v5+s3+$0x0], $0xffff  }
0x58f: {  	v8 =	vld [tilespmem:s1+$0x41E0];
	[tilespmem:s1+$0xC1C0] =	vst v2  }
0x590: {  	v2 =	vld [tilespmem:s1+$0x40F0];
	[tilespmem:s1+$0xC0D0] =	vst v1  }
0x591: {  	v1 =	vld [tilespmem:s1+$0x4170];
	[tilespmem:s1+$0xC260] =	vst v3  }
0x592: {  	p0 =	por $0x0, $0x0;
	s0 =	simm.s32 $0x1;
	v0 =	vld.idx.msk [tilespmem:v0+s3+$0x0], $0xffff  }
0x593: {  	s0 =	simm.s32 @!p0 $0x0;
	[tilespmem:s1+$0xC150] =	vst v5;
	v3 =	vld.idx.msk [tilespmem:v6+s3+$0x0], $0xffff  }
0x594: {  	s0 =	sshll.u32 s0, $0x9;
	v4 =	vld.idx.msk [tilespmem:v4+s3+$0x0], $0xffff  }
0x595: {  	s2 =	sadd.s32 $0x0, s0;
	v6 =	vld.idx.msk [tilespmem:v7+s3+$0x0], $0xffff  }
0x596: {  	s5 =	sadd.s32 $0x180, s2;
	v5 =	vld [tilespmem:s1+$0x41F0]  }
0x597: {  	s16 =	sor.u32 $0x400, s5;
	v7 =	vld [tilespmem:s8+$0x4180];
	[tilespmem:s1+$0xC270] =	vst v0  }
0x598: {  	v0 =	vld [tilespmem:s16+$0x4080];
	[tilespmem:s1+$0xC1D0] =	vst v3  }
0x599: {  	[tilespmem:s1+$0xC160] =	vst v4;
	v4 =	vld [tilespmem:s8+$0x4200]  }
0x59a: {  	[tilespmem:s1+$0xC0E0] =	vst v6;
	v3 =	vld.idx.msk [tilespmem:v8+s3+$0x0], $0xffff  }
0x59b: {  	v2 =	vld.idx.msk [tilespmem:v2+s3+$0x0], $0xffff  }
0x59c: {  	v1 =	vld.idx.msk [tilespmem:v1+s3+$0x0], $0xffff  }
0x59d: {  	v6 =	vld [tilespmem:s8+$0x4100]  }
0x59e: {  	v8 =	vld [tilespmem:s8+$0x4090]  }
0x59f: {  	v7 =	vld.idx.msk [tilespmem:v7+s3+$0x0], $0xffff;
	[tilespmem:s1+$0xC1E0] =	vst v3  }
0x5a0: {  	s7 =	sadd.s32 $0x80, s2;
	s17 =	sor.u32 $0x400, s2;
	[tilespmem:s1+$0xC0F0] =	vst v2;
	v3 =	vld.idx.msk [tilespmem:v5+s3+$0x0], $0xffff  }
0x5a1: {  	s18 =	sor.u32 $0x400, s7;
	[tilespmem:s1+$0xC170] =	vst v1;
	v2 =	vld [tilespmem:s17+$0x4080]  }
0x5a2: {  	v1 =	vld [tilespmem:s18+$0x4080]  }
0x5a3: {  	v5 =	vld [tilespmem:s8+$0x4080]  }
0x5a4: {  	v4 =	vld.idx.msk [tilespmem:v4+s3+$0x0], $0xffff  }
0x5a5: {  	v6 =	vld.idx.msk [tilespmem:v6+s3+$0x0], $0xffff  }
0x5a6: {  	v0 =	vld.idx.msk [tilespmem:v0+s3+$0x0], $0xffff  }
0x5a7: {  	s0 =	sadd.s32 $0x100, s2;
	[tilespmem:s8+$0xC180] =	vst v7;
	v7 =	vld [tilespmem:s8+$0x41A0]  }
0x5a8: {  	s20 =	sor.u32 $0x400, s0;
	v62 =	vld.idx.msk [tilespmem:v12+s3+$0x0], $0xffff;
	[tilespmem:s1+$0xC1F0] =	vst v3  }
0x5a9: {  	v3 =	vld [tilespmem:s20+$0x4080];
	[tilespmem:s8+$0xC200] =	vst v4  }
0x5aa: {  	[tilespmem:s8+$0xC100] =	vst v6;
	v6 =	vld [tilespmem:s8+$0x40A0]  }
0x5ab: {  	s19 =	sor.u32 $0x410, s5;
	[tilespmem:s16+$0xC080] =	vst v0;
	v4 =	vld.idx.msk [tilespmem:v9+s3+$0x0], $0xffff  }
0x5ac: {  	v0 =	vld [tilespmem:s19+$0x4080]  }
0x5ad: {  	v2 =	vld.idx.msk [tilespmem:v2+s3+$0x0], $0xffff  }
0x5ae: {  	v5 =	vld.idx.msk [tilespmem:v5+s3+$0x0], $0xffff  }
0x5af: {  	[tilespmem:s8+$0xC190] =	vst v62;
	v1 =	vld.idx.msk [tilespmem:v1+s3+$0x0], $0xffff  }
0x5b0: {  	v7 =	vld.idx.msk [tilespmem:v7+s3+$0x0], $0xffff;
	[tilespmem:s8+$0xC210] =	vst v4  }
0x5b1: {  	v4 =	vld.idx.msk [tilespmem:v11+s3+$0x0], $0xffff  }
0x5b2: {  	s21 =	sor.u32 $0x410, s2;
	[tilespmem:s17+$0xC080] =	vst v2;
	v3 =	vld.idx.msk [tilespmem:v3+s3+$0x0], $0xffff  }
0x5b3: {  	[tilespmem:s8+$0xC080] =	vst v5;
	v2 =	vld [tilespmem:s21+$0x4080]  }
0x5b4: {  	s22 =	sor.u32 $0x410, s7;
	[tilespmem:s18+$0xC080] =	vst v1;
	v5 =	vld.idx.msk [tilespmem:v8+s3+$0x0], $0xffff  }
0x5b5: {  	v1 =	vld [tilespmem:s22+$0x4080]  }
0x5b6: {  	v8 =	vld.idx.msk [tilespmem:v10+s3+$0x0], $0xffff  }
0x5b7: {  	[tilespmem:s8+$0xC1A0] =	vst v7;
	v7 =	vld [tilespmem:s8+$0x41C0]  }
0x5b8: {  	v0 =	vld.idx.msk [tilespmem:v0+s3+$0x0], $0xffff;
	[tilespmem:s8+$0xC220] =	vst v4  }
0x5b9: {  	[tilespmem:s8+$0xC090] =	vst v5;
	v5 =	vld [tilespmem:s8+$0x40B0]  }
0x5ba: {  	v4 =	vld.idx.msk [tilespmem:v60+s3+$0x0], $0xffff  }
0x5bb: {  	s24 =	sor.u32 $0x410, s0;
	[tilespmem:s20+$0xC080] =	vst v3;
	v6 =	vld.idx.msk [tilespmem:v6+s3+$0x0], $0xffff  }
0x5bc: {  	[tilespmem:s8+$0xC110] =	vst v8;
	v3 =	vld [tilespmem:s24+$0x4080]  }
0x5bd: {  	s23 =	sor.u32 $0x420, s5;
	[tilespmem:s19+$0xC080] =	vst v0;
	v8 =	vld.idx.msk [tilespmem:v61+s3+$0x0], $0xffff  }
0x5be: {  	v0 =	vld [tilespmem:s23+$0x4080]  }
0x5bf: {  	[tilespmem:s8+$0xC230] =	vst v4;
	v4 =	vld [tilespmem:s8+$0x4250]  }
0x5c0: {  	[tilespmem:s8+$0xC0A0] =	vst v6;
	v6 =	vld [tilespmem:s8+$0x41B0]  }
0x5c1: {  	v17 =	vld.idx.msk [tilespmem:v63+s3+$0x0], $0xffff  }
0x5c2: {  	v2 =	vld.idx.msk [tilespmem:v2+s3+$0x0], $0xffff  }
0x5c3: {  	v1 =	vld.idx.msk [tilespmem:v1+s3+$0x0], $0xffff  }
0x5c4: {  	[tilespmem:s8+$0xC120] =	vst v8;
	v8 =	vld [tilespmem:s8+$0x4140]  }
0x5c5: {  	v5 =	vld.idx.msk [tilespmem:v5+s3+$0x0], $0xffff  }
0x5c6: {  	v9 =	vld.idx.msk [tilespmem:v16+s3+$0x0], $0xffff;
	[tilespmem:s8+$0xC240] =	vst v17  }
0x5c7: {  	v4 =	vld.idx.msk [tilespmem:v4+s3+$0x0], $0xffff  }
0x5c8: {  	v6 =	vld.idx.msk [tilespmem:v6+s3+$0x0], $0xffff  }
0x5c9: {  	v0 =	vld.idx.msk [tilespmem:v0+s3+$0x0], $0xffff  }
0x5ca: {  	[tilespmem:s8+$0xC0B0] =	vst v5;
	v5 =	vld [tilespmem:s8+$0x40D0]  }
0x5cb: {  	[tilespmem:s8+$0xC130] =	vst v9;
	v11 =	vld.idx.msk [tilespmem:v18+s3+$0x0], $0xffff  }
0x5cc: {  	v8 =	vld.idx.msk [tilespmem:v8+s3+$0x0], $0xffff;
	[tilespmem:s8+$0xC250] =	vst v4  }
0x5cd: {  	v4 =	vld [tilespmem:s8+$0x4270];
	[tilespmem:s8+$0xC1B0] =	vst v6  }
0x5ce: {  	v6 =	vld.idx.msk [tilespmem:v7+s3+$0x0], $0xffff  }
0x5cf: {  	v7 =	vld.idx.msk [tilespmem:v19+s3+$0x0], $0xffff  }
0x5d0: {  	v3 =	vld.idx.msk [tilespmem:v3+s3+$0x0], $0xffff;
	[tilespmem:s8+$0xC0C0] =	vst v11  }
0x5d1: {  	[tilespmem:s8+$0xC140] =	vst v8;
	v8 =	vld [tilespmem:s8+$0x4160]  }
0x5d2: {  	s29 =	sor.u32 $0x430, s5;
	[tilespmem:s23+$0xC080] =	vst v0;
	v5 =	vld.idx.msk [tilespmem:v5+s3+$0x0], $0xffff  }
0x5d3: {  	v0 =	vld [tilespmem:s29+$0x4080]  }
0x5d4: {  	v9 =	vld.idx.msk [tilespmem:v20+s3+$0x0], $0xffff;
	[tilespmem:s8+$0xC260] =	vst v7  }
0x5d5: {  	[tilespmem:s8+$0xC1C0] =	vst v6;
	v6 =	vld [tilespmem:s8+$0x40F0]  }
0x5d6: {  	v4 =	vld.idx.msk [tilespmem:v4+s3+$0x0], $0xffff  }
0x5d7: {  	p0 =	por !p0, !p0;
	s1 =	simm.s32 $0x1;
	v7 =	vld.idx.msk [tilespmem:v21+s3+$0x0], $0xffff;
	[tilespmem:s8+$0xC0D0] =	vst v5  }
0x5d8: {  	s1 =	simm.s32 @!p0 $0x0;
	[tilespmem:s21+$0xC080] =	vst v2;
	v24 =	vld.idx.msk [tilespmem:v22+s3+$0x0], $0xffff  }
0x5d9: {  	s1 =	sshll.u32 s1, $0x9;
	[tilespmem:s8+$0xC150] =	vst v9;
	v5 =	vld [tilespmem:s8+$0x4170]  }
0x5da: {  	s13 =	sor.u32 $0x420, s2;
	s1 =	sadd.s32 $0x400, s1;
	[tilespmem:s22+$0xC080] =	vst v1;
	v8 =	vld.idx.msk [tilespmem:v8+s3+$0x0], $0xffff  }
0x5db: {  	s14 =	sor.u32 $0x420, s7;
	s12 =	sadd.s32 $0x180, s1;
	[tilespmem:s8+$0xC270] =	vst v4;
	v4 =	vld [tilespmem:s13+$0x4080]  }
0x5dc: {  	s30 =	sor.u32 $0x400, s12;
	[tilespmem:s8+$0xC1D0] =	vst v7;
	v7 =	vld [tilespmem:s14+$0x4080]  }
0x5dd: {  	v2 =	vld [tilespmem:s30+$0x4080];
	[tilespmem:s8+$0xC0E0] =	vst v24  }
0x5de: {  	v6 =	vld.idx.msk [tilespmem:v6+s3+$0x0], $0xffff  }
0x5df: {  	v0 =	vld.idx.msk [tilespmem:v0+s3+$0x0], $0xffff  }
0x5e0: {  	v1 =	vld.idx.msk [tilespmem:v23+s3+$0x0], $0xffff;
	[tilespmem:s8+$0xC160] =	vst v8  }
0x5e1: {  	s18 =	sor.u32 $0x420, s0;
	[tilespmem:s24+$0xC080] =	vst v3;
	v3 =	vld.idx.msk [tilespmem:v5+s3+$0x0], $0xffff  }
0x5e2: {  	v5 =	vld [tilespmem:s18+$0x4080]  }
0x5e3: {  	s15 =	sor.u32 $0x400, s1;
	[tilespmem:s8+$0xC0F0] =	vst v6;
	v4 =	vld.idx.msk [tilespmem:v4+s3+$0x0], $0xffff  }
0x5e4: {  	v6 =	vld [tilespmem:s15+$0x4080]  }
0x5e5: {  	v7 =	vld.idx.msk [tilespmem:v7+s3+$0x0], $0xffff  }
0x5e6: {  	s4 =	sadd.s32 $0x80, s1;
	[tilespmem:s8+$0xC1E0] =	vst v1;
	v1 =	vld.idx.msk [tilespmem:v2+s3+$0x0], $0xffff  }
0x5e7: {  	s16 =	sor.u32 $0x400, s4;
	[tilespmem:s8+$0xC170] =	vst v3;
	v2 =	vld.idx.msk [tilespmem:v25+s3+$0x0], $0xffff  }
0x5e8: {  	s5 =	sor.u32 $0x438, s5;
	[tilespmem:s29+$0xC080] =	vst v0;
	v3 =	vld [tilespmem:s16+$0x4080]  }
0x5e9: {  	s20 =	sor.u32 $0x430, s2;
	[tilespmem:s13+$0xC080] =	vst v4;
	v4 =	vld [tilespmem:s5+$0x4080]  }
0x5ea: {  	[tilespmem:s14+$0xC080] =	vst v7;
	v0 =	vld [tilespmem:s20+$0x4080]  }
0x5eb: {  	s21 =	sor.u32 $0x430, s7;
	[tilespmem:s30+$0xC080] =	vst v1;
	v1 =	vld.idx.msk [tilespmem:v5+s3+$0x0], $0xffff  }
0x5ec: {  	v7 =	vld [tilespmem:s21+$0x4080]  }
0x5ed: {  	s6 =	sadd.s32 $0x100, s1;
	s17 =	sor.u32 $0x410, s12;
	v6 =	vld.idx.msk [tilespmem:v6+s3+$0x0], $0xffff  }
0x5ee: {  	s19 =	sor.u32 $0x400, s6;
	[tilespmem:s8+$0xC1F0] =	vst v2;
	v2 =	vld [tilespmem:s17+$0x4080]  }
0x5ef: {  	v5 =	vld [tilespmem:s19+$0x4080]  }
0x5f0: {  	s8 =	sor.u32 $0x430, s0;
	v3 =	vld.idx.msk [tilespmem:v3+s3+$0x0], $0xffff;
	[tilespmem:s18+$0xC080] =	vst v1  }
0x5f1: {  	v1 =	vld [tilespmem:s8+$0x4080]  }
0x5f2: {  	s22 =	sor.u32 $0x410, s1;
	[tilespmem:s15+$0xC080] =	vst v6;
	v6 =	vld.idx.msk [tilespmem:v0+s3+$0x0], $0xffff  }
0x5f3: {  	v8 =	vld [tilespmem:s22+$0x4080]  }
0x5f4: {  	v7 =	vld.idx.msk [tilespmem:v7+s3+$0x0], $0xffff  }
0x5f5: {  	s26 =	simm.s32 $0x400;
	v0 =	vld.idx.msk [tilespmem:v4+s3+$0x0], $0xffff  }
0x5f6: {  	s23 =	sor.u32 $0x410, s4;
	s29 =	simm.s32 $0x800;
	s15 =	sor.u32 $0x438, s2;
	v2 =	vld.idx.msk [tilespmem:v2+s3+$0x0], $0xffff  }
0x5f7: {  	s2 =	sand.u32 $0x200, s26;
	[tilespmem:s16+$0xC080] =	vst v3;
	s16 =	sor.u32 $0x438, s7;
	s7 =	sand.u32 $0x3800, s29;
	v5 =	vld.idx.msk [tilespmem:v5+s3+$0x0], $0xffff  }
0x5f8: {  	v3 =	vld [tilespmem:s23+$0x4080];
	s2 =	sor.u32 s2, s7  }
0x5f9: {  	v27 =	vld [tilespmem:s2+$0x4080]  }
0x5fa: {  	v28 =	vld [tilespmem:s2+$0x4100]  }
0x5fb: {  	v29 =	vld [tilespmem:s2+$0x4180]  }
0x5fc: {  	v30 =	vld [tilespmem:s2+$0x4090]  }
0x5fd: {  	v13 =	vld [tilespmem:s2+$0x4110]  }
0x5fe: {  	v14 =	vld [tilespmem:s2+$0x4210]  }
0x5ff: {  	v15 =	vld [tilespmem:s2+$0x4190]  }
0x600: {  	v32 =	vld [tilespmem:s2+$0x40A0]  }
0x601: {  	v33 =	vld [tilespmem:s2+$0x4120]  }
0x602: {  	v34 =	vld [tilespmem:s2+$0x4230]  }
0x603: {  	v35 =	vld [tilespmem:s2+$0x41A0]  }
0x604: {  	v36 =	vld [tilespmem:s2+$0x40B0]  }
0x605: {  	v16 =	vld [tilespmem:s2+$0x4240]  }
0x606: {  	v38 =	vld [tilespmem:s2+$0x4130]  }
0x607: {  	v39 =	vld [tilespmem:s2+$0x41B0]  }
0x608: {  	v41 =	vld [tilespmem:s2+$0x40C0]  }
0x609: {  	v42 =	vld [tilespmem:s2+$0x4140]  }
0x60a: {  	[tilespmem:s21+$0xC080] =	vst v7;
	v7 =	vld [tilespmem:s2+$0x4200]  }
0x60b: {  	v43 =	vld [tilespmem:s2+$0x41C0]  }
0x60c: {  	v44 =	vld [tilespmem:s2+$0x4260]  }
0x60d: {  	v45 =	vld [tilespmem:s2+$0x40D0]  }
0x60e: {  	v46 =	vld [tilespmem:s2+$0x4150]  }
0x60f: {  	v48 =	vld [tilespmem:s2+$0x41D0]  }
0x610: {  	v49 =	vld [tilespmem:s2+$0x40E0]  }
0x611: {  	v50 =	vld [tilespmem:s2+$0x4160]  }
0x612: {  	v7 =	vld.idx.msk [tilespmem:v7+s3+$0x0], $0xffff  }
0x613: {  	v51 =	vld [tilespmem:s2+$0x41E0]  }
0x614: {  	v52 =	vld [tilespmem:s2+$0x40F0]  }
0x615: {  	v53 =	vld [tilespmem:s2+$0x4170]  }
0x616: {  	v9 =	vld.idx.msk [tilespmem:v27+s3+$0x0], $0xffff  }
0x617: {  	[tilespmem:s2+$0xC200] =	vst v7;
	v7 =	vld [tilespmem:s2+$0x4220]  }
0x618: {  	v10 =	vld.idx.msk [tilespmem:v28+s3+$0x0], $0xffff  }
0x619: {  	v31 =	vld.idx.msk [tilespmem:v14+s3+$0x0], $0xffff  }
0x61a: {  	[tilespmem:s20+$0xC080] =	vst v6;
	v4 =	vld.idx.msk [tilespmem:v1+s3+$0x0], $0xffff  }
0x61b: {  	[tilespmem:s17+$0xC080] =	vst v2;
	v2 =	vld [tilespmem:s15+$0x4080]  }
0x61c: {  	v11 =	vld.idx.msk [tilespmem:v29+s3+$0x0], $0xffff;
	[tilespmem:s2+$0xC080] =	vst v9  }
0x61d: {  	[tilespmem:s2+$0xC100] =	vst v10;
	v12 =	vld.idx.msk [tilespmem:v30+s3+$0x0], $0xffff  }
0x61e: {  	v10 =	vld.idx.msk [tilespmem:v13+s3+$0x0], $0xffff;
	[tilespmem:s2+$0xC210] =	vst v31  }
0x61f: {  	v7 =	vld.idx.msk [tilespmem:v7+s3+$0x0], $0xffff  }
0x620: {  	s24 =	sor.u32 $0x420, s12;
	[tilespmem:s19+$0xC080] =	vst v5;
	v1 =	vld [tilespmem:s16+$0x4080]  }
0x621: {  	v5 =	vld [tilespmem:s24+$0x4080];
	[tilespmem:s2+$0xC180] =	vst v11  }
0x622: {  	v11 =	vld.idx.msk [tilespmem:v15+s3+$0x0], $0xffff;
	[tilespmem:s2+$0xC090] =	vst v12  }
0x623: {  	[tilespmem:s2+$0xC110] =	vst v10;
	v13 =	vld.idx.msk [tilespmem:v32+s3+$0x0], $0xffff  }
0x624: {  	v37 =	vld.idx.msk [tilespmem:v33+s3+$0x0], $0xffff;
	[tilespmem:s2+$0xC220] =	vst v7  }
0x625: {  	s25 =	sor.u32 $0x410, s6;
	v7 =	vld.idx.msk [tilespmem:v34+s3+$0x0], $0xffff  }
0x626: {  	v26 =	vld [tilespmem:s25+$0x4080]  }
0x627: {  	v6 =	vld.idx.msk [tilespmem:v8+s3+$0x0], $0xffff;
	[tilespmem:s2+$0xC190] =	vst v11  }
0x628: {  	v11 =	vld.idx.msk [tilespmem:v35+s3+$0x0], $0xffff;
	[tilespmem:s2+$0xC0A0] =	vst v13  }
0x629: {  	[tilespmem:s2+$0xC120] =	vst v37;
	v12 =	vld.idx.msk [tilespmem:v36+s3+$0x0], $0xffff  }
0x62a: {  	[tilespmem:s2+$0xC230] =	vst v7;
	v7 =	vld [tilespmem:s2+$0x4250]  }
0x62b: {  	v10 =	vld.idx.msk [tilespmem:v38+s3+$0x0], $0xffff  }
0x62c: {  	v40 =	vld.idx.msk [tilespmem:v16+s3+$0x0], $0xffff  }
0x62d: {  	s31 =	sor.u32 $0x438, s0;
	v8 =	vld.idx.msk [tilespmem:v3+s3+$0x0], $0xffff;
	[tilespmem:s8+$0xC080] =	vst v4  }
0x62e: {  	v58 =	vld [tilespmem:s31+$0x4080];
	[tilespmem:s2+$0xC1A0] =	vst v11  }
0x62f: {  	v13 =	vld.idx.msk [tilespmem:v39+s3+$0x0], $0xffff;
	[tilespmem:s2+$0xC0B0] =	vst v12  }
0x630: {  	[tilespmem:s2+$0xC130] =	vst v10;
	v15 =	vld.idx.msk [tilespmem:v41+s3+$0x0], $0xffff  }
0x631: {  	v9 =	vld.idx.msk [tilespmem:v42+s3+$0x0], $0xffff;
	[tilespmem:s2+$0xC240] =	vst v40  }
0x632: {  	s18 =	sor.u32 $0x420, s1;
	[tilespmem:s22+$0xC080] =	vst v6;
	v7 =	vld.idx.msk [tilespmem:v7+s3+$0x0], $0xffff  }
0x633: {  	v55 =	vld [tilespmem:s18+$0x4080]  }
0x634: {  	v59 =	vld.idx.msk [tilespmem:v2+s3+$0x0], $0xffff;
	[tilespmem:s2+$0xC1B0] =	vst v13  }
0x635: {  	v11 =	vld.idx.msk [tilespmem:v43+s3+$0x0], $0xffff;
	[tilespmem:s2+$0xC0C0] =	vst v15  }
0x636: {  	[tilespmem:s2+$0xC140] =	vst v9;
	v12 =	vld.idx.msk [tilespmem:v45+s3+$0x0], $0xffff  }
0x637: {  	[tilespmem:s2+$0xC250] =	vst v7;
	v7 =	vld [tilespmem:s2+$0x4270]  }
0x638: {  	v10 =	vld.idx.msk [tilespmem:v46+s3+$0x0], $0xffff  }
0x639: {  	v47 =	vld.idx.msk [tilespmem:v44+s3+$0x0], $0xffff  }
0x63a: {  	[tilespmem:s23+$0xC080] =	vst v8;
	v3 =	vld.idx.msk [tilespmem:v5+s3+$0x0], $0xffff  }
0x63b: {  	v5 =	vld.idx.msk [tilespmem:v26+s3+$0x0], $0xffff;
	[tilespmem:s2+$0xC1C0] =	vst v11  }
0x63c: {  	v14 =	vld.idx.msk [tilespmem:v48+s3+$0x0], $0xffff;
	[tilespmem:s2+$0xC0D0] =	vst v12  }
0x63d: {  	[tilespmem:s2+$0xC150] =	vst v10;
	v54 =	vld.idx.msk [tilespmem:v49+s3+$0x0], $0xffff  }
0x63e: {  	p0 =	por !p0, !p0;
	v9 =	vld.idx.msk [tilespmem:v50+s3+$0x0], $0xffff;
	[tilespmem:s2+$0xC260] =	vst v47  }
0x63f: {  	s30 =	sor.u32 $0x430, s12;
	s7 =	sor.u32 $0x438, s12;
	s12 =	simm.s32 $0x1;
	[tilespmem:s24+$0xC080] =	vst v3;
	v7 =	vld.idx.msk [tilespmem:v7+s3+$0x0], $0xffff  }
0x640: {  	s12 =	simm.s32 @!p0 $0x0;
	s21 =	sor.u32 $0x420, s6;
	[tilespmem:s25+$0xC080] =	vst v5;
	v3 =	vld [tilespmem:s30+$0x4080]  }
0x641: {  	s12 =	sshll.u32 s12, $0x9;
	v4 =	vld [tilespmem:s21+$0x4080];
	[tilespmem:s2+$0xC1D0] =	vst v14  }
0x642: {  	s17 =	sadd.s32 $0x800, s12;
	v8 =	vld.idx.msk [tilespmem:v51+s3+$0x0], $0xffff;
	[tilespmem:s2+$0xC0E0] =	vst v54  }
0x643: {  	s14 =	sadd.s32 $0x180, s17;
	[tilespmem:s2+$0xC160] =	vst v9;
	v57 =	vld.idx.msk [tilespmem:v52+s3+$0x0], $0xffff  }
0x644: {  	s13 =	sor.u32 $0x400, s14;
	v5 =	vld.idx.msk [tilespmem:v53+s3+$0x0], $0xffff;
	[tilespmem:s2+$0xC270] =	vst v7  }
0x645: {  	v6 =	vld [tilespmem:s13+$0x4080]  }
0x646: {  	s20 =	sor.u32 $0x420, s4;
	v7 =	vld [tilespmem:s2+$0x41F0]  }
0x647: {  	v56 =	vld [tilespmem:s20+$0x4080];
	[tilespmem:s2+$0xC1E0] =	vst v8  }
0x648: {  	s19 =	sadd.s32 $0x80, s17;
	s22 =	sor.u32 $0x400, s17;
	v8 =	vld.idx.msk [tilespmem:v55+s3+$0x0], $0xffff;
	[tilespmem:s2+$0xC0F0] =	vst v57  }
0x649: {  	s26 =	sor.u32 $0x400, s19;
	[tilespmem:s2+$0xC170] =	vst v5;
	v9 =	vld [tilespmem:s22+$0x4080]  }
0x64a: {  	v5 =	vld [tilespmem:s26+$0x4080]  }
0x64b: {  	v3 =	vld.idx.msk [tilespmem:v3+s3+$0x0], $0xffff  }
0x64c: {  	v4 =	vld.idx.msk [tilespmem:v4+s3+$0x0], $0xffff  }
0x64d: {  	v6 =	vld.idx.msk [tilespmem:v6+s3+$0x0], $0xffff  }
0x64e: {  	v7 =	vld.idx.msk [tilespmem:v7+s3+$0x0], $0xffff  }
0x64f: {  	s24 =	sor.u32 $0x430, s1;
	v10 =	vld.idx.msk [tilespmem:v56+s3+$0x0], $0xffff;
	[tilespmem:s18+$0xC080] =	vst v8  }
0x650: {  	v8 =	vld [tilespmem:s24+$0x4080]  }
0x651: {  	[tilespmem:s30+$0xC080] =	vst v3;
	v2 =	vld.idx.msk [tilespmem:v9+s3+$0x0], $0xffff  }
0x652: {  	s29 =	sor.u32 $0x410, s14;
	s23 =	sadd.s32 $0x100, s17;
	v5 =	vld.idx.msk [tilespmem:v5+s3+$0x0], $0xffff;
	[tilespmem:s13+$0xC080] =	vst v6  }
0x653: {  	s30 =	sor.u32 $0x400, s23;
	[tilespmem:s2+$0xC1F0] =	vst v7;
	v6 =	vld [tilespmem:s29+$0x4080]  }
0x654: {  	v7 =	vld [tilespmem:s30+$0x4080]  }
0x655: {  	v62 =	vld.idx.msk [tilespmem:v1+s3+$0x0], $0xffff  }
0x656: {  	s25 =	sor.u32 $0x430, s4;
	v3 =	vld [tilespmem:s7+$0x4080];
	[tilespmem:s20+$0xC080] =	vst v10  }
0x657: {  	s0 =	sor.u32 $0x430, s6;
	[tilespmem:s21+$0xC080] =	vst v4;
	v4 =	vld [tilespmem:s25+$0x4080]  }
0x658: {  	v60 =	vld [tilespmem:s0+$0x4080];
	[tilespmem:s22+$0xC080] =	vst v2  }
0x659: {  	s20 =	sor.u32 $0x410, s19;
	v2 =	vld.idx.msk [tilespmem:v8+s3+$0x0], $0xffff;
	[tilespmem:s26+$0xC080] =	vst v5  }
0x65a: {  	v61 =	vld [tilespmem:s20+$0x4080]  }
0x65b: {  	v6 =	vld.idx.msk [tilespmem:v6+s3+$0x0], $0xffff  }
0x65c: {  	s21 =	sor.u32 $0x410, s17;
	v7 =	vld.idx.msk [tilespmem:v7+s3+$0x0], $0xffff  }
0x65d: {  	v8 =	vld [tilespmem:s21+$0x4080]  }
0x65e: {  	[tilespmem:s5+$0xC080] =	vst v0;
	v3 =	vld.idx.msk [tilespmem:v3+s3+$0x0], $0xffff  }
0x65f: {  	v63 =	vld.idx.msk [tilespmem:v4+s3+$0x0], $0xffff;
	[tilespmem:s24+$0xC080] =	vst v2  }
0x660: {  	s28 =	sor.u32 $0x420, s14;
	v2 =	vld.idx.msk [tilespmem:v60+s3+$0x0], $0xffff;
	[tilespmem:s29+$0xC080] =	vst v6  }
0x661: {  	s1 =	sor.u32 $0x438, s1;
	s18 =	sor.u32 $0x410, s23;
	[tilespmem:s30+$0xC080] =	vst v7;
	v5 =	vld [tilespmem:s28+$0x4080]  }
0x662: {  	v4 =	vld [tilespmem:s18+$0x4080];
	[dreg:$0x6] =	wrdreg s1  }
0x663: {  	s5 =	sor.u32 $0x438, s4;
	s12 =	sor.u32 $0x420, s17;
	v1 =	vld [tilespmem:s1+$0x4080]  }
0x664: {  	s9 =	sor.u32 $0x430, s17;
	s10 =	sor.u32 $0x420, s19;
	s8 =	sor.u32 $0x430, s19;
	[tilespmem:s7+$0xC080] =	vst v3;
	v7 =	vld.idx.msk [tilespmem:v61+s3+$0x0], $0xffff  }
0x665: {  	s11 =	sor.u32 $0x420, s23;
	s4 =	sor.u32 $0x438, s6;
	s6 =	sor.u32 $0x438, s19;
	v6 =	vld.idx.msk [tilespmem:v8+s3+$0x0], $0xffff;
	[tilespmem:s25+$0xC080] =	vst v63  }
0x666: {  	s19 =	sor.u32 $0x438, s23;
	s22 =	sor.u32 $0x430, s23;
	s13 =	simm.s32 $0x8;
	[tilespmem:s15+$0xC080] =	vst v59;
	v3 =	vld.idx.msk [tilespmem:v58+s3+$0x0], $0xffff  }
0x667: {  	s1 =	sor.u32 $0x438, s17;
	[tilespmem:s16+$0xC080] =	vst v62;
	s15 =	simm.s32 $0x600;
	s16 =	simm.s32 $0xC00;
	v0 =	vld [tilespmem:s5+$0x4080]  }
.LBB2_8:
0x668: {  	s17 =	sand.u32 $0x3800, s16;
	s23 =	sand.u32 $0x200, s15  }
0x669: {  	s17 =	sor.u32 s23, s17;
	[tilespmem:s20+$0xC080] =	vst v7;
	v5 =	vld.idx.msk [tilespmem:v5+s3+$0x0], $0xffff  }
0x66a: {  	[tilespmem:s0+$0xC080] =	vst v2;
	v7 =	vld [tilespmem:s17+$0x4100]  }
0x66b: {  	v2 =	vld.idx.msk [tilespmem:v4+s3+$0x0], $0xffff  }
0x66c: {  	[tilespmem:s21+$0xC080] =	vst v6;
	v4 =	vld [tilespmem:s17+$0x4200]  }
0x66d: {  	v6 =	vld [tilespmem:s17+$0x4080]  }
0x66e: {  	v8 =	vld [tilespmem:s17+$0x4180];
	[tilespmem:s31+$0xC080] =	vst v3  }
0x66f: {  	s24 =	sor.u32 $0x430, s14;
	v3 =	vld [tilespmem:s17+$0x4090];
	[tilespmem:s28+$0xC080] =	vst v5  }
0x670: {  	[tilespmem:s18+$0xC080] =	vst v2;
	v2 =	vld [tilespmem:s24+$0x4080]  }
0x671: {  	v5 =	vld [tilespmem:s17+$0x4110]  }
0x672: {  	v9 =	vld [tilespmem:s17+$0x4210]  }
0x673: {  	v10 =	vld [tilespmem:s17+$0x4190]  }
0x674: {  	v4 =	vld.idx.msk [tilespmem:v4+s3+$0x0], $0xffff  }
0x675: {  	v7 =	vld.idx.msk [tilespmem:v7+s3+$0x0], $0xffff  }
0x676: {  	v6 =	vld.idx.msk [tilespmem:v6+s3+$0x0], $0xffff  }
0x677: {  	v8 =	vld.idx.msk [tilespmem:v8+s3+$0x0], $0xffff  }
0x678: {  	v2 =	vld.idx.msk [tilespmem:v2+s3+$0x0], $0xffff  }
0x679: {  	[tilespmem:s17+$0xC200] =	vst v4;
	v4 =	vld [tilespmem:s17+$0x4220]  }
0x67a: {  	[tilespmem:s17+$0xC100] =	vst v7;
	v7 =	vld [tilespmem:s17+$0x40A0]  }
0x67b: {  	[tilespmem:s17+$0xC080] =	vst v6;
	v6 =	vld.idx.msk [tilespmem:v9+s3+$0x0], $0xffff  }
0x67c: {  	v3 =	vld.idx.msk [tilespmem:v3+s3+$0x0], $0xffff  }
0x67d: {  	v5 =	vld.idx.msk [tilespmem:v5+s3+$0x0], $0xffff;
	[tilespmem:s17+$0xC180] =	vst v8  }
0x67e: {  	s25 =	sor.u32 $0x438, s14;
	v8 =	vld [tilespmem:s17+$0x4120];
	[tilespmem:s24+$0xC080] =	vst v2  }
0x67f: {  	v2 =	vld [tilespmem:s25+$0x4080]  }
0x680: {  	[tilespmem:s17+$0xC210] =	vst v6;
	v6 =	vld [tilespmem:s17+$0x4230]  }
0x681: {  	[tilespmem:s17+$0xC090] =	vst v3;
	v3 =	vld.idx.msk [tilespmem:v4+s3+$0x0], $0xffff  }
0x682: {  	v4 =	vld.idx.msk [tilespmem:v10+s3+$0x0], $0xffff  }
0x683: {  	v57 =	vld [tilespmem:s17+$0x40B0]  }
0x684: {  	[tilespmem:s17+$0xC110] =	vst v5;
	v5 =	vld [tilespmem:s17+$0x41A0]  }
0x685: {  	v58 =	vld [tilespmem:s17+$0x4240]  }
0x686: {  	v7 =	vld.idx.msk [tilespmem:v7+s3+$0x0], $0xffff;
	[tilespmem:s17+$0xC220] =	vst v3  }
0x687: {  	[tilespmem:s17+$0xC190] =	vst v4;
	v4 =	vld.idx.msk [tilespmem:v8+s3+$0x0], $0xffff  }
0x688: {  	v2 =	vld.idx.msk [tilespmem:v2+s3+$0x0], $0xffff  }
0x689: {  	v3 =	vld.idx.msk [tilespmem:v6+s3+$0x0], $0xffff  }
0x68a: {  	v6 =	vld [tilespmem:s17+$0x4130]  }
0x68b: {  	v59 =	vld [tilespmem:s17+$0x4140]  }
0x68c: {  	[tilespmem:s17+$0xC0A0] =	vst v7;
	v7 =	vld [tilespmem:s17+$0x41B0]  }
0x68d: {  	v5 =	vld.idx.msk [tilespmem:v5+s3+$0x0], $0xffff  }
0x68e: {  	v8 =	vld.idx.msk [tilespmem:v57+s3+$0x0], $0xffff;
	[tilespmem:s17+$0xC120] =	vst v4  }
0x68f: {  	v4 =	vld [tilespmem:s17+$0x40C0];
	[tilespmem:s25+$0xC080] =	vst v2  }
0x690: {  	[tilespmem:s17+$0xC230] =	vst v3;
	v2 =	vld [tilespmem:s17+$0x4250]  }
0x691: {  	v3 =	vld.idx.msk [tilespmem:v58+s3+$0x0], $0xffff  }
0x692: {  	[tilespmem:s17+$0xC1A0] =	vst v5;
	v5 =	vld.idx.msk [tilespmem:v6+s3+$0x0], $0xffff  }
0x693: {  	v6 =	vld [tilespmem:s17+$0x41C0]  }
0x694: {  	[tilespmem:s17+$0xC0B0] =	vst v8;
	v8 =	vld [tilespmem:s17+$0x40D0]  }
0x695: {  	v7 =	vld.idx.msk [tilespmem:v7+s3+$0x0], $0xffff  }
0x696: {  	v60 =	vld [tilespmem:s17+$0x4150]  }
0x697: {  	v4 =	vld.idx.msk [tilespmem:v4+s3+$0x0], $0xffff  }
0x698: {  	[tilespmem:s17+$0xC240] =	vst v3;
	v3 =	vld [tilespmem:s17+$0x4260]  }
0x699: {  	[tilespmem:s17+$0xC130] =	vst v5;
	v2 =	vld.idx.msk [tilespmem:v2+s3+$0x0], $0xffff  }
0x69a: {  	[tilespmem:s17+$0xC1B0] =	vst v7;
	v5 =	vld.idx.msk [tilespmem:v59+s3+$0x0], $0xffff  }
0x69b: {  	v6 =	vld.idx.msk [tilespmem:v6+s3+$0x0], $0xffff  }
0x69c: {  	[tilespmem:s17+$0xC0C0] =	vst v4;
	v4 =	vld [tilespmem:s17+$0x41D0]  }
0x69d: {  	v7 =	vld.idx.msk [tilespmem:v8+s3+$0x0], $0xffff  }
0x69e: {  	[tilespmem:s17+$0xC250] =	vst v2;
	v2 =	vld [tilespmem:s17+$0x4270]  }
0x69f: {  	[tilespmem:s17+$0xC140] =	vst v5;
	v5 =	vld [tilespmem:s17+$0x40E0]  }
0x6a0: {  	v3 =	vld.idx.msk [tilespmem:v3+s3+$0x0], $0xffff  }
0x6a1: {  	v8 =	vld [tilespmem:s17+$0x4160]  }
0x6a2: {  	v61 =	vld [tilespmem:s17+$0x41E0]  }
0x6a3: {  	[tilespmem:s17+$0xC1C0] =	vst v6;
	v6 =	vld.idx.msk [tilespmem:v60+s3+$0x0], $0xffff  }
0x6a4: {  	[tilespmem:s17+$0xC0D0] =	vst v7;
	v7 =	vld [tilespmem:s17+$0x4170]  }
0x6a5: {  	[tilespmem:s17+$0xC260] =	vst v3;
	v3 =	vld [tilespmem:s17+$0x40F0]  }
0x6a6: {  	v4 =	vld.idx.msk [tilespmem:v4+s3+$0x0], $0xffff  }
0x6a7: {  	v2 =	vld.idx.msk [tilespmem:v2+s3+$0x0], $0xffff  }
0x6a8: {  	[tilespmem:s17+$0xC150] =	vst v6;
	v5 =	vld.idx.msk [tilespmem:v5+s3+$0x0], $0xffff  }
0x6a9: {  	p0 =	por !p0, !p0;
	s14 =	simm.s32 $0x1;
	v6 =	vld.idx.msk [tilespmem:v8+s3+$0x0], $0xffff  }
0x6aa: {  	s14 =	simm.s32 @!p0 $0x0;
	v8 =	vld [tilespmem:s17+$0x41F0]  }
0x6ab: {  	s14 =	sshll.u32 s14, $0x9;
	[tilespmem:s17+$0xC1D0] =	vst v4;
	v4 =	vld [tilespmem:s12+$0x4080]  }
0x6ac: {  	s30 =	sadd.s32 s14, s16;
	v9 =	vld.idx.msk [tilespmem:v61+s3+$0x0], $0xffff  }
0x6ad: {  	s7 =	smov.u32 s22;
	s14 =	sadd.s32 $0x180, s30;
	[tilespmem:s17+$0xC0E0] =	vst v5;
	v5 =	vld [tilespmem:s10+$0x4080]  }
0x6ae: {  	s22 =	smov.u32 s4;
	[dreg:$0x16] =	wrdreg s7;
	s4 =	sor.u32 $0x400, s14;
	[tilespmem:s17+$0xC270] =	vst v2;
	v3 =	vld.idx.msk [tilespmem:v3+s3+$0x0], $0xffff  }
0x6af: {  	[dreg:$0x1e] =	wrdreg s22;
	s23 =	smov.u32 s19;
	s31 =	sadd.s32 $0x100, s30;
	[tilespmem:s17+$0xC160] =	vst v6;
	v2 =	vld [tilespmem:s4+$0x4080]  }
0x6b0: {  	s7 =	sor.u32 $0x420, s31;
	s22 =	sor.u32 $0x430, s31;
	s19 =	sor.u32 $0x438, s31;
	v6 =	vld.idx.msk [tilespmem:v7+s3+$0x0], $0xffff  }
0x6b1: {  	s18 =	sor.u32 $0x410, s31;
	s25 =	sor.u32 $0x400, s31;
	s31 =	rddreg [dreg:$0x1e]  }
0x6b2: {  	v62 =	vld [tilespmem:s31+$0x4080]  }
0x6b3: {  	v7 =	vld [tilespmem:s11+$0x4080];
	[tilespmem:s17+$0xC0F0] =	vst v3  }
0x6b4: {  	s26 =	sadd.s32 $0x80, s30;
	[tilespmem:s17+$0xC1E0] =	vst v9;
	v3 =	vld.idx.msk [tilespmem:v4+s3+$0x0], $0xffff  }
0x6b5: {  	s24 =	sor.u32 $0x400, s26;
	v8 =	vld.idx.msk [tilespmem:v8+s3+$0x0], $0xffff;
	[tilespmem:s17+$0xC170] =	vst v6  }
0x6b6: {  	v6 =	vld [tilespmem:s24+$0x4080]  }
0x6b7: {  	s28 =	sor.u32 $0x400, s30;
	v2 =	vld.idx.msk [tilespmem:v2+s3+$0x0], $0xffff  }
0x6b8: {  	v4 =	vld [tilespmem:s28+$0x4080]  }
0x6b9: {  	v5 =	vld.idx.msk [tilespmem:v5+s3+$0x0], $0xffff;
	[tilespmem:s12+$0xC080] =	vst v3  }
0x6ba: {  	v3 =	vld [tilespmem:s9+$0x4080]  }
0x6bb: {  	v1 =	vld.idx.msk [tilespmem:v1+s3+$0x0], $0xffff  }
0x6bc: {  	[tilespmem:s4+$0xC080] =	vst v2;
	s4 =	sor.u32 $0x410, s14;
	v2 =	vld.idx.msk [tilespmem:v7+s3+$0x0], $0xffff  }
0x6bd: {  	[tilespmem:s17+$0xC1F0] =	vst v8;
	v7 =	vld [tilespmem:s4+$0x4080]  }
0x6be: {  	[tilespmem:s10+$0xC080] =	vst v5;
	v8 =	vld [tilespmem:s25+$0x4080]  }
0x6bf: {  	v5 =	vld.idx.msk [tilespmem:v6+s3+$0x0], $0xffff  }
0x6c0: {  	v4 =	vld.idx.msk [tilespmem:v4+s3+$0x0], $0xffff;
	_ =	sdelay $0x1  }
0x6c1: {  	s0 =	sor.u32 $0x420, s30;
	[tilespmem:s11+$0xC080] =	vst v2;
	s11 =	smov.u32 s7;
	s7 =	rddreg [dreg:$0x6]  }
0x6c2: {  	s12 =	smov.u32 s0;
	s0 =	rddreg [dreg:$0x16];
	v2 =	vld [tilespmem:s8+$0x4080];
	[tilespmem:s7+$0xC080] =	vst v1  }
0x6c3: {  	s20 =	sor.u32 $0x410, s26;
	v6 =	vld [tilespmem:s0+$0x4080];
	[tilespmem:s24+$0xC080] =	vst v5  }
0x6c4: {  	[tilespmem:s28+$0xC080] =	vst v4;
	v63 =	vld [tilespmem:s20+$0x4080]  }
0x6c5: {  	v1 =	vld.idx.msk [tilespmem:v3+s3+$0x0], $0xffff  }
0x6c6: {  	v7 =	vld.idx.msk [tilespmem:v7+s3+$0x0], $0xffff  }
0x6c7: {  	s21 =	sor.u32 $0x410, s30;
	v8 =	vld.idx.msk [tilespmem:v8+s3+$0x0], $0xffff  }
0x6c8: {  	v3 =	vld [tilespmem:s21+$0x4080]  }
0x6c9: {  	v0 =	vld.idx.msk [tilespmem:v0+s3+$0x0], $0xffff  }
0x6ca: {  	s17 =	smov.u32 s1;
	v11 =	vld.idx.msk [tilespmem:v2+s3+$0x0], $0xffff;
	[tilespmem:s9+$0xC080] =	vst v1  }
0x6cb: {  	s28 =	sor.u32 $0x420, s14;
	[tilespmem:s4+$0xC080] =	vst v7;
	v1 =	vld [tilespmem:s17+$0x4080]  }
0x6cc: {  	s13 =	sadd.s32 $0x4, s13;
	s2 =	smov.u32 s6;
	[tilespmem:s25+$0xC080] =	vst v8;
	v5 =	vld [tilespmem:s28+$0x4080]  }
0x6cd: {  	s15 =	sadd.s32 $0x200, s15;
	p1 =	slt.u32 s13, $0x3C;
	[dreg:$0xe] =	wrdreg s23;
	v4 =	vld [tilespmem:s18+$0x4080]  }
.Ltmp3:
0x6ce: {  	s16 =	sadd.s32 $0x400, s16;
	s29 =	sor.u32 $0x430, s30;
	[tilespmem:s5+$0xC080] =	vst v0;
	v2 =	vld.idx.msk [tilespmem:v6+s3+$0x0], $0xffff;
	(pc) =	sbr.rel @p1 .LBB2_8-.Ltmp3, $4  }
0x6cf: {  	s6 =	sor.u32 $0x420, s26;
	s23 =	sor.u32 $0x430, s26;
	s26 =	sor.u32 $0x438, s26;
	v7 =	vld.idx.msk [tilespmem:v63+s3+$0x0], $0xffff  }
0x6d0: {  	s30 =	sor.u32 $0x438, s30;
	s10 =	smov.u32 s6;
	s6 =	smov.u32 s26;
	v6 =	vld.idx.msk [tilespmem:v3+s3+$0x0], $0xffff  }
0x6d1: {  	s1 =	smov.u32 s30;
	[dreg:$0x6] =	wrdreg s17;
	s5 =	smov.u32 s2;
	v3 =	vld.idx.msk [tilespmem:v62+s3+$0x0], $0xffff;
	[tilespmem:s8+$0xC080] =	vst v11  }
0x6d2: {  	s9 =	smov.u32 s29;
	s4 =	rddreg [dreg:$0xe];
	s8 =	smov.u32 s23;
	v0 =	vld [tilespmem:s5+$0x4080]  }
0x6d3: {  	_ =	sdelay $0x3  }
0x6d4: {  	v4 =	vld.idx.msk [tilespmem:v4+s3+$0x0], $0xffff;
	_ =	sdelay $0x2  }
0x6d5: {  	v5 =	vld.idx.msk [tilespmem:v5+s3+$0x0], $0xffff;
	[tilespmem:s21+$0xC080] =	vst v6  }
0x6d6: {  	[tilespmem:s20+$0xC080] =	vst v7;
	v6 =	vld [tilespmem:s12+$0x4080]  }
0x6d7: {  	[tilespmem:s18+$0xC080] =	vst v4;
	v4 =	vld [tilespmem:s10+$0x4080]  }
0x6d8: {  	v7 =	vld [tilespmem:s11+$0x4080];
	_ =	sdelay $0x1  }
0x6d9: {  	s30 =	sor.u32 $0x430, s14;
	[tilespmem:s28+$0xC080] =	vst v5  }
0x6da: {  	v5 =	vld [tilespmem:s30+$0x4080];
	_ =	sdelay $0x2  }
0x6db: {  	v6 =	vld.idx.msk [tilespmem:v6+s3+$0x0], $0xffff  }
0x6dc: {  	v4 =	vld.idx.msk [tilespmem:v4+s3+$0x0], $0xffff  }
0x6dd: {  	v7 =	vld.idx.msk [tilespmem:v7+s3+$0x0], $0xffff;
	_ =	sdelay $0x2  }
0x6de: {  	v5 =	vld.idx.msk [tilespmem:v5+s3+$0x0], $0xffff;
	[tilespmem:s12+$0xC080] =	vst v6  }
0x6df: {  	v6 =	vld [tilespmem:s9+$0x4080];
	[tilespmem:s10+$0xC080] =	vst v4  }
0x6e0: {  	[tilespmem:s11+$0xC080] =	vst v7;
	v4 =	vld [tilespmem:s8+$0x4080]  }
0x6e1: {  	v7 =	vld [tilespmem:s22+$0x4080];
	_ =	sdelay $0x3  }
0x6e2: {  	s7 =	sor.u32 $0x438, s14;
	[tilespmem:s30+$0xC080] =	vst v5  }
0x6e3: {  	v5 =	vld [tilespmem:s7+$0x4080]  }
0x6e4: {  	v6 =	vld.idx.msk [tilespmem:v6+s3+$0x0], $0xffff  }
0x6e5: {  	v4 =	vld.idx.msk [tilespmem:v4+s3+$0x0], $0xffff  }
0x6e6: {  	v7 =	vld.idx.msk [tilespmem:v7+s3+$0x0], $0xffff  }
0x6e7: {  	s2 =	smov.u32 s0  }
0x6e8: {  	[tilespmem:s2+$0xC080] =	vst v2  }
0x6e9: {  	v2 =	vld [tilespmem:s4+$0x4080];
	[tilespmem:s9+$0xC080] =	vst v6  }
0x6ea: {  	v6 =	vld [tilespmem:s1+$0x4080];
	[tilespmem:s8+$0xC080] =	vst v4  }
0x6eb: {  	v4 =	vld [tilespmem:s6+$0x4080];
	[tilespmem:s22+$0xC080] =	vst v7  }
0x6ec: {  	v7 =	vld [tilespmem:s19+$0x4080]  }
0x6ed: {  	v5 =	vld.idx.msk [tilespmem:v5+s3+$0x0], $0xffff;
	_ =	sdelay $0x1  }
0x6ee: {  	v1 =	vld.idx.msk [tilespmem:v1+s3+$0x0], $0xffff  }
0x6ef: {  	v0 =	vld.idx.msk [tilespmem:v0+s3+$0x0], $0xffff  }
0x6f0: {  	[tilespmem:s31+$0xC080] =	vst v3;
	v2 =	vld.idx.msk [tilespmem:v2+s3+$0x0], $0xffff  }
0x6f1: {  	[tilespmem:s7+$0xC080] =	vst v5;
	v3 =	vld.idx.msk [tilespmem:v6+s3+$0x0], $0xffff  }
0x6f2: {  	s0 =	rddreg [dreg:$0x6];
	v4 =	vld.idx.msk [tilespmem:v4+s3+$0x0], $0xffff  }
0x6f3: {  	[tilespmem:s0+$0xC080] =	vst v1;
	v1 =	vld.idx.msk [tilespmem:v7+s3+$0x0], $0xffff  }
0x6f4: {  	[tilespmem:s5+$0xC080] =	vst v0  }
0x6f5: {  	[tilespmem:s4+$0xC080] =	vst v2  }
0x6f6: {  	[tilespmem:s1+$0xC080] =	vst v3  }
0x6f7: {  	[tilespmem:s6+$0xC080] =	vst v4  }
0x6f8: {  	[tilespmem:s19+$0xC080] =	vst v1  }
0x6f9: {  	s1 =	sld [smem:$0x7F5];
	_ =	sdelay $0x1  }
0x6fa: {  	s10 =	simm.s32 $0xC080;
	s9 =	simm.s32 $0x0;
	s11 =	sld [smem:$0x7F6]  }
0x6fb: {  	[hbm4b:s1+s9] =	stream.linear.scatter [tilespmem:s10], [sflag:$0x4], $0x4000, $0x38;
	[tilespmem:$0x10080] =	vst v63  }
0x6fc: {  	s13 =	simm.s32 $0x1;
	s12 =	simm.s32 $0x4080  }
0x6fd: {  	[tilespmem:s12], [sflag:$0x2] =	stream.linear.gather [hbm4b:s11+s9], $0x4000, $0x38;
	[tilespmem:$0x10080] =	vst v63  }
0x6fe: {  	_ =	swait.ge [sflag:s13], $0x4000  }
0x6ff: {  	[sflag:s13] =	ssyncset.done $0x0  }
0x700: {  	s14 =	simm.s32 $0x3;
	[sflag:s13] =	ssyncadd.s32 $0xFFFFC000  }
0x701: {  	_ =	swait.ge [sflag:s14], $0x4000  }
0x702: {  	s15 =	sand.u32 $0x3800, s9;
	s0 =	sand.u32 $0x200, s9;
	[sflag:s14] =	ssyncset.done $0x0  }
0x703: {  	s1 =	sor.u32 s0, s15;
	[sflag:s14] =	ssyncadd.s32 $0xFFFFC000  }
0x704: {  	v0 =	vld [tilespmem:s1+$0x200]  }
0x705: {  	v1 =	vld [tilespmem:s1+$0x80]  }
0x706: {  	v2 =	vld [tilespmem:s1+$0x100]  }
0x707: {  	v3 =	vld [tilespmem:s1+$0x180]  }
0x708: {  	v4 =	vld [tilespmem:s1+$0x90]  }
0x709: {  	v5 =	vld [tilespmem:s1+$0x210]  }
0x70a: {  	s25 =	simm.s32 $0x200;
	s26 =	simm.s32 $0x400;
	v6 =	vld [tilespmem:s1+$0x110]  }
0x70b: {  	s8 =	sand.u32 $0x200, s25;
	s9 =	sand.u32 $0x3800, s26;
	v7 =	vld [tilespmem:s1+$0x220]  }
0x70c: {  	s8 =	sor.u32 s8, s9;
	v8 =	vld [tilespmem:s1+$0x190]  }
0x70d: {  	v9 =	vld [tilespmem:s8+$0x210]  }
0x70e: {  	v10 =	vld [tilespmem:s8+$0x110]  }
0x70f: {  	v11 =	vld [tilespmem:s8+$0x220]  }
0x710: {  	v12 =	vld [tilespmem:s8+$0x190]  }
0x711: {  	v60 =	vld [tilespmem:s8+$0x230]  }
0x712: {  	v61 =	vld [tilespmem:s8+$0x120]  }
0x713: {  	v63 =	vld [tilespmem:s8+$0x240]  }
0x714: {  	v16 =	vld [tilespmem:s8+$0x130]  }
0x715: {  	v18 =	vld [tilespmem:s8+$0xC0]  }
0x716: {  	v19 =	vld [tilespmem:s8+$0x260]  }
0x717: {  	v20 =	vld [tilespmem:s8+$0x150]  }
0x718: {  	v21 =	vld [tilespmem:s8+$0x1D0]  }
0x719: {  	v0 =	vld.idx.msk [tilespmem:v0+s3+$0x0], $0xffff  }
0x71a: {  	v2 =	vld.idx.msk [tilespmem:v2+s3+$0x0], $0xffff  }
0x71b: {  	v1 =	vld.idx.msk [tilespmem:v1+s3+$0x0], $0xffff  }
0x71c: {  	v22 =	vld [tilespmem:s8+$0xE0]  }
0x71d: {  	v23 =	vld [tilespmem:s8+$0x1E0]  }
0x71e: {  	v3 =	vld.idx.msk [tilespmem:v3+s3+$0x0], $0xffff;
	[tilespmem:s1+$0x8200] =	vst v0  }
0x71f: {  	[tilespmem:s1+$0x8100] =	vst v2;
	v2 =	vld [tilespmem:s1+$0xA0]  }
0x720: {  	[tilespmem:s1+$0x8080] =	vst v1;
	v0 =	vld.idx.msk [tilespmem:v5+s3+$0x0], $0xffff  }
0x721: {  	v1 =	vld.idx.msk [tilespmem:v4+s3+$0x0], $0xffff  }
0x722: {  	v4 =	vld.idx.msk [tilespmem:v6+s3+$0x0], $0xffff  }
0x723: {  	v6 =	vld [tilespmem:s1+$0x120]  }
0x724: {  	[tilespmem:s1+$0x8180] =	vst v3;
	v3 =	vld [tilespmem:s1+$0x1A0]  }
0x725: {  	v5 =	vld [tilespmem:s1+$0x230];
	[tilespmem:s1+$0x8210] =	vst v0  }
0x726: {  	v0 =	vld.idx.msk [tilespmem:v7+s3+$0x0], $0xffff  }
0x727: {  	v7 =	vld.idx.msk [tilespmem:v8+s3+$0x0], $0xffff  }
0x728: {  	[tilespmem:s1+$0x8090] =	vst v1;
	v1 =	vld [tilespmem:s1+$0xB0]  }
0x729: {  	v8 =	vld [tilespmem:s1+$0x240]  }
0x72a: {  	[tilespmem:s1+$0x8110] =	vst v4;
	v2 =	vld.idx.msk [tilespmem:v2+s3+$0x0], $0xffff  }
0x72b: {  	v4 =	vld.idx.msk [tilespmem:v6+s3+$0x0], $0xffff;
	[tilespmem:s1+$0x8220] =	vst v0  }
0x72c: {  	[tilespmem:s1+$0x8190] =	vst v7;
	v7 =	vld [tilespmem:s1+$0xC0]  }
0x72d: {  	v0 =	vld.idx.msk [tilespmem:v5+s3+$0x0], $0xffff  }
0x72e: {  	v5 =	vld [tilespmem:s1+$0x130]  }
0x72f: {  	v3 =	vld.idx.msk [tilespmem:v3+s3+$0x0], $0xffff  }
0x730: {  	[tilespmem:s1+$0x80A0] =	vst v2;
	v2 =	vld [tilespmem:s1+$0x1B0]  }
0x731: {  	v1 =	vld.idx.msk [tilespmem:v1+s3+$0x0], $0xffff  }
0x732: {  	[tilespmem:s1+$0x8120] =	vst v4;
	v4 =	vld [tilespmem:s1+$0x140]  }
0x733: {  	[tilespmem:s1+$0x8230] =	vst v0;
	v0 =	vld [tilespmem:s1+$0x250]  }
0x734: {  	[tilespmem:s1+$0x81A0] =	vst v3;
	v3 =	vld [tilespmem:s1+$0x1C0]  }
0x735: {  	v6 =	vld.idx.msk [tilespmem:v8+s3+$0x0], $0xffff  }
0x736: {  	[tilespmem:s1+$0x80B0] =	vst v1;
	v1 =	vld [tilespmem:s1+$0xD0]  }
0x737: {  	v7 =	vld.idx.msk [tilespmem:v7+s3+$0x0], $0xffff  }
0x738: {  	v5 =	vld.idx.msk [tilespmem:v5+s3+$0x0], $0xffff  }
0x739: {  	v2 =	vld.idx.msk [tilespmem:v2+s3+$0x0], $0xffff  }
0x73a: {  	[tilespmem:s1+$0x8240] =	vst v6;
	v6 =	vld [tilespmem:s1+$0x260]  }
0x73b: {  	v25 =	vld [tilespmem:s8+$0x1F0]  }
0x73c: {  	v0 =	vld.idx.msk [tilespmem:v0+s3+$0x0], $0xffff  }
0x73d: {  	[tilespmem:s1+$0x8130] =	vst v5;
	v5 =	vld [tilespmem:s1+$0x150]  }
0x73e: {  	[tilespmem:s1+$0x81B0] =	vst v2;
	v4 =	vld.idx.msk [tilespmem:v4+s3+$0x0], $0xffff  }
0x73f: {  	[tilespmem:s1+$0x80C0] =	vst v7;
	v2 =	vld.idx.msk [tilespmem:v3+s3+$0x0], $0xffff  }
0x740: {  	v1 =	vld.idx.msk [tilespmem:v1+s3+$0x0], $0xffff  }
0x741: {  	[tilespmem:s1+$0x8250] =	vst v0;
	v0 =	vld [tilespmem:s1+$0x270]  }
0x742: {  	v3 =	vld.idx.msk [tilespmem:v6+s3+$0x0], $0xffff  }
0x743: {  	v6 =	vld [tilespmem:s1+$0x1D0]  }
0x744: {  	[tilespmem:s1+$0x8140] =	vst v4;
	v4 =	vld [tilespmem:s1+$0x160]  }
0x745: {  	v7 =	vld [tilespmem:s1+$0xE0]  }
0x746: {  	v5 =	vld.idx.msk [tilespmem:v5+s3+$0x0], $0xffff  }
0x747: {  	v8 =	vld [tilespmem:s1+$0x1E0];
	[tilespmem:s1+$0x81C0] =	vst v2  }
0x748: {  	v2 =	vld [tilespmem:s1+$0xF0];
	[tilespmem:s1+$0x80D0] =	vst v1  }
0x749: {  	v1 =	vld [tilespmem:s1+$0x170];
	[tilespmem:s1+$0x8260] =	vst v3  }
0x74a: {  	p0 =	por $0x0, $0x0;
	s0 =	simm.s32 $0x1;
	v0 =	vld.idx.msk [tilespmem:v0+s3+$0x0], $0xffff  }
0x74b: {  	s0 =	simm.s32 @!p0 $0x0;
	[tilespmem:s1+$0x8150] =	vst v5;
	v3 =	vld.idx.msk [tilespmem:v6+s3+$0x0], $0xffff  }
0x74c: {  	s0 =	sshll.u32 s0, $0x9;
	v4 =	vld.idx.msk [tilespmem:v4+s3+$0x0], $0xffff  }
0x74d: {  	s2 =	sadd.s32 $0x0, s0;
	v6 =	vld.idx.msk [tilespmem:v7+s3+$0x0], $0xffff  }
0x74e: {  	s5 =	sadd.s32 $0x180, s2;
	v5 =	vld [tilespmem:s1+$0x1F0]  }
0x74f: {  	s16 =	sor.u32 $0x400, s5;
	v7 =	vld [tilespmem:s8+$0x180];
	[tilespmem:s1+$0x8270] =	vst v0  }
0x750: {  	v0 =	vld [tilespmem:s16+$0x80];
	[tilespmem:s1+$0x81D0] =	vst v3  }
0x751: {  	[tilespmem:s1+$0x8160] =	vst v4;
	v4 =	vld [tilespmem:s8+$0x200]  }
0x752: {  	[tilespmem:s1+$0x80E0] =	vst v6;
	v3 =	vld.idx.msk [tilespmem:v8+s3+$0x0], $0xffff  }
0x753: {  	v2 =	vld.idx.msk [tilespmem:v2+s3+$0x0], $0xffff  }
0x754: {  	v1 =	vld.idx.msk [tilespmem:v1+s3+$0x0], $0xffff  }
0x755: {  	v6 =	vld [tilespmem:s8+$0x100]  }
0x756: {  	v8 =	vld [tilespmem:s8+$0x90]  }
0x757: {  	v7 =	vld.idx.msk [tilespmem:v7+s3+$0x0], $0xffff;
	[tilespmem:s1+$0x81E0] =	vst v3  }
0x758: {  	s7 =	sadd.s32 $0x80, s2;
	s17 =	sor.u32 $0x400, s2;
	[tilespmem:s1+$0x80F0] =	vst v2;
	v3 =	vld.idx.msk [tilespmem:v5+s3+$0x0], $0xffff  }
0x759: {  	s18 =	sor.u32 $0x400, s7;
	[tilespmem:s1+$0x8170] =	vst v1;
	v2 =	vld [tilespmem:s17+$0x80]  }
0x75a: {  	v1 =	vld [tilespmem:s18+$0x80]  }
0x75b: {  	v5 =	vld [tilespmem:s8+$0x80]  }
0x75c: {  	v4 =	vld.idx.msk [tilespmem:v4+s3+$0x0], $0xffff  }
0x75d: {  	v6 =	vld.idx.msk [tilespmem:v6+s3+$0x0], $0xffff  }
0x75e: {  	v0 =	vld.idx.msk [tilespmem:v0+s3+$0x0], $0xffff  }
0x75f: {  	s0 =	sadd.s32 $0x100, s2;
	[tilespmem:s8+$0x8180] =	vst v7;
	v7 =	vld [tilespmem:s8+$0x1A0]  }
0x760: {  	s20 =	sor.u32 $0x400, s0;
	v62 =	vld.idx.msk [tilespmem:v12+s3+$0x0], $0xffff;
	[tilespmem:s1+$0x81F0] =	vst v3  }
0x761: {  	v3 =	vld [tilespmem:s20+$0x80];
	[tilespmem:s8+$0x8200] =	vst v4  }
0x762: {  	[tilespmem:s8+$0x8100] =	vst v6;
	v6 =	vld [tilespmem:s8+$0xA0]  }
0x763: {  	s19 =	sor.u32 $0x410, s5;
	[tilespmem:s16+$0x8080] =	vst v0;
	v4 =	vld.idx.msk [tilespmem:v9+s3+$0x0], $0xffff  }
0x764: {  	v0 =	vld [tilespmem:s19+$0x80]  }
0x765: {  	v2 =	vld.idx.msk [tilespmem:v2+s3+$0x0], $0xffff  }
0x766: {  	v5 =	vld.idx.msk [tilespmem:v5+s3+$0x0], $0xffff  }
0x767: {  	[tilespmem:s8+$0x8190] =	vst v62;
	v1 =	vld.idx.msk [tilespmem:v1+s3+$0x0], $0xffff  }
0x768: {  	v7 =	vld.idx.msk [tilespmem:v7+s3+$0x0], $0xffff;
	[tilespmem:s8+$0x8210] =	vst v4  }
0x769: {  	v4 =	vld.idx.msk [tilespmem:v11+s3+$0x0], $0xffff  }
0x76a: {  	s21 =	sor.u32 $0x410, s2;
	[tilespmem:s17+$0x8080] =	vst v2;
	v3 =	vld.idx.msk [tilespmem:v3+s3+$0x0], $0xffff  }
0x76b: {  	[tilespmem:s8+$0x8080] =	vst v5;
	v2 =	vld [tilespmem:s21+$0x80]  }
0x76c: {  	s22 =	sor.u32 $0x410, s7;
	[tilespmem:s18+$0x8080] =	vst v1;
	v5 =	vld.idx.msk [tilespmem:v8+s3+$0x0], $0xffff  }
0x76d: {  	v1 =	vld [tilespmem:s22+$0x80]  }
0x76e: {  	v8 =	vld.idx.msk [tilespmem:v10+s3+$0x0], $0xffff  }
0x76f: {  	[tilespmem:s8+$0x81A0] =	vst v7;
	v7 =	vld [tilespmem:s8+$0x1C0]  }
0x770: {  	v0 =	vld.idx.msk [tilespmem:v0+s3+$0x0], $0xffff;
	[tilespmem:s8+$0x8220] =	vst v4  }
0x771: {  	[tilespmem:s8+$0x8090] =	vst v5;
	v5 =	vld [tilespmem:s8+$0xB0]  }
0x772: {  	v4 =	vld.idx.msk [tilespmem:v60+s3+$0x0], $0xffff  }
0x773: {  	s24 =	sor.u32 $0x410, s0;
	[tilespmem:s20+$0x8080] =	vst v3;
	v6 =	vld.idx.msk [tilespmem:v6+s3+$0x0], $0xffff  }
0x774: {  	[tilespmem:s8+$0x8110] =	vst v8;
	v3 =	vld [tilespmem:s24+$0x80]  }
0x775: {  	s23 =	sor.u32 $0x420, s5;
	[tilespmem:s19+$0x8080] =	vst v0;
	v8 =	vld.idx.msk [tilespmem:v61+s3+$0x0], $0xffff  }
0x776: {  	v0 =	vld [tilespmem:s23+$0x80]  }
0x777: {  	[tilespmem:s8+$0x8230] =	vst v4;
	v4 =	vld [tilespmem:s8+$0x250]  }
0x778: {  	[tilespmem:s8+$0x80A0] =	vst v6;
	v6 =	vld [tilespmem:s8+$0x1B0]  }
0x779: {  	v17 =	vld.idx.msk [tilespmem:v63+s3+$0x0], $0xffff  }
0x77a: {  	v2 =	vld.idx.msk [tilespmem:v2+s3+$0x0], $0xffff  }
0x77b: {  	v1 =	vld.idx.msk [tilespmem:v1+s3+$0x0], $0xffff  }
0x77c: {  	[tilespmem:s8+$0x8120] =	vst v8;
	v8 =	vld [tilespmem:s8+$0x140]  }
0x77d: {  	v5 =	vld.idx.msk [tilespmem:v5+s3+$0x0], $0xffff  }
0x77e: {  	v9 =	vld.idx.msk [tilespmem:v16+s3+$0x0], $0xffff;
	[tilespmem:s8+$0x8240] =	vst v17  }
0x77f: {  	v4 =	vld.idx.msk [tilespmem:v4+s3+$0x0], $0xffff  }
0x780: {  	v6 =	vld.idx.msk [tilespmem:v6+s3+$0x0], $0xffff  }
0x781: {  	v0 =	vld.idx.msk [tilespmem:v0+s3+$0x0], $0xffff  }
0x782: {  	[tilespmem:s8+$0x80B0] =	vst v5;
	v5 =	vld [tilespmem:s8+$0xD0]  }
0x783: {  	[tilespmem:s8+$0x8130] =	vst v9;
	v11 =	vld.idx.msk [tilespmem:v18+s3+$0x0], $0xffff  }
0x784: {  	v8 =	vld.idx.msk [tilespmem:v8+s3+$0x0], $0xffff;
	[tilespmem:s8+$0x8250] =	vst v4  }
0x785: {  	v4 =	vld [tilespmem:s8+$0x270];
	[tilespmem:s8+$0x81B0] =	vst v6  }
0x786: {  	v6 =	vld.idx.msk [tilespmem:v7+s3+$0x0], $0xffff  }
0x787: {  	v7 =	vld.idx.msk [tilespmem:v19+s3+$0x0], $0xffff  }
0x788: {  	v3 =	vld.idx.msk [tilespmem:v3+s3+$0x0], $0xffff;
	[tilespmem:s8+$0x80C0] =	vst v11  }
0x789: {  	[tilespmem:s8+$0x8140] =	vst v8;
	v8 =	vld [tilespmem:s8+$0x160]  }
0x78a: {  	s29 =	sor.u32 $0x430, s5;
	[tilespmem:s23+$0x8080] =	vst v0;
	v5 =	vld.idx.msk [tilespmem:v5+s3+$0x0], $0xffff  }
0x78b: {  	v0 =	vld [tilespmem:s29+$0x80]  }
0x78c: {  	v9 =	vld.idx.msk [tilespmem:v20+s3+$0x0], $0xffff;
	[tilespmem:s8+$0x8260] =	vst v7  }
0x78d: {  	[tilespmem:s8+$0x81C0] =	vst v6;
	v6 =	vld [tilespmem:s8+$0xF0]  }
0x78e: {  	v4 =	vld.idx.msk [tilespmem:v4+s3+$0x0], $0xffff  }
0x78f: {  	p0 =	por !p0, !p0;
	s1 =	simm.s32 $0x1;
	v7 =	vld.idx.msk [tilespmem:v21+s3+$0x0], $0xffff;
	[tilespmem:s8+$0x80D0] =	vst v5  }
0x790: {  	s1 =	simm.s32 @!p0 $0x0;
	[tilespmem:s21+$0x8080] =	vst v2;
	v24 =	vld.idx.msk [tilespmem:v22+s3+$0x0], $0xffff  }
0x791: {  	s1 =	sshll.u32 s1, $0x9;
	[tilespmem:s8+$0x8150] =	vst v9;
	v5 =	vld [tilespmem:s8+$0x170]  }
0x792: {  	s13 =	sor.u32 $0x420, s2;
	s1 =	sadd.s32 $0x400, s1;
	[tilespmem:s22+$0x8080] =	vst v1;
	v8 =	vld.idx.msk [tilespmem:v8+s3+$0x0], $0xffff  }
0x793: {  	s14 =	sor.u32 $0x420, s7;
	s12 =	sadd.s32 $0x180, s1;
	[tilespmem:s8+$0x8270] =	vst v4;
	v4 =	vld [tilespmem:s13+$0x80]  }
0x794: {  	s30 =	sor.u32 $0x400, s12;
	[tilespmem:s8+$0x81D0] =	vst v7;
	v7 =	vld [tilespmem:s14+$0x80]  }
0x795: {  	v2 =	vld [tilespmem:s30+$0x80];
	[tilespmem:s8+$0x80E0] =	vst v24  }
0x796: {  	v6 =	vld.idx.msk [tilespmem:v6+s3+$0x0], $0xffff  }
0x797: {  	v0 =	vld.idx.msk [tilespmem:v0+s3+$0x0], $0xffff  }
0x798: {  	v1 =	vld.idx.msk [tilespmem:v23+s3+$0x0], $0xffff;
	[tilespmem:s8+$0x8160] =	vst v8  }
0x799: {  	s18 =	sor.u32 $0x420, s0;
	[tilespmem:s24+$0x8080] =	vst v3;
	v3 =	vld.idx.msk [tilespmem:v5+s3+$0x0], $0xffff  }
0x79a: {  	v5 =	vld [tilespmem:s18+$0x80]  }
0x79b: {  	s15 =	sor.u32 $0x400, s1;
	[tilespmem:s8+$0x80F0] =	vst v6;
	v4 =	vld.idx.msk [tilespmem:v4+s3+$0x0], $0xffff  }
0x79c: {  	v6 =	vld [tilespmem:s15+$0x80]  }
0x79d: {  	v7 =	vld.idx.msk [tilespmem:v7+s3+$0x0], $0xffff  }
0x79e: {  	s4 =	sadd.s32 $0x80, s1;
	[tilespmem:s8+$0x81E0] =	vst v1;
	v1 =	vld.idx.msk [tilespmem:v2+s3+$0x0], $0xffff  }
0x79f: {  	s16 =	sor.u32 $0x400, s4;
	[tilespmem:s8+$0x8170] =	vst v3;
	v2 =	vld.idx.msk [tilespmem:v25+s3+$0x0], $0xffff  }
0x7a0: {  	s5 =	sor.u32 $0x438, s5;
	[tilespmem:s29+$0x8080] =	vst v0;
	v3 =	vld [tilespmem:s16+$0x80]  }
0x7a1: {  	s20 =	sor.u32 $0x430, s2;
	[tilespmem:s13+$0x8080] =	vst v4;
	v4 =	vld [tilespmem:s5+$0x80]  }
0x7a2: {  	[tilespmem:s14+$0x8080] =	vst v7;
	v0 =	vld [tilespmem:s20+$0x80]  }
0x7a3: {  	s21 =	sor.u32 $0x430, s7;
	[tilespmem:s30+$0x8080] =	vst v1;
	v1 =	vld.idx.msk [tilespmem:v5+s3+$0x0], $0xffff  }
0x7a4: {  	v7 =	vld [tilespmem:s21+$0x80]  }
0x7a5: {  	s6 =	sadd.s32 $0x100, s1;
	s17 =	sor.u32 $0x410, s12;
	v6 =	vld.idx.msk [tilespmem:v6+s3+$0x0], $0xffff  }
0x7a6: {  	s19 =	sor.u32 $0x400, s6;
	[tilespmem:s8+$0x81F0] =	vst v2;
	v2 =	vld [tilespmem:s17+$0x80]  }
0x7a7: {  	v5 =	vld [tilespmem:s19+$0x80]  }
0x7a8: {  	s8 =	sor.u32 $0x430, s0;
	v3 =	vld.idx.msk [tilespmem:v3+s3+$0x0], $0xffff;
	[tilespmem:s18+$0x8080] =	vst v1  }
0x7a9: {  	v1 =	vld [tilespmem:s8+$0x80]  }
0x7aa: {  	s22 =	sor.u32 $0x410, s1;
	[tilespmem:s15+$0x8080] =	vst v6;
	v6 =	vld.idx.msk [tilespmem:v0+s3+$0x0], $0xffff  }
0x7ab: {  	v8 =	vld [tilespmem:s22+$0x80]  }
0x7ac: {  	v7 =	vld.idx.msk [tilespmem:v7+s3+$0x0], $0xffff  }
0x7ad: {  	s26 =	simm.s32 $0x400;
	v0 =	vld.idx.msk [tilespmem:v4+s3+$0x0], $0xffff  }
0x7ae: {  	s23 =	sor.u32 $0x410, s4;
	s29 =	simm.s32 $0x800;
	s15 =	sor.u32 $0x438, s2;
	v2 =	vld.idx.msk [tilespmem:v2+s3+$0x0], $0xffff  }
0x7af: {  	s2 =	sand.u32 $0x200, s26;
	[tilespmem:s16+$0x8080] =	vst v3;
	s16 =	sor.u32 $0x438, s7;
	s7 =	sand.u32 $0x3800, s29;
	v5 =	vld.idx.msk [tilespmem:v5+s3+$0x0], $0xffff  }
0x7b0: {  	v3 =	vld [tilespmem:s23+$0x80];
	s2 =	sor.u32 s2, s7  }
0x7b1: {  	v27 =	vld [tilespmem:s2+$0x80]  }
0x7b2: {  	v28 =	vld [tilespmem:s2+$0x100]  }
0x7b3: {  	v29 =	vld [tilespmem:s2+$0x180]  }
0x7b4: {  	v30 =	vld [tilespmem:s2+$0x90]  }
0x7b5: {  	v13 =	vld [tilespmem:s2+$0x110]  }
0x7b6: {  	v14 =	vld [tilespmem:s2+$0x210]  }
0x7b7: {  	v15 =	vld [tilespmem:s2+$0x190]  }
0x7b8: {  	v32 =	vld [tilespmem:s2+$0xA0]  }
0x7b9: {  	v33 =	vld [tilespmem:s2+$0x120]  }
0x7ba: {  	v34 =	vld [tilespmem:s2+$0x230]  }
0x7bb: {  	v35 =	vld [tilespmem:s2+$0x1A0]  }
0x7bc: {  	v36 =	vld [tilespmem:s2+$0xB0]  }
0x7bd: {  	v16 =	vld [tilespmem:s2+$0x240]  }
0x7be: {  	v38 =	vld [tilespmem:s2+$0x130]  }
0x7bf: {  	v39 =	vld [tilespmem:s2+$0x1B0]  }
0x7c0: {  	v41 =	vld [tilespmem:s2+$0xC0]  }
0x7c1: {  	v42 =	vld [tilespmem:s2+$0x140]  }
0x7c2: {  	[tilespmem:s21+$0x8080] =	vst v7;
	v7 =	vld [tilespmem:s2+$0x200]  }
0x7c3: {  	v43 =	vld [tilespmem:s2+$0x1C0]  }
0x7c4: {  	v44 =	vld [tilespmem:s2+$0x260]  }
0x7c5: {  	v45 =	vld [tilespmem:s2+$0xD0]  }
0x7c6: {  	v46 =	vld [tilespmem:s2+$0x150]  }
0x7c7: {  	v48 =	vld [tilespmem:s2+$0x1D0]  }
0x7c8: {  	v49 =	vld [tilespmem:s2+$0xE0]  }
0x7c9: {  	v50 =	vld [tilespmem:s2+$0x160]  }
0x7ca: {  	v7 =	vld.idx.msk [tilespmem:v7+s3+$0x0], $0xffff  }
0x7cb: {  	v51 =	vld [tilespmem:s2+$0x1E0]  }
0x7cc: {  	v52 =	vld [tilespmem:s2+$0xF0]  }
0x7cd: {  	v53 =	vld [tilespmem:s2+$0x170]  }
0x7ce: {  	v9 =	vld.idx.msk [tilespmem:v27+s3+$0x0], $0xffff  }
0x7cf: {  	[tilespmem:s2+$0x8200] =	vst v7;
	v7 =	vld [tilespmem:s2+$0x220]  }
0x7d0: {  	v10 =	vld.idx.msk [tilespmem:v28+s3+$0x0], $0xffff  }
0x7d1: {  	v31 =	vld.idx.msk [tilespmem:v14+s3+$0x0], $0xffff  }
0x7d2: {  	[tilespmem:s20+$0x8080] =	vst v6;
	v4 =	vld.idx.msk [tilespmem:v1+s3+$0x0], $0xffff  }
0x7d3: {  	[tilespmem:s17+$0x8080] =	vst v2;
	v2 =	vld [tilespmem:s15+$0x80]  }
0x7d4: {  	v11 =	vld.idx.msk [tilespmem:v29+s3+$0x0], $0xffff;
	[tilespmem:s2+$0x8080] =	vst v9  }
0x7d5: {  	[tilespmem:s2+$0x8100] =	vst v10;
	v12 =	vld.idx.msk [tilespmem:v30+s3+$0x0], $0xffff  }
0x7d6: {  	v10 =	vld.idx.msk [tilespmem:v13+s3+$0x0], $0xffff;
	[tilespmem:s2+$0x8210] =	vst v31  }
0x7d7: {  	v7 =	vld.idx.msk [tilespmem:v7+s3+$0x0], $0xffff  }
0x7d8: {  	s24 =	sor.u32 $0x420, s12;
	[tilespmem:s19+$0x8080] =	vst v5;
	v1 =	vld [tilespmem:s16+$0x80]  }
0x7d9: {  	v5 =	vld [tilespmem:s24+$0x80];
	[tilespmem:s2+$0x8180] =	vst v11  }
0x7da: {  	v11 =	vld.idx.msk [tilespmem:v15+s3+$0x0], $0xffff;
	[tilespmem:s2+$0x8090] =	vst v12  }
0x7db: {  	[tilespmem:s2+$0x8110] =	vst v10;
	v13 =	vld.idx.msk [tilespmem:v32+s3+$0x0], $0xffff  }
0x7dc: {  	v37 =	vld.idx.msk [tilespmem:v33+s3+$0x0], $0xffff;
	[tilespmem:s2+$0x8220] =	vst v7  }
0x7dd: {  	s25 =	sor.u32 $0x410, s6;
	v7 =	vld.idx.msk [tilespmem:v34+s3+$0x0], $0xffff  }
0x7de: {  	v26 =	vld [tilespmem:s25+$0x80]  }
0x7df: {  	v6 =	vld.idx.msk [tilespmem:v8+s3+$0x0], $0xffff;
	[tilespmem:s2+$0x8190] =	vst v11  }
0x7e0: {  	v11 =	vld.idx.msk [tilespmem:v35+s3+$0x0], $0xffff;
	[tilespmem:s2+$0x80A0] =	vst v13  }
0x7e1: {  	[tilespmem:s2+$0x8120] =	vst v37;
	v12 =	vld.idx.msk [tilespmem:v36+s3+$0x0], $0xffff  }
0x7e2: {  	[tilespmem:s2+$0x8230] =	vst v7;
	v7 =	vld [tilespmem:s2+$0x250]  }
0x7e3: {  	v10 =	vld.idx.msk [tilespmem:v38+s3+$0x0], $0xffff  }
0x7e4: {  	v40 =	vld.idx.msk [tilespmem:v16+s3+$0x0], $0xffff  }
0x7e5: {  	s31 =	sor.u32 $0x438, s0;
	v8 =	vld.idx.msk [tilespmem:v3+s3+$0x0], $0xffff;
	[tilespmem:s8+$0x8080] =	vst v4  }
0x7e6: {  	v58 =	vld [tilespmem:s31+$0x80];
	[tilespmem:s2+$0x81A0] =	vst v11  }
0x7e7: {  	v13 =	vld.idx.msk [tilespmem:v39+s3+$0x0], $0xffff;
	[tilespmem:s2+$0x80B0] =	vst v12  }
0x7e8: {  	[tilespmem:s2+$0x8130] =	vst v10;
	v15 =	vld.idx.msk [tilespmem:v41+s3+$0x0], $0xffff  }
0x7e9: {  	v9 =	vld.idx.msk [tilespmem:v42+s3+$0x0], $0xffff;
	[tilespmem:s2+$0x8240] =	vst v40  }
0x7ea: {  	s18 =	sor.u32 $0x420, s1;
	[tilespmem:s22+$0x8080] =	vst v6;
	v7 =	vld.idx.msk [tilespmem:v7+s3+$0x0], $0xffff  }
0x7eb: {  	v55 =	vld [tilespmem:s18+$0x80]  }
0x7ec: {  	v59 =	vld.idx.msk [tilespmem:v2+s3+$0x0], $0xffff;
	[tilespmem:s2+$0x81B0] =	vst v13  }
0x7ed: {  	v11 =	vld.idx.msk [tilespmem:v43+s3+$0x0], $0xffff;
	[tilespmem:s2+$0x80C0] =	vst v15  }
0x7ee: {  	[tilespmem:s2+$0x8140] =	vst v9;
	v12 =	vld.idx.msk [tilespmem:v45+s3+$0x0], $0xffff  }
0x7ef: {  	[tilespmem:s2+$0x8250] =	vst v7;
	v7 =	vld [tilespmem:s2+$0x270]  }
0x7f0: {  	v10 =	vld.idx.msk [tilespmem:v46+s3+$0x0], $0xffff  }
0x7f1: {  	v47 =	vld.idx.msk [tilespmem:v44+s3+$0x0], $0xffff  }
0x7f2: {  	[tilespmem:s23+$0x8080] =	vst v8;
	v3 =	vld.idx.msk [tilespmem:v5+s3+$0x0], $0xffff  }
0x7f3: {  	v5 =	vld.idx.msk [tilespmem:v26+s3+$0x0], $0xffff;
	[tilespmem:s2+$0x81C0] =	vst v11  }
0x7f4: {  	v14 =	vld.idx.msk [tilespmem:v48+s3+$0x0], $0xffff;
	[tilespmem:s2+$0x80D0] =	vst v12  }
0x7f5: {  	[tilespmem:s2+$0x8150] =	vst v10;
	v54 =	vld.idx.msk [tilespmem:v49+s3+$0x0], $0xffff  }
0x7f6: {  	p0 =	por !p0, !p0;
	v9 =	vld.idx.msk [tilespmem:v50+s3+$0x0], $0xffff;
	[tilespmem:s2+$0x8260] =	vst v47  }
0x7f7: {  	s30 =	sor.u32 $0x430, s12;
	s7 =	sor.u32 $0x438, s12;
	s12 =	simm.s32 $0x1;
	[tilespmem:s24+$0x8080] =	vst v3;
	v7 =	vld.idx.msk [tilespmem:v7+s3+$0x0], $0xffff  }
0x7f8: {  	s12 =	simm.s32 @!p0 $0x0;
	s21 =	sor.u32 $0x420, s6;
	[tilespmem:s25+$0x8080] =	vst v5;
	v3 =	vld [tilespmem:s30+$0x80]  }
0x7f9: {  	s12 =	sshll.u32 s12, $0x9;
	v4 =	vld [tilespmem:s21+$0x80];
	[tilespmem:s2+$0x81D0] =	vst v14  }
0x7fa: {  	s17 =	sadd.s32 $0x800, s12;
	v8 =	vld.idx.msk [tilespmem:v51+s3+$0x0], $0xffff;
	[tilespmem:s2+$0x80E0] =	vst v54  }
0x7fb: {  	s14 =	sadd.s32 $0x180, s17;
	[tilespmem:s2+$0x8160] =	vst v9;
	v57 =	vld.idx.msk [tilespmem:v52+s3+$0x0], $0xffff  }
0x7fc: {  	s13 =	sor.u32 $0x400, s14;
	v5 =	vld.idx.msk [tilespmem:v53+s3+$0x0], $0xffff;
	[tilespmem:s2+$0x8270] =	vst v7  }
0x7fd: {  	v6 =	vld [tilespmem:s13+$0x80]  }
0x7fe: {  	s20 =	sor.u32 $0x420, s4;
	v7 =	vld [tilespmem:s2+$0x1F0]  }
0x7ff: {  	v56 =	vld [tilespmem:s20+$0x80];
	[tilespmem:s2+$0x81E0] =	vst v8  }
0x800: {  	s19 =	sadd.s32 $0x80, s17;
	s22 =	sor.u32 $0x400, s17;
	v8 =	vld.idx.msk [tilespmem:v55+s3+$0x0], $0xffff;
	[tilespmem:s2+$0x80F0] =	vst v57  }
0x801: {  	s26 =	sor.u32 $0x400, s19;
	[tilespmem:s2+$0x8170] =	vst v5;
	v9 =	vld [tilespmem:s22+$0x80]  }
0x802: {  	v5 =	vld [tilespmem:s26+$0x80]  }
0x803: {  	v3 =	vld.idx.msk [tilespmem:v3+s3+$0x0], $0xffff  }
0x804: {  	v4 =	vld.idx.msk [tilespmem:v4+s3+$0x0], $0xffff  }
0x805: {  	v6 =	vld.idx.msk [tilespmem:v6+s3+$0x0], $0xffff  }
0x806: {  	v7 =	vld.idx.msk [tilespmem:v7+s3+$0x0], $0xffff  }
0x807: {  	s24 =	sor.u32 $0x430, s1;
	v10 =	vld.idx.msk [tilespmem:v56+s3+$0x0], $0xffff;
	[tilespmem:s18+$0x8080] =	vst v8  }
0x808: {  	v8 =	vld [tilespmem:s24+$0x80]  }
0x809: {  	[tilespmem:s30+$0x8080] =	vst v3;
	v2 =	vld.idx.msk [tilespmem:v9+s3+$0x0], $0xffff  }
0x80a: {  	s29 =	sor.u32 $0x410, s14;
	s23 =	sadd.s32 $0x100, s17;
	v5 =	vld.idx.msk [tilespmem:v5+s3+$0x0], $0xffff;
	[tilespmem:s13+$0x8080] =	vst v6  }
0x80b: {  	s30 =	sor.u32 $0x400, s23;
	[tilespmem:s2+$0x81F0] =	vst v7;
	v6 =	vld [tilespmem:s29+$0x80]  }
0x80c: {  	v7 =	vld [tilespmem:s30+$0x80]  }
0x80d: {  	v62 =	vld.idx.msk [tilespmem:v1+s3+$0x0], $0xffff  }
0x80e: {  	s25 =	sor.u32 $0x430, s4;
	v3 =	vld [tilespmem:s7+$0x80];
	[tilespmem:s20+$0x8080] =	vst v10  }
0x80f: {  	s0 =	sor.u32 $0x430, s6;
	[tilespmem:s21+$0x8080] =	vst v4;
	v4 =	vld [tilespmem:s25+$0x80]  }
0x810: {  	v60 =	vld [tilespmem:s0+$0x80];
	[tilespmem:s22+$0x8080] =	vst v2  }
0x811: {  	s20 =	sor.u32 $0x410, s19;
	v2 =	vld.idx.msk [tilespmem:v8+s3+$0x0], $0xffff;
	[tilespmem:s26+$0x8080] =	vst v5  }
0x812: {  	v61 =	vld [tilespmem:s20+$0x80]  }
0x813: {  	v6 =	vld.idx.msk [tilespmem:v6+s3+$0x0], $0xffff  }
0x814: {  	s21 =	sor.u32 $0x410, s17;
	v7 =	vld.idx.msk [tilespmem:v7+s3+$0x0], $0xffff  }
0x815: {  	v8 =	vld [tilespmem:s21+$0x80]  }
0x816: {  	[tilespmem:s5+$0x8080] =	vst v0;
	v3 =	vld.idx.msk [tilespmem:v3+s3+$0x0], $0xffff  }
0x817: {  	v63 =	vld.idx.msk [tilespmem:v4+s3+$0x0], $0xffff;
	[tilespmem:s24+$0x8080] =	vst v2  }
0x818: {  	s28 =	sor.u32 $0x420, s14;
	v2 =	vld.idx.msk [tilespmem:v60+s3+$0x0], $0xffff;
	[tilespmem:s29+$0x8080] =	vst v6  }
0x819: {  	s1 =	sor.u32 $0x438, s1;
	s18 =	sor.u32 $0x410, s23;
	[tilespmem:s30+$0x8080] =	vst v7;
	v5 =	vld [tilespmem:s28+$0x80]  }
0x81a: {  	v4 =	vld [tilespmem:s18+$0x80];
	[dreg:$0x7] =	wrdreg s1  }
0x81b: {  	s5 =	sor.u32 $0x438, s4;
	s12 =	sor.u32 $0x420, s17;
	v1 =	vld [tilespmem:s1+$0x80]  }
0x81c: {  	s9 =	sor.u32 $0x430, s17;
	s10 =	sor.u32 $0x420, s19;
	s8 =	sor.u32 $0x430, s19;
	[tilespmem:s7+$0x8080] =	vst v3;
	v7 =	vld.idx.msk [tilespmem:v61+s3+$0x0], $0xffff  }
0x81d: {  	s11 =	sor.u32 $0x420, s23;
	s4 =	sor.u32 $0x438, s6;
	s6 =	sor.u32 $0x438, s19;
	v6 =	vld.idx.msk [tilespmem:v8+s3+$0x0], $0xffff;
	[tilespmem:s25+$0x8080] =	vst v63  }
0x81e: {  	s19 =	sor.u32 $0x438, s23;
	s22 =	sor.u32 $0x430, s23;
	s13 =	simm.s32 $0x8;
	[tilespmem:s15+$0x8080] =	vst v59;
	v3 =	vld.idx.msk [tilespmem:v58+s3+$0x0], $0xffff  }
0x81f: {  	s1 =	sor.u32 $0x438, s17;
	[tilespmem:s16+$0x8080] =	vst v62;
	s15 =	simm.s32 $0x600;
	s16 =	simm.s32 $0xC00;
	v0 =	vld [tilespmem:s5+$0x80]  }
.LBB2_10:
0x820: {  	s17 =	sand.u32 $0x3800, s16;
	s23 =	sand.u32 $0x200, s15  }
0x821: {  	s17 =	sor.u32 s23, s17;
	[tilespmem:s20+$0x8080] =	vst v7;
	v5 =	vld.idx.msk [tilespmem:v5+s3+$0x0], $0xffff  }
0x822: {  	[tilespmem:s0+$0x8080] =	vst v2;
	v7 =	vld [tilespmem:s17+$0x100]  }
0x823: {  	v2 =	vld.idx.msk [tilespmem:v4+s3+$0x0], $0xffff  }
0x824: {  	[tilespmem:s21+$0x8080] =	vst v6;
	v4 =	vld [tilespmem:s17+$0x200]  }
0x825: {  	v6 =	vld [tilespmem:s17+$0x80]  }
0x826: {  	v8 =	vld [tilespmem:s17+$0x180];
	[tilespmem:s31+$0x8080] =	vst v3  }
0x827: {  	s24 =	sor.u32 $0x430, s14;
	v3 =	vld [tilespmem:s17+$0x90];
	[tilespmem:s28+$0x8080] =	vst v5  }
0x828: {  	[tilespmem:s18+$0x8080] =	vst v2;
	v2 =	vld [tilespmem:s24+$0x80]  }
0x829: {  	v5 =	vld [tilespmem:s17+$0x110]  }
0x82a: {  	v9 =	vld [tilespmem:s17+$0x210]  }
0x82b: {  	v10 =	vld [tilespmem:s17+$0x190]  }
0x82c: {  	v4 =	vld.idx.msk [tilespmem:v4+s3+$0x0], $0xffff  }
0x82d: {  	v7 =	vld.idx.msk [tilespmem:v7+s3+$0x0], $0xffff  }
0x82e: {  	v6 =	vld.idx.msk [tilespmem:v6+s3+$0x0], $0xffff  }
0x82f: {  	v8 =	vld.idx.msk [tilespmem:v8+s3+$0x0], $0xffff  }
0x830: {  	v2 =	vld.idx.msk [tilespmem:v2+s3+$0x0], $0xffff  }
0x831: {  	[tilespmem:s17+$0x8200] =	vst v4;
	v4 =	vld [tilespmem:s17+$0x220]  }
0x832: {  	[tilespmem:s17+$0x8100] =	vst v7;
	v7 =	vld [tilespmem:s17+$0xA0]  }
0x833: {  	[tilespmem:s17+$0x8080] =	vst v6;
	v6 =	vld.idx.msk [tilespmem:v9+s3+$0x0], $0xffff  }
0x834: {  	v3 =	vld.idx.msk [tilespmem:v3+s3+$0x0], $0xffff  }
0x835: {  	v5 =	vld.idx.msk [tilespmem:v5+s3+$0x0], $0xffff;
	[tilespmem:s17+$0x8180] =	vst v8  }
0x836: {  	s25 =	sor.u32 $0x438, s14;
	v8 =	vld [tilespmem:s17+$0x120];
	[tilespmem:s24+$0x8080] =	vst v2  }
0x837: {  	v2 =	vld [tilespmem:s25+$0x80]  }
0x838: {  	[tilespmem:s17+$0x8210] =	vst v6;
	v6 =	vld [tilespmem:s17+$0x230]  }
0x839: {  	[tilespmem:s17+$0x8090] =	vst v3;
	v3 =	vld.idx.msk [tilespmem:v4+s3+$0x0], $0xffff  }
0x83a: {  	v4 =	vld.idx.msk [tilespmem:v10+s3+$0x0], $0xffff  }
0x83b: {  	v57 =	vld [tilespmem:s17+$0xB0]  }
0x83c: {  	[tilespmem:s17+$0x8110] =	vst v5;
	v5 =	vld [tilespmem:s17+$0x1A0]  }
0x83d: {  	v58 =	vld [tilespmem:s17+$0x240]  }
0x83e: {  	v7 =	vld.idx.msk [tilespmem:v7+s3+$0x0], $0xffff;
	[tilespmem:s17+$0x8220] =	vst v3  }
0x83f: {  	[tilespmem:s17+$0x8190] =	vst v4;
	v4 =	vld.idx.msk [tilespmem:v8+s3+$0x0], $0xffff  }
0x840: {  	v2 =	vld.idx.msk [tilespmem:v2+s3+$0x0], $0xffff  }
0x841: {  	v3 =	vld.idx.msk [tilespmem:v6+s3+$0x0], $0xffff  }
0x842: {  	v6 =	vld [tilespmem:s17+$0x130]  }
0x843: {  	v59 =	vld [tilespmem:s17+$0x140]  }
0x844: {  	[tilespmem:s17+$0x80A0] =	vst v7;
	v7 =	vld [tilespmem:s17+$0x1B0]  }
0x845: {  	v5 =	vld.idx.msk [tilespmem:v5+s3+$0x0], $0xffff  }
0x846: {  	v8 =	vld.idx.msk [tilespmem:v57+s3+$0x0], $0xffff;
	[tilespmem:s17+$0x8120] =	vst v4  }
0x847: {  	v4 =	vld [tilespmem:s17+$0xC0];
	[tilespmem:s25+$0x8080] =	vst v2  }
0x848: {  	[tilespmem:s17+$0x8230] =	vst v3;
	v2 =	vld [tilespmem:s17+$0x250]  }
0x849: {  	v3 =	vld.idx.msk [tilespmem:v58+s3+$0x0], $0xffff  }
0x84a: {  	[tilespmem:s17+$0x81A0] =	vst v5;
	v5 =	vld.idx.msk [tilespmem:v6+s3+$0x0], $0xffff  }
0x84b: {  	v6 =	vld [tilespmem:s17+$0x1C0]  }
0x84c: {  	[tilespmem:s17+$0x80B0] =	vst v8;
	v8 =	vld [tilespmem:s17+$0xD0]  }
0x84d: {  	v7 =	vld.idx.msk [tilespmem:v7+s3+$0x0], $0xffff  }
0x84e: {  	v60 =	vld [tilespmem:s17+$0x150]  }
0x84f: {  	v4 =	vld.idx.msk [tilespmem:v4+s3+$0x0], $0xffff  }
0x850: {  	[tilespmem:s17+$0x8240] =	vst v3;
	v3 =	vld [tilespmem:s17+$0x260]  }
0x851: {  	[tilespmem:s17+$0x8130] =	vst v5;
	v2 =	vld.idx.msk [tilespmem:v2+s3+$0x0], $0xffff  }
0x852: {  	[tilespmem:s17+$0x81B0] =	vst v7;
	v5 =	vld.idx.msk [tilespmem:v59+s3+$0x0], $0xffff  }
0x853: {  	v6 =	vld.idx.msk [tilespmem:v6+s3+$0x0], $0xffff  }
0x854: {  	[tilespmem:s17+$0x80C0] =	vst v4;
	v4 =	vld [tilespmem:s17+$0x1D0]  }
0x855: {  	v7 =	vld.idx.msk [tilespmem:v8+s3+$0x0], $0xffff  }
0x856: {  	[tilespmem:s17+$0x8250] =	vst v2;
	v2 =	vld [tilespmem:s17+$0x270]  }
0x857: {  	[tilespmem:s17+$0x8140] =	vst v5;
	v5 =	vld [tilespmem:s17+$0xE0]  }
0x858: {  	v3 =	vld.idx.msk [tilespmem:v3+s3+$0x0], $0xffff  }
0x859: {  	v8 =	vld [tilespmem:s17+$0x160]  }
0x85a: {  	v61 =	vld [tilespmem:s17+$0x1E0]  }
0x85b: {  	[tilespmem:s17+$0x81C0] =	vst v6;
	v6 =	vld.idx.msk [tilespmem:v60+s3+$0x0], $0xffff  }
0x85c: {  	[tilespmem:s17+$0x80D0] =	vst v7;
	v7 =	vld [tilespmem:s17+$0x170]  }
0x85d: {  	[tilespmem:s17+$0x8260] =	vst v3;
	v3 =	vld [tilespmem:s17+$0xF0]  }
0x85e: {  	v4 =	vld.idx.msk [tilespmem:v4+s3+$0x0], $0xffff  }
0x85f: {  	v2 =	vld.idx.msk [tilespmem:v2+s3+$0x0], $0xffff  }
0x860: {  	[tilespmem:s17+$0x8150] =	vst v6;
	v5 =	vld.idx.msk [tilespmem:v5+s3+$0x0], $0xffff  }
0x861: {  	p0 =	por !p0, !p0;
	s14 =	simm.s32 $0x1;
	v6 =	vld.idx.msk [tilespmem:v8+s3+$0x0], $0xffff  }
0x862: {  	s14 =	simm.s32 @!p0 $0x0;
	v8 =	vld [tilespmem:s17+$0x1F0]  }
0x863: {  	s14 =	sshll.u32 s14, $0x9;
	[tilespmem:s17+$0x81D0] =	vst v4;
	v4 =	vld [tilespmem:s12+$0x80]  }
0x864: {  	s30 =	sadd.s32 s14, s16;
	v9 =	vld.idx.msk [tilespmem:v61+s3+$0x0], $0xffff  }
0x865: {  	s7 =	smov.u32 s22;
	s14 =	sadd.s32 $0x180, s30;
	[tilespmem:s17+$0x80E0] =	vst v5;
	v5 =	vld [tilespmem:s10+$0x80]  }
0x866: {  	s22 =	smov.u32 s4;
	[dreg:$0x17] =	wrdreg s7;
	s4 =	sor.u32 $0x400, s14;
	[tilespmem:s17+$0x8270] =	vst v2;
	v3 =	vld.idx.msk [tilespmem:v3+s3+$0x0], $0xffff  }
0x867: {  	[dreg:$0x1f] =	wrdreg s22;
	s23 =	smov.u32 s19;
	s31 =	sadd.s32 $0x100, s30;
	[tilespmem:s17+$0x8160] =	vst v6;
	v2 =	vld [tilespmem:s4+$0x80]  }
0x868: {  	s7 =	sor.u32 $0x420, s31;
	s22 =	sor.u32 $0x430, s31;
	s19 =	sor.u32 $0x438, s31;
	v6 =	vld.idx.msk [tilespmem:v7+s3+$0x0], $0xffff  }
0x869: {  	s18 =	sor.u32 $0x410, s31;
	s25 =	sor.u32 $0x400, s31;
	s31 =	rddreg [dreg:$0x1f]  }
0x86a: {  	v62 =	vld [tilespmem:s31+$0x80]  }
0x86b: {  	v7 =	vld [tilespmem:s11+$0x80];
	[tilespmem:s17+$0x80F0] =	vst v3  }
0x86c: {  	s26 =	sadd.s32 $0x80, s30;
	[tilespmem:s17+$0x81E0] =	vst v9;
	v3 =	vld.idx.msk [tilespmem:v4+s3+$0x0], $0xffff  }
0x86d: {  	s24 =	sor.u32 $0x400, s26;
	v8 =	vld.idx.msk [tilespmem:v8+s3+$0x0], $0xffff;
	[tilespmem:s17+$0x8170] =	vst v6  }
0x86e: {  	v6 =	vld [tilespmem:s24+$0x80]  }
0x86f: {  	s28 =	sor.u32 $0x400, s30;
	v2 =	vld.idx.msk [tilespmem:v2+s3+$0x0], $0xffff  }
0x870: {  	v4 =	vld [tilespmem:s28+$0x80]  }
0x871: {  	v5 =	vld.idx.msk [tilespmem:v5+s3+$0x0], $0xffff;
	[tilespmem:s12+$0x8080] =	vst v3  }
0x872: {  	v3 =	vld [tilespmem:s9+$0x80]  }
0x873: {  	v1 =	vld.idx.msk [tilespmem:v1+s3+$0x0], $0xffff  }
0x874: {  	[tilespmem:s4+$0x8080] =	vst v2;
	s4 =	sor.u32 $0x410, s14;
	v2 =	vld.idx.msk [tilespmem:v7+s3+$0x0], $0xffff  }
0x875: {  	[tilespmem:s17+$0x81F0] =	vst v8;
	v7 =	vld [tilespmem:s4+$0x80]  }
0x876: {  	[tilespmem:s10+$0x8080] =	vst v5;
	v8 =	vld [tilespmem:s25+$0x80]  }
0x877: {  	v5 =	vld.idx.msk [tilespmem:v6+s3+$0x0], $0xffff  }
0x878: {  	v4 =	vld.idx.msk [tilespmem:v4+s3+$0x0], $0xffff;
	_ =	sdelay $0x1  }
0x879: {  	s0 =	sor.u32 $0x420, s30;
	[tilespmem:s11+$0x8080] =	vst v2;
	s11 =	smov.u32 s7;
	s7 =	rddreg [dreg:$0x7]  }
0x87a: {  	s12 =	smov.u32 s0;
	s0 =	rddreg [dreg:$0x17];
	v2 =	vld [tilespmem:s8+$0x80];
	[tilespmem:s7+$0x8080] =	vst v1  }
0x87b: {  	s20 =	sor.u32 $0x410, s26;
	v6 =	vld [tilespmem:s0+$0x80];
	[tilespmem:s24+$0x8080] =	vst v5  }
0x87c: {  	[tilespmem:s28+$0x8080] =	vst v4;
	v63 =	vld [tilespmem:s20+$0x80]  }
0x87d: {  	v1 =	vld.idx.msk [tilespmem:v3+s3+$0x0], $0xffff  }
0x87e: {  	v7 =	vld.idx.msk [tilespmem:v7+s3+$0x0], $0xffff  }
0x87f: {  	s21 =	sor.u32 $0x410, s30;
	v8 =	vld.idx.msk [tilespmem:v8+s3+$0x0], $0xffff  }
0x880: {  	v3 =	vld [tilespmem:s21+$0x80]  }
0x881: {  	v0 =	vld.idx.msk [tilespmem:v0+s3+$0x0], $0xffff  }
0x882: {  	s17 =	smov.u32 s1;
	v11 =	vld.idx.msk [tilespmem:v2+s3+$0x0], $0xffff;
	[tilespmem:s9+$0x8080] =	vst v1  }
0x883: {  	s28 =	sor.u32 $0x420, s14;
	[tilespmem:s4+$0x8080] =	vst v7;
	v1 =	vld [tilespmem:s17+$0x80]  }
0x884: {  	s13 =	sadd.s32 $0x4, s13;
	s2 =	smov.u32 s6;
	[tilespmem:s25+$0x8080] =	vst v8;
	v5 =	vld [tilespmem:s28+$0x80]  }
0x885: {  	s15 =	sadd.s32 $0x200, s15;
	p1 =	slt.u32 s13, $0x3C;
	[dreg:$0xf] =	wrdreg s23;
	v4 =	vld [tilespmem:s18+$0x80]  }
.Ltmp4:
0x886: {  	s16 =	sadd.s32 $0x400, s16;
	s29 =	sor.u32 $0x430, s30;
	[tilespmem:s5+$0x8080] =	vst v0;
	v2 =	vld.idx.msk [tilespmem:v6+s3+$0x0], $0xffff;
	(pc) =	sbr.rel @p1 .LBB2_10-.Ltmp4, $4  }
0x887: {  	s6 =	sor.u32 $0x420, s26;
	s23 =	sor.u32 $0x430, s26;
	s26 =	sor.u32 $0x438, s26;
	v7 =	vld.idx.msk [tilespmem:v63+s3+$0x0], $0xffff  }
0x888: {  	s30 =	sor.u32 $0x438, s30;
	s10 =	smov.u32 s6;
	s6 =	smov.u32 s26;
	v6 =	vld.idx.msk [tilespmem:v3+s3+$0x0], $0xffff  }
0x889: {  	s1 =	smov.u32 s30;
	[dreg:$0x7] =	wrdreg s17;
	s5 =	smov.u32 s2;
	v3 =	vld.idx.msk [tilespmem:v62+s3+$0x0], $0xffff;
	[tilespmem:s8+$0x8080] =	vst v11  }
0x88a: {  	s9 =	smov.u32 s29;
	s4 =	rddreg [dreg:$0xf];
	s8 =	smov.u32 s23;
	v0 =	vld [tilespmem:s5+$0x80]  }
0x88b: {  	_ =	sdelay $0x3  }
0x88c: {  	v4 =	vld.idx.msk [tilespmem:v4+s3+$0x0], $0xffff;
	_ =	sdelay $0x2  }
0x88d: {  	v5 =	vld.idx.msk [tilespmem:v5+s3+$0x0], $0xffff;
	[tilespmem:s21+$0x8080] =	vst v6  }
0x88e: {  	[tilespmem:s20+$0x8080] =	vst v7;
	v6 =	vld [tilespmem:s12+$0x80]  }
0x88f: {  	[tilespmem:s18+$0x8080] =	vst v4;
	v4 =	vld [tilespmem:s10+$0x80]  }
0x890: {  	v7 =	vld [tilespmem:s11+$0x80];
	_ =	sdelay $0x1  }
0x891: {  	s30 =	sor.u32 $0x430, s14;
	[tilespmem:s28+$0x8080] =	vst v5  }
0x892: {  	v5 =	vld [tilespmem:s30+$0x80];
	_ =	sdelay $0x2  }
0x893: {  	v6 =	vld.idx.msk [tilespmem:v6+s3+$0x0], $0xffff  }
0x894: {  	v4 =	vld.idx.msk [tilespmem:v4+s3+$0x0], $0xffff  }
0x895: {  	v7 =	vld.idx.msk [tilespmem:v7+s3+$0x0], $0xffff;
	_ =	sdelay $0x2  }
0x896: {  	v5 =	vld.idx.msk [tilespmem:v5+s3+$0x0], $0xffff;
	[tilespmem:s12+$0x8080] =	vst v6  }
0x897: {  	v6 =	vld [tilespmem:s9+$0x80];
	[tilespmem:s10+$0x8080] =	vst v4  }
0x898: {  	[tilespmem:s11+$0x8080] =	vst v7;
	v4 =	vld [tilespmem:s8+$0x80]  }
0x899: {  	v7 =	vld [tilespmem:s22+$0x80];
	_ =	sdelay $0x3  }
0x89a: {  	s7 =	sor.u32 $0x438, s14;
	[tilespmem:s30+$0x8080] =	vst v5  }
0x89b: {  	v5 =	vld [tilespmem:s7+$0x80]  }
0x89c: {  	v6 =	vld.idx.msk [tilespmem:v6+s3+$0x0], $0xffff  }
0x89d: {  	v4 =	vld.idx.msk [tilespmem:v4+s3+$0x0], $0xffff  }
0x89e: {  	v7 =	vld.idx.msk [tilespmem:v7+s3+$0x0], $0xffff  }
0x89f: {  	s2 =	smov.u32 s0  }
0x8a0: {  	[tilespmem:s2+$0x8080] =	vst v2  }
0x8a1: {  	v2 =	vld [tilespmem:s4+$0x80];
	[tilespmem:s9+$0x8080] =	vst v6  }
0x8a2: {  	v6 =	vld [tilespmem:s1+$0x80];
	[tilespmem:s8+$0x8080] =	vst v4  }
0x8a3: {  	v4 =	vld [tilespmem:s6+$0x80];
	[tilespmem:s22+$0x8080] =	vst v7  }
0x8a4: {  	v7 =	vld [tilespmem:s19+$0x80]  }
0x8a5: {  	v5 =	vld.idx.msk [tilespmem:v5+s3+$0x0], $0xffff;
	_ =	sdelay $0x1  }
0x8a6: {  	v1 =	vld.idx.msk [tilespmem:v1+s3+$0x0], $0xffff  }
0x8a7: {  	v0 =	vld.idx.msk [tilespmem:v0+s3+$0x0], $0xffff  }
0x8a8: {  	[tilespmem:s31+$0x8080] =	vst v3;
	v2 =	vld.idx.msk [tilespmem:v2+s3+$0x0], $0xffff  }
0x8a9: {  	[tilespmem:s7+$0x8080] =	vst v5;
	v3 =	vld.idx.msk [tilespmem:v6+s3+$0x0], $0xffff  }
0x8aa: {  	s0 =	rddreg [dreg:$0x7];
	v4 =	vld.idx.msk [tilespmem:v4+s3+$0x0], $0xffff  }
0x8ab: {  	[tilespmem:s0+$0x8080] =	vst v1;
	v1 =	vld.idx.msk [tilespmem:v7+s3+$0x0], $0xffff  }
0x8ac: {  	[tilespmem:s5+$0x8080] =	vst v0  }
0x8ad: {  	[tilespmem:s4+$0x8080] =	vst v2  }
0x8ae: {  	[tilespmem:s1+$0x8080] =	vst v3  }
0x8af: {  	[tilespmem:s6+$0x8080] =	vst v4  }
0x8b0: {  	[tilespmem:s19+$0x8080] =	vst v1  }
0x8b1: {  	s1 =	sld [smem:$0x7F7];
	_ =	sdelay $0x1  }
0x8b2: {  	s10 =	simm.s32 $0x8080;
	s9 =	simm.s32 $0x0;
	s11 =	sld [smem:$0x7F8]  }
0x8b3: {  	[hbm4b:s1+s9] =	stream.linear.scatter [tilespmem:s10], [sflag:$0x3], $0x4000, $0x38;
	[tilespmem:$0x10080] =	vst v63  }
0x8b4: {  	s13 =	simm.s32 $0x2;
	s12 =	simm.s32 $0x80  }
0x8b5: {  	[tilespmem:s12], [sflag:$0x1] =	stream.linear.gather [hbm4b:s11+s9], $0x4000, $0x38;
	[tilespmem:$0x10080] =	vst v63  }
0x8b6: {  	_ =	swait.ge [sflag:s13], $0x4000  }
0x8b7: {  	[sflag:s13] =	ssyncset.done $0x0  }
0x8b8: {  	s14 =	simm.s32 $0x4;
	[sflag:s13] =	ssyncadd.s32 $0xFFFFC000  }
0x8b9: {  	_ =	swait.ge [sflag:s14], $0x4000  }
0x8ba: {  	s15 =	sand.u32 $0x3800, s9;
	s0 =	sand.u32 $0x200, s9;
	[sflag:s14] =	ssyncset.done $0x0  }
0x8bb: {  	s1 =	sor.u32 s0, s15;
	[sflag:s14] =	ssyncadd.s32 $0xFFFFC000  }
0x8bc: {  	v0 =	vld [tilespmem:s1+$0x4200]  }
0x8bd: {  	v1 =	vld [tilespmem:s1+$0x4080]  }
0x8be: {  	v2 =	vld [tilespmem:s1+$0x4100]  }
0x8bf: {  	v3 =	vld [tilespmem:s1+$0x4180]  }
0x8c0: {  	v4 =	vld [tilespmem:s1+$0x4090]  }
0x8c1: {  	v5 =	vld [tilespmem:s1+$0x4210]  }
0x8c2: {  	s25 =	simm.s32 $0x200;
	s26 =	simm.s32 $0x400;
	v6 =	vld [tilespmem:s1+$0x4110]  }
0x8c3: {  	s8 =	sand.u32 $0x200, s25;
	s9 =	sand.u32 $0x3800, s26;
	v7 =	vld [tilespmem:s1+$0x4220]  }
0x8c4: {  	s8 =	sor.u32 s8, s9;
	v8 =	vld [tilespmem:s1+$0x4190]  }
0x8c5: {  	v9 =	vld [tilespmem:s8+$0x4210]  }
0x8c6: {  	v10 =	vld [tilespmem:s8+$0x4110]  }
0x8c7: {  	v11 =	vld [tilespmem:s8+$0x4220]  }
0x8c8: {  	v12 =	vld [tilespmem:s8+$0x4190]  }
0x8c9: {  	v60 =	vld [tilespmem:s8+$0x4230]  }
0x8ca: {  	v61 =	vld [tilespmem:s8+$0x4120]  }
0x8cb: {  	v63 =	vld [tilespmem:s8+$0x4240]  }
0x8cc: {  	v16 =	vld [tilespmem:s8+$0x4130]  }
0x8cd: {  	v18 =	vld [tilespmem:s8+$0x40C0]  }
0x8ce: {  	v19 =	vld [tilespmem:s8+$0x4260]  }
0x8cf: {  	v20 =	vld [tilespmem:s8+$0x4150]  }
0x8d0: {  	v21 =	vld [tilespmem:s8+$0x41D0]  }
0x8d1: {  	v0 =	vld.idx.msk [tilespmem:v0+s3+$0x0], $0xffff  }
0x8d2: {  	v2 =	vld.idx.msk [tilespmem:v2+s3+$0x0], $0xffff  }
0x8d3: {  	v1 =	vld.idx.msk [tilespmem:v1+s3+$0x0], $0xffff  }
0x8d4: {  	v22 =	vld [tilespmem:s8+$0x40E0]  }
0x8d5: {  	v23 =	vld [tilespmem:s8+$0x41E0]  }
0x8d6: {  	v3 =	vld.idx.msk [tilespmem:v3+s3+$0x0], $0xffff;
	[tilespmem:s1+$0xC200] =	vst v0  }
0x8d7: {  	[tilespmem:s1+$0xC100] =	vst v2;
	v2 =	vld [tilespmem:s1+$0x40A0]  }
0x8d8: {  	[tilespmem:s1+$0xC080] =	vst v1;
	v0 =	vld.idx.msk [tilespmem:v5+s3+$0x0], $0xffff  }
0x8d9: {  	v1 =	vld.idx.msk [tilespmem:v4+s3+$0x0], $0xffff  }
0x8da: {  	v4 =	vld.idx.msk [tilespmem:v6+s3+$0x0], $0xffff  }
0x8db: {  	v6 =	vld [tilespmem:s1+$0x4120]  }
0x8dc: {  	[tilespmem:s1+$0xC180] =	vst v3;
	v3 =	vld [tilespmem:s1+$0x41A0]  }
0x8dd: {  	v5 =	vld [tilespmem:s1+$0x4230];
	[tilespmem:s1+$0xC210] =	vst v0  }
0x8de: {  	v0 =	vld.idx.msk [tilespmem:v7+s3+$0x0], $0xffff  }
0x8df: {  	v7 =	vld.idx.msk [tilespmem:v8+s3+$0x0], $0xffff  }
0x8e0: {  	[tilespmem:s1+$0xC090] =	vst v1;
	v1 =	vld [tilespmem:s1+$0x40B0]  }
0x8e1: {  	v8 =	vld [tilespmem:s1+$0x4240]  }
0x8e2: {  	[tilespmem:s1+$0xC110] =	vst v4;
	v2 =	vld.idx.msk [tilespmem:v2+s3+$0x0], $0xffff  }
0x8e3: {  	v4 =	vld.idx.msk [tilespmem:v6+s3+$0x0], $0xffff;
	[tilespmem:s1+$0xC220] =	vst v0  }
0x8e4: {  	[tilespmem:s1+$0xC190] =	vst v7;
	v7 =	vld [tilespmem:s1+$0x40C0]  }
0x8e5: {  	v0 =	vld.idx.msk [tilespmem:v5+s3+$0x0], $0xffff  }
0x8e6: {  	v5 =	vld [tilespmem:s1+$0x4130]  }
0x8e7: {  	v3 =	vld.idx.msk [tilespmem:v3+s3+$0x0], $0xffff  }
0x8e8: {  	[tilespmem:s1+$0xC0A0] =	vst v2;
	v2 =	vld [tilespmem:s1+$0x41B0]  }
0x8e9: {  	v1 =	vld.idx.msk [tilespmem:v1+s3+$0x0], $0xffff  }
0x8ea: {  	[tilespmem:s1+$0xC120] =	vst v4;
	v4 =	vld [tilespmem:s1+$0x4140]  }
0x8eb: {  	[tilespmem:s1+$0xC230] =	vst v0;
	v0 =	vld [tilespmem:s1+$0x4250]  }
0x8ec: {  	[tilespmem:s1+$0xC1A0] =	vst v3;
	v3 =	vld [tilespmem:s1+$0x41C0]  }
0x8ed: {  	v6 =	vld.idx.msk [tilespmem:v8+s3+$0x0], $0xffff  }
0x8ee: {  	[tilespmem:s1+$0xC0B0] =	vst v1;
	v1 =	vld [tilespmem:s1+$0x40D0]  }
0x8ef: {  	v7 =	vld.idx.msk [tilespmem:v7+s3+$0x0], $0xffff  }
0x8f0: {  	v5 =	vld.idx.msk [tilespmem:v5+s3+$0x0], $0xffff  }
0x8f1: {  	v2 =	vld.idx.msk [tilespmem:v2+s3+$0x0], $0xffff  }
0x8f2: {  	[tilespmem:s1+$0xC240] =	vst v6;
	v6 =	vld [tilespmem:s1+$0x4260]  }
0x8f3: {  	v25 =	vld [tilespmem:s8+$0x41F0]  }
0x8f4: {  	v0 =	vld.idx.msk [tilespmem:v0+s3+$0x0], $0xffff  }
0x8f5: {  	[tilespmem:s1+$0xC130] =	vst v5;
	v5 =	vld [tilespmem:s1+$0x4150]  }
0x8f6: {  	[tilespmem:s1+$0xC1B0] =	vst v2;
	v4 =	vld.idx.msk [tilespmem:v4+s3+$0x0], $0xffff  }
0x8f7: {  	[tilespmem:s1+$0xC0C0] =	vst v7;
	v2 =	vld.idx.msk [tilespmem:v3+s3+$0x0], $0xffff  }
0x8f8: {  	v1 =	vld.idx.msk [tilespmem:v1+s3+$0x0], $0xffff  }
0x8f9: {  	[tilespmem:s1+$0xC250] =	vst v0;
	v0 =	vld [tilespmem:s1+$0x4270]  }
0x8fa: {  	v3 =	vld.idx.msk [tilespmem:v6+s3+$0x0], $0xffff  }
0x8fb: {  	v6 =	vld [tilespmem:s1+$0x41D0]  }
0x8fc: {  	[tilespmem:s1+$0xC140] =	vst v4;
	v4 =	vld [tilespmem:s1+$0x4160]  }
0x8fd: {  	v7 =	vld [tilespmem:s1+$0x40E0]  }
0x8fe: {  	v5 =	vld.idx.msk [tilespmem:v5+s3+$0x0], $0xffff  }
0x8ff: {  	v8 =	vld [tilespmem:s1+$0x41E0];
	[tilespmem:s1+$0xC1C0] =	vst v2  }
0x900: {  	v2 =	vld [tilespmem:s1+$0x40F0];
	[tilespmem:s1+$0xC0D0] =	vst v1  }
0x901: {  	v1 =	vld [tilespmem:s1+$0x4170];
	[tilespmem:s1+$0xC260] =	vst v3  }
0x902: {  	p0 =	por $0x0, $0x0;
	s0 =	simm.s32 $0x1;
	v0 =	vld.idx.msk [tilespmem:v0+s3+$0x0], $0xffff  }
0x903: {  	s0 =	simm.s32 @!p0 $0x0;
	[tilespmem:s1+$0xC150] =	vst v5;
	v3 =	vld.idx.msk [tilespmem:v6+s3+$0x0], $0xffff  }
0x904: {  	s0 =	sshll.u32 s0, $0x9;
	v4 =	vld.idx.msk [tilespmem:v4+s3+$0x0], $0xffff  }
0x905: {  	s2 =	sadd.s32 $0x0, s0;
	v6 =	vld.idx.msk [tilespmem:v7+s3+$0x0], $0xffff  }
0x906: {  	s5 =	sadd.s32 $0x180, s2;
	v5 =	vld [tilespmem:s1+$0x41F0]  }
0x907: {  	s16 =	sor.u32 $0x400, s5;
	v7 =	vld [tilespmem:s8+$0x4180];
	[tilespmem:s1+$0xC270] =	vst v0  }
0x908: {  	v0 =	vld [tilespmem:s16+$0x4080];
	[tilespmem:s1+$0xC1D0] =	vst v3  }
0x909: {  	[tilespmem:s1+$0xC160] =	vst v4;
	v4 =	vld [tilespmem:s8+$0x4200]  }
0x90a: {  	[tilespmem:s1+$0xC0E0] =	vst v6;
	v3 =	vld.idx.msk [tilespmem:v8+s3+$0x0], $0xffff  }
0x90b: {  	v2 =	vld.idx.msk [tilespmem:v2+s3+$0x0], $0xffff  }
0x90c: {  	v1 =	vld.idx.msk [tilespmem:v1+s3+$0x0], $0xffff  }
0x90d: {  	v6 =	vld [tilespmem:s8+$0x4100]  }
0x90e: {  	v8 =	vld [tilespmem:s8+$0x4090]  }
0x90f: {  	v7 =	vld.idx.msk [tilespmem:v7+s3+$0x0], $0xffff;
	[tilespmem:s1+$0xC1E0] =	vst v3  }
0x910: {  	s7 =	sadd.s32 $0x80, s2;
	s17 =	sor.u32 $0x400, s2;
	[tilespmem:s1+$0xC0F0] =	vst v2;
	v3 =	vld.idx.msk [tilespmem:v5+s3+$0x0], $0xffff  }
0x911: {  	s18 =	sor.u32 $0x400, s7;
	[tilespmem:s1+$0xC170] =	vst v1;
	v2 =	vld [tilespmem:s17+$0x4080]  }
0x912: {  	v1 =	vld [tilespmem:s18+$0x4080]  }
0x913: {  	v5 =	vld [tilespmem:s8+$0x4080]  }
0x914: {  	v4 =	vld.idx.msk [tilespmem:v4+s3+$0x0], $0xffff  }
0x915: {  	v6 =	vld.idx.msk [tilespmem:v6+s3+$0x0], $0xffff  }
0x916: {  	v0 =	vld.idx.msk [tilespmem:v0+s3+$0x0], $0xffff  }
0x917: {  	s0 =	sadd.s32 $0x100, s2;
	[tilespmem:s8+$0xC180] =	vst v7;
	v7 =	vld [tilespmem:s8+$0x41A0]  }
0x918: {  	s20 =	sor.u32 $0x400, s0;
	v62 =	vld.idx.msk [tilespmem:v12+s3+$0x0], $0xffff;
	[tilespmem:s1+$0xC1F0] =	vst v3  }
0x919: {  	v3 =	vld [tilespmem:s20+$0x4080];
	[tilespmem:s8+$0xC200] =	vst v4  }
0x91a: {  	[tilespmem:s8+$0xC100] =	vst v6;
	v6 =	vld [tilespmem:s8+$0x40A0]  }
0x91b: {  	s19 =	sor.u32 $0x410, s5;
	[tilespmem:s16+$0xC080] =	vst v0;
	v4 =	vld.idx.msk [tilespmem:v9+s3+$0x0], $0xffff  }
0x91c: {  	v0 =	vld [tilespmem:s19+$0x4080]  }
0x91d: {  	v2 =	vld.idx.msk [tilespmem:v2+s3+$0x0], $0xffff  }
0x91e: {  	v5 =	vld.idx.msk [tilespmem:v5+s3+$0x0], $0xffff  }
0x91f: {  	[tilespmem:s8+$0xC190] =	vst v62;
	v1 =	vld.idx.msk [tilespmem:v1+s3+$0x0], $0xffff  }
0x920: {  	v7 =	vld.idx.msk [tilespmem:v7+s3+$0x0], $0xffff;
	[tilespmem:s8+$0xC210] =	vst v4  }
0x921: {  	v4 =	vld.idx.msk [tilespmem:v11+s3+$0x0], $0xffff  }
0x922: {  	s21 =	sor.u32 $0x410, s2;
	[tilespmem:s17+$0xC080] =	vst v2;
	v3 =	vld.idx.msk [tilespmem:v3+s3+$0x0], $0xffff  }
0x923: {  	[tilespmem:s8+$0xC080] =	vst v5;
	v2 =	vld [tilespmem:s21+$0x4080]  }
0x924: {  	s22 =	sor.u32 $0x410, s7;
	[tilespmem:s18+$0xC080] =	vst v1;
	v5 =	vld.idx.msk [tilespmem:v8+s3+$0x0], $0xffff  }
0x925: {  	v1 =	vld [tilespmem:s22+$0x4080]  }
0x926: {  	v8 =	vld.idx.msk [tilespmem:v10+s3+$0x0], $0xffff  }
0x927: {  	[tilespmem:s8+$0xC1A0] =	vst v7;
	v7 =	vld [tilespmem:s8+$0x41C0]  }
0x928: {  	v0 =	vld.idx.msk [tilespmem:v0+s3+$0x0], $0xffff;
	[tilespmem:s8+$0xC220] =	vst v4  }
0x929: {  	[tilespmem:s8+$0xC090] =	vst v5;
	v5 =	vld [tilespmem:s8+$0x40B0]  }
0x92a: {  	v4 =	vld.idx.msk [tilespmem:v60+s3+$0x0], $0xffff  }
0x92b: {  	s24 =	sor.u32 $0x410, s0;
	[tilespmem:s20+$0xC080] =	vst v3;
	v6 =	vld.idx.msk [tilespmem:v6+s3+$0x0], $0xffff  }
0x92c: {  	[tilespmem:s8+$0xC110] =	vst v8;
	v3 =	vld [tilespmem:s24+$0x4080]  }
0x92d: {  	s23 =	sor.u32 $0x420, s5;
	[tilespmem:s19+$0xC080] =	vst v0;
	v8 =	vld.idx.msk [tilespmem:v61+s3+$0x0], $0xffff  }
0x92e: {  	v0 =	vld [tilespmem:s23+$0x4080]  }
0x92f: {  	[tilespmem:s8+$0xC230] =	vst v4;
	v4 =	vld [tilespmem:s8+$0x4250]  }
0x930: {  	[tilespmem:s8+$0xC0A0] =	vst v6;
	v6 =	vld [tilespmem:s8+$0x41B0]  }
0x931: {  	v17 =	vld.idx.msk [tilespmem:v63+s3+$0x0], $0xffff  }
0x932: {  	v2 =	vld.idx.msk [tilespmem:v2+s3+$0x0], $0xffff  }
0x933: {  	v1 =	vld.idx.msk [tilespmem:v1+s3+$0x0], $0xffff  }
0x934: {  	[tilespmem:s8+$0xC120] =	vst v8;
	v8 =	vld [tilespmem:s8+$0x4140]  }
0x935: {  	v5 =	vld.idx.msk [tilespmem:v5+s3+$0x0], $0xffff  }
0x936: {  	v9 =	vld.idx.msk [tilespmem:v16+s3+$0x0], $0xffff;
	[tilespmem:s8+$0xC240] =	vst v17  }
0x937: {  	v4 =	vld.idx.msk [tilespmem:v4+s3+$0x0], $0xffff  }
0x938: {  	v6 =	vld.idx.msk [tilespmem:v6+s3+$0x0], $0xffff  }
0x939: {  	v0 =	vld.idx.msk [tilespmem:v0+s3+$0x0], $0xffff  }
0x93a: {  	[tilespmem:s8+$0xC0B0] =	vst v5;
	v5 =	vld [tilespmem:s8+$0x40D0]  }
0x93b: {  	[tilespmem:s8+$0xC130] =	vst v9;
	v11 =	vld.idx.msk [tilespmem:v18+s3+$0x0], $0xffff  }
0x93c: {  	v8 =	vld.idx.msk [tilespmem:v8+s3+$0x0], $0xffff;
	[tilespmem:s8+$0xC250] =	vst v4  }
0x93d: {  	v4 =	vld [tilespmem:s8+$0x4270];
	[tilespmem:s8+$0xC1B0] =	vst v6  }
0x93e: {  	v6 =	vld.idx.msk [tilespmem:v7+s3+$0x0], $0xffff  }
0x93f: {  	v7 =	vld.idx.msk [tilespmem:v19+s3+$0x0], $0xffff  }
0x940: {  	v3 =	vld.idx.msk [tilespmem:v3+s3+$0x0], $0xffff;
	[tilespmem:s8+$0xC0C0] =	vst v11  }
0x941: {  	[tilespmem:s8+$0xC140] =	vst v8;
	v8 =	vld [tilespmem:s8+$0x4160]  }
0x942: {  	s29 =	sor.u32 $0x430, s5;
	[tilespmem:s23+$0xC080] =	vst v0;
	v5 =	vld.idx.msk [tilespmem:v5+s3+$0x0], $0xffff  }
0x943: {  	v0 =	vld [tilespmem:s29+$0x4080]  }
0x944: {  	v9 =	vld.idx.msk [tilespmem:v20+s3+$0x0], $0xffff;
	[tilespmem:s8+$0xC260] =	vst v7  }
0x945: {  	[tilespmem:s8+$0xC1C0] =	vst v6;
	v6 =	vld [tilespmem:s8+$0x40F0]  }
0x946: {  	v4 =	vld.idx.msk [tilespmem:v4+s3+$0x0], $0xffff  }
0x947: {  	p0 =	por !p0, !p0;
	s1 =	simm.s32 $0x1;
	v7 =	vld.idx.msk [tilespmem:v21+s3+$0x0], $0xffff;
	[tilespmem:s8+$0xC0D0] =	vst v5  }
0x948: {  	s1 =	simm.s32 @!p0 $0x0;
	[tilespmem:s21+$0xC080] =	vst v2;
	v24 =	vld.idx.msk [tilespmem:v22+s3+$0x0], $0xffff  }
0x949: {  	s1 =	sshll.u32 s1, $0x9;
	[tilespmem:s8+$0xC150] =	vst v9;
	v5 =	vld [tilespmem:s8+$0x4170]  }
0x94a: {  	s13 =	sor.u32 $0x420, s2;
	s1 =	sadd.s32 $0x400, s1;
	[tilespmem:s22+$0xC080] =	vst v1;
	v8 =	vld.idx.msk [tilespmem:v8+s3+$0x0], $0xffff  }
0x94b: {  	s14 =	sor.u32 $0x420, s7;
	s12 =	sadd.s32 $0x180, s1;
	[tilespmem:s8+$0xC270] =	vst v4;
	v4 =	vld [tilespmem:s13+$0x4080]  }
0x94c: {  	s30 =	sor.u32 $0x400, s12;
	[tilespmem:s8+$0xC1D0] =	vst v7;
	v7 =	vld [tilespmem:s14+$0x4080]  }
0x94d: {  	v2 =	vld [tilespmem:s30+$0x4080];
	[tilespmem:s8+$0xC0E0] =	vst v24  }
0x94e: {  	v6 =	vld.idx.msk [tilespmem:v6+s3+$0x0], $0xffff  }
0x94f: {  	v0 =	vld.idx.msk [tilespmem:v0+s3+$0x0], $0xffff  }
0x950: {  	v1 =	vld.idx.msk [tilespmem:v23+s3+$0x0], $0xffff;
	[tilespmem:s8+$0xC160] =	vst v8  }
0x951: {  	s18 =	sor.u32 $0x420, s0;
	[tilespmem:s24+$0xC080] =	vst v3;
	v3 =	vld.idx.msk [tilespmem:v5+s3+$0x0], $0xffff  }
0x952: {  	v5 =	vld [tilespmem:s18+$0x4080]  }
0x953: {  	s15 =	sor.u32 $0x400, s1;
	[tilespmem:s8+$0xC0F0] =	vst v6;
	v4 =	vld.idx.msk [tilespmem:v4+s3+$0x0], $0xffff  }
0x954: {  	v6 =	vld [tilespmem:s15+$0x4080]  }
0x955: {  	v7 =	vld.idx.msk [tilespmem:v7+s3+$0x0], $0xffff  }
0x956: {  	s4 =	sadd.s32 $0x80, s1;
	[tilespmem:s8+$0xC1E0] =	vst v1;
	v1 =	vld.idx.msk [tilespmem:v2+s3+$0x0], $0xffff  }
0x957: {  	s16 =	sor.u32 $0x400, s4;
	[tilespmem:s8+$0xC170] =	vst v3;
	v2 =	vld.idx.msk [tilespmem:v25+s3+$0x0], $0xffff  }
0x958: {  	s5 =	sor.u32 $0x438, s5;
	[tilespmem:s29+$0xC080] =	vst v0;
	v3 =	vld [tilespmem:s16+$0x4080]  }
0x959: {  	s20 =	sor.u32 $0x430, s2;
	[tilespmem:s13+$0xC080] =	vst v4;
	v4 =	vld [tilespmem:s5+$0x4080]  }
0x95a: {  	[tilespmem:s14+$0xC080] =	vst v7;
	v0 =	vld [tilespmem:s20+$0x4080]  }
0x95b: {  	s21 =	sor.u32 $0x430, s7;
	[tilespmem:s30+$0xC080] =	vst v1;
	v1 =	vld.idx.msk [tilespmem:v5+s3+$0x0], $0xffff  }
0x95c: {  	v7 =	vld [tilespmem:s21+$0x4080]  }
0x95d: {  	s6 =	sadd.s32 $0x100, s1;
	s17 =	sor.u32 $0x410, s12;
	v6 =	vld.idx.msk [tilespmem:v6+s3+$0x0], $0xffff  }
0x95e: {  	s19 =	sor.u32 $0x400, s6;
	[tilespmem:s8+$0xC1F0] =	vst v2;
	v2 =	vld [tilespmem:s17+$0x4080]  }
0x95f: {  	v5 =	vld [tilespmem:s19+$0x4080]  }
0x960: {  	s8 =	sor.u32 $0x430, s0;
	v3 =	vld.idx.msk [tilespmem:v3+s3+$0x0], $0xffff;
	[tilespmem:s18+$0xC080] =	vst v1  }
0x961: {  	v1 =	vld [tilespmem:s8+$0x4080]  }
0x962: {  	s22 =	sor.u32 $0x410, s1;
	[tilespmem:s15+$0xC080] =	vst v6;
	v6 =	vld.idx.msk [tilespmem:v0+s3+$0x0], $0xffff  }
0x963: {  	v8 =	vld [tilespmem:s22+$0x4080]  }
0x964: {  	v7 =	vld.idx.msk [tilespmem:v7+s3+$0x0], $0xffff  }
0x965: {  	s26 =	simm.s32 $0x400;
	v0 =	vld.idx.msk [tilespmem:v4+s3+$0x0], $0xffff  }
0x966: {  	s23 =	sor.u32 $0x410, s4;
	s29 =	simm.s32 $0x800;
	s15 =	sor.u32 $0x438, s2;
	v2 =	vld.idx.msk [tilespmem:v2+s3+$0x0], $0xffff  }
0x967: {  	s2 =	sand.u32 $0x200, s26;
	[tilespmem:s16+$0xC080] =	vst v3;
	s16 =	sor.u32 $0x438, s7;
	s7 =	sand.u32 $0x3800, s29;
	v5 =	vld.idx.msk [tilespmem:v5+s3+$0x0], $0xffff  }
0x968: {  	v3 =	vld [tilespmem:s23+$0x4080];
	s2 =	sor.u32 s2, s7  }
0x969: {  	v27 =	vld [tilespmem:s2+$0x4080]  }
0x96a: {  	v28 =	vld [tilespmem:s2+$0x4100]  }
0x96b: {  	v29 =	vld [tilespmem:s2+$0x4180]  }
0x96c: {  	v30 =	vld [tilespmem:s2+$0x4090]  }
0x96d: {  	v13 =	vld [tilespmem:s2+$0x4110]  }
0x96e: {  	v14 =	vld [tilespmem:s2+$0x4210]  }
0x96f: {  	v15 =	vld [tilespmem:s2+$0x4190]  }
0x970: {  	v32 =	vld [tilespmem:s2+$0x40A0]  }
0x971: {  	v33 =	vld [tilespmem:s2+$0x4120]  }
0x972: {  	v34 =	vld [tilespmem:s2+$0x4230]  }
0x973: {  	v35 =	vld [tilespmem:s2+$0x41A0]  }
0x974: {  	v36 =	vld [tilespmem:s2+$0x40B0]  }
0x975: {  	v16 =	vld [tilespmem:s2+$0x4240]  }
0x976: {  	v38 =	vld [tilespmem:s2+$0x4130]  }
0x977: {  	v39 =	vld [tilespmem:s2+$0x41B0]  }
0x978: {  	v41 =	vld [tilespmem:s2+$0x40C0]  }
0x979: {  	v42 =	vld [tilespmem:s2+$0x4140]  }
0x97a: {  	[tilespmem:s21+$0xC080] =	vst v7;
	v7 =	vld [tilespmem:s2+$0x4200]  }
0x97b: {  	v43 =	vld [tilespmem:s2+$0x41C0]  }
0x97c: {  	v44 =	vld [tilespmem:s2+$0x4260]  }
0x97d: {  	v45 =	vld [tilespmem:s2+$0x40D0]  }
0x97e: {  	v46 =	vld [tilespmem:s2+$0x4150]  }
0x97f: {  	v48 =	vld [tilespmem:s2+$0x41D0]  }
0x980: {  	v49 =	vld [tilespmem:s2+$0x40E0]  }
0x981: {  	v50 =	vld [tilespmem:s2+$0x4160]  }
0x982: {  	v7 =	vld.idx.msk [tilespmem:v7+s3+$0x0], $0xffff  }
0x983: {  	v51 =	vld [tilespmem:s2+$0x41E0]  }
0x984: {  	v52 =	vld [tilespmem:s2+$0x40F0]  }
0x985: {  	v53 =	vld [tilespmem:s2+$0x4170]  }
0x986: {  	v9 =	vld.idx.msk [tilespmem:v27+s3+$0x0], $0xffff  }
0x987: {  	[tilespmem:s2+$0xC200] =	vst v7;
	v7 =	vld [tilespmem:s2+$0x4220]  }
0x988: {  	v10 =	vld.idx.msk [tilespmem:v28+s3+$0x0], $0xffff  }
0x989: {  	v31 =	vld.idx.msk [tilespmem:v14+s3+$0x0], $0xffff  }
0x98a: {  	[tilespmem:s20+$0xC080] =	vst v6;
	v4 =	vld.idx.msk [tilespmem:v1+s3+$0x0], $0xffff  }
0x98b: {  	[tilespmem:s17+$0xC080] =	vst v2;
	v2 =	vld [tilespmem:s15+$0x4080]  }
0x98c: {  	v11 =	vld.idx.msk [tilespmem:v29+s3+$0x0], $0xffff;
	[tilespmem:s2+$0xC080] =	vst v9  }
0x98d: {  	[tilespmem:s2+$0xC100] =	vst v10;
	v12 =	vld.idx.msk [tilespmem:v30+s3+$0x0], $0xffff  }
0x98e: {  	v10 =	vld.idx.msk [tilespmem:v13+s3+$0x0], $0xffff;
	[tilespmem:s2+$0xC210] =	vst v31  }
0x98f: {  	v7 =	vld.idx.msk [tilespmem:v7+s3+$0x0], $0xffff  }
0x990: {  	s24 =	sor.u32 $0x420, s12;
	[tilespmem:s19+$0xC080] =	vst v5;
	v1 =	vld [tilespmem:s16+$0x4080]  }
0x991: {  	v5 =	vld [tilespmem:s24+$0x4080];
	[tilespmem:s2+$0xC180] =	vst v11  }
0x992: {  	v11 =	vld.idx.msk [tilespmem:v15+s3+$0x0], $0xffff;
	[tilespmem:s2+$0xC090] =	vst v12  }
0x993: {  	[tilespmem:s2+$0xC110] =	vst v10;
	v13 =	vld.idx.msk [tilespmem:v32+s3+$0x0], $0xffff  }
0x994: {  	v37 =	vld.idx.msk [tilespmem:v33+s3+$0x0], $0xffff;
	[tilespmem:s2+$0xC220] =	vst v7  }
0x995: {  	s25 =	sor.u32 $0x410, s6;
	v7 =	vld.idx.msk [tilespmem:v34+s3+$0x0], $0xffff  }
0x996: {  	v26 =	vld [tilespmem:s25+$0x4080]  }
0x997: {  	v6 =	vld.idx.msk [tilespmem:v8+s3+$0x0], $0xffff;
	[tilespmem:s2+$0xC190] =	vst v11  }
0x998: {  	v11 =	vld.idx.msk [tilespmem:v35+s3+$0x0], $0xffff;
	[tilespmem:s2+$0xC0A0] =	vst v13  }
0x999: {  	[tilespmem:s2+$0xC120] =	vst v37;
	v12 =	vld.idx.msk [tilespmem:v36+s3+$0x0], $0xffff  }
0x99a: {  	[tilespmem:s2+$0xC230] =	vst v7;
	v7 =	vld [tilespmem:s2+$0x4250]  }
0x99b: {  	v10 =	vld.idx.msk [tilespmem:v38+s3+$0x0], $0xffff  }
0x99c: {  	v40 =	vld.idx.msk [tilespmem:v16+s3+$0x0], $0xffff  }
0x99d: {  	s31 =	sor.u32 $0x438, s0;
	v8 =	vld.idx.msk [tilespmem:v3+s3+$0x0], $0xffff;
	[tilespmem:s8+$0xC080] =	vst v4  }
0x99e: {  	v58 =	vld [tilespmem:s31+$0x4080];
	[tilespmem:s2+$0xC1A0] =	vst v11  }
0x99f: {  	v13 =	vld.idx.msk [tilespmem:v39+s3+$0x0], $0xffff;
	[tilespmem:s2+$0xC0B0] =	vst v12  }
0x9a0: {  	[tilespmem:s2+$0xC130] =	vst v10;
	v15 =	vld.idx.msk [tilespmem:v41+s3+$0x0], $0xffff  }
0x9a1: {  	v9 =	vld.idx.msk [tilespmem:v42+s3+$0x0], $0xffff;
	[tilespmem:s2+$0xC240] =	vst v40  }
0x9a2: {  	s18 =	sor.u32 $0x420, s1;
	[tilespmem:s22+$0xC080] =	vst v6;
	v7 =	vld.idx.msk [tilespmem:v7+s3+$0x0], $0xffff  }
0x9a3: {  	v55 =	vld [tilespmem:s18+$0x4080]  }
0x9a4: {  	v59 =	vld.idx.msk [tilespmem:v2+s3+$0x0], $0xffff;
	[tilespmem:s2+$0xC1B0] =	vst v13  }
0x9a5: {  	v11 =	vld.idx.msk [tilespmem:v43+s3+$0x0], $0xffff;
	[tilespmem:s2+$0xC0C0] =	vst v15  }
0x9a6: {  	[tilespmem:s2+$0xC140] =	vst v9;
	v12 =	vld.idx.msk [tilespmem:v45+s3+$0x0], $0xffff  }
0x9a7: {  	[tilespmem:s2+$0xC250] =	vst v7;
	v7 =	vld [tilespmem:s2+$0x4270]  }
0x9a8: {  	v10 =	vld.idx.msk [tilespmem:v46+s3+$0x0], $0xffff  }
0x9a9: {  	v47 =	vld.idx.msk [tilespmem:v44+s3+$0x0], $0xffff  }
0x9aa: {  	[tilespmem:s23+$0xC080] =	vst v8;
	v3 =	vld.idx.msk [tilespmem:v5+s3+$0x0], $0xffff  }
0x9ab: {  	v5 =	vld.idx.msk [tilespmem:v26+s3+$0x0], $0xffff;
	[tilespmem:s2+$0xC1C0] =	vst v11  }
0x9ac: {  	v14 =	vld.idx.msk [tilespmem:v48+s3+$0x0], $0xffff;
	[tilespmem:s2+$0xC0D0] =	vst v12  }
0x9ad: {  	[tilespmem:s2+$0xC150] =	vst v10;
	v54 =	vld.idx.msk [tilespmem:v49+s3+$0x0], $0xffff  }
0x9ae: {  	p0 =	por !p0, !p0;
	v9 =	vld.idx.msk [tilespmem:v50+s3+$0x0], $0xffff;
	[tilespmem:s2+$0xC260] =	vst v47  }
0x9af: {  	s30 =	sor.u32 $0x430, s12;
	s7 =	sor.u32 $0x438, s12;
	s12 =	simm.s32 $0x1;
	[tilespmem:s24+$0xC080] =	vst v3;
	v7 =	vld.idx.msk [tilespmem:v7+s3+$0x0], $0xffff  }
0x9b0: {  	s12 =	simm.s32 @!p0 $0x0;
	s21 =	sor.u32 $0x420, s6;
	[tilespmem:s25+$0xC080] =	vst v5;
	v3 =	vld [tilespmem:s30+$0x4080]  }
0x9b1: {  	s12 =	sshll.u32 s12, $0x9;
	v4 =	vld [tilespmem:s21+$0x4080];
	[tilespmem:s2+$0xC1D0] =	vst v14  }
0x9b2: {  	s17 =	sadd.s32 $0x800, s12;
	v8 =	vld.idx.msk [tilespmem:v51+s3+$0x0], $0xffff;
	[tilespmem:s2+$0xC0E0] =	vst v54  }
0x9b3: {  	s14 =	sadd.s32 $0x180, s17;
	[tilespmem:s2+$0xC160] =	vst v9;
	v57 =	vld.idx.msk [tilespmem:v52+s3+$0x0], $0xffff  }
0x9b4: {  	s13 =	sor.u32 $0x400, s14;
	v5 =	vld.idx.msk [tilespmem:v53+s3+$0x0], $0xffff;
	[tilespmem:s2+$0xC270] =	vst v7  }
0x9b5: {  	v6 =	vld [tilespmem:s13+$0x4080]  }
0x9b6: {  	s20 =	sor.u32 $0x420, s4;
	v7 =	vld [tilespmem:s2+$0x41F0]  }
0x9b7: {  	v56 =	vld [tilespmem:s20+$0x4080];
	[tilespmem:s2+$0xC1E0] =	vst v8  }
0x9b8: {  	s19 =	sadd.s32 $0x80, s17;
	s22 =	sor.u32 $0x400, s17;
	v8 =	vld.idx.msk [tilespmem:v55+s3+$0x0], $0xffff;
	[tilespmem:s2+$0xC0F0] =	vst v57  }
0x9b9: {  	s26 =	sor.u32 $0x400, s19;
	[tilespmem:s2+$0xC170] =	vst v5;
	v9 =	vld [tilespmem:s22+$0x4080]  }
0x9ba: {  	v5 =	vld [tilespmem:s26+$0x4080]  }
0x9bb: {  	v3 =	vld.idx.msk [tilespmem:v3+s3+$0x0], $0xffff  }
0x9bc: {  	v4 =	vld.idx.msk [tilespmem:v4+s3+$0x0], $0xffff  }
0x9bd: {  	v6 =	vld.idx.msk [tilespmem:v6+s3+$0x0], $0xffff  }
0x9be: {  	v7 =	vld.idx.msk [tilespmem:v7+s3+$0x0], $0xffff  }
0x9bf: {  	s24 =	sor.u32 $0x430, s1;
	v10 =	vld.idx.msk [tilespmem:v56+s3+$0x0], $0xffff;
	[tilespmem:s18+$0xC080] =	vst v8  }
0x9c0: {  	v8 =	vld [tilespmem:s24+$0x4080]  }
0x9c1: {  	[tilespmem:s30+$0xC080] =	vst v3;
	v2 =	vld.idx.msk [tilespmem:v9+s3+$0x0], $0xffff  }
0x9c2: {  	s29 =	sor.u32 $0x410, s14;
	s23 =	sadd.s32 $0x100, s17;
	v5 =	vld.idx.msk [tilespmem:v5+s3+$0x0], $0xffff;
	[tilespmem:s13+$0xC080] =	vst v6  }
0x9c3: {  	s30 =	sor.u32 $0x400, s23;
	[tilespmem:s2+$0xC1F0] =	vst v7;
	v6 =	vld [tilespmem:s29+$0x4080]  }
0x9c4: {  	v7 =	vld [tilespmem:s30+$0x4080]  }
0x9c5: {  	v62 =	vld.idx.msk [tilespmem:v1+s3+$0x0], $0xffff  }
0x9c6: {  	s25 =	sor.u32 $0x430, s4;
	v3 =	vld [tilespmem:s7+$0x4080];
	[tilespmem:s20+$0xC080] =	vst v10  }
0x9c7: {  	s0 =	sor.u32 $0x430, s6;
	[tilespmem:s21+$0xC080] =	vst v4;
	v4 =	vld [tilespmem:s25+$0x4080]  }
0x9c8: {  	v60 =	vld [tilespmem:s0+$0x4080];
	[tilespmem:s22+$0xC080] =	vst v2  }
0x9c9: {  	s20 =	sor.u32 $0x410, s19;
	v2 =	vld.idx.msk [tilespmem:v8+s3+$0x0], $0xffff;
	[tilespmem:s26+$0xC080] =	vst v5  }
0x9ca: {  	v61 =	vld [tilespmem:s20+$0x4080]  }
0x9cb: {  	v6 =	vld.idx.msk [tilespmem:v6+s3+$0x0], $0xffff  }
0x9cc: {  	s21 =	sor.u32 $0x410, s17;
	v7 =	vld.idx.msk [tilespmem:v7+s3+$0x0], $0xffff  }
0x9cd: {  	v8 =	vld [tilespmem:s21+$0x4080]  }
0x9ce: {  	[tilespmem:s5+$0xC080] =	vst v0;
	v3 =	vld.idx.msk [tilespmem:v3+s3+$0x0], $0xffff  }
0x9cf: {  	v63 =	vld.idx.msk [tilespmem:v4+s3+$0x0], $0xffff;
	[tilespmem:s24+$0xC080] =	vst v2  }
0x9d0: {  	s28 =	sor.u32 $0x420, s14;
	v2 =	vld.idx.msk [tilespmem:v60+s3+$0x0], $0xffff;
	[tilespmem:s29+$0xC080] =	vst v6  }
0x9d1: {  	s1 =	sor.u32 $0x438, s1;
	s18 =	sor.u32 $0x410, s23;
	[tilespmem:s30+$0xC080] =	vst v7;
	v5 =	vld [tilespmem:s28+$0x4080]  }
0x9d2: {  	v4 =	vld [tilespmem:s18+$0x4080];
	[dreg:$0x8] =	wrdreg s1  }
0x9d3: {  	s5 =	sor.u32 $0x438, s4;
	s12 =	sor.u32 $0x420, s17;
	v1 =	vld [tilespmem:s1+$0x4080]  }
0x9d4: {  	s9 =	sor.u32 $0x430, s17;
	s10 =	sor.u32 $0x420, s19;
	s8 =	sor.u32 $0x430, s19;
	[tilespmem:s7+$0xC080] =	vst v3;
	v7 =	vld.idx.msk [tilespmem:v61+s3+$0x0], $0xffff  }
0x9d5: {  	s11 =	sor.u32 $0x420, s23;
	s4 =	sor.u32 $0x438, s6;
	s6 =	sor.u32 $0x438, s19;
	v6 =	vld.idx.msk [tilespmem:v8+s3+$0x0], $0xffff;
	[tilespmem:s25+$0xC080] =	vst v63  }
0x9d6: {  	s19 =	sor.u32 $0x438, s23;
	s22 =	sor.u32 $0x430, s23;
	s13 =	simm.s32 $0x8;
	[tilespmem:s15+$0xC080] =	vst v59;
	v3 =	vld.idx.msk [tilespmem:v58+s3+$0x0], $0xffff  }
0x9d7: {  	s1 =	sor.u32 $0x438, s17;
	[tilespmem:s16+$0xC080] =	vst v62;
	s15 =	simm.s32 $0x600;
	s16 =	simm.s32 $0xC00;
	v0 =	vld [tilespmem:s5+$0x4080]  }
.LBB2_12:
0x9d8: {  	s17 =	sand.u32 $0x3800, s16;
	s23 =	sand.u32 $0x200, s15  }
0x9d9: {  	s17 =	sor.u32 s23, s17;
	[tilespmem:s20+$0xC080] =	vst v7;
	v5 =	vld.idx.msk [tilespmem:v5+s3+$0x0], $0xffff  }
0x9da: {  	[tilespmem:s0+$0xC080] =	vst v2;
	v7 =	vld [tilespmem:s17+$0x4100]  }
0x9db: {  	v2 =	vld.idx.msk [tilespmem:v4+s3+$0x0], $0xffff  }
0x9dc: {  	[tilespmem:s21+$0xC080] =	vst v6;
	v4 =	vld [tilespmem:s17+$0x4200]  }
0x9dd: {  	v6 =	vld [tilespmem:s17+$0x4080]  }
0x9de: {  	v8 =	vld [tilespmem:s17+$0x4180];
	[tilespmem:s31+$0xC080] =	vst v3  }
0x9df: {  	s24 =	sor.u32 $0x430, s14;
	v3 =	vld [tilespmem:s17+$0x4090];
	[tilespmem:s28+$0xC080] =	vst v5  }
0x9e0: {  	[tilespmem:s18+$0xC080] =	vst v2;
	v2 =	vld [tilespmem:s24+$0x4080]  }
0x9e1: {  	v5 =	vld [tilespmem:s17+$0x4110]  }
0x9e2: {  	v9 =	vld [tilespmem:s17+$0x4210]  }
0x9e3: {  	v10 =	vld [tilespmem:s17+$0x4190]  }
0x9e4: {  	v4 =	vld.idx.msk [tilespmem:v4+s3+$0x0], $0xffff  }
0x9e5: {  	v7 =	vld.idx.msk [tilespmem:v7+s3+$0x0], $0xffff  }
0x9e6: {  	v6 =	vld.idx.msk [tilespmem:v6+s3+$0x0], $0xffff  }
0x9e7: {  	v8 =	vld.idx.msk [tilespmem:v8+s3+$0x0], $0xffff  }
0x9e8: {  	v2 =	vld.idx.msk [tilespmem:v2+s3+$0x0], $0xffff  }
0x9e9: {  	[tilespmem:s17+$0xC200] =	vst v4;
	v4 =	vld [tilespmem:s17+$0x4220]  }
0x9ea: {  	[tilespmem:s17+$0xC100] =	vst v7;
	v7 =	vld [tilespmem:s17+$0x40A0]  }
0x9eb: {  	[tilespmem:s17+$0xC080] =	vst v6;
	v6 =	vld.idx.msk [tilespmem:v9+s3+$0x0], $0xffff  }
0x9ec: {  	v3 =	vld.idx.msk [tilespmem:v3+s3+$0x0], $0xffff  }
0x9ed: {  	v5 =	vld.idx.msk [tilespmem:v5+s3+$0x0], $0xffff;
	[tilespmem:s17+$0xC180] =	vst v8  }
0x9ee: {  	s25 =	sor.u32 $0x438, s14;
	v8 =	vld [tilespmem:s17+$0x4120];
	[tilespmem:s24+$0xC080] =	vst v2  }
0x9ef: {  	v2 =	vld [tilespmem:s25+$0x4080]  }
0x9f0: {  	[tilespmem:s17+$0xC210] =	vst v6;
	v6 =	vld [tilespmem:s17+$0x4230]  }
0x9f1: {  	[tilespmem:s17+$0xC090] =	vst v3;
	v3 =	vld.idx.msk [tilespmem:v4+s3+$0x0], $0xffff  }
0x9f2: {  	v4 =	vld.idx.msk [tilespmem:v10+s3+$0x0], $0xffff  }
0x9f3: {  	v57 =	vld [tilespmem:s17+$0x40B0]  }
0x9f4: {  	[tilespmem:s17+$0xC110] =	vst v5;
	v5 =	vld [tilespmem:s17+$0x41A0]  }
0x9f5: {  	v58 =	vld [tilespmem:s17+$0x4240]  }
0x9f6: {  	v7 =	vld.idx.msk [tilespmem:v7+s3+$0x0], $0xffff;
	[tilespmem:s17+$0xC220] =	vst v3  }
0x9f7: {  	[tilespmem:s17+$0xC190] =	vst v4;
	v4 =	vld.idx.msk [tilespmem:v8+s3+$0x0], $0xffff  }
0x9f8: {  	v2 =	vld.idx.msk [tilespmem:v2+s3+$0x0], $0xffff  }
0x9f9: {  	v3 =	vld.idx.msk [tilespmem:v6+s3+$0x0], $0xffff  }
0x9fa: {  	v6 =	vld [tilespmem:s17+$0x4130]  }
0x9fb: {  	v59 =	vld [tilespmem:s17+$0x4140]  }
0x9fc: {  	[tilespmem:s17+$0xC0A0] =	vst v7;
	v7 =	vld [tilespmem:s17+$0x41B0]  }
0x9fd: {  	v5 =	vld.idx.msk [tilespmem:v5+s3+$0x0], $0xffff  }
0x9fe: {  	v8 =	vld.idx.msk [tilespmem:v57+s3+$0x0], $0xffff;
	[tilespmem:s17+$0xC120] =	vst v4  }
0x9ff: {  	v4 =	vld [tilespmem:s17+$0x40C0];
	[tilespmem:s25+$0xC080] =	vst v2  }
0xa00: {  	[tilespmem:s17+$0xC230] =	vst v3;
	v2 =	vld [tilespmem:s17+$0x4250]  }
0xa01: {  	v3 =	vld.idx.msk [tilespmem:v58+s3+$0x0], $0xffff  }
0xa02: {  	[tilespmem:s17+$0xC1A0] =	vst v5;
	v5 =	vld.idx.msk [tilespmem:v6+s3+$0x0], $0xffff  }
0xa03: {  	v6 =	vld [tilespmem:s17+$0x41C0]  }
0xa04: {  	[tilespmem:s17+$0xC0B0] =	vst v8;
	v8 =	vld [tilespmem:s17+$0x40D0]  }
0xa05: {  	v7 =	vld.idx.msk [tilespmem:v7+s3+$0x0], $0xffff  }
0xa06: {  	v60 =	vld [tilespmem:s17+$0x4150]  }
0xa07: {  	v4 =	vld.idx.msk [tilespmem:v4+s3+$0x0], $0xffff  }
0xa08: {  	[tilespmem:s17+$0xC240] =	vst v3;
	v3 =	vld [tilespmem:s17+$0x4260]  }
0xa09: {  	[tilespmem:s17+$0xC130] =	vst v5;
	v2 =	vld.idx.msk [tilespmem:v2+s3+$0x0], $0xffff  }
0xa0a: {  	[tilespmem:s17+$0xC1B0] =	vst v7;
	v5 =	vld.idx.msk [tilespmem:v59+s3+$0x0], $0xffff  }
0xa0b: {  	v6 =	vld.idx.msk [tilespmem:v6+s3+$0x0], $0xffff  }
0xa0c: {  	[tilespmem:s17+$0xC0C0] =	vst v4;
	v4 =	vld [tilespmem:s17+$0x41D0]  }
0xa0d: {  	v7 =	vld.idx.msk [tilespmem:v8+s3+$0x0], $0xffff  }
0xa0e: {  	[tilespmem:s17+$0xC250] =	vst v2;
	v2 =	vld [tilespmem:s17+$0x4270]  }
0xa0f: {  	[tilespmem:s17+$0xC140] =	vst v5;
	v5 =	vld [tilespmem:s17+$0x40E0]  }
0xa10: {  	v3 =	vld.idx.msk [tilespmem:v3+s3+$0x0], $0xffff  }
0xa11: {  	v8 =	vld [tilespmem:s17+$0x4160]  }
0xa12: {  	v61 =	vld [tilespmem:s17+$0x41E0]  }
0xa13: {  	[tilespmem:s17+$0xC1C0] =	vst v6;
	v6 =	vld.idx.msk [tilespmem:v60+s3+$0x0], $0xffff  }
0xa14: {  	[tilespmem:s17+$0xC0D0] =	vst v7;
	v7 =	vld [tilespmem:s17+$0x4170]  }
0xa15: {  	[tilespmem:s17+$0xC260] =	vst v3;
	v3 =	vld [tilespmem:s17+$0x40F0]  }
0xa16: {  	v4 =	vld.idx.msk [tilespmem:v4+s3+$0x0], $0xffff  }
0xa17: {  	v2 =	vld.idx.msk [tilespmem:v2+s3+$0x0], $0xffff  }
0xa18: {  	p0 =	por !p0, !p0;
	s14 =	simm.s32 $0x1;
	[tilespmem:s17+$0xC150] =	vst v6;
	v5 =	vld.idx.msk [tilespmem:v5+s3+$0x0], $0xffff  }
0xa19: {  	s14 =	simm.s32 @!p0 $0x0;
	v6 =	vld.idx.msk [tilespmem:v8+s3+$0x0], $0xffff  }
0xa1a: {  	s7 =	smov.u32 s22;
	s14 =	sshll.u32 s14, $0x9;
	v8 =	vld [tilespmem:s17+$0x41F0]  }
0xa1b: {  	s22 =	smov.u32 s4;
	[dreg:$0x18] =	wrdreg s7;
	s30 =	sadd.s32 s14, s16;
	[tilespmem:s17+$0xC1D0] =	vst v4;
	v4 =	vld [tilespmem:s12+$0x4080]  }
0xa1c: {  	[smem:$0x7EB] =	sst s22;
	s14 =	sadd.s32 $0x180, s30;
	v9 =	vld.idx.msk [tilespmem:v61+s3+$0x0], $0xffff  }
0xa1d: {  	s23 =	smov.u32 s19;
	s31 =	sadd.s32 $0x100, s30;
	s4 =	sor.u32 $0x400, s14;
	[tilespmem:s17+$0xC0E0] =	vst v5;
	v5 =	vld [tilespmem:s10+$0x4080]  }
0xa1e: {  	s7 =	sor.u32 $0x420, s31;
	s22 =	sor.u32 $0x430, s31;
	s19 =	sor.u32 $0x438, s31;
	[tilespmem:s17+$0xC270] =	vst v2;
	v3 =	vld.idx.msk [tilespmem:v3+s3+$0x0], $0xffff  }
0xa1f: {  	s18 =	sor.u32 $0x410, s31;
	s25 =	sor.u32 $0x400, s31;
	s31 =	sld [smem:$0x7EB];
	[tilespmem:s17+$0xC160] =	vst v6;
	v2 =	vld [tilespmem:s4+$0x4080]  }
0xa20: {  	v6 =	vld.idx.msk [tilespmem:v7+s3+$0x0], $0xffff;
	_ =	sdelay $0x1  }
0xa21: {  	v62 =	vld [tilespmem:s31+$0x4080]  }
0xa22: {  	v7 =	vld [tilespmem:s11+$0x4080];
	[tilespmem:s17+$0xC0F0] =	vst v3  }
0xa23: {  	s26 =	sadd.s32 $0x80, s30;
	[tilespmem:s17+$0xC1E0] =	vst v9;
	v3 =	vld.idx.msk [tilespmem:v4+s3+$0x0], $0xffff  }
0xa24: {  	s24 =	sor.u32 $0x400, s26;
	v8 =	vld.idx.msk [tilespmem:v8+s3+$0x0], $0xffff;
	[tilespmem:s17+$0xC170] =	vst v6  }
0xa25: {  	v6 =	vld [tilespmem:s24+$0x4080]  }
0xa26: {  	s28 =	sor.u32 $0x400, s30;
	v2 =	vld.idx.msk [tilespmem:v2+s3+$0x0], $0xffff  }
0xa27: {  	v4 =	vld [tilespmem:s28+$0x4080]  }
0xa28: {  	v5 =	vld.idx.msk [tilespmem:v5+s3+$0x0], $0xffff;
	[tilespmem:s12+$0xC080] =	vst v3  }
0xa29: {  	v3 =	vld [tilespmem:s9+$0x4080]  }
0xa2a: {  	v1 =	vld.idx.msk [tilespmem:v1+s3+$0x0], $0xffff  }
0xa2b: {  	[tilespmem:s4+$0xC080] =	vst v2;
	s4 =	sor.u32 $0x410, s14;
	v2 =	vld.idx.msk [tilespmem:v7+s3+$0x0], $0xffff  }
0xa2c: {  	[tilespmem:s17+$0xC1F0] =	vst v8;
	v7 =	vld [tilespmem:s4+$0x4080]  }
0xa2d: {  	[tilespmem:s10+$0xC080] =	vst v5;
	v8 =	vld [tilespmem:s25+$0x4080]  }
0xa2e: {  	v5 =	vld.idx.msk [tilespmem:v6+s3+$0x0], $0xffff  }
0xa2f: {  	v4 =	vld.idx.msk [tilespmem:v4+s3+$0x0], $0xffff;
	_ =	sdelay $0x1  }
0xa30: {  	s0 =	sor.u32 $0x420, s30;
	[tilespmem:s11+$0xC080] =	vst v2;
	s11 =	smov.u32 s7;
	s7 =	rddreg [dreg:$0x8]  }
0xa31: {  	s12 =	smov.u32 s0;
	s0 =	rddreg [dreg:$0x18];
	v2 =	vld [tilespmem:s8+$0x4080];
	[tilespmem:s7+$0xC080] =	vst v1  }
0xa32: {  	s20 =	sor.u32 $0x410, s26;
	v6 =	vld [tilespmem:s0+$0x4080];
	[tilespmem:s24+$0xC080] =	vst v5  }
0xa33: {  	[tilespmem:s28+$0xC080] =	vst v4;
	v63 =	vld [tilespmem:s20+$0x4080]  }
0xa34: {  	v1 =	vld.idx.msk [tilespmem:v3+s3+$0x0], $0xffff  }
0xa35: {  	v7 =	vld.idx.msk [tilespmem:v7+s3+$0x0], $0xffff  }
0xa36: {  	s21 =	sor.u32 $0x410, s30;
	v8 =	vld.idx.msk [tilespmem:v8+s3+$0x0], $0xffff  }
0xa37: {  	v3 =	vld [tilespmem:s21+$0x4080]  }
0xa38: {  	v0 =	vld.idx.msk [tilespmem:v0+s3+$0x0], $0xffff  }
0xa39: {  	s17 =	smov.u32 s1;
	v11 =	vld.idx.msk [tilespmem:v2+s3+$0x0], $0xffff;
	[tilespmem:s9+$0xC080] =	vst v1  }
0xa3a: {  	s28 =	sor.u32 $0x420, s14;
	[tilespmem:s4+$0xC080] =	vst v7;
	v1 =	vld [tilespmem:s17+$0x4080]  }
0xa3b: {  	s13 =	sadd.s32 $0x4, s13;
	s2 =	smov.u32 s6;
	[tilespmem:s25+$0xC080] =	vst v8;
	v5 =	vld [tilespmem:s28+$0x4080]  }
0xa3c: {  	s15 =	sadd.s32 $0x200, s15;
	p1 =	slt.u32 s13, $0x3C;
	[dreg:$0x10] =	wrdreg s23;
	v4 =	vld [tilespmem:s18+$0x4080]  }
.Ltmp5:
0xa3d: {  	s16 =	sadd.s32 $0x400, s16;
	s29 =	sor.u32 $0x430, s30;
	[tilespmem:s5+$0xC080] =	vst v0;
	v2 =	vld.idx.msk [tilespmem:v6+s3+$0x0], $0xffff;
	(pc) =	sbr.rel @p1 .LBB2_12-.Ltmp5, $4  }
0xa3e: {  	s6 =	sor.u32 $0x420, s26;
	s23 =	sor.u32 $0x430, s26;
	s26 =	sor.u32 $0x438, s26;
	v7 =	vld.idx.msk [tilespmem:v63+s3+$0x0], $0xffff  }
0xa3f: {  	s30 =	sor.u32 $0x438, s30;
	s10 =	smov.u32 s6;
	s6 =	smov.u32 s26;
	v6 =	vld.idx.msk [tilespmem:v3+s3+$0x0], $0xffff  }
0xa40: {  	s1 =	smov.u32 s30;
	[dreg:$0x8] =	wrdreg s17;
	s5 =	smov.u32 s2;
	v3 =	vld.idx.msk [tilespmem:v62+s3+$0x0], $0xffff;
	[tilespmem:s8+$0xC080] =	vst v11  }
0xa41: {  	s9 =	smov.u32 s29;
	s4 =	rddreg [dreg:$0x10];
	s8 =	smov.u32 s23;
	v0 =	vld [tilespmem:s5+$0x4080]  }
0xa42: {  	_ =	sdelay $0x3  }
0xa43: {  	v4 =	vld.idx.msk [tilespmem:v4+s3+$0x0], $0xffff;
	_ =	sdelay $0x2  }
0xa44: {  	v5 =	vld.idx.msk [tilespmem:v5+s3+$0x0], $0xffff;
	[tilespmem:s21+$0xC080] =	vst v6  }
0xa45: {  	[tilespmem:s20+$0xC080] =	vst v7;
	v6 =	vld [tilespmem:s12+$0x4080]  }
0xa46: {  	[tilespmem:s18+$0xC080] =	vst v4;
	v4 =	vld [tilespmem:s10+$0x4080]  }
0xa47: {  	v7 =	vld [tilespmem:s11+$0x4080];
	_ =	sdelay $0x1  }
0xa48: {  	s30 =	sor.u32 $0x430, s14;
	[tilespmem:s28+$0xC080] =	vst v5  }
0xa49: {  	v5 =	vld [tilespmem:s30+$0x4080];
	_ =	sdelay $0x2  }
0xa4a: {  	v6 =	vld.idx.msk [tilespmem:v6+s3+$0x0], $0xffff  }
0xa4b: {  	v4 =	vld.idx.msk [tilespmem:v4+s3+$0x0], $0xffff  }
0xa4c: {  	v7 =	vld.idx.msk [tilespmem:v7+s3+$0x0], $0xffff;
	_ =	sdelay $0x2  }
0xa4d: {  	v5 =	vld.idx.msk [tilespmem:v5+s3+$0x0], $0xffff;
	[tilespmem:s12+$0xC080] =	vst v6  }
0xa4e: {  	v6 =	vld [tilespmem:s9+$0x4080];
	[tilespmem:s10+$0xC080] =	vst v4  }
0xa4f: {  	[tilespmem:s11+$0xC080] =	vst v7;
	v4 =	vld [tilespmem:s8+$0x4080]  }
0xa50: {  	v7 =	vld [tilespmem:s22+$0x4080];
	_ =	sdelay $0x3  }
0xa51: {  	s7 =	sor.u32 $0x438, s14;
	[tilespmem:s30+$0xC080] =	vst v5  }
0xa52: {  	v5 =	vld [tilespmem:s7+$0x4080]  }
0xa53: {  	v6 =	vld.idx.msk [tilespmem:v6+s3+$0x0], $0xffff  }
0xa54: {  	v4 =	vld.idx.msk [tilespmem:v4+s3+$0x0], $0xffff  }
0xa55: {  	v7 =	vld.idx.msk [tilespmem:v7+s3+$0x0], $0xffff  }
0xa56: {  	s2 =	smov.u32 s0  }
0xa57: {  	[tilespmem:s2+$0xC080] =	vst v2  }
0xa58: {  	v2 =	vld [tilespmem:s4+$0x4080];
	[tilespmem:s9+$0xC080] =	vst v6  }
0xa59: {  	v6 =	vld [tilespmem:s1+$0x4080];
	[tilespmem:s8+$0xC080] =	vst v4  }
0xa5a: {  	v4 =	vld [tilespmem:s6+$0x4080];
	[tilespmem:s22+$0xC080] =	vst v7  }
0xa5b: {  	v7 =	vld [tilespmem:s19+$0x4080]  }
0xa5c: {  	v5 =	vld.idx.msk [tilespmem:v5+s3+$0x0], $0xffff;
	_ =	sdelay $0x1  }
0xa5d: {  	v1 =	vld.idx.msk [tilespmem:v1+s3+$0x0], $0xffff  }
0xa5e: {  	v0 =	vld.idx.msk [tilespmem:v0+s3+$0x0], $0xffff  }
0xa5f: {  	[tilespmem:s31+$0xC080] =	vst v3;
	v2 =	vld.idx.msk [tilespmem:v2+s3+$0x0], $0xffff  }
0xa60: {  	[tilespmem:s7+$0xC080] =	vst v5;
	v3 =	vld.idx.msk [tilespmem:v6+s3+$0x0], $0xffff  }
0xa61: {  	s0 =	rddreg [dreg:$0x8];
	v4 =	vld.idx.msk [tilespmem:v4+s3+$0x0], $0xffff  }
0xa62: {  	[tilespmem:s0+$0xC080] =	vst v1;
	v1 =	vld.idx.msk [tilespmem:v7+s3+$0x0], $0xffff  }
0xa63: {  	[tilespmem:s5+$0xC080] =	vst v0  }
0xa64: {  	[tilespmem:s4+$0xC080] =	vst v2  }
0xa65: {  	[tilespmem:s1+$0xC080] =	vst v3  }
0xa66: {  	[tilespmem:s6+$0xC080] =	vst v4  }
0xa67: {  	[tilespmem:s19+$0xC080] =	vst v1  }
0xa68: {  	s1 =	sld [smem:$0x7F9];
	_ =	sdelay $0x1  }
0xa69: {  	s10 =	simm.s32 $0xC080;
	s9 =	simm.s32 $0x0;
	s11 =	sld [smem:$0x7FA]  }
0xa6a: {  	[hbm4b:s1+s9] =	stream.linear.scatter [tilespmem:s10], [sflag:$0x4], $0x4000, $0x38;
	[tilespmem:$0x10080] =	vst v63  }
0xa6b: {  	s13 =	simm.s32 $0x1;
	s12 =	simm.s32 $0x4080  }
0xa6c: {  	[tilespmem:s12], [sflag:$0x2] =	stream.linear.gather [hbm4b:s11+s9], $0x4000, $0x38;
	[tilespmem:$0x10080] =	vst v63  }
0xa6d: {  	_ =	swait.ge [sflag:s13], $0x4000  }
0xa6e: {  	[sflag:s13] =	ssyncset.done $0x0  }
0xa6f: {  	s14 =	simm.s32 $0x3;
	[sflag:s13] =	ssyncadd.s32 $0xFFFFC000  }
0xa70: {  	_ =	swait.ge [sflag:s14], $0x4000  }
0xa71: {  	s15 =	sand.u32 $0x3800, s9;
	s0 =	sand.u32 $0x200, s9;
	[sflag:s14] =	ssyncset.done $0x0  }
0xa72: {  	s1 =	sor.u32 s0, s15;
	[sflag:s14] =	ssyncadd.s32 $0xFFFFC000  }
0xa73: {  	v0 =	vld [tilespmem:s1+$0x200]  }
0xa74: {  	v1 =	vld [tilespmem:s1+$0x80]  }
0xa75: {  	v2 =	vld [tilespmem:s1+$0x100]  }
0xa76: {  	v3 =	vld [tilespmem:s1+$0x180]  }
0xa77: {  	v4 =	vld [tilespmem:s1+$0x90]  }
0xa78: {  	v5 =	vld [tilespmem:s1+$0x210]  }
0xa79: {  	s25 =	simm.s32 $0x200;
	s26 =	simm.s32 $0x400;
	v6 =	vld [tilespmem:s1+$0x110]  }
0xa7a: {  	s8 =	sand.u32 $0x200, s25;
	s9 =	sand.u32 $0x3800, s26;
	v7 =	vld [tilespmem:s1+$0x220]  }
0xa7b: {  	s8 =	sor.u32 s8, s9;
	v8 =	vld [tilespmem:s1+$0x190]  }
0xa7c: {  	v9 =	vld [tilespmem:s8+$0x210]  }
0xa7d: {  	v10 =	vld [tilespmem:s8+$0x110]  }
0xa7e: {  	v11 =	vld [tilespmem:s8+$0x220]  }
0xa7f: {  	v12 =	vld [tilespmem:s8+$0x190]  }
0xa80: {  	v60 =	vld [tilespmem:s8+$0x230]  }
0xa81: {  	v61 =	vld [tilespmem:s8+$0x120]  }
0xa82: {  	v63 =	vld [tilespmem:s8+$0x240]  }
0xa83: {  	v16 =	vld [tilespmem:s8+$0x130]  }
0xa84: {  	v18 =	vld [tilespmem:s8+$0xC0]  }
0xa85: {  	v19 =	vld [tilespmem:s8+$0x260]  }
0xa86: {  	v20 =	vld [tilespmem:s8+$0x150]  }
0xa87: {  	v21 =	vld [tilespmem:s8+$0x1D0]  }
0xa88: {  	v0 =	vld.idx.msk [tilespmem:v0+s3+$0x0], $0xffff  }
0xa89: {  	v2 =	vld.idx.msk [tilespmem:v2+s3+$0x0], $0xffff  }
0xa8a: {  	v1 =	vld.idx.msk [tilespmem:v1+s3+$0x0], $0xffff  }
0xa8b: {  	v22 =	vld [tilespmem:s8+$0xE0]  }
0xa8c: {  	v23 =	vld [tilespmem:s8+$0x1E0]  }
0xa8d: {  	v3 =	vld.idx.msk [tilespmem:v3+s3+$0x0], $0xffff;
	[tilespmem:s1+$0x8200] =	vst v0  }
0xa8e: {  	[tilespmem:s1+$0x8100] =	vst v2;
	v2 =	vld [tilespmem:s1+$0xA0]  }
0xa8f: {  	[tilespmem:s1+$0x8080] =	vst v1;
	v0 =	vld.idx.msk [tilespmem:v5+s3+$0x0], $0xffff  }
0xa90: {  	v1 =	vld.idx.msk [tilespmem:v4+s3+$0x0], $0xffff  }
0xa91: {  	v4 =	vld.idx.msk [tilespmem:v6+s3+$0x0], $0xffff  }
0xa92: {  	v6 =	vld [tilespmem:s1+$0x120]  }
0xa93: {  	[tilespmem:s1+$0x8180] =	vst v3;
	v3 =	vld [tilespmem:s1+$0x1A0]  }
0xa94: {  	v5 =	vld [tilespmem:s1+$0x230];
	[tilespmem:s1+$0x8210] =	vst v0  }
0xa95: {  	v0 =	vld.idx.msk [tilespmem:v7+s3+$0x0], $0xffff  }
0xa96: {  	v7 =	vld.idx.msk [tilespmem:v8+s3+$0x0], $0xffff  }
0xa97: {  	[tilespmem:s1+$0x8090] =	vst v1;
	v1 =	vld [tilespmem:s1+$0xB0]  }
0xa98: {  	v8 =	vld [tilespmem:s1+$0x240]  }
0xa99: {  	[tilespmem:s1+$0x8110] =	vst v4;
	v2 =	vld.idx.msk [tilespmem:v2+s3+$0x0], $0xffff  }
0xa9a: {  	v4 =	vld.idx.msk [tilespmem:v6+s3+$0x0], $0xffff;
	[tilespmem:s1+$0x8220] =	vst v0  }
0xa9b: {  	[tilespmem:s1+$0x8190] =	vst v7;
	v7 =	vld [tilespmem:s1+$0xC0]  }
0xa9c: {  	v0 =	vld.idx.msk [tilespmem:v5+s3+$0x0], $0xffff  }
0xa9d: {  	v5 =	vld [tilespmem:s1+$0x130]  }
0xa9e: {  	v3 =	vld.idx.msk [tilespmem:v3+s3+$0x0], $0xffff  }
0xa9f: {  	[tilespmem:s1+$0x80A0] =	vst v2;
	v2 =	vld [tilespmem:s1+$0x1B0]  }
0xaa0: {  	v1 =	vld.idx.msk [tilespmem:v1+s3+$0x0], $0xffff  }
0xaa1: {  	[tilespmem:s1+$0x8120] =	vst v4;
	v4 =	vld [tilespmem:s1+$0x140]  }
0xaa2: {  	[tilespmem:s1+$0x8230] =	vst v0;
	v0 =	vld [tilespmem:s1+$0x250]  }
0xaa3: {  	[tilespmem:s1+$0x81A0] =	vst v3;
	v3 =	vld [tilespmem:s1+$0x1C0]  }
0xaa4: {  	v6 =	vld.idx.msk [tilespmem:v8+s3+$0x0], $0xffff  }
0xaa5: {  	[tilespmem:s1+$0x80B0] =	vst v1;
	v1 =	vld [tilespmem:s1+$0xD0]  }
0xaa6: {  	v7 =	vld.idx.msk [tilespmem:v7+s3+$0x0], $0xffff  }
0xaa7: {  	v5 =	vld.idx.msk [tilespmem:v5+s3+$0x0], $0xffff  }
0xaa8: {  	v2 =	vld.idx.msk [tilespmem:v2+s3+$0x0], $0xffff  }
0xaa9: {  	[tilespmem:s1+$0x8240] =	vst v6;
	v6 =	vld [tilespmem:s1+$0x260]  }
0xaaa: {  	v25 =	vld [tilespmem:s8+$0x1F0]  }
0xaab: {  	v0 =	vld.idx.msk [tilespmem:v0+s3+$0x0], $0xffff  }
0xaac: {  	[tilespmem:s1+$0x8130] =	vst v5;
	v5 =	vld [tilespmem:s1+$0x150]  }
0xaad: {  	[tilespmem:s1+$0x81B0] =	vst v2;
	v4 =	vld.idx.msk [tilespmem:v4+s3+$0x0], $0xffff  }
0xaae: {  	[tilespmem:s1+$0x80C0] =	vst v7;
	v2 =	vld.idx.msk [tilespmem:v3+s3+$0x0], $0xffff  }
0xaaf: {  	v1 =	vld.idx.msk [tilespmem:v1+s3+$0x0], $0xffff  }
0xab0: {  	[tilespmem:s1+$0x8250] =	vst v0;
	v0 =	vld [tilespmem:s1+$0x270]  }
0xab1: {  	v3 =	vld.idx.msk [tilespmem:v6+s3+$0x0], $0xffff  }
0xab2: {  	v6 =	vld [tilespmem:s1+$0x1D0]  }
0xab3: {  	[tilespmem:s1+$0x8140] =	vst v4;
	v4 =	vld [tilespmem:s1+$0x160]  }
0xab4: {  	v7 =	vld [tilespmem:s1+$0xE0]  }
0xab5: {  	v5 =	vld.idx.msk [tilespmem:v5+s3+$0x0], $0xffff  }
0xab6: {  	v8 =	vld [tilespmem:s1+$0x1E0];
	[tilespmem:s1+$0x81C0] =	vst v2  }
0xab7: {  	v2 =	vld [tilespmem:s1+$0xF0];
	[tilespmem:s1+$0x80D0] =	vst v1  }
0xab8: {  	v1 =	vld [tilespmem:s1+$0x170];
	[tilespmem:s1+$0x8260] =	vst v3  }
0xab9: {  	p0 =	por $0x0, $0x0;
	s0 =	simm.s32 $0x1;
	v0 =	vld.idx.msk [tilespmem:v0+s3+$0x0], $0xffff  }
0xaba: {  	s0 =	simm.s32 @!p0 $0x0;
	[tilespmem:s1+$0x8150] =	vst v5;
	v3 =	vld.idx.msk [tilespmem:v6+s3+$0x0], $0xffff  }
0xabb: {  	s0 =	sshll.u32 s0, $0x9;
	v4 =	vld.idx.msk [tilespmem:v4+s3+$0x0], $0xffff  }
0xabc: {  	s2 =	sadd.s32 $0x0, s0;
	v6 =	vld.idx.msk [tilespmem:v7+s3+$0x0], $0xffff  }
0xabd: {  	s5 =	sadd.s32 $0x180, s2;
	v5 =	vld [tilespmem:s1+$0x1F0]  }
0xabe: {  	s16 =	sor.u32 $0x400, s5;
	v7 =	vld [tilespmem:s8+$0x180];
	[tilespmem:s1+$0x8270] =	vst v0  }
0xabf: {  	v0 =	vld [tilespmem:s16+$0x80];
	[tilespmem:s1+$0x81D0] =	vst v3  }
0xac0: {  	[tilespmem:s1+$0x8160] =	vst v4;
	v4 =	vld [tilespmem:s8+$0x200]  }
0xac1: {  	[tilespmem:s1+$0x80E0] =	vst v6;
	v3 =	vld.idx.msk [tilespmem:v8+s3+$0x0], $0xffff  }
0xac2: {  	v2 =	vld.idx.msk [tilespmem:v2+s3+$0x0], $0xffff  }
0xac3: {  	v1 =	vld.idx.msk [tilespmem:v1+s3+$0x0], $0xffff  }
0xac4: {  	v6 =	vld [tilespmem:s8+$0x100]  }
0xac5: {  	v8 =	vld [tilespmem:s8+$0x90]  }
0xac6: {  	v7 =	vld.idx.msk [tilespmem:v7+s3+$0x0], $0xffff;
	[tilespmem:s1+$0x81E0] =	vst v3  }
0xac7: {  	s7 =	sadd.s32 $0x80, s2;
	s17 =	sor.u32 $0x400, s2;
	[tilespmem:s1+$0x80F0] =	vst v2;
	v3 =	vld.idx.msk [tilespmem:v5+s3+$0x0], $0xffff  }
0xac8: {  	s18 =	sor.u32 $0x400, s7;
	[tilespmem:s1+$0x8170] =	vst v1;
	v2 =	vld [tilespmem:s17+$0x80]  }
0xac9: {  	v1 =	vld [tilespmem:s18+$0x80]  }
0xaca: {  	v5 =	vld [tilespmem:s8+$0x80]  }
0xacb: {  	v4 =	vld.idx.msk [tilespmem:v4+s3+$0x0], $0xffff  }
0xacc: {  	v6 =	vld.idx.msk [tilespmem:v6+s3+$0x0], $0xffff  }
0xacd: {  	v0 =	vld.idx.msk [tilespmem:v0+s3+$0x0], $0xffff  }
0xace: {  	s0 =	sadd.s32 $0x100, s2;
	[tilespmem:s8+$0x8180] =	vst v7;
	v7 =	vld [tilespmem:s8+$0x1A0]  }
0xacf: {  	s20 =	sor.u32 $0x400, s0;
	v62 =	vld.idx.msk [tilespmem:v12+s3+$0x0], $0xffff;
	[tilespmem:s1+$0x81F0] =	vst v3  }
0xad0: {  	v3 =	vld [tilespmem:s20+$0x80];
	[tilespmem:s8+$0x8200] =	vst v4  }
0xad1: {  	[tilespmem:s8+$0x8100] =	vst v6;
	v6 =	vld [tilespmem:s8+$0xA0]  }
0xad2: {  	s19 =	sor.u32 $0x410, s5;
	[tilespmem:s16+$0x8080] =	vst v0;
	v4 =	vld.idx.msk [tilespmem:v9+s3+$0x0], $0xffff  }
0xad3: {  	v0 =	vld [tilespmem:s19+$0x80]  }
0xad4: {  	v2 =	vld.idx.msk [tilespmem:v2+s3+$0x0], $0xffff  }
0xad5: {  	v5 =	vld.idx.msk [tilespmem:v5+s3+$0x0], $0xffff  }
0xad6: {  	[tilespmem:s8+$0x8190] =	vst v62;
	v1 =	vld.idx.msk [tilespmem:v1+s3+$0x0], $0xffff  }
0xad7: {  	v7 =	vld.idx.msk [tilespmem:v7+s3+$0x0], $0xffff;
	[tilespmem:s8+$0x8210] =	vst v4  }
0xad8: {  	v4 =	vld.idx.msk [tilespmem:v11+s3+$0x0], $0xffff  }
0xad9: {  	s21 =	sor.u32 $0x410, s2;
	[tilespmem:s17+$0x8080] =	vst v2;
	v3 =	vld.idx.msk [tilespmem:v3+s3+$0x0], $0xffff  }
0xada: {  	[tilespmem:s8+$0x8080] =	vst v5;
	v2 =	vld [tilespmem:s21+$0x80]  }
0xadb: {  	s22 =	sor.u32 $0x410, s7;
	[tilespmem:s18+$0x8080] =	vst v1;
	v5 =	vld.idx.msk [tilespmem:v8+s3+$0x0], $0xffff  }
0xadc: {  	v1 =	vld [tilespmem:s22+$0x80]  }
0xadd: {  	v8 =	vld.idx.msk [tilespmem:v10+s3+$0x0], $0xffff  }
0xade: {  	[tilespmem:s8+$0x81A0] =	vst v7;
	v7 =	vld [tilespmem:s8+$0x1C0]  }
0xadf: {  	v0 =	vld.idx.msk [tilespmem:v0+s3+$0x0], $0xffff;
	[tilespmem:s8+$0x8220] =	vst v4  }
0xae0: {  	[tilespmem:s8+$0x8090] =	vst v5;
	v5 =	vld [tilespmem:s8+$0xB0]  }
0xae1: {  	v4 =	vld.idx.msk [tilespmem:v60+s3+$0x0], $0xffff  }
0xae2: {  	s24 =	sor.u32 $0x410, s0;
	[tilespmem:s20+$0x8080] =	vst v3;
	v6 =	vld.idx.msk [tilespmem:v6+s3+$0x0], $0xffff  }
0xae3: {  	[tilespmem:s8+$0x8110] =	vst v8;
	v3 =	vld [tilespmem:s24+$0x80]  }
0xae4: {  	s23 =	sor.u32 $0x420, s5;
	[tilespmem:s19+$0x8080] =	vst v0;
	v8 =	vld.idx.msk [tilespmem:v61+s3+$0x0], $0xffff  }
0xae5: {  	v0 =	vld [tilespmem:s23+$0x80]  }
0xae6: {  	[tilespmem:s8+$0x8230] =	vst v4;
	v4 =	vld [tilespmem:s8+$0x250]  }
0xae7: {  	[tilespmem:s8+$0x80A0] =	vst v6;
	v6 =	vld [tilespmem:s8+$0x1B0]  }
0xae8: {  	v17 =	vld.idx.msk [tilespmem:v63+s3+$0x0], $0xffff  }
0xae9: {  	v2 =	vld.idx.msk [tilespmem:v2+s3+$0x0], $0xffff  }
0xaea: {  	v1 =	vld.idx.msk [tilespmem:v1+s3+$0x0], $0xffff  }
0xaeb: {  	[tilespmem:s8+$0x8120] =	vst v8;
	v8 =	vld [tilespmem:s8+$0x140]  }
0xaec: {  	v5 =	vld.idx.msk [tilespmem:v5+s3+$0x0], $0xffff  }
0xaed: {  	v9 =	vld.idx.msk [tilespmem:v16+s3+$0x0], $0xffff;
	[tilespmem:s8+$0x8240] =	vst v17  }
0xaee: {  	v4 =	vld.idx.msk [tilespmem:v4+s3+$0x0], $0xffff  }
0xaef: {  	v6 =	vld.idx.msk [tilespmem:v6+s3+$0x0], $0xffff  }
0xaf0: {  	v0 =	vld.idx.msk [tilespmem:v0+s3+$0x0], $0xffff  }
0xaf1: {  	[tilespmem:s8+$0x80B0] =	vst v5;
	v5 =	vld [tilespmem:s8+$0xD0]  }
0xaf2: {  	[tilespmem:s8+$0x8130] =	vst v9;
	v11 =	vld.idx.msk [tilespmem:v18+s3+$0x0], $0xffff  }
0xaf3: {  	v8 =	vld.idx.msk [tilespmem:v8+s3+$0x0], $0xffff;
	[tilespmem:s8+$0x8250] =	vst v4  }
0xaf4: {  	v4 =	vld [tilespmem:s8+$0x270];
	[tilespmem:s8+$0x81B0] =	vst v6  }
0xaf5: {  	v6 =	vld.idx.msk [tilespmem:v7+s3+$0x0], $0xffff  }
0xaf6: {  	v7 =	vld.idx.msk [tilespmem:v19+s3+$0x0], $0xffff  }
0xaf7: {  	v3 =	vld.idx.msk [tilespmem:v3+s3+$0x0], $0xffff;
	[tilespmem:s8+$0x80C0] =	vst v11  }
0xaf8: {  	[tilespmem:s8+$0x8140] =	vst v8;
	v8 =	vld [tilespmem:s8+$0x160]  }
0xaf9: {  	s29 =	sor.u32 $0x430, s5;
	[tilespmem:s23+$0x8080] =	vst v0;
	v5 =	vld.idx.msk [tilespmem:v5+s3+$0x0], $0xffff  }
0xafa: {  	v0 =	vld [tilespmem:s29+$0x80]  }
0xafb: {  	v9 =	vld.idx.msk [tilespmem:v20+s3+$0x0], $0xffff;
	[tilespmem:s8+$0x8260] =	vst v7  }
0xafc: {  	[tilespmem:s8+$0x81C0] =	vst v6;
	v6 =	vld [tilespmem:s8+$0xF0]  }
0xafd: {  	v4 =	vld.idx.msk [tilespmem:v4+s3+$0x0], $0xffff  }
0xafe: {  	p0 =	por !p0, !p0;
	s1 =	simm.s32 $0x1;
	v7 =	vld.idx.msk [tilespmem:v21+s3+$0x0], $0xffff;
	[tilespmem:s8+$0x80D0] =	vst v5  }
0xaff: {  	s1 =	simm.s32 @!p0 $0x0;
	[tilespmem:s21+$0x8080] =	vst v2;
	v24 =	vld.idx.msk [tilespmem:v22+s3+$0x0], $0xffff  }
0xb00: {  	s1 =	sshll.u32 s1, $0x9;
	[tilespmem:s8+$0x8150] =	vst v9;
	v5 =	vld [tilespmem:s8+$0x170]  }
0xb01: {  	s13 =	sor.u32 $0x420, s2;
	s1 =	sadd.s32 $0x400, s1;
	[tilespmem:s22+$0x8080] =	vst v1;
	v8 =	vld.idx.msk [tilespmem:v8+s3+$0x0], $0xffff  }
0xb02: {  	s14 =	sor.u32 $0x420, s7;
	s12 =	sadd.s32 $0x180, s1;
	[tilespmem:s8+$0x8270] =	vst v4;
	v4 =	vld [tilespmem:s13+$0x80]  }
0xb03: {  	s30 =	sor.u32 $0x400, s12;
	[tilespmem:s8+$0x81D0] =	vst v7;
	v7 =	vld [tilespmem:s14+$0x80]  }
0xb04: {  	v2 =	vld [tilespmem:s30+$0x80];
	[tilespmem:s8+$0x80E0] =	vst v24  }
0xb05: {  	v6 =	vld.idx.msk [tilespmem:v6+s3+$0x0], $0xffff  }
0xb06: {  	v0 =	vld.idx.msk [tilespmem:v0+s3+$0x0], $0xffff  }
0xb07: {  	v1 =	vld.idx.msk [tilespmem:v23+s3+$0x0], $0xffff;
	[tilespmem:s8+$0x8160] =	vst v8  }
0xb08: {  	s18 =	sor.u32 $0x420, s0;
	[tilespmem:s24+$0x8080] =	vst v3;
	v3 =	vld.idx.msk [tilespmem:v5+s3+$0x0], $0xffff  }
0xb09: {  	v5 =	vld [tilespmem:s18+$0x80]  }
0xb0a: {  	s15 =	sor.u32 $0x400, s1;
	[tilespmem:s8+$0x80F0] =	vst v6;
	v4 =	vld.idx.msk [tilespmem:v4+s3+$0x0], $0xffff  }
0xb0b: {  	v6 =	vld [tilespmem:s15+$0x80]  }
0xb0c: {  	v7 =	vld.idx.msk [tilespmem:v7+s3+$0x0], $0xffff  }
0xb0d: {  	s4 =	sadd.s32 $0x80, s1;
	[tilespmem:s8+$0x81E0] =	vst v1;
	v1 =	vld.idx.msk [tilespmem:v2+s3+$0x0], $0xffff  }
0xb0e: {  	s16 =	sor.u32 $0x400, s4;
	[tilespmem:s8+$0x8170] =	vst v3;
	v2 =	vld.idx.msk [tilespmem:v25+s3+$0x0], $0xffff  }
0xb0f: {  	s5 =	sor.u32 $0x438, s5;
	[tilespmem:s29+$0x8080] =	vst v0;
	v3 =	vld [tilespmem:s16+$0x80]  }
0xb10: {  	s20 =	sor.u32 $0x430, s2;
	[tilespmem:s13+$0x8080] =	vst v4;
	v4 =	vld [tilespmem:s5+$0x80]  }
0xb11: {  	[tilespmem:s14+$0x8080] =	vst v7;
	v0 =	vld [tilespmem:s20+$0x80]  }
0xb12: {  	s21 =	sor.u32 $0x430, s7;
	[tilespmem:s30+$0x8080] =	vst v1;
	v1 =	vld.idx.msk [tilespmem:v5+s3+$0x0], $0xffff  }
0xb13: {  	v7 =	vld [tilespmem:s21+$0x80]  }
0xb14: {  	s6 =	sadd.s32 $0x100, s1;
	s17 =	sor.u32 $0x410, s12;
	v6 =	vld.idx.msk [tilespmem:v6+s3+$0x0], $0xffff  }
0xb15: {  	s19 =	sor.u32 $0x400, s6;
	[tilespmem:s8+$0x81F0] =	vst v2;
	v2 =	vld [tilespmem:s17+$0x80]  }
0xb16: {  	v5 =	vld [tilespmem:s19+$0x80]  }
0xb17: {  	s8 =	sor.u32 $0x430, s0;
	v3 =	vld.idx.msk [tilespmem:v3+s3+$0x0], $0xffff;
	[tilespmem:s18+$0x8080] =	vst v1  }
0xb18: {  	v1 =	vld [tilespmem:s8+$0x80]  }
0xb19: {  	s22 =	sor.u32 $0x410, s1;
	[tilespmem:s15+$0x8080] =	vst v6;
	v6 =	vld.idx.msk [tilespmem:v0+s3+$0x0], $0xffff  }
0xb1a: {  	v8 =	vld [tilespmem:s22+$0x80]  }
0xb1b: {  	v7 =	vld.idx.msk [tilespmem:v7+s3+$0x0], $0xffff  }
0xb1c: {  	s26 =	simm.s32 $0x400;
	v0 =	vld.idx.msk [tilespmem:v4+s3+$0x0], $0xffff  }
0xb1d: {  	s23 =	sor.u32 $0x410, s4;
	s29 =	simm.s32 $0x800;
	s15 =	sor.u32 $0x438, s2;
	v2 =	vld.idx.msk [tilespmem:v2+s3+$0x0], $0xffff  }
0xb1e: {  	s2 =	sand.u32 $0x200, s26;
	[tilespmem:s16+$0x8080] =	vst v3;
	s16 =	sor.u32 $0x438, s7;
	s7 =	sand.u32 $0x3800, s29;
	v5 =	vld.idx.msk [tilespmem:v5+s3+$0x0], $0xffff  }
0xb1f: {  	v3 =	vld [tilespmem:s23+$0x80];
	s2 =	sor.u32 s2, s7  }
0xb20: {  	v27 =	vld [tilespmem:s2+$0x80]  }
0xb21: {  	v28 =	vld [tilespmem:s2+$0x100]  }
0xb22: {  	v29 =	vld [tilespmem:s2+$0x180]  }
0xb23: {  	v30 =	vld [tilespmem:s2+$0x90]  }
0xb24: {  	v13 =	vld [tilespmem:s2+$0x110]  }
0xb25: {  	v14 =	vld [tilespmem:s2+$0x210]  }
0xb26: {  	v15 =	vld [tilespmem:s2+$0x190]  }
0xb27: {  	v32 =	vld [tilespmem:s2+$0xA0]  }
0xb28: {  	v33 =	vld [tilespmem:s2+$0x120]  }
0xb29: {  	v34 =	vld [tilespmem:s2+$0x230]  }
0xb2a: {  	v35 =	vld [tilespmem:s2+$0x1A0]  }
0xb2b: {  	v36 =	vld [tilespmem:s2+$0xB0]  }
0xb2c: {  	v16 =	vld [tilespmem:s2+$0x240]  }
0xb2d: {  	v38 =	vld [tilespmem:s2+$0x130]  }
0xb2e: {  	v39 =	vld [tilespmem:s2+$0x1B0]  }
0xb2f: {  	v41 =	vld [tilespmem:s2+$0xC0]  }
0xb30: {  	v42 =	vld [tilespmem:s2+$0x140]  }
0xb31: {  	[tilespmem:s21+$0x8080] =	vst v7;
	v7 =	vld [tilespmem:s2+$0x200]  }
0xb32: {  	v43 =	vld [tilespmem:s2+$0x1C0]  }
0xb33: {  	v44 =	vld [tilespmem:s2+$0x260]  }
0xb34: {  	v45 =	vld [tilespmem:s2+$0xD0]  }
0xb35: {  	v46 =	vld [tilespmem:s2+$0x150]  }
0xb36: {  	v48 =	vld [tilespmem:s2+$0x1D0]  }
0xb37: {  	v49 =	vld [tilespmem:s2+$0xE0]  }
0xb38: {  	v50 =	vld [tilespmem:s2+$0x160]  }
0xb39: {  	v7 =	vld.idx.msk [tilespmem:v7+s3+$0x0], $0xffff  }
0xb3a: {  	v51 =	vld [tilespmem:s2+$0x1E0]  }
0xb3b: {  	v52 =	vld [tilespmem:s2+$0xF0]  }
0xb3c: {  	v53 =	vld [tilespmem:s2+$0x170]  }
0xb3d: {  	v9 =	vld.idx.msk [tilespmem:v27+s3+$0x0], $0xffff  }
0xb3e: {  	[tilespmem:s2+$0x8200] =	vst v7;
	v7 =	vld [tilespmem:s2+$0x220]  }
0xb3f: {  	v10 =	vld.idx.msk [tilespmem:v28+s3+$0x0], $0xffff  }
0xb40: {  	v31 =	vld.idx.msk [tilespmem:v14+s3+$0x0], $0xffff  }
0xb41: {  	[tilespmem:s20+$0x8080] =	vst v6;
	v4 =	vld.idx.msk [tilespmem:v1+s3+$0x0], $0xffff  }
0xb42: {  	[tilespmem:s17+$0x8080] =	vst v2;
	v2 =	vld [tilespmem:s15+$0x80]  }
0xb43: {  	v11 =	vld.idx.msk [tilespmem:v29+s3+$0x0], $0xffff;
	[tilespmem:s2+$0x8080] =	vst v9  }
0xb44: {  	[tilespmem:s2+$0x8100] =	vst v10;
	v12 =	vld.idx.msk [tilespmem:v30+s3+$0x0], $0xffff  }
0xb45: {  	v10 =	vld.idx.msk [tilespmem:v13+s3+$0x0], $0xffff;
	[tilespmem:s2+$0x8210] =	vst v31  }
0xb46: {  	v7 =	vld.idx.msk [tilespmem:v7+s3+$0x0], $0xffff  }
0xb47: {  	s24 =	sor.u32 $0x420, s12;
	[tilespmem:s19+$0x8080] =	vst v5;
	v1 =	vld [tilespmem:s16+$0x80]  }
0xb48: {  	v5 =	vld [tilespmem:s24+$0x80];
	[tilespmem:s2+$0x8180] =	vst v11  }
0xb49: {  	v11 =	vld.idx.msk [tilespmem:v15+s3+$0x0], $0xffff;
	[tilespmem:s2+$0x8090] =	vst v12  }
0xb4a: {  	[tilespmem:s2+$0x8110] =	vst v10;
	v13 =	vld.idx.msk [tilespmem:v32+s3+$0x0], $0xffff  }
0xb4b: {  	v37 =	vld.idx.msk [tilespmem:v33+s3+$0x0], $0xffff;
	[tilespmem:s2+$0x8220] =	vst v7  }
0xb4c: {  	s25 =	sor.u32 $0x410, s6;
	v7 =	vld.idx.msk [tilespmem:v34+s3+$0x0], $0xffff  }
0xb4d: {  	v26 =	vld [tilespmem:s25+$0x80]  }
0xb4e: {  	v6 =	vld.idx.msk [tilespmem:v8+s3+$0x0], $0xffff;
	[tilespmem:s2+$0x8190] =	vst v11  }
0xb4f: {  	v11 =	vld.idx.msk [tilespmem:v35+s3+$0x0], $0xffff;
	[tilespmem:s2+$0x80A0] =	vst v13  }
0xb50: {  	[tilespmem:s2+$0x8120] =	vst v37;
	v12 =	vld.idx.msk [tilespmem:v36+s3+$0x0], $0xffff  }
0xb51: {  	[tilespmem:s2+$0x8230] =	vst v7;
	v7 =	vld [tilespmem:s2+$0x250]  }
0xb52: {  	v10 =	vld.idx.msk [tilespmem:v38+s3+$0x0], $0xffff  }
0xb53: {  	v40 =	vld.idx.msk [tilespmem:v16+s3+$0x0], $0xffff  }
0xb54: {  	s31 =	sor.u32 $0x438, s0;
	v8 =	vld.idx.msk [tilespmem:v3+s3+$0x0], $0xffff;
	[tilespmem:s8+$0x8080] =	vst v4  }
0xb55: {  	v58 =	vld [tilespmem:s31+$0x80];
	[tilespmem:s2+$0x81A0] =	vst v11  }
0xb56: {  	v13 =	vld.idx.msk [tilespmem:v39+s3+$0x0], $0xffff;
	[tilespmem:s2+$0x80B0] =	vst v12  }
0xb57: {  	[tilespmem:s2+$0x8130] =	vst v10;
	v15 =	vld.idx.msk [tilespmem:v41+s3+$0x0], $0xffff  }
0xb58: {  	v9 =	vld.idx.msk [tilespmem:v42+s3+$0x0], $0xffff;
	[tilespmem:s2+$0x8240] =	vst v40  }
0xb59: {  	s18 =	sor.u32 $0x420, s1;
	[tilespmem:s22+$0x8080] =	vst v6;
	v7 =	vld.idx.msk [tilespmem:v7+s3+$0x0], $0xffff  }
0xb5a: {  	v55 =	vld [tilespmem:s18+$0x80]  }
0xb5b: {  	v59 =	vld.idx.msk [tilespmem:v2+s3+$0x0], $0xffff;
	[tilespmem:s2+$0x81B0] =	vst v13  }
0xb5c: {  	v11 =	vld.idx.msk [tilespmem:v43+s3+$0x0], $0xffff;
	[tilespmem:s2+$0x80C0] =	vst v15  }
0xb5d: {  	[tilespmem:s2+$0x8140] =	vst v9;
	v12 =	vld.idx.msk [tilespmem:v45+s3+$0x0], $0xffff  }
0xb5e: {  	[tilespmem:s2+$0x8250] =	vst v7;
	v7 =	vld [tilespmem:s2+$0x270]  }
0xb5f: {  	v10 =	vld.idx.msk [tilespmem:v46+s3+$0x0], $0xffff  }
0xb60: {  	v47 =	vld.idx.msk [tilespmem:v44+s3+$0x0], $0xffff  }
0xb61: {  	[tilespmem:s23+$0x8080] =	vst v8;
	v3 =	vld.idx.msk [tilespmem:v5+s3+$0x0], $0xffff  }
0xb62: {  	v5 =	vld.idx.msk [tilespmem:v26+s3+$0x0], $0xffff;
	[tilespmem:s2+$0x81C0] =	vst v11  }
0xb63: {  	v14 =	vld.idx.msk [tilespmem:v48+s3+$0x0], $0xffff;
	[tilespmem:s2+$0x80D0] =	vst v12  }
0xb64: {  	[tilespmem:s2+$0x8150] =	vst v10;
	v54 =	vld.idx.msk [tilespmem:v49+s3+$0x0], $0xffff  }
0xb65: {  	p0 =	por !p0, !p0;
	v9 =	vld.idx.msk [tilespmem:v50+s3+$0x0], $0xffff;
	[tilespmem:s2+$0x8260] =	vst v47  }
0xb66: {  	s30 =	sor.u32 $0x430, s12;
	s7 =	sor.u32 $0x438, s12;
	s12 =	simm.s32 $0x1;
	[tilespmem:s24+$0x8080] =	vst v3;
	v7 =	vld.idx.msk [tilespmem:v7+s3+$0x0], $0xffff  }
0xb67: {  	s12 =	simm.s32 @!p0 $0x0;
	s21 =	sor.u32 $0x420, s6;
	[tilespmem:s25+$0x8080] =	vst v5;
	v3 =	vld [tilespmem:s30+$0x80]  }
0xb68: {  	s12 =	sshll.u32 s12, $0x9;
	v4 =	vld [tilespmem:s21+$0x80];
	[tilespmem:s2+$0x81D0] =	vst v14  }
0xb69: {  	s17 =	sadd.s32 $0x800, s12;
	v8 =	vld.idx.msk [tilespmem:v51+s3+$0x0], $0xffff;
	[tilespmem:s2+$0x80E0] =	vst v54  }
0xb6a: {  	s14 =	sadd.s32 $0x180, s17;
	[tilespmem:s2+$0x8160] =	vst v9;
	v57 =	vld.idx.msk [tilespmem:v52+s3+$0x0], $0xffff  }
0xb6b: {  	s13 =	sor.u32 $0x400, s14;
	v5 =	vld.idx.msk [tilespmem:v53+s3+$0x0], $0xffff;
	[tilespmem:s2+$0x8270] =	vst v7  }
0xb6c: {  	v6 =	vld [tilespmem:s13+$0x80]  }
0xb6d: {  	s20 =	sor.u32 $0x420, s4;
	v7 =	vld [tilespmem:s2+$0x1F0]  }
0xb6e: {  	v56 =	vld [tilespmem:s20+$0x80];
	[tilespmem:s2+$0x81E0] =	vst v8  }
0xb6f: {  	s19 =	sadd.s32 $0x80, s17;
	s22 =	sor.u32 $0x400, s17;
	v8 =	vld.idx.msk [tilespmem:v55+s3+$0x0], $0xffff;
	[tilespmem:s2+$0x80F0] =	vst v57  }
0xb70: {  	s26 =	sor.u32 $0x400, s19;
	[tilespmem:s2+$0x8170] =	vst v5;
	v9 =	vld [tilespmem:s22+$0x80]  }
0xb71: {  	v5 =	vld [tilespmem:s26+$0x80]  }
0xb72: {  	v3 =	vld.idx.msk [tilespmem:v3+s3+$0x0], $0xffff  }
0xb73: {  	v4 =	vld.idx.msk [tilespmem:v4+s3+$0x0], $0xffff  }
0xb74: {  	v6 =	vld.idx.msk [tilespmem:v6+s3+$0x0], $0xffff  }
0xb75: {  	v7 =	vld.idx.msk [tilespmem:v7+s3+$0x0], $0xffff  }
0xb76: {  	s24 =	sor.u32 $0x430, s1;
	v10 =	vld.idx.msk [tilespmem:v56+s3+$0x0], $0xffff;
	[tilespmem:s18+$0x8080] =	vst v8  }
0xb77: {  	v8 =	vld [tilespmem:s24+$0x80]  }
0xb78: {  	[tilespmem:s30+$0x8080] =	vst v3;
	v2 =	vld.idx.msk [tilespmem:v9+s3+$0x0], $0xffff  }
0xb79: {  	s29 =	sor.u32 $0x410, s14;
	s23 =	sadd.s32 $0x100, s17;
	v5 =	vld.idx.msk [tilespmem:v5+s3+$0x0], $0xffff;
	[tilespmem:s13+$0x8080] =	vst v6  }
0xb7a: {  	s30 =	sor.u32 $0x400, s23;
	[tilespmem:s2+$0x81F0] =	vst v7;
	v6 =	vld [tilespmem:s29+$0x80]  }
0xb7b: {  	v7 =	vld [tilespmem:s30+$0x80]  }
0xb7c: {  	v62 =	vld.idx.msk [tilespmem:v1+s3+$0x0], $0xffff  }
0xb7d: {  	s25 =	sor.u32 $0x430, s4;
	v3 =	vld [tilespmem:s7+$0x80];
	[tilespmem:s20+$0x8080] =	vst v10  }
0xb7e: {  	s0 =	sor.u32 $0x430, s6;
	[tilespmem:s21+$0x8080] =	vst v4;
	v4 =	vld [tilespmem:s25+$0x80]  }
0xb7f: {  	v60 =	vld [tilespmem:s0+$0x80];
	[tilespmem:s22+$0x8080] =	vst v2  }
0xb80: {  	s20 =	sor.u32 $0x410, s19;
	v2 =	vld.idx.msk [tilespmem:v8+s3+$0x0], $0xffff;
	[tilespmem:s26+$0x8080] =	vst v5  }
0xb81: {  	v61 =	vld [tilespmem:s20+$0x80]  }
0xb82: {  	v6 =	vld.idx.msk [tilespmem:v6+s3+$0x0], $0xffff  }
0xb83: {  	s21 =	sor.u32 $0x410, s17;
	v7 =	vld.idx.msk [tilespmem:v7+s3+$0x0], $0xffff  }
0xb84: {  	v8 =	vld [tilespmem:s21+$0x80]  }
0xb85: {  	[tilespmem:s5+$0x8080] =	vst v0;
	v3 =	vld.idx.msk [tilespmem:v3+s3+$0x0], $0xffff  }
0xb86: {  	v63 =	vld.idx.msk [tilespmem:v4+s3+$0x0], $0xffff;
	[tilespmem:s24+$0x8080] =	vst v2  }
0xb87: {  	s28 =	sor.u32 $0x420, s14;
	v2 =	vld.idx.msk [tilespmem:v60+s3+$0x0], $0xffff;
	[tilespmem:s29+$0x8080] =	vst v6  }
0xb88: {  	s1 =	sor.u32 $0x438, s1;
	s18 =	sor.u32 $0x410, s23;
	[tilespmem:s30+$0x8080] =	vst v7;
	v5 =	vld [tilespmem:s28+$0x80]  }
0xb89: {  	v4 =	vld [tilespmem:s18+$0x80];
	[dreg:$0x9] =	wrdreg s1  }
0xb8a: {  	s5 =	sor.u32 $0x438, s4;
	s12 =	sor.u32 $0x420, s17;
	v1 =	vld [tilespmem:s1+$0x80]  }
0xb8b: {  	s9 =	sor.u32 $0x430, s17;
	s10 =	sor.u32 $0x420, s19;
	s8 =	sor.u32 $0x430, s19;
	[tilespmem:s7+$0x8080] =	vst v3;
	v7 =	vld.idx.msk [tilespmem:v61+s3+$0x0], $0xffff  }
0xb8c: {  	s11 =	sor.u32 $0x420, s23;
	s4 =	sor.u32 $0x438, s6;
	s6 =	sor.u32 $0x438, s19;
	v6 =	vld.idx.msk [tilespmem:v8+s3+$0x0], $0xffff;
	[tilespmem:s25+$0x8080] =	vst v63  }
0xb8d: {  	s19 =	sor.u32 $0x438, s23;
	s22 =	sor.u32 $0x430, s23;
	s13 =	simm.s32 $0x8;
	[tilespmem:s15+$0x8080] =	vst v59;
	v3 =	vld.idx.msk [tilespmem:v58+s3+$0x0], $0xffff  }
0xb8e: {  	s1 =	sor.u32 $0x438, s17;
	[tilespmem:s16+$0x8080] =	vst v62;
	s15 =	simm.s32 $0x600;
	s16 =	simm.s32 $0xC00;
	v0 =	vld [tilespmem:s5+$0x80]  }
.LBB2_14:
0xb8f: {  	s17 =	sand.u32 $0x3800, s16;
	s23 =	sand.u32 $0x200, s15  }
0xb90: {  	s17 =	sor.u32 s23, s17;
	[tilespmem:s20+$0x8080] =	vst v7;
	v5 =	vld.idx.msk [tilespmem:v5+s3+$0x0], $0xffff  }
0xb91: {  	[tilespmem:s0+$0x8080] =	vst v2;
	v7 =	vld [tilespmem:s17+$0x100]  }
0xb92: {  	v2 =	vld.idx.msk [tilespmem:v4+s3+$0x0], $0xffff  }
0xb93: {  	[tilespmem:s21+$0x8080] =	vst v6;
	v4 =	vld [tilespmem:s17+$0x200]  }
0xb94: {  	v6 =	vld [tilespmem:s17+$0x80]  }
0xb95: {  	v8 =	vld [tilespmem:s17+$0x180];
	[tilespmem:s31+$0x8080] =	vst v3  }
0xb96: {  	s24 =	sor.u32 $0x430, s14;
	v3 =	vld [tilespmem:s17+$0x90];
	[tilespmem:s28+$0x8080] =	vst v5  }
0xb97: {  	[tilespmem:s18+$0x8080] =	vst v2;
	v2 =	vld [tilespmem:s24+$0x80]  }
0xb98: {  	v5 =	vld [tilespmem:s17+$0x110]  }
0xb99: {  	v9 =	vld [tilespmem:s17+$0x210]  }
0xb9a: {  	v10 =	vld [tilespmem:s17+$0x190]  }
0xb9b: {  	v4 =	vld.idx.msk [tilespmem:v4+s3+$0x0], $0xffff  }
0xb9c: {  	v7 =	vld.idx.msk [tilespmem:v7+s3+$0x0], $0xffff  }
0xb9d: {  	v6 =	vld.idx.msk [tilespmem:v6+s3+$0x0], $0xffff  }
0xb9e: {  	v8 =	vld.idx.msk [tilespmem:v8+s3+$0x0], $0xffff  }
0xb9f: {  	v2 =	vld.idx.msk [tilespmem:v2+s3+$0x0], $0xffff  }
0xba0: {  	[tilespmem:s17+$0x8200] =	vst v4;
	v4 =	vld [tilespmem:s17+$0x220]  }
0xba1: {  	[tilespmem:s17+$0x8100] =	vst v7;
	v7 =	vld [tilespmem:s17+$0xA0]  }
0xba2: {  	[tilespmem:s17+$0x8080] =	vst v6;
	v6 =	vld.idx.msk [tilespmem:v9+s3+$0x0], $0xffff  }
0xba3: {  	v3 =	vld.idx.msk [tilespmem:v3+s3+$0x0], $0xffff  }
0xba4: {  	v5 =	vld.idx.msk [tilespmem:v5+s3+$0x0], $0xffff;
	[tilespmem:s17+$0x8180] =	vst v8  }
0xba5: {  	s25 =	sor.u32 $0x438, s14;
	v8 =	vld [tilespmem:s17+$0x120];
	[tilespmem:s24+$0x8080] =	vst v2  }
0xba6: {  	v2 =	vld [tilespmem:s25+$0x80]  }
0xba7: {  	[tilespmem:s17+$0x8210] =	vst v6;
	v6 =	vld [tilespmem:s17+$0x230]  }
0xba8: {  	[tilespmem:s17+$0x8090] =	vst v3;
	v3 =	vld.idx.msk [tilespmem:v4+s3+$0x0], $0xffff  }
0xba9: {  	v4 =	vld.idx.msk [tilespmem:v10+s3+$0x0], $0xffff  }
0xbaa: {  	v57 =	vld [tilespmem:s17+$0xB0]  }
0xbab: {  	[tilespmem:s17+$0x8110] =	vst v5;
	v5 =	vld [tilespmem:s17+$0x1A0]  }
0xbac: {  	v58 =	vld [tilespmem:s17+$0x240]  }
0xbad: {  	v7 =	vld.idx.msk [tilespmem:v7+s3+$0x0], $0xffff;
	[tilespmem:s17+$0x8220] =	vst v3  }
0xbae: {  	[tilespmem:s17+$0x8190] =	vst v4;
	v4 =	vld.idx.msk [tilespmem:v8+s3+$0x0], $0xffff  }
0xbaf: {  	v2 =	vld.idx.msk [tilespmem:v2+s3+$0x0], $0xffff  }
0xbb0: {  	v3 =	vld.idx.msk [tilespmem:v6+s3+$0x0], $0xffff  }
0xbb1: {  	v6 =	vld [tilespmem:s17+$0x130]  }
0xbb2: {  	v59 =	vld [tilespmem:s17+$0x140]  }
0xbb3: {  	[tilespmem:s17+$0x80A0] =	vst v7;
	v7 =	vld [tilespmem:s17+$0x1B0]  }
0xbb4: {  	v5 =	vld.idx.msk [tilespmem:v5+s3+$0x0], $0xffff  }
0xbb5: {  	v8 =	vld.idx.msk [tilespmem:v57+s3+$0x0], $0xffff;
	[tilespmem:s17+$0x8120] =	vst v4  }
0xbb6: {  	v4 =	vld [tilespmem:s17+$0xC0];
	[tilespmem:s25+$0x8080] =	vst v2  }
0xbb7: {  	[tilespmem:s17+$0x8230] =	vst v3;
	v2 =	vld [tilespmem:s17+$0x250]  }
0xbb8: {  	v3 =	vld.idx.msk [tilespmem:v58+s3+$0x0], $0xffff  }
0xbb9: {  	[tilespmem:s17+$0x81A0] =	vst v5;
	v5 =	vld.idx.msk [tilespmem:v6+s3+$0x0], $0xffff  }
0xbba: {  	v6 =	vld [tilespmem:s17+$0x1C0]  }
0xbbb: {  	[tilespmem:s17+$0x80B0] =	vst v8;
	v8 =	vld [tilespmem:s17+$0xD0]  }
0xbbc: {  	v7 =	vld.idx.msk [tilespmem:v7+s3+$0x0], $0xffff  }
0xbbd: {  	v60 =	vld [tilespmem:s17+$0x150]  }
0xbbe: {  	v4 =	vld.idx.msk [tilespmem:v4+s3+$0x0], $0xffff  }
0xbbf: {  	[tilespmem:s17+$0x8240] =	vst v3;
	v3 =	vld [tilespmem:s17+$0x260]  }
0xbc0: {  	[tilespmem:s17+$0x8130] =	vst v5;
	v2 =	vld.idx.msk [tilespmem:v2+s3+$0x0], $0xffff  }
0xbc1: {  	[tilespmem:s17+$0x81B0] =	vst v7;
	v5 =	vld.idx.msk [tilespmem:v59+s3+$0x0], $0xffff  }
0xbc2: {  	v6 =	vld.idx.msk [tilespmem:v6+s3+$0x0], $0xffff  }
0xbc3: {  	[tilespmem:s17+$0x80C0] =	vst v4;
	v4 =	vld [tilespmem:s17+$0x1D0]  }
0xbc4: {  	v7 =	vld.idx.msk [tilespmem:v8+s3+$0x0], $0xffff  }
0xbc5: {  	[tilespmem:s17+$0x8250] =	vst v2;
	v2 =	vld [tilespmem:s17+$0x270]  }
0xbc6: {  	[tilespmem:s17+$0x8140] =	vst v5;
	v5 =	vld [tilespmem:s17+$0xE0]  }
0xbc7: {  	v3 =	vld.idx.msk [tilespmem:v3+s3+$0x0], $0xffff  }
0xbc8: {  	v8 =	vld [tilespmem:s17+$0x160]  }
0xbc9: {  	v61 =	vld [tilespmem:s17+$0x1E0]  }
0xbca: {  	[tilespmem:s17+$0x81C0] =	vst v6;
	v6 =	vld.idx.msk [tilespmem:v60+s3+$0x0], $0xffff  }
0xbcb: {  	[tilespmem:s17+$0x80D0] =	vst v7;
	v7 =	vld [tilespmem:s17+$0x170]  }
0xbcc: {  	[tilespmem:s17+$0x8260] =	vst v3;
	v3 =	vld [tilespmem:s17+$0xF0]  }
0xbcd: {  	v4 =	vld.idx.msk [tilespmem:v4+s3+$0x0], $0xffff  }
0xbce: {  	v2 =	vld.idx.msk [tilespmem:v2+s3+$0x0], $0xffff  }
0xbcf: {  	p0 =	por !p0, !p0;
	s14 =	simm.s32 $0x1;
	[tilespmem:s17+$0x8150] =	vst v6;
	v5 =	vld.idx.msk [tilespmem:v5+s3+$0x0], $0xffff  }
0xbd0: {  	s14 =	simm.s32 @!p0 $0x0;
	v6 =	vld.idx.msk [tilespmem:v8+s3+$0x0], $0xffff  }
0xbd1: {  	s7 =	smov.u32 s22;
	s14 =	sshll.u32 s14, $0x9;
	v8 =	vld [tilespmem:s17+$0x1F0]  }
0xbd2: {  	s22 =	smov.u32 s4;
	[dreg:$0x19] =	wrdreg s7;
	s30 =	sadd.s32 s14, s16;
	[tilespmem:s17+$0x81D0] =	vst v4;
	v4 =	vld [tilespmem:s12+$0x80]  }
0xbd3: {  	[smem:$0x7EA] =	sst s22;
	s14 =	sadd.s32 $0x180, s30;
	v9 =	vld.idx.msk [tilespmem:v61+s3+$0x0], $0xffff  }
0xbd4: {  	s23 =	smov.u32 s19;
	s31 =	sadd.s32 $0x100, s30;
	s4 =	sor.u32 $0x400, s14;
	[tilespmem:s17+$0x80E0] =	vst v5;
	v5 =	vld [tilespmem:s10+$0x80]  }
0xbd5: {  	s7 =	sor.u32 $0x420, s31;
	s22 =	sor.u32 $0x430, s31;
	s19 =	sor.u32 $0x438, s31;
	[tilespmem:s17+$0x8270] =	vst v2;
	v3 =	vld.idx.msk [tilespmem:v3+s3+$0x0], $0xffff  }
0xbd6: {  	s18 =	sor.u32 $0x410, s31;
	s25 =	sor.u32 $0x400, s31;
	s31 =	sld [smem:$0x7EA];
	[tilespmem:s17+$0x8160] =	vst v6;
	v2 =	vld [tilespmem:s4+$0x80]  }
0xbd7: {  	v6 =	vld.idx.msk [tilespmem:v7+s3+$0x0], $0xffff;
	_ =	sdelay $0x1  }
0xbd8: {  	v62 =	vld [tilespmem:s31+$0x80]  }
0xbd9: {  	v7 =	vld [tilespmem:s11+$0x80];
	[tilespmem:s17+$0x80F0] =	vst v3  }
0xbda: {  	s26 =	sadd.s32 $0x80, s30;
	[tilespmem:s17+$0x81E0] =	vst v9;
	v3 =	vld.idx.msk [tilespmem:v4+s3+$0x0], $0xffff  }
0xbdb: {  	s24 =	sor.u32 $0x400, s26;
	v8 =	vld.idx.msk [tilespmem:v8+s3+$0x0], $0xffff;
	[tilespmem:s17+$0x8170] =	vst v6  }
0xbdc: {  	v6 =	vld [tilespmem:s24+$0x80]  }
0xbdd: {  	s28 =	sor.u32 $0x400, s30;
	v2 =	vld.idx.msk [tilespmem:v2+s3+$0x0], $0xffff  }
0xbde: {  	v4 =	vld [tilespmem:s28+$0x80]  }
0xbdf: {  	v5 =	vld.idx.msk [tilespmem:v5+s3+$0x0], $0xffff;
	[tilespmem:s12+$0x8080] =	vst v3  }
0xbe0: {  	v3 =	vld [tilespmem:s9+$0x80]  }
0xbe1: {  	v1 =	vld.idx.msk [tilespmem:v1+s3+$0x0], $0xffff  }
0xbe2: {  	[tilespmem:s4+$0x8080] =	vst v2;
	s4 =	sor.u32 $0x410, s14;
	v2 =	vld.idx.msk [tilespmem:v7+s3+$0x0], $0xffff  }
0xbe3: {  	[tilespmem:s17+$0x81F0] =	vst v8;
	v7 =	vld [tilespmem:s4+$0x80]  }
0xbe4: {  	[tilespmem:s10+$0x8080] =	vst v5;
	v8 =	vld [tilespmem:s25+$0x80]  }
0xbe5: {  	v5 =	vld.idx.msk [tilespmem:v6+s3+$0x0], $0xffff  }
0xbe6: {  	v4 =	vld.idx.msk [tilespmem:v4+s3+$0x0], $0xffff;
	_ =	sdelay $0x1  }
0xbe7: {  	s0 =	sor.u32 $0x420, s30;
	[tilespmem:s11+$0x8080] =	vst v2;
	s11 =	smov.u32 s7;
	s7 =	rddreg [dreg:$0x9]  }
0xbe8: {  	s12 =	smov.u32 s0;
	s0 =	rddreg [dreg:$0x19];
	v2 =	vld [tilespmem:s8+$0x80];
	[tilespmem:s7+$0x8080] =	vst v1  }
0xbe9: {  	s20 =	sor.u32 $0x410, s26;
	v6 =	vld [tilespmem:s0+$0x80];
	[tilespmem:s24+$0x8080] =	vst v5  }
0xbea: {  	[tilespmem:s28+$0x8080] =	vst v4;
	v63 =	vld [tilespmem:s20+$0x80]  }
0xbeb: {  	v1 =	vld.idx.msk [tilespmem:v3+s3+$0x0], $0xffff  }
0xbec: {  	v7 =	vld.idx.msk [tilespmem:v7+s3+$0x0], $0xffff  }
0xbed: {  	s21 =	sor.u32 $0x410, s30;
	v8 =	vld.idx.msk [tilespmem:v8+s3+$0x0], $0xffff  }
0xbee: {  	v3 =	vld [tilespmem:s21+$0x80]  }
0xbef: {  	v0 =	vld.idx.msk [tilespmem:v0+s3+$0x0], $0xffff  }
0xbf0: {  	s17 =	smov.u32 s1;
	v11 =	vld.idx.msk [tilespmem:v2+s3+$0x0], $0xffff;
	[tilespmem:s9+$0x8080] =	vst v1  }
0xbf1: {  	s28 =	sor.u32 $0x420, s14;
	[tilespmem:s4+$0x8080] =	vst v7;
	v1 =	vld [tilespmem:s17+$0x80]  }
0xbf2: {  	s13 =	sadd.s32 $0x4, s13;
	s2 =	smov.u32 s6;
	[tilespmem:s25+$0x8080] =	vst v8;
	v5 =	vld [tilespmem:s28+$0x80]  }
0xbf3: {  	s15 =	sadd.s32 $0x200, s15;
	p1 =	slt.u32 s13, $0x3C;
	[dreg:$0x11] =	wrdreg s23;
	v4 =	vld [tilespmem:s18+$0x80]  }
.Ltmp6:
0xbf4: {  	s16 =	sadd.s32 $0x400, s16;
	s29 =	sor.u32 $0x430, s30;
	[tilespmem:s5+$0x8080] =	vst v0;
	v2 =	vld.idx.msk [tilespmem:v6+s3+$0x0], $0xffff;
	(pc) =	sbr.rel @p1 .LBB2_14-.Ltmp6, $4  }
0xbf5: {  	s6 =	sor.u32 $0x420, s26;
	s23 =	sor.u32 $0x430, s26;
	s26 =	sor.u32 $0x438, s26;
	v7 =	vld.idx.msk [tilespmem:v63+s3+$0x0], $0xffff  }
0xbf6: {  	s30 =	sor.u32 $0x438, s30;
	s10 =	smov.u32 s6;
	s6 =	smov.u32 s26;
	v6 =	vld.idx.msk [tilespmem:v3+s3+$0x0], $0xffff  }
0xbf7: {  	s1 =	smov.u32 s30;
	[dreg:$0x9] =	wrdreg s17;
	s5 =	smov.u32 s2;
	v3 =	vld.idx.msk [tilespmem:v62+s3+$0x0], $0xffff;
	[tilespmem:s8+$0x8080] =	vst v11  }
0xbf8: {  	s9 =	smov.u32 s29;
	s4 =	rddreg [dreg:$0x11];
	s8 =	smov.u32 s23;
	v0 =	vld [tilespmem:s5+$0x80]  }
0xbf9: {  	_ =	sdelay $0x3  }
0xbfa: {  	v4 =	vld.idx.msk [tilespmem:v4+s3+$0x0], $0xffff;
	_ =	sdelay $0x2  }
0xbfb: {  	v5 =	vld.idx.msk [tilespmem:v5+s3+$0x0], $0xffff;
	[tilespmem:s21+$0x8080] =	vst v6  }
0xbfc: {  	[tilespmem:s20+$0x8080] =	vst v7;
	v6 =	vld [tilespmem:s12+$0x80]  }
0xbfd: {  	[tilespmem:s18+$0x8080] =	vst v4;
	v4 =	vld [tilespmem:s10+$0x80]  }
0xbfe: {  	v7 =	vld [tilespmem:s11+$0x80];
	_ =	sdelay $0x1  }
0xbff: {  	s7 =	sor.u32 $0x430, s14;
	[tilespmem:s28+$0x8080] =	vst v5  }
0xc00: {  	v5 =	vld [tilespmem:s7+$0x80];
	_ =	sdelay $0x2  }
0xc01: {  	v6 =	vld.idx.msk [tilespmem:v6+s3+$0x0], $0xffff  }
0xc02: {  	v4 =	vld.idx.msk [tilespmem:v4+s3+$0x0], $0xffff  }
0xc03: {  	v7 =	vld.idx.msk [tilespmem:v7+s3+$0x0], $0xffff;
	_ =	sdelay $0x2  }
0xc04: {  	v5 =	vld.idx.msk [tilespmem:v5+s3+$0x0], $0xffff;
	[tilespmem:s12+$0x8080] =	vst v6  }
0xc05: {  	v6 =	vld [tilespmem:s9+$0x80];
	[tilespmem:s10+$0x8080] =	vst v4  }
0xc06: {  	[tilespmem:s11+$0x8080] =	vst v7;
	v4 =	vld [tilespmem:s8+$0x80]  }
0xc07: {  	v7 =	vld [tilespmem:s22+$0x80];
	_ =	sdelay $0x3  }
0xc08: {  	s10 =	sor.u32 $0x438, s14;
	[tilespmem:s7+$0x8080] =	vst v5  }
0xc09: {  	v5 =	vld [tilespmem:s10+$0x80]  }
0xc0a: {  	v6 =	vld.idx.msk [tilespmem:v6+s3+$0x0], $0xffff  }
0xc0b: {  	v4 =	vld.idx.msk [tilespmem:v4+s3+$0x0], $0xffff  }
0xc0c: {  	v7 =	vld.idx.msk [tilespmem:v7+s3+$0x0], $0xffff  }
0xc0d: {  	s2 =	smov.u32 s0  }
0xc0e: {  	[tilespmem:s2+$0x8080] =	vst v2  }
0xc0f: {  	v2 =	vld [tilespmem:s4+$0x80];
	[tilespmem:s9+$0x8080] =	vst v6  }
0xc10: {  	v6 =	vld [tilespmem:s1+$0x80];
	[tilespmem:s8+$0x8080] =	vst v4  }
0xc11: {  	v4 =	vld [tilespmem:s6+$0x80];
	[tilespmem:s22+$0x8080] =	vst v7  }
0xc12: {  	v7 =	vld [tilespmem:s19+$0x80]  }
0xc13: {  	v5 =	vld.idx.msk [tilespmem:v5+s3+$0x0], $0xffff;
	_ =	sdelay $0x1  }
0xc14: {  	v1 =	vld.idx.msk [tilespmem:v1+s3+$0x0], $0xffff  }
0xc15: {  	v0 =	vld.idx.msk [tilespmem:v0+s3+$0x0], $0xffff  }
0xc16: {  	[tilespmem:s31+$0x8080] =	vst v3;
	v2 =	vld.idx.msk [tilespmem:v2+s3+$0x0], $0xffff  }
0xc17: {  	[tilespmem:s10+$0x8080] =	vst v5;
	v3 =	vld.idx.msk [tilespmem:v6+s3+$0x0], $0xffff  }
0xc18: {  	s0 =	rddreg [dreg:$0x9];
	v4 =	vld.idx.msk [tilespmem:v4+s3+$0x0], $0xffff  }
0xc19: {  	[tilespmem:s0+$0x8080] =	vst v1;
	v1 =	vld.idx.msk [tilespmem:v7+s3+$0x0], $0xffff  }
0xc1a: {  	[tilespmem:s5+$0x8080] =	vst v0  }
0xc1b: {  	[tilespmem:s4+$0x8080] =	vst v2  }
0xc1c: {  	[tilespmem:s1+$0x8080] =	vst v3  }
0xc1d: {  	[tilespmem:s6+$0x8080] =	vst v4  }
0xc1e: {  	[tilespmem:s19+$0x8080] =	vst v1  }
0xc1f: {  	s1 =	sld [smem:$0x7FB];
	_ =	sdelay $0x1  }
0xc20: {  	s13 =	simm.s32 $0x2;
	s12 =	simm.s32 $0x8080;
	s11 =	simm.s32 $0x0  }
0xc21: {  	[hbm4b:s1+s11] =	stream.linear.scatter [tilespmem:s12], [sflag:$0x3], $0x4000, $0x38;
	[tilespmem:$0x10080] =	vst v63  }
0xc22: {  	_ =	swait.ge [sflag:s13], $0x4000  }
0xc23: {  	[sflag:s13] =	ssyncset.done $0x0  }
0xc24: {  	s14 =	simm.s32 $0x4;
	[sflag:s13] =	ssyncadd.s32 $0xFFFFC000  }
0xc25: {  	_ =	swait.ge [sflag:s14], $0x4000  }
0xc26: {  	s15 =	sand.u32 $0x3800, s11;
	s0 =	sand.u32 $0x200, s11;
	[sflag:s14] =	ssyncset.done $0x0  }
0xc27: {  	s1 =	sor.u32 s0, s15;
	[sflag:s14] =	ssyncadd.s32 $0xFFFFC000  }
0xc28: {  	v0 =	vld [tilespmem:s1+$0x4200]  }
0xc29: {  	v1 =	vld [tilespmem:s1+$0x4080]  }
0xc2a: {  	v2 =	vld [tilespmem:s1+$0x4100]  }
0xc2b: {  	v3 =	vld [tilespmem:s1+$0x4180]  }
0xc2c: {  	v4 =	vld [tilespmem:s1+$0x4090]  }
0xc2d: {  	v5 =	vld [tilespmem:s1+$0x4210]  }
0xc2e: {  	s25 =	simm.s32 $0x200;
	s26 =	simm.s32 $0x400;
	v6 =	vld [tilespmem:s1+$0x4110]  }
0xc2f: {  	s9 =	sand.u32 $0x3800, s26;
	s8 =	sand.u32 $0x200, s25;
	v7 =	vld [tilespmem:s1+$0x4220]  }
0xc30: {  	s8 =	sor.u32 s8, s9;
	v8 =	vld [tilespmem:s1+$0x4190]  }
0xc31: {  	v9 =	vld [tilespmem:s8+$0x4210]  }
0xc32: {  	v10 =	vld [tilespmem:s8+$0x4110]  }
0xc33: {  	v11 =	vld [tilespmem:s8+$0x4220]  }
0xc34: {  	v12 =	vld [tilespmem:s8+$0x4190]  }
0xc35: {  	v60 =	vld [tilespmem:s8+$0x4230]  }
0xc36: {  	v61 =	vld [tilespmem:s8+$0x4120]  }
0xc37: {  	v63 =	vld [tilespmem:s8+$0x4240]  }
0xc38: {  	v16 =	vld [tilespmem:s8+$0x4130]  }
0xc39: {  	v18 =	vld [tilespmem:s8+$0x40C0]  }
0xc3a: {  	v19 =	vld [tilespmem:s8+$0x4260]  }
0xc3b: {  	v20 =	vld [tilespmem:s8+$0x4150]  }
0xc3c: {  	v21 =	vld [tilespmem:s8+$0x41D0]  }
0xc3d: {  	v0 =	vld.idx.msk [tilespmem:v0+s3+$0x0], $0xffff  }
0xc3e: {  	v2 =	vld.idx.msk [tilespmem:v2+s3+$0x0], $0xffff  }
0xc3f: {  	v1 =	vld.idx.msk [tilespmem:v1+s3+$0x0], $0xffff  }
0xc40: {  	v22 =	vld [tilespmem:s8+$0x40E0]  }
0xc41: {  	v23 =	vld [tilespmem:s8+$0x41E0]  }
0xc42: {  	v3 =	vld.idx.msk [tilespmem:v3+s3+$0x0], $0xffff;
	[tilespmem:s1+$0xC200] =	vst v0  }
0xc43: {  	[tilespmem:s1+$0xC100] =	vst v2;
	v2 =	vld [tilespmem:s1+$0x40A0]  }
0xc44: {  	[tilespmem:s1+$0xC080] =	vst v1;
	v0 =	vld.idx.msk [tilespmem:v5+s3+$0x0], $0xffff  }
0xc45: {  	v1 =	vld.idx.msk [tilespmem:v4+s3+$0x0], $0xffff  }
0xc46: {  	v4 =	vld.idx.msk [tilespmem:v6+s3+$0x0], $0xffff  }
0xc47: {  	v6 =	vld [tilespmem:s1+$0x4120]  }
0xc48: {  	[tilespmem:s1+$0xC180] =	vst v3;
	v3 =	vld [tilespmem:s1+$0x41A0]  }
0xc49: {  	v5 =	vld [tilespmem:s1+$0x4230];
	[tilespmem:s1+$0xC210] =	vst v0  }
0xc4a: {  	v0 =	vld.idx.msk [tilespmem:v7+s3+$0x0], $0xffff  }
0xc4b: {  	v7 =	vld.idx.msk [tilespmem:v8+s3+$0x0], $0xffff  }
0xc4c: {  	[tilespmem:s1+$0xC090] =	vst v1;
	v1 =	vld [tilespmem:s1+$0x40B0]  }
0xc4d: {  	v8 =	vld [tilespmem:s1+$0x4240]  }
0xc4e: {  	[tilespmem:s1+$0xC110] =	vst v4;
	v2 =	vld.idx.msk [tilespmem:v2+s3+$0x0], $0xffff  }
0xc4f: {  	v4 =	vld.idx.msk [tilespmem:v6+s3+$0x0], $0xffff;
	[tilespmem:s1+$0xC220] =	vst v0  }
0xc50: {  	[tilespmem:s1+$0xC190] =	vst v7;
	v7 =	vld [tilespmem:s1+$0x40C0]  }
0xc51: {  	v0 =	vld.idx.msk [tilespmem:v5+s3+$0x0], $0xffff  }
0xc52: {  	v5 =	vld [tilespmem:s1+$0x4130]  }
0xc53: {  	v3 =	vld.idx.msk [tilespmem:v3+s3+$0x0], $0xffff  }
0xc54: {  	[tilespmem:s1+$0xC0A0] =	vst v2;
	v2 =	vld [tilespmem:s1+$0x41B0]  }
0xc55: {  	v1 =	vld.idx.msk [tilespmem:v1+s3+$0x0], $0xffff  }
0xc56: {  	[tilespmem:s1+$0xC120] =	vst v4;
	v4 =	vld [tilespmem:s1+$0x4140]  }
0xc57: {  	[tilespmem:s1+$0xC230] =	vst v0;
	v0 =	vld [tilespmem:s1+$0x4250]  }
0xc58: {  	[tilespmem:s1+$0xC1A0] =	vst v3;
	v3 =	vld [tilespmem:s1+$0x41C0]  }
0xc59: {  	v6 =	vld.idx.msk [tilespmem:v8+s3+$0x0], $0xffff  }
0xc5a: {  	[tilespmem:s1+$0xC0B0] =	vst v1;
	v1 =	vld [tilespmem:s1+$0x40D0]  }
0xc5b: {  	v7 =	vld.idx.msk [tilespmem:v7+s3+$0x0], $0xffff  }
0xc5c: {  	v5 =	vld.idx.msk [tilespmem:v5+s3+$0x0], $0xffff  }
0xc5d: {  	v2 =	vld.idx.msk [tilespmem:v2+s3+$0x0], $0xffff  }
0xc5e: {  	[tilespmem:s1+$0xC240] =	vst v6;
	v6 =	vld [tilespmem:s1+$0x4260]  }
0xc5f: {  	v25 =	vld [tilespmem:s8+$0x41F0]  }
0xc60: {  	v0 =	vld.idx.msk [tilespmem:v0+s3+$0x0], $0xffff  }
0xc61: {  	[tilespmem:s1+$0xC130] =	vst v5;
	v5 =	vld [tilespmem:s1+$0x4150]  }
0xc62: {  	[tilespmem:s1+$0xC1B0] =	vst v2;
	v4 =	vld.idx.msk [tilespmem:v4+s3+$0x0], $0xffff  }
0xc63: {  	[tilespmem:s1+$0xC0C0] =	vst v7;
	v2 =	vld.idx.msk [tilespmem:v3+s3+$0x0], $0xffff  }
0xc64: {  	v1 =	vld.idx.msk [tilespmem:v1+s3+$0x0], $0xffff  }
0xc65: {  	[tilespmem:s1+$0xC250] =	vst v0;
	v0 =	vld [tilespmem:s1+$0x4270]  }
0xc66: {  	v3 =	vld.idx.msk [tilespmem:v6+s3+$0x0], $0xffff  }
0xc67: {  	v6 =	vld [tilespmem:s1+$0x41D0]  }
0xc68: {  	[tilespmem:s1+$0xC140] =	vst v4;
	v4 =	vld [tilespmem:s1+$0x4160]  }
0xc69: {  	v7 =	vld [tilespmem:s1+$0x40E0]  }
0xc6a: {  	v5 =	vld.idx.msk [tilespmem:v5+s3+$0x0], $0xffff  }
0xc6b: {  	v8 =	vld [tilespmem:s1+$0x41E0];
	[tilespmem:s1+$0xC1C0] =	vst v2  }
0xc6c: {  	v2 =	vld [tilespmem:s1+$0x40F0];
	[tilespmem:s1+$0xC0D0] =	vst v1  }
0xc6d: {  	v1 =	vld [tilespmem:s1+$0x4170];
	[tilespmem:s1+$0xC260] =	vst v3  }
0xc6e: {  	p0 =	por $0x0, $0x0;
	s0 =	simm.s32 $0x1;
	v0 =	vld.idx.msk [tilespmem:v0+s3+$0x0], $0xffff  }
0xc6f: {  	s0 =	simm.s32 @!p0 $0x0;
	[tilespmem:s1+$0xC150] =	vst v5;
	v3 =	vld.idx.msk [tilespmem:v6+s3+$0x0], $0xffff  }
0xc70: {  	s0 =	sshll.u32 s0, $0x9;
	v4 =	vld.idx.msk [tilespmem:v4+s3+$0x0], $0xffff  }
0xc71: {  	s2 =	sadd.s32 $0x0, s0;
	v6 =	vld.idx.msk [tilespmem:v7+s3+$0x0], $0xffff  }
0xc72: {  	s5 =	sadd.s32 $0x180, s2;
	v5 =	vld [tilespmem:s1+$0x41F0]  }
0xc73: {  	s16 =	sor.u32 $0x400, s5;
	v7 =	vld [tilespmem:s8+$0x4180];
	[tilespmem:s1+$0xC270] =	vst v0  }
0xc74: {  	v0 =	vld [tilespmem:s16+$0x4080];
	[tilespmem:s1+$0xC1D0] =	vst v3  }
0xc75: {  	[tilespmem:s1+$0xC160] =	vst v4;
	v4 =	vld [tilespmem:s8+$0x4200]  }
0xc76: {  	[tilespmem:s1+$0xC0E0] =	vst v6;
	v3 =	vld.idx.msk [tilespmem:v8+s3+$0x0], $0xffff  }
0xc77: {  	v2 =	vld.idx.msk [tilespmem:v2+s3+$0x0], $0xffff  }
0xc78: {  	v1 =	vld.idx.msk [tilespmem:v1+s3+$0x0], $0xffff  }
0xc79: {  	v6 =	vld [tilespmem:s8+$0x4100]  }
0xc7a: {  	v8 =	vld [tilespmem:s8+$0x4090]  }
0xc7b: {  	v7 =	vld.idx.msk [tilespmem:v7+s3+$0x0], $0xffff;
	[tilespmem:s1+$0xC1E0] =	vst v3  }
0xc7c: {  	s7 =	sadd.s32 $0x80, s2;
	s17 =	sor.u32 $0x400, s2;
	[tilespmem:s1+$0xC0F0] =	vst v2;
	v3 =	vld.idx.msk [tilespmem:v5+s3+$0x0], $0xffff  }
0xc7d: {  	s18 =	sor.u32 $0x400, s7;
	[tilespmem:s1+$0xC170] =	vst v1;
	v2 =	vld [tilespmem:s17+$0x4080]  }
0xc7e: {  	v1 =	vld [tilespmem:s18+$0x4080]  }
0xc7f: {  	v5 =	vld [tilespmem:s8+$0x4080]  }
0xc80: {  	v4 =	vld.idx.msk [tilespmem:v4+s3+$0x0], $0xffff  }
0xc81: {  	v6 =	vld.idx.msk [tilespmem:v6+s3+$0x0], $0xffff  }
0xc82: {  	v0 =	vld.idx.msk [tilespmem:v0+s3+$0x0], $0xffff  }
0xc83: {  	s0 =	sadd.s32 $0x100, s2;
	[tilespmem:s8+$0xC180] =	vst v7;
	v7 =	vld [tilespmem:s8+$0x41A0]  }
0xc84: {  	s20 =	sor.u32 $0x400, s0;
	v62 =	vld.idx.msk [tilespmem:v12+s3+$0x0], $0xffff;
	[tilespmem:s1+$0xC1F0] =	vst v3  }
0xc85: {  	v3 =	vld [tilespmem:s20+$0x4080];
	[tilespmem:s8+$0xC200] =	vst v4  }
0xc86: {  	[tilespmem:s8+$0xC100] =	vst v6;
	v6 =	vld [tilespmem:s8+$0x40A0]  }
0xc87: {  	s19 =	sor.u32 $0x410, s5;
	[tilespmem:s16+$0xC080] =	vst v0;
	v4 =	vld.idx.msk [tilespmem:v9+s3+$0x0], $0xffff  }
0xc88: {  	v0 =	vld [tilespmem:s19+$0x4080]  }
0xc89: {  	v2 =	vld.idx.msk [tilespmem:v2+s3+$0x0], $0xffff  }
0xc8a: {  	v5 =	vld.idx.msk [tilespmem:v5+s3+$0x0], $0xffff  }
0xc8b: {  	[tilespmem:s8+$0xC190] =	vst v62;
	v1 =	vld.idx.msk [tilespmem:v1+s3+$0x0], $0xffff  }
0xc8c: {  	v7 =	vld.idx.msk [tilespmem:v7+s3+$0x0], $0xffff;
	[tilespmem:s8+$0xC210] =	vst v4  }
0xc8d: {  	v4 =	vld.idx.msk [tilespmem:v11+s3+$0x0], $0xffff  }
0xc8e: {  	s21 =	sor.u32 $0x410, s2;
	[tilespmem:s17+$0xC080] =	vst v2;
	v3 =	vld.idx.msk [tilespmem:v3+s3+$0x0], $0xffff  }
0xc8f: {  	[tilespmem:s8+$0xC080] =	vst v5;
	v2 =	vld [tilespmem:s21+$0x4080]  }
0xc90: {  	s22 =	sor.u32 $0x410, s7;
	[tilespmem:s18+$0xC080] =	vst v1;
	v5 =	vld.idx.msk [tilespmem:v8+s3+$0x0], $0xffff  }
0xc91: {  	v1 =	vld [tilespmem:s22+$0x4080]  }
0xc92: {  	v8 =	vld.idx.msk [tilespmem:v10+s3+$0x0], $0xffff  }
0xc93: {  	[tilespmem:s8+$0xC1A0] =	vst v7;
	v7 =	vld [tilespmem:s8+$0x41C0]  }
0xc94: {  	v0 =	vld.idx.msk [tilespmem:v0+s3+$0x0], $0xffff;
	[tilespmem:s8+$0xC220] =	vst v4  }
0xc95: {  	[tilespmem:s8+$0xC090] =	vst v5;
	v5 =	vld [tilespmem:s8+$0x40B0]  }
0xc96: {  	v4 =	vld.idx.msk [tilespmem:v60+s3+$0x0], $0xffff  }
0xc97: {  	s24 =	sor.u32 $0x410, s0;
	[tilespmem:s20+$0xC080] =	vst v3;
	v6 =	vld.idx.msk [tilespmem:v6+s3+$0x0], $0xffff  }
0xc98: {  	[tilespmem:s8+$0xC110] =	vst v8;
	v3 =	vld [tilespmem:s24+$0x4080]  }
0xc99: {  	s23 =	sor.u32 $0x420, s5;
	[tilespmem:s19+$0xC080] =	vst v0;
	v8 =	vld.idx.msk [tilespmem:v61+s3+$0x0], $0xffff  }
0xc9a: {  	v0 =	vld [tilespmem:s23+$0x4080]  }
0xc9b: {  	[tilespmem:s8+$0xC230] =	vst v4;
	v4 =	vld [tilespmem:s8+$0x4250]  }
0xc9c: {  	[tilespmem:s8+$0xC0A0] =	vst v6;
	v6 =	vld [tilespmem:s8+$0x41B0]  }
0xc9d: {  	v17 =	vld.idx.msk [tilespmem:v63+s3+$0x0], $0xffff  }
0xc9e: {  	v2 =	vld.idx.msk [tilespmem:v2+s3+$0x0], $0xffff  }
0xc9f: {  	v1 =	vld.idx.msk [tilespmem:v1+s3+$0x0], $0xffff  }
0xca0: {  	[tilespmem:s8+$0xC120] =	vst v8;
	v8 =	vld [tilespmem:s8+$0x4140]  }
0xca1: {  	v5 =	vld.idx.msk [tilespmem:v5+s3+$0x0], $0xffff  }
0xca2: {  	v9 =	vld.idx.msk [tilespmem:v16+s3+$0x0], $0xffff;
	[tilespmem:s8+$0xC240] =	vst v17  }
0xca3: {  	v4 =	vld.idx.msk [tilespmem:v4+s3+$0x0], $0xffff  }
0xca4: {  	v6 =	vld.idx.msk [tilespmem:v6+s3+$0x0], $0xffff  }
0xca5: {  	v0 =	vld.idx.msk [tilespmem:v0+s3+$0x0], $0xffff  }
0xca6: {  	[tilespmem:s8+$0xC0B0] =	vst v5;
	v5 =	vld [tilespmem:s8+$0x40D0]  }
0xca7: {  	[tilespmem:s8+$0xC130] =	vst v9;
	v11 =	vld.idx.msk [tilespmem:v18+s3+$0x0], $0xffff  }
0xca8: {  	v8 =	vld.idx.msk [tilespmem:v8+s3+$0x0], $0xffff;
	[tilespmem:s8+$0xC250] =	vst v4  }
0xca9: {  	v4 =	vld [tilespmem:s8+$0x4270];
	[tilespmem:s8+$0xC1B0] =	vst v6  }
0xcaa: {  	v6 =	vld.idx.msk [tilespmem:v7+s3+$0x0], $0xffff  }
0xcab: {  	v7 =	vld.idx.msk [tilespmem:v19+s3+$0x0], $0xffff  }
0xcac: {  	v3 =	vld.idx.msk [tilespmem:v3+s3+$0x0], $0xffff;
	[tilespmem:s8+$0xC0C0] =	vst v11  }
0xcad: {  	[tilespmem:s8+$0xC140] =	vst v8;
	v8 =	vld [tilespmem:s8+$0x4160]  }
0xcae: {  	s29 =	sor.u32 $0x430, s5;
	[tilespmem:s23+$0xC080] =	vst v0;
	v5 =	vld.idx.msk [tilespmem:v5+s3+$0x0], $0xffff  }
0xcaf: {  	v0 =	vld [tilespmem:s29+$0x4080]  }
0xcb0: {  	v9 =	vld.idx.msk [tilespmem:v20+s3+$0x0], $0xffff;
	[tilespmem:s8+$0xC260] =	vst v7  }
0xcb1: {  	[tilespmem:s8+$0xC1C0] =	vst v6;
	v6 =	vld [tilespmem:s8+$0x40F0]  }
0xcb2: {  	v4 =	vld.idx.msk [tilespmem:v4+s3+$0x0], $0xffff  }
0xcb3: {  	p0 =	por !p0, !p0;
	s1 =	simm.s32 $0x1;
	v7 =	vld.idx.msk [tilespmem:v21+s3+$0x0], $0xffff;
	[tilespmem:s8+$0xC0D0] =	vst v5  }
0xcb4: {  	s1 =	simm.s32 @!p0 $0x0;
	[tilespmem:s21+$0xC080] =	vst v2;
	v24 =	vld.idx.msk [tilespmem:v22+s3+$0x0], $0xffff  }
0xcb5: {  	s1 =	sshll.u32 s1, $0x9;
	[tilespmem:s8+$0xC150] =	vst v9;
	v5 =	vld [tilespmem:s8+$0x4170]  }
0xcb6: {  	s13 =	sor.u32 $0x420, s2;
	s1 =	sadd.s32 $0x400, s1;
	[tilespmem:s22+$0xC080] =	vst v1;
	v8 =	vld.idx.msk [tilespmem:v8+s3+$0x0], $0xffff  }
0xcb7: {  	s14 =	sor.u32 $0x420, s7;
	s12 =	sadd.s32 $0x180, s1;
	[tilespmem:s8+$0xC270] =	vst v4;
	v4 =	vld [tilespmem:s13+$0x4080]  }
0xcb8: {  	s30 =	sor.u32 $0x400, s12;
	[tilespmem:s8+$0xC1D0] =	vst v7;
	v7 =	vld [tilespmem:s14+$0x4080]  }
0xcb9: {  	v2 =	vld [tilespmem:s30+$0x4080];
	[tilespmem:s8+$0xC0E0] =	vst v24  }
0xcba: {  	v6 =	vld.idx.msk [tilespmem:v6+s3+$0x0], $0xffff  }
0xcbb: {  	v0 =	vld.idx.msk [tilespmem:v0+s3+$0x0], $0xffff  }
0xcbc: {  	v1 =	vld.idx.msk [tilespmem:v23+s3+$0x0], $0xffff;
	[tilespmem:s8+$0xC160] =	vst v8  }
0xcbd: {  	s18 =	sor.u32 $0x420, s0;
	[tilespmem:s24+$0xC080] =	vst v3;
	v3 =	vld.idx.msk [tilespmem:v5+s3+$0x0], $0xffff  }
0xcbe: {  	v5 =	vld [tilespmem:s18+$0x4080]  }
0xcbf: {  	s15 =	sor.u32 $0x400, s1;
	[tilespmem:s8+$0xC0F0] =	vst v6;
	v4 =	vld.idx.msk [tilespmem:v4+s3+$0x0], $0xffff  }
0xcc0: {  	v6 =	vld [tilespmem:s15+$0x4080]  }
0xcc1: {  	v7 =	vld.idx.msk [tilespmem:v7+s3+$0x0], $0xffff  }
0xcc2: {  	s4 =	sadd.s32 $0x80, s1;
	[tilespmem:s8+$0xC1E0] =	vst v1;
	v1 =	vld.idx.msk [tilespmem:v2+s3+$0x0], $0xffff  }
0xcc3: {  	s16 =	sor.u32 $0x400, s4;
	[tilespmem:s8+$0xC170] =	vst v3;
	v2 =	vld.idx.msk [tilespmem:v25+s3+$0x0], $0xffff  }
0xcc4: {  	s5 =	sor.u32 $0x438, s5;
	[tilespmem:s29+$0xC080] =	vst v0;
	v3 =	vld [tilespmem:s16+$0x4080]  }
0xcc5: {  	s20 =	sor.u32 $0x430, s2;
	[tilespmem:s13+$0xC080] =	vst v4;
	v4 =	vld [tilespmem:s5+$0x4080]  }
0xcc6: {  	[tilespmem:s14+$0xC080] =	vst v7;
	v0 =	vld [tilespmem:s20+$0x4080]  }
0xcc7: {  	s21 =	sor.u32 $0x430, s7;
	[tilespmem:s30+$0xC080] =	vst v1;
	v1 =	vld.idx.msk [tilespmem:v5+s3+$0x0], $0xffff  }
0xcc8: {  	v7 =	vld [tilespmem:s21+$0x4080]  }
0xcc9: {  	s6 =	sadd.s32 $0x100, s1;
	s17 =	sor.u32 $0x410, s12;
	v6 =	vld.idx.msk [tilespmem:v6+s3+$0x0], $0xffff  }
0xcca: {  	s19 =	sor.u32 $0x400, s6;
	[tilespmem:s8+$0xC1F0] =	vst v2;
	v2 =	vld [tilespmem:s17+$0x4080]  }
0xccb: {  	v5 =	vld [tilespmem:s19+$0x4080]  }
0xccc: {  	s8 =	sor.u32 $0x430, s0;
	v3 =	vld.idx.msk [tilespmem:v3+s3+$0x0], $0xffff;
	[tilespmem:s18+$0xC080] =	vst v1  }
0xccd: {  	v1 =	vld [tilespmem:s8+$0x4080]  }
0xcce: {  	s22 =	sor.u32 $0x410, s1;
	[tilespmem:s15+$0xC080] =	vst v6;
	v6 =	vld.idx.msk [tilespmem:v0+s3+$0x0], $0xffff  }
0xccf: {  	v8 =	vld [tilespmem:s22+$0x4080]  }
0xcd0: {  	v7 =	vld.idx.msk [tilespmem:v7+s3+$0x0], $0xffff  }
0xcd1: {  	s26 =	simm.s32 $0x400;
	v0 =	vld.idx.msk [tilespmem:v4+s3+$0x0], $0xffff  }
0xcd2: {  	s23 =	sor.u32 $0x410, s4;
	s29 =	simm.s32 $0x800;
	s15 =	sor.u32 $0x438, s2;
	v2 =	vld.idx.msk [tilespmem:v2+s3+$0x0], $0xffff  }
0xcd3: {  	s2 =	sand.u32 $0x200, s26;
	[tilespmem:s16+$0xC080] =	vst v3;
	s16 =	sor.u32 $0x438, s7;
	s7 =	sand.u32 $0x3800, s29;
	v5 =	vld.idx.msk [tilespmem:v5+s3+$0x0], $0xffff  }
0xcd4: {  	v3 =	vld [tilespmem:s23+$0x4080];
	s2 =	sor.u32 s2, s7  }
0xcd5: {  	v27 =	vld [tilespmem:s2+$0x4080]  }
0xcd6: {  	v28 =	vld [tilespmem:s2+$0x4100]  }
0xcd7: {  	v29 =	vld [tilespmem:s2+$0x4180]  }
0xcd8: {  	v30 =	vld [tilespmem:s2+$0x4090]  }
0xcd9: {  	v13 =	vld [tilespmem:s2+$0x4110]  }
0xcda: {  	v14 =	vld [tilespmem:s2+$0x4210]  }
0xcdb: {  	v15 =	vld [tilespmem:s2+$0x4190]  }
0xcdc: {  	v32 =	vld [tilespmem:s2+$0x40A0]  }
0xcdd: {  	v33 =	vld [tilespmem:s2+$0x4120]  }
0xcde: {  	v34 =	vld [tilespmem:s2+$0x4230]  }
0xcdf: {  	v35 =	vld [tilespmem:s2+$0x41A0]  }
0xce0: {  	v36 =	vld [tilespmem:s2+$0x40B0]  }
0xce1: {  	v16 =	vld [tilespmem:s2+$0x4240]  }
0xce2: {  	v38 =	vld [tilespmem:s2+$0x4130]  }
0xce3: {  	v39 =	vld [tilespmem:s2+$0x41B0]  }
0xce4: {  	v41 =	vld [tilespmem:s2+$0x40C0]  }
0xce5: {  	v42 =	vld [tilespmem:s2+$0x4140]  }
0xce6: {  	[tilespmem:s21+$0xC080] =	vst v7;
	v7 =	vld [tilespmem:s2+$0x4200]  }
0xce7: {  	v43 =	vld [tilespmem:s2+$0x41C0]  }
0xce8: {  	v44 =	vld [tilespmem:s2+$0x4260]  }
0xce9: {  	v45 =	vld [tilespmem:s2+$0x40D0]  }
0xcea: {  	v46 =	vld [tilespmem:s2+$0x4150]  }
0xceb: {  	v48 =	vld [tilespmem:s2+$0x41D0]  }
0xcec: {  	v49 =	vld [tilespmem:s2+$0x40E0]  }
0xced: {  	v50 =	vld [tilespmem:s2+$0x4160]  }
0xcee: {  	v7 =	vld.idx.msk [tilespmem:v7+s3+$0x0], $0xffff  }
0xcef: {  	v51 =	vld [tilespmem:s2+$0x41E0]  }
0xcf0: {  	v52 =	vld [tilespmem:s2+$0x40F0]  }
0xcf1: {  	v53 =	vld [tilespmem:s2+$0x4170]  }
0xcf2: {  	v9 =	vld.idx.msk [tilespmem:v27+s3+$0x0], $0xffff  }
0xcf3: {  	[tilespmem:s2+$0xC200] =	vst v7;
	v7 =	vld [tilespmem:s2+$0x4220]  }
0xcf4: {  	v10 =	vld.idx.msk [tilespmem:v28+s3+$0x0], $0xffff  }
0xcf5: {  	v31 =	vld.idx.msk [tilespmem:v14+s3+$0x0], $0xffff  }
0xcf6: {  	[tilespmem:s20+$0xC080] =	vst v6;
	v4 =	vld.idx.msk [tilespmem:v1+s3+$0x0], $0xffff  }
0xcf7: {  	[tilespmem:s17+$0xC080] =	vst v2;
	v2 =	vld [tilespmem:s15+$0x4080]  }
0xcf8: {  	v11 =	vld.idx.msk [tilespmem:v29+s3+$0x0], $0xffff;
	[tilespmem:s2+$0xC080] =	vst v9  }
0xcf9: {  	[tilespmem:s2+$0xC100] =	vst v10;
	v12 =	vld.idx.msk [tilespmem:v30+s3+$0x0], $0xffff  }
0xcfa: {  	v10 =	vld.idx.msk [tilespmem:v13+s3+$0x0], $0xffff;
	[tilespmem:s2+$0xC210] =	vst v31  }
0xcfb: {  	v7 =	vld.idx.msk [tilespmem:v7+s3+$0x0], $0xffff  }
0xcfc: {  	s24 =	sor.u32 $0x420, s12;
	[tilespmem:s19+$0xC080] =	vst v5;
	v1 =	vld [tilespmem:s16+$0x4080]  }
0xcfd: {  	v5 =	vld [tilespmem:s24+$0x4080];
	[tilespmem:s2+$0xC180] =	vst v11  }
0xcfe: {  	v11 =	vld.idx.msk [tilespmem:v15+s3+$0x0], $0xffff;
	[tilespmem:s2+$0xC090] =	vst v12  }
0xcff: {  	[tilespmem:s2+$0xC110] =	vst v10;
	v13 =	vld.idx.msk [tilespmem:v32+s3+$0x0], $0xffff  }
0xd00: {  	v37 =	vld.idx.msk [tilespmem:v33+s3+$0x0], $0xffff;
	[tilespmem:s2+$0xC220] =	vst v7  }
0xd01: {  	s25 =	sor.u32 $0x410, s6;
	v7 =	vld.idx.msk [tilespmem:v34+s3+$0x0], $0xffff  }
0xd02: {  	v26 =	vld [tilespmem:s25+$0x4080]  }
0xd03: {  	v6 =	vld.idx.msk [tilespmem:v8+s3+$0x0], $0xffff;
	[tilespmem:s2+$0xC190] =	vst v11  }
0xd04: {  	v11 =	vld.idx.msk [tilespmem:v35+s3+$0x0], $0xffff;
	[tilespmem:s2+$0xC0A0] =	vst v13  }
0xd05: {  	[tilespmem:s2+$0xC120] =	vst v37;
	v12 =	vld.idx.msk [tilespmem:v36+s3+$0x0], $0xffff  }
0xd06: {  	[tilespmem:s2+$0xC230] =	vst v7;
	v7 =	vld [tilespmem:s2+$0x4250]  }
0xd07: {  	v10 =	vld.idx.msk [tilespmem:v38+s3+$0x0], $0xffff  }
0xd08: {  	v40 =	vld.idx.msk [tilespmem:v16+s3+$0x0], $0xffff  }
0xd09: {  	s31 =	sor.u32 $0x438, s0;
	v8 =	vld.idx.msk [tilespmem:v3+s3+$0x0], $0xffff;
	[tilespmem:s8+$0xC080] =	vst v4  }
0xd0a: {  	v58 =	vld [tilespmem:s31+$0x4080];
	[tilespmem:s2+$0xC1A0] =	vst v11  }
0xd0b: {  	v13 =	vld.idx.msk [tilespmem:v39+s3+$0x0], $0xffff;
	[tilespmem:s2+$0xC0B0] =	vst v12  }
0xd0c: {  	[tilespmem:s2+$0xC130] =	vst v10;
	v15 =	vld.idx.msk [tilespmem:v41+s3+$0x0], $0xffff  }
0xd0d: {  	v9 =	vld.idx.msk [tilespmem:v42+s3+$0x0], $0xffff;
	[tilespmem:s2+$0xC240] =	vst v40  }
0xd0e: {  	s18 =	sor.u32 $0x420, s1;
	[tilespmem:s22+$0xC080] =	vst v6;
	v7 =	vld.idx.msk [tilespmem:v7+s3+$0x0], $0xffff  }
0xd0f: {  	v55 =	vld [tilespmem:s18+$0x4080]  }
0xd10: {  	v59 =	vld.idx.msk [tilespmem:v2+s3+$0x0], $0xffff;
	[tilespmem:s2+$0xC1B0] =	vst v13  }
0xd11: {  	v11 =	vld.idx.msk [tilespmem:v43+s3+$0x0], $0xffff;
	[tilespmem:s2+$0xC0C0] =	vst v15  }
0xd12: {  	[tilespmem:s2+$0xC140] =	vst v9;
	v12 =	vld.idx.msk [tilespmem:v45+s3+$0x0], $0xffff  }
0xd13: {  	[tilespmem:s2+$0xC250] =	vst v7;
	v7 =	vld [tilespmem:s2+$0x4270]  }
0xd14: {  	v10 =	vld.idx.msk [tilespmem:v46+s3+$0x0], $0xffff  }
0xd15: {  	v47 =	vld.idx.msk [tilespmem:v44+s3+$0x0], $0xffff  }
0xd16: {  	[tilespmem:s23+$0xC080] =	vst v8;
	v3 =	vld.idx.msk [tilespmem:v5+s3+$0x0], $0xffff  }
0xd17: {  	v5 =	vld.idx.msk [tilespmem:v26+s3+$0x0], $0xffff;
	[tilespmem:s2+$0xC1C0] =	vst v11  }
0xd18: {  	v14 =	vld.idx.msk [tilespmem:v48+s3+$0x0], $0xffff;
	[tilespmem:s2+$0xC0D0] =	vst v12  }
0xd19: {  	[tilespmem:s2+$0xC150] =	vst v10;
	v54 =	vld.idx.msk [tilespmem:v49+s3+$0x0], $0xffff  }
0xd1a: {  	p0 =	por !p0, !p0;
	v9 =	vld.idx.msk [tilespmem:v50+s3+$0x0], $0xffff;
	[tilespmem:s2+$0xC260] =	vst v47  }
0xd1b: {  	s30 =	sor.u32 $0x430, s12;
	s7 =	sor.u32 $0x438, s12;
	s12 =	simm.s32 $0x1;
	[tilespmem:s24+$0xC080] =	vst v3;
	v7 =	vld.idx.msk [tilespmem:v7+s3+$0x0], $0xffff  }
0xd1c: {  	s12 =	simm.s32 @!p0 $0x0;
	s21 =	sor.u32 $0x420, s6;
	[tilespmem:s25+$0xC080] =	vst v5;
	v3 =	vld [tilespmem:s30+$0x4080]  }
0xd1d: {  	s12 =	sshll.u32 s12, $0x9;
	v4 =	vld [tilespmem:s21+$0x4080];
	[tilespmem:s2+$0xC1D0] =	vst v14  }
0xd1e: {  	s17 =	sadd.s32 $0x800, s12;
	v8 =	vld.idx.msk [tilespmem:v51+s3+$0x0], $0xffff;
	[tilespmem:s2+$0xC0E0] =	vst v54  }
0xd1f: {  	s14 =	sadd.s32 $0x180, s17;
	[tilespmem:s2+$0xC160] =	vst v9;
	v57 =	vld.idx.msk [tilespmem:v52+s3+$0x0], $0xffff  }
0xd20: {  	s13 =	sor.u32 $0x400, s14;
	v5 =	vld.idx.msk [tilespmem:v53+s3+$0x0], $0xffff;
	[tilespmem:s2+$0xC270] =	vst v7  }
0xd21: {  	v6 =	vld [tilespmem:s13+$0x4080]  }
0xd22: {  	s20 =	sor.u32 $0x420, s4;
	v7 =	vld [tilespmem:s2+$0x41F0]  }
0xd23: {  	v56 =	vld [tilespmem:s20+$0x4080];
	[tilespmem:s2+$0xC1E0] =	vst v8  }
0xd24: {  	s19 =	sadd.s32 $0x80, s17;
	s22 =	sor.u32 $0x400, s17;
	v8 =	vld.idx.msk [tilespmem:v55+s3+$0x0], $0xffff;
	[tilespmem:s2+$0xC0F0] =	vst v57  }
0xd25: {  	s26 =	sor.u32 $0x400, s19;
	[tilespmem:s2+$0xC170] =	vst v5;
	v9 =	vld [tilespmem:s22+$0x4080]  }
0xd26: {  	v5 =	vld [tilespmem:s26+$0x4080]  }
0xd27: {  	v3 =	vld.idx.msk [tilespmem:v3+s3+$0x0], $0xffff  }
0xd28: {  	v4 =	vld.idx.msk [tilespmem:v4+s3+$0x0], $0xffff  }
0xd29: {  	v6 =	vld.idx.msk [tilespmem:v6+s3+$0x0], $0xffff  }
0xd2a: {  	v7 =	vld.idx.msk [tilespmem:v7+s3+$0x0], $0xffff  }
0xd2b: {  	s24 =	sor.u32 $0x430, s1;
	v10 =	vld.idx.msk [tilespmem:v56+s3+$0x0], $0xffff;
	[tilespmem:s18+$0xC080] =	vst v8  }
0xd2c: {  	v8 =	vld [tilespmem:s24+$0x4080]  }
0xd2d: {  	[tilespmem:s30+$0xC080] =	vst v3;
	v2 =	vld.idx.msk [tilespmem:v9+s3+$0x0], $0xffff  }
0xd2e: {  	s29 =	sor.u32 $0x410, s14;
	s23 =	sadd.s32 $0x100, s17;
	v5 =	vld.idx.msk [tilespmem:v5+s3+$0x0], $0xffff;
	[tilespmem:s13+$0xC080] =	vst v6  }
0xd2f: {  	s30 =	sor.u32 $0x400, s23;
	[tilespmem:s2+$0xC1F0] =	vst v7;
	v6 =	vld [tilespmem:s29+$0x4080]  }
0xd30: {  	v7 =	vld [tilespmem:s30+$0x4080]  }
0xd31: {  	v62 =	vld.idx.msk [tilespmem:v1+s3+$0x0], $0xffff  }
0xd32: {  	s25 =	sor.u32 $0x430, s4;
	v3 =	vld [tilespmem:s7+$0x4080];
	[tilespmem:s20+$0xC080] =	vst v10  }
0xd33: {  	s0 =	sor.u32 $0x430, s6;
	[tilespmem:s21+$0xC080] =	vst v4;
	v4 =	vld [tilespmem:s25+$0x4080]  }
0xd34: {  	v60 =	vld [tilespmem:s0+$0x4080];
	[tilespmem:s22+$0xC080] =	vst v2  }
0xd35: {  	s20 =	sor.u32 $0x410, s19;
	v2 =	vld.idx.msk [tilespmem:v8+s3+$0x0], $0xffff;
	[tilespmem:s26+$0xC080] =	vst v5  }
0xd36: {  	v61 =	vld [tilespmem:s20+$0x4080]  }
0xd37: {  	v6 =	vld.idx.msk [tilespmem:v6+s3+$0x0], $0xffff  }
0xd38: {  	s21 =	sor.u32 $0x410, s17;
	v7 =	vld.idx.msk [tilespmem:v7+s3+$0x0], $0xffff  }
0xd39: {  	v8 =	vld [tilespmem:s21+$0x4080]  }
0xd3a: {  	[tilespmem:s5+$0xC080] =	vst v0;
	v3 =	vld.idx.msk [tilespmem:v3+s3+$0x0], $0xffff  }
0xd3b: {  	v63 =	vld.idx.msk [tilespmem:v4+s3+$0x0], $0xffff;
	[tilespmem:s24+$0xC080] =	vst v2  }
0xd3c: {  	s28 =	sor.u32 $0x420, s14;
	v2 =	vld.idx.msk [tilespmem:v60+s3+$0x0], $0xffff;
	[tilespmem:s29+$0xC080] =	vst v6  }
0xd3d: {  	s1 =	sor.u32 $0x438, s1;
	s18 =	sor.u32 $0x410, s23;
	[tilespmem:s30+$0xC080] =	vst v7;
	v5 =	vld [tilespmem:s28+$0x4080]  }
0xd3e: {  	v4 =	vld [tilespmem:s18+$0x4080];
	[dreg:$0xa] =	wrdreg s1  }
0xd3f: {  	s5 =	sor.u32 $0x438, s4;
	s12 =	sor.u32 $0x420, s17;
	v1 =	vld [tilespmem:s1+$0x4080]  }
0xd40: {  	s9 =	sor.u32 $0x430, s17;
	s10 =	sor.u32 $0x420, s19;
	s8 =	sor.u32 $0x430, s19;
	[tilespmem:s7+$0xC080] =	vst v3;
	v7 =	vld.idx.msk [tilespmem:v61+s3+$0x0], $0xffff  }
0xd41: {  	s11 =	sor.u32 $0x420, s23;
	s4 =	sor.u32 $0x438, s6;
	s6 =	sor.u32 $0x438, s19;
	v6 =	vld.idx.msk [tilespmem:v8+s3+$0x0], $0xffff;
	[tilespmem:s25+$0xC080] =	vst v63  }
0xd42: {  	s19 =	sor.u32 $0x438, s23;
	s22 =	sor.u32 $0x430, s23;
	s13 =	simm.s32 $0x8;
	[tilespmem:s15+$0xC080] =	vst v59;
	v3 =	vld.idx.msk [tilespmem:v58+s3+$0x0], $0xffff  }
0xd43: {  	s1 =	sor.u32 $0x438, s17;
	[tilespmem:s16+$0xC080] =	vst v62;
	s15 =	simm.s32 $0x600;
	s16 =	simm.s32 $0xC00;
	v0 =	vld [tilespmem:s5+$0x4080]  }
.LBB2_16:
0xd44: {  	s17 =	sand.u32 $0x3800, s16;
	s23 =	sand.u32 $0x200, s15  }
0xd45: {  	s17 =	sor.u32 s23, s17;
	[tilespmem:s20+$0xC080] =	vst v7;
	v5 =	vld.idx.msk [tilespmem:v5+s3+$0x0], $0xffff  }
0xd46: {  	[tilespmem:s0+$0xC080] =	vst v2;
	v7 =	vld [tilespmem:s17+$0x4100]  }
0xd47: {  	v2 =	vld.idx.msk [tilespmem:v4+s3+$0x0], $0xffff  }
0xd48: {  	[tilespmem:s21+$0xC080] =	vst v6;
	v4 =	vld [tilespmem:s17+$0x4200]  }
0xd49: {  	v6 =	vld [tilespmem:s17+$0x4080]  }
0xd4a: {  	v8 =	vld [tilespmem:s17+$0x4180];
	[tilespmem:s31+$0xC080] =	vst v3  }
0xd4b: {  	s24 =	sor.u32 $0x430, s14;
	v3 =	vld [tilespmem:s17+$0x4090];
	[tilespmem:s28+$0xC080] =	vst v5  }
0xd4c: {  	[tilespmem:s18+$0xC080] =	vst v2;
	v2 =	vld [tilespmem:s24+$0x4080]  }
0xd4d: {  	v5 =	vld [tilespmem:s17+$0x4110]  }
0xd4e: {  	v9 =	vld [tilespmem:s17+$0x4210]  }
0xd4f: {  	v10 =	vld [tilespmem:s17+$0x4190]  }
0xd50: {  	v4 =	vld.idx.msk [tilespmem:v4+s3+$0x0], $0xffff  }
0xd51: {  	v7 =	vld.idx.msk [tilespmem:v7+s3+$0x0], $0xffff  }
0xd52: {  	v6 =	vld.idx.msk [tilespmem:v6+s3+$0x0], $0xffff  }
0xd53: {  	v8 =	vld.idx.msk [tilespmem:v8+s3+$0x0], $0xffff  }
0xd54: {  	v2 =	vld.idx.msk [tilespmem:v2+s3+$0x0], $0xffff  }
0xd55: {  	[tilespmem:s17+$0xC200] =	vst v4;
	v4 =	vld [tilespmem:s17+$0x4220]  }
0xd56: {  	[tilespmem:s17+$0xC100] =	vst v7;
	v7 =	vld [tilespmem:s17+$0x40A0]  }
0xd57: {  	[tilespmem:s17+$0xC080] =	vst v6;
	v6 =	vld.idx.msk [tilespmem:v9+s3+$0x0], $0xffff  }
0xd58: {  	v3 =	vld.idx.msk [tilespmem:v3+s3+$0x0], $0xffff  }
0xd59: {  	v5 =	vld.idx.msk [tilespmem:v5+s3+$0x0], $0xffff;
	[tilespmem:s17+$0xC180] =	vst v8  }
0xd5a: {  	s25 =	sor.u32 $0x438, s14;
	v8 =	vld [tilespmem:s17+$0x4120];
	[tilespmem:s24+$0xC080] =	vst v2  }
0xd5b: {  	v2 =	vld [tilespmem:s25+$0x4080]  }
0xd5c: {  	[tilespmem:s17+$0xC210] =	vst v6;
	v6 =	vld [tilespmem:s17+$0x4230]  }
0xd5d: {  	[tilespmem:s17+$0xC090] =	vst v3;
	v3 =	vld.idx.msk [tilespmem:v4+s3+$0x0], $0xffff  }
0xd5e: {  	v4 =	vld.idx.msk [tilespmem:v10+s3+$0x0], $0xffff  }
0xd5f: {  	v57 =	vld [tilespmem:s17+$0x40B0]  }
0xd60: {  	[tilespmem:s17+$0xC110] =	vst v5;
	v5 =	vld [tilespmem:s17+$0x41A0]  }
0xd61: {  	v58 =	vld [tilespmem:s17+$0x4240]  }
0xd62: {  	v7 =	vld.idx.msk [tilespmem:v7+s3+$0x0], $0xffff;
	[tilespmem:s17+$0xC220] =	vst v3  }
0xd63: {  	[tilespmem:s17+$0xC190] =	vst v4;
	v4 =	vld.idx.msk [tilespmem:v8+s3+$0x0], $0xffff  }
0xd64: {  	v2 =	vld.idx.msk [tilespmem:v2+s3+$0x0], $0xffff  }
0xd65: {  	v3 =	vld.idx.msk [tilespmem:v6+s3+$0x0], $0xffff  }
0xd66: {  	v6 =	vld [tilespmem:s17+$0x4130]  }
0xd67: {  	v59 =	vld [tilespmem:s17+$0x4140]  }
0xd68: {  	[tilespmem:s17+$0xC0A0] =	vst v7;
	v7 =	vld [tilespmem:s17+$0x41B0]  }
0xd69: {  	v5 =	vld.idx.msk [tilespmem:v5+s3+$0x0], $0xffff  }
0xd6a: {  	v8 =	vld.idx.msk [tilespmem:v57+s3+$0x0], $0xffff;
	[tilespmem:s17+$0xC120] =	vst v4  }
0xd6b: {  	v4 =	vld [tilespmem:s17+$0x40C0];
	[tilespmem:s25+$0xC080] =	vst v2  }
0xd6c: {  	[tilespmem:s17+$0xC230] =	vst v3;
	v2 =	vld [tilespmem:s17+$0x4250]  }
0xd6d: {  	v3 =	vld.idx.msk [tilespmem:v58+s3+$0x0], $0xffff  }
0xd6e: {  	[tilespmem:s17+$0xC1A0] =	vst v5;
	v5 =	vld.idx.msk [tilespmem:v6+s3+$0x0], $0xffff  }
0xd6f: {  	v6 =	vld [tilespmem:s17+$0x41C0]  }
0xd70: {  	[tilespmem:s17+$0xC0B0] =	vst v8;
	v8 =	vld [tilespmem:s17+$0x40D0]  }
0xd71: {  	v7 =	vld.idx.msk [tilespmem:v7+s3+$0x0], $0xffff  }
0xd72: {  	v60 =	vld [tilespmem:s17+$0x4150]  }
0xd73: {  	v4 =	vld.idx.msk [tilespmem:v4+s3+$0x0], $0xffff  }
0xd74: {  	[tilespmem:s17+$0xC240] =	vst v3;
	v3 =	vld [tilespmem:s17+$0x4260]  }
0xd75: {  	[tilespmem:s17+$0xC130] =	vst v5;
	v2 =	vld.idx.msk [tilespmem:v2+s3+$0x0], $0xffff  }
0xd76: {  	[tilespmem:s17+$0xC1B0] =	vst v7;
	v5 =	vld.idx.msk [tilespmem:v59+s3+$0x0], $0xffff  }
0xd77: {  	v6 =	vld.idx.msk [tilespmem:v6+s3+$0x0], $0xffff  }
0xd78: {  	[tilespmem:s17+$0xC0C0] =	vst v4;
	v4 =	vld [tilespmem:s17+$0x41D0]  }
0xd79: {  	v7 =	vld.idx.msk [tilespmem:v8+s3+$0x0], $0xffff  }
0xd7a: {  	[tilespmem:s17+$0xC250] =	vst v2;
	v2 =	vld [tilespmem:s17+$0x4270]  }
0xd7b: {  	[tilespmem:s17+$0xC140] =	vst v5;
	v5 =	vld [tilespmem:s17+$0x40E0]  }
0xd7c: {  	v3 =	vld.idx.msk [tilespmem:v3+s3+$0x0], $0xffff  }
0xd7d: {  	v8 =	vld [tilespmem:s17+$0x4160]  }
0xd7e: {  	v61 =	vld [tilespmem:s17+$0x41E0]  }
0xd7f: {  	[tilespmem:s17+$0xC1C0] =	vst v6;
	v6 =	vld.idx.msk [tilespmem:v60+s3+$0x0], $0xffff  }
0xd80: {  	[tilespmem:s17+$0xC0D0] =	vst v7;
	v7 =	vld [tilespmem:s17+$0x4170]  }
0xd81: {  	[tilespmem:s17+$0xC260] =	vst v3;
	v3 =	vld [tilespmem:s17+$0x40F0]  }
0xd82: {  	v4 =	vld.idx.msk [tilespmem:v4+s3+$0x0], $0xffff  }
0xd83: {  	v2 =	vld.idx.msk [tilespmem:v2+s3+$0x0], $0xffff  }
0xd84: {  	p0 =	por !p0, !p0;
	s14 =	simm.s32 $0x1;
	[tilespmem:s17+$0xC150] =	vst v6;
	v5 =	vld.idx.msk [tilespmem:v5+s3+$0x0], $0xffff  }
0xd85: {  	s14 =	simm.s32 @!p0 $0x0;
	v6 =	vld.idx.msk [tilespmem:v8+s3+$0x0], $0xffff  }
0xd86: {  	s7 =	smov.u32 s22;
	s14 =	sshll.u32 s14, $0x9;
	v8 =	vld [tilespmem:s17+$0x41F0]  }
0xd87: {  	s22 =	smov.u32 s4;
	[dreg:$0x1a] =	wrdreg s7;
	s30 =	sadd.s32 s14, s16;
	[tilespmem:s17+$0xC1D0] =	vst v4;
	v4 =	vld [tilespmem:s12+$0x4080]  }
0xd88: {  	[smem:$0x7E9] =	sst s22;
	s14 =	sadd.s32 $0x180, s30;
	v9 =	vld.idx.msk [tilespmem:v61+s3+$0x0], $0xffff  }
0xd89: {  	s23 =	smov.u32 s19;
	s31 =	sadd.s32 $0x100, s30;
	s4 =	sor.u32 $0x400, s14;
	[tilespmem:s17+$0xC0E0] =	vst v5;
	v5 =	vld [tilespmem:s10+$0x4080]  }
0xd8a: {  	s7 =	sor.u32 $0x420, s31;
	s22 =	sor.u32 $0x430, s31;
	s19 =	sor.u32 $0x438, s31;
	[tilespmem:s17+$0xC270] =	vst v2;
	v3 =	vld.idx.msk [tilespmem:v3+s3+$0x0], $0xffff  }
0xd8b: {  	s18 =	sor.u32 $0x410, s31;
	s25 =	sor.u32 $0x400, s31;
	s31 =	sld [smem:$0x7E9];
	[tilespmem:s17+$0xC160] =	vst v6;
	v2 =	vld [tilespmem:s4+$0x4080]  }
0xd8c: {  	v6 =	vld.idx.msk [tilespmem:v7+s3+$0x0], $0xffff;
	_ =	sdelay $0x1  }
0xd8d: {  	v62 =	vld [tilespmem:s31+$0x4080]  }
0xd8e: {  	v7 =	vld [tilespmem:s11+$0x4080];
	[tilespmem:s17+$0xC0F0] =	vst v3  }
0xd8f: {  	s26 =	sadd.s32 $0x80, s30;
	[tilespmem:s17+$0xC1E0] =	vst v9;
	v3 =	vld.idx.msk [tilespmem:v4+s3+$0x0], $0xffff  }
0xd90: {  	s24 =	sor.u32 $0x400, s26;
	v8 =	vld.idx.msk [tilespmem:v8+s3+$0x0], $0xffff;
	[tilespmem:s17+$0xC170] =	vst v6  }
0xd91: {  	v6 =	vld [tilespmem:s24+$0x4080]  }
0xd92: {  	s28 =	sor.u32 $0x400, s30;
	v2 =	vld.idx.msk [tilespmem:v2+s3+$0x0], $0xffff  }
0xd93: {  	v4 =	vld [tilespmem:s28+$0x4080]  }
0xd94: {  	v5 =	vld.idx.msk [tilespmem:v5+s3+$0x0], $0xffff;
	[tilespmem:s12+$0xC080] =	vst v3  }
0xd95: {  	v3 =	vld [tilespmem:s9+$0x4080]  }
0xd96: {  	v1 =	vld.idx.msk [tilespmem:v1+s3+$0x0], $0xffff  }
0xd97: {  	[tilespmem:s4+$0xC080] =	vst v2;
	s4 =	sor.u32 $0x410, s14;
	v2 =	vld.idx.msk [tilespmem:v7+s3+$0x0], $0xffff  }
0xd98: {  	[tilespmem:s17+$0xC1F0] =	vst v8;
	v7 =	vld [tilespmem:s4+$0x4080]  }
0xd99: {  	[tilespmem:s10+$0xC080] =	vst v5;
	v8 =	vld [tilespmem:s25+$0x4080]  }
0xd9a: {  	v5 =	vld.idx.msk [tilespmem:v6+s3+$0x0], $0xffff  }
0xd9b: {  	v4 =	vld.idx.msk [tilespmem:v4+s3+$0x0], $0xffff;
	_ =	sdelay $0x1  }
0xd9c: {  	s0 =	sor.u32 $0x420, s30;
	[tilespmem:s11+$0xC080] =	vst v2;
	s11 =	smov.u32 s7;
	s7 =	rddreg [dreg:$0xa]  }
0xd9d: {  	s12 =	smov.u32 s0;
	s0 =	rddreg [dreg:$0x1a];
	v2 =	vld [tilespmem:s8+$0x4080];
	[tilespmem:s7+$0xC080] =	vst v1  }
0xd9e: {  	s20 =	sor.u32 $0x410, s26;
	v6 =	vld [tilespmem:s0+$0x4080];
	[tilespmem:s24+$0xC080] =	vst v5  }
0xd9f: {  	[tilespmem:s28+$0xC080] =	vst v4;
	v63 =	vld [tilespmem:s20+$0x4080]  }
0xda0: {  	v1 =	vld.idx.msk [tilespmem:v3+s3+$0x0], $0xffff  }
0xda1: {  	v7 =	vld.idx.msk [tilespmem:v7+s3+$0x0], $0xffff  }
0xda2: {  	s21 =	sor.u32 $0x410, s30;
	v8 =	vld.idx.msk [tilespmem:v8+s3+$0x0], $0xffff  }
0xda3: {  	v3 =	vld [tilespmem:s21+$0x4080]  }
0xda4: {  	v0 =	vld.idx.msk [tilespmem:v0+s3+$0x0], $0xffff  }
0xda5: {  	s17 =	smov.u32 s1;
	v11 =	vld.idx.msk [tilespmem:v2+s3+$0x0], $0xffff;
	[tilespmem:s9+$0xC080] =	vst v1  }
0xda6: {  	s28 =	sor.u32 $0x420, s14;
	[tilespmem:s4+$0xC080] =	vst v7;
	v1 =	vld [tilespmem:s17+$0x4080]  }
0xda7: {  	s13 =	sadd.s32 $0x4, s13;
	s2 =	smov.u32 s6;
	[tilespmem:s25+$0xC080] =	vst v8;
	v5 =	vld [tilespmem:s28+$0x4080]  }
0xda8: {  	s15 =	sadd.s32 $0x200, s15;
	p1 =	slt.u32 s13, $0x3C;
	[dreg:$0x12] =	wrdreg s23;
	v4 =	vld [tilespmem:s18+$0x4080]  }
.Ltmp7:
0xda9: {  	s16 =	sadd.s32 $0x400, s16;
	s29 =	sor.u32 $0x430, s30;
	[tilespmem:s5+$0xC080] =	vst v0;
	v2 =	vld.idx.msk [tilespmem:v6+s3+$0x0], $0xffff;
	(pc) =	sbr.rel @p1 .LBB2_16-.Ltmp7, $4  }
0xdaa: {  	s6 =	sor.u32 $0x420, s26;
	s23 =	sor.u32 $0x430, s26;
	s26 =	sor.u32 $0x438, s26;
	v7 =	vld.idx.msk [tilespmem:v63+s3+$0x0], $0xffff  }
0xdab: {  	s30 =	sor.u32 $0x438, s30;
	s10 =	smov.u32 s6;
	s6 =	smov.u32 s26;
	v6 =	vld.idx.msk [tilespmem:v3+s3+$0x0], $0xffff  }
0xdac: {  	s1 =	smov.u32 s30;
	[dreg:$0xa] =	wrdreg s17;
	s5 =	smov.u32 s2;
	v3 =	vld.idx.msk [tilespmem:v62+s3+$0x0], $0xffff;
	[tilespmem:s8+$0xC080] =	vst v11  }
0xdad: {  	s9 =	smov.u32 s29;
	s4 =	rddreg [dreg:$0x12];
	s8 =	smov.u32 s23;
	v0 =	vld [tilespmem:s5+$0x4080]  }
0xdae: {  	_ =	sdelay $0x3  }
0xdaf: {  	v4 =	vld.idx.msk [tilespmem:v4+s3+$0x0], $0xffff;
	_ =	sdelay $0x2  }
0xdb0: {  	v5 =	vld.idx.msk [tilespmem:v5+s3+$0x0], $0xffff;
	[tilespmem:s20+$0xC080] =	vst v7  }
0xdb1: {  	[tilespmem:s21+$0xC080] =	vst v6;
	v60 =	vld [tilespmem:s10+$0x4080]  }
0xdb2: {  	v6 =	vld [tilespmem:s12+$0x4080];
	[tilespmem:s18+$0xC080] =	vst v4  }
0xdb3: {  	v61 =	vld [tilespmem:s11+$0x4080];
	_ =	sdelay $0x1  }
0xdb4: {  	s24 =	sor.u32 $0x430, s14;
	[tilespmem:s28+$0xC080] =	vst v5  }
0xdb5: {  	v5 =	vld [tilespmem:s24+$0x4080];
	_ =	sdelay $0x2  }
0xdb6: {  	v4 =	vld.idx.msk [tilespmem:v60+s3+$0x0], $0xffff  }
0xdb7: {  	v6 =	vld.idx.msk [tilespmem:v6+s3+$0x0], $0xffff  }
0xdb8: {  	v7 =	vld.idx.msk [tilespmem:v61+s3+$0x0], $0xffff;
	_ =	sdelay $0x2  }
0xdb9: {  	v5 =	vld.idx.msk [tilespmem:v5+s3+$0x0], $0xffff;
	[tilespmem:s10+$0xC080] =	vst v4  }
0xdba: {  	[tilespmem:s12+$0xC080] =	vst v6;
	v4 =	vld [tilespmem:s8+$0x4080]  }
0xdbb: {  	v6 =	vld [tilespmem:s9+$0x4080];
	[tilespmem:s11+$0xC080] =	vst v7  }
0xdbc: {  	v7 =	vld [tilespmem:s22+$0x4080];
	_ =	sdelay $0x3  }
0xdbd: {  	s25 =	sor.u32 $0x438, s14;
	[tilespmem:s24+$0xC080] =	vst v5  }
0xdbe: {  	v5 =	vld [tilespmem:s25+$0x4080]  }
0xdbf: {  	v4 =	vld.idx.msk [tilespmem:v4+s3+$0x0], $0xffff  }
0xdc0: {  	v6 =	vld.idx.msk [tilespmem:v6+s3+$0x0], $0xffff  }
0xdc1: {  	s2 =	smov.u32 s0;
	v7 =	vld.idx.msk [tilespmem:v7+s3+$0x0], $0xffff  }
0xdc2: {  	[tilespmem:s2+$0xC080] =	vst v2  }
0xdc3: {  	v2 =	vld [tilespmem:s4+$0x4080]  }
0xdc4: {  	[tilespmem:s8+$0xC080] =	vst v4  }
0xdc5: {  	[tilespmem:s9+$0xC080] =	vst v6;
	v4 =	vld [tilespmem:s6+$0x4080]  }
0xdc6: {  	v6 =	vld [tilespmem:s1+$0x4080];
	[tilespmem:s22+$0xC080] =	vst v7  }
0xdc7: {  	v7 =	vld [tilespmem:s19+$0x4080];
	_ =	sdelay $0x1  }
0xdc8: {  	v5 =	vld.idx.msk [tilespmem:v5+s3+$0x0], $0xffff  }
0xdc9: {  	v0 =	vld.idx.msk [tilespmem:v0+s3+$0x0], $0xffff  }
0xdca: {  	v2 =	vld.idx.msk [tilespmem:v2+s3+$0x0], $0xffff  }
0xdcb: {  	v1 =	vld.idx.msk [tilespmem:v1+s3+$0x0], $0xffff  }
0xdcc: {  	[tilespmem:s31+$0xC080] =	vst v3;
	v4 =	vld.idx.msk [tilespmem:v4+s3+$0x0], $0xffff  }
0xdcd: {  	[tilespmem:s25+$0xC080] =	vst v5;
	v62 =	vld.idx.msk [tilespmem:v6+s3+$0x0], $0xffff  }
0xdce: {  	s0 =	rddreg [dreg:$0xa];
	[tilespmem:s5+$0xC080] =	vst v0;
	v63 =	vld.idx.msk [tilespmem:v7+s3+$0x0], $0xffff  }
0xdcf: {  	[tilespmem:s4+$0xC080] =	vst v2  }
0xdd0: {  	[tilespmem:s0+$0xC080] =	vst v1  }
0xdd1: {  	[tilespmem:s6+$0xC080] =	vst v4  }
0xdd2: {  	[tilespmem:s1+$0xC080] =	vst v62  }
0xdd3: {  	[tilespmem:s19+$0xC080] =	vst v63  }
0xdd4: {  	s0 =	sld [smem:$0x7FC];
	_ =	sdelay $0x1  }
0xdd5: {  	s26 =	simm.s32 $0xC080;
	s28 =	simm.s32 $0x3  }
0xdd6: {  	[hbm4b:s0+s3] =	stream.linear.scatter [tilespmem:s26], [sflag:$0x4], $0x4000, $0x38;
	[tilespmem:$0x10080] =	vst v63  }
0xdd7: {  	_ =	swait.ge [sflag:s28], $0x4000  }
0xdd8: {  	[sflag:s28] =	ssyncset.done $0x0  }
0xdd9: {  	s29 =	simm.s32 $0x4;
	[sflag:s28] =	ssyncadd.s32 $0xFFFFC000  }
0xdda: {  	_ =	swait.ge [sflag:s29], $0x4000  }
0xddb: {  	s30 =	sld [smem:$0x7EC]  }
0xddc: {  	s31 =	sld [smem:$0x7FD];
	_ =	sdelay $0x1  }
0xddd: {  	s2 =	sadd.s32 $0x1, s30  }
0xdde: {  	p0 =	sne.s32 s2, s31  }
.Ltmp8:
0xddf: {  	_ = 	snop;
	(pc) =	sbr.rel @p0 .LBB2_1-.Ltmp8, $3  }
0xde0: {  	_ =	sdelay $0x1  }
0xde1: {  	[sflag:s29] =	ssyncset.done $0x0  }
0xde2: {  	[sflag:s29] =	ssyncadd.s32 $0xFFFFC000  }
0xde3: {  	_ =	sfence.sel $0x180000  }
0xde4: {  	[bflag:$0x0] =	sbarrier.arrive $0xFFFF  }
0xde5: {  	_ =	strace $0x90000047  }
0xde6: {  	s0 =	stileid.u32;
	[bflag:$0x2] =	sbarrier.arrive $0xFFFF  }
0xde7: {  	p0 =	sne.s32 s0, $0x0;
	s0 =	rddreg [dreg:$0x2]  }
0xde8: {  	s0 =	sadd.s32 @!p0 $0x100000, s0  }
0xde9: {  	[sflag:s0] =	ssyncadd.tile.s32 @!p0 $0x1;
	_ =	shalt  }
.Lfunc_end2:
_tile_overlayer_lowered:
.L_overlay_start_2:
0xdea: {  	(tag) =	ssettag $0x2  }
0xdeb: {  	s0 =	rddreg [dreg:$0x0];
	s2 =	stileid.u32  }
0xdec: {  	s1 =	rddreg [dreg:$0x1];
	p0 =	sne.s32 s2, $0x0  }
0xded: {  	s3 =	rddreg [dreg:$0x2];
	[bflag:$0x3] =	sbarrier.arrive $0xFFFF;
	s2 =	simm.s32 @!p0 $0x1C05  }
0xdee: {  	[timem:s3], [sflag:s2] =	dma.local @!p0 [hbm:s0], s1  }
0xdef: {  	s0 =	simm.s32 @!p0 $0x5  }
0xdf0: {  	_ =	swait.ge @!p0 [sflag:s0], s1  }
0xdf1: {  	s1 =	ssub.s32 @!p0 $0x0, s1;
	[sflag:s0] =	ssyncset.done @!p0 $0x0  }
0xdf2: {  	[sflag:s0] =	ssyncadd.s32 @!p0 s1  }
0xdf3: {  	[bflag:$0x3] =	sbarrier.arrive $0xFFFF  }
0xdf4: {  	_ =	shalt  }

</sc_bundles>
